<compile_context>
chip_gen: v7x
topology: tpu7x:2x2x1
jax: 0.10.2.dev20260603
libtpu: 0.0.44.dev20260713+nightly
codegen_flags: <defaults>
</compile_context>

<pallas_src>
import functools

import jax
import jax.numpy as jnp
from jax import lax
from jax.experimental import pallas as pl
from jax.experimental.pallas import tpu as pltpu
from jax.experimental.pallas import tpu_sc as plsc

N_NODES = 10000
N_EDGES = 160000
N_HID = 128

_INTERPRET = False


_NC = 2
_NS = 16
_RSTRIPE = 624
_RLAST = N_NODES - 15 * _RSTRIPE
_SEG_PW = 5120
_SEG_LAST = N_EDGES - 31 * _SEG_PW
_CH = 128


_NCH = _SEG_PW // _CH


def _sc_segsum(h, src2, dst2, zrows):
    mesh = plsc.VectorSubcoreMesh(core_axis_name="c", subcore_axis_name="s")

    @functools.partial(
        pl.kernel,
        mesh=mesh,
        out_type=jax.ShapeDtypeStruct((_NC, N_NODES, N_HID), jnp.float32),
        scratch_types=[
            pltpu.VMEM((_NCH, _CH), jnp.int32),
            pltpu.VMEM((_NCH, _CH), jnp.int32),
            pltpu.VMEM((_CH, N_HID), jnp.float32),
            pltpu.VMEM((_CH, N_HID), jnp.float32),
            pltpu.VMEM_SHARED((N_NODES, N_HID), jnp.float32),
            pltpu.SemaphoreType.DMA,
            pltpu.SemaphoreType.DMA,
            pltpu.SemaphoreType.DMA,
            pltpu.SemaphoreType.DMA,
        ],
    )
    def seg(h_hbm, src_hbm, dst_hbm, z_hbm, out_hbm,
            sidx2, didx2, rows0, rows1, acc,
            gsem0, gsem1, ssem0, ssem1):
        c = lax.axis_index("c")
        s = lax.axis_index("s")
        wid = c * _NS + s
        rows = (rows0, rows1)
        gsem = (gsem0, gsem1)
        ssem = (ssem0, ssem1)
        r0 = s * _RSTRIPE

        @pl.when(s != 15)
        def _():
            pltpu.sync_copy(z_hbm.at[pl.ds(0, _RSTRIPE)],
                            acc.at[pl.ds(r0, _RSTRIPE)])

        @pl.when(s == 15)
        def _():
            pltpu.sync_copy(z_hbm, acc.at[pl.ds(r0, _RLAST)])

        nch = jnp.where(wid == 31, _SEG_LAST // _CH, _NCH)
        pltpu.sync_copy(src_hbm.at[pl.ds(wid * _NCH, _NCH)], sidx2)
        pltpu.sync_copy(dst_hbm.at[pl.ds(wid * _NCH, _NCH)], didx2)

        plsc.subcore_barrier()

        def g_start(j, b):
            pltpu.async_copy(h_hbm.at[sidx2.at[j]], rows[b], gsem[b])

        def g_wait(b):
            pltpu.make_async_copy(h_hbm.at[sidx2.at[0]], rows[b],
                                  gsem[b]).wait()

        def s_start(j, b):
            pltpu.async_copy(rows[b], acc.at[didx2.at[j]], ssem[b], add=True)

        def s_wait(b):
            pltpu.make_async_copy(rows[b], acc.at[didx2.at[0]],
                                  ssem[b]).wait()

        g_start(0, 0)

        def outer(kk, carry):
            for b in (0, 1):
                j = kk * 2 + b
                g_wait(b)
                s_start(j, b)
                p = j + 1
                nb = 1 - b

                @pl.when(p < nch)
                def _():
                    @pl.when(p >= 2)
                    def _():
                        s_wait(nb)
                    g_start(p, nb)
            return carry

        lax.fori_loop(0, lax.div(nch, 2), outer, 0)
        for b in (0, 1):
            s_wait(b)

        plsc.subcore_barrier()

        @pl.when(s != 15)
        def _():
            pltpu.sync_copy(acc.at[pl.ds(r0, _RSTRIPE)],
                            out_hbm.at[c].at[pl.ds(r0, _RSTRIPE)])

        @pl.when(s == 15)
        def _():
            pltpu.sync_copy(acc.at[pl.ds(r0, _RLAST)],
                            out_hbm.at[c].at[pl.ds(r0, _RLAST)])

    return seg(h, src2, dst2, zrows)


_EF_PW = 5120
_EF_LAST = N_EDGES - 31 * _EF_PW


def _sc_ef(xflat, src, dst):
    mesh = plsc.VectorSubcoreMesh(core_axis_name="c", subcore_axis_name="s")

    @functools.partial(
        pl.kernel,
        mesh=mesh,
        out_type=jax.ShapeDtypeStruct((4 * N_EDGES,), jnp.float32),
        compiler_params=pltpu.CompilerParams(needs_layout_passes=False),
        scratch_types=[
            pltpu.VMEM((2 * N_NODES,), jnp.float32),
            pltpu.VMEM((_EF_PW,), jnp.int32),
            pltpu.VMEM((_EF_PW,), jnp.int32),
            pltpu.VMEM((4, _EF_PW), jnp.float32),
        ],
    )
    def ef(x_hbm, src_hbm, dst_hbm, out_hbm, xv, sidx, didx, buf):
        c = lax.axis_index("c")
        s = lax.axis_index("s")
        wid = c * _NS + s
        base = wid * _EF_PW
        n = jnp.where(wid == 31, _EF_LAST, _EF_PW)
        pltpu.sync_copy(x_hbm, xv)

        @pl.when(wid != 31)
        def _():
            pltpu.sync_copy(src_hbm.at[pl.ds(base, _EF_PW)], sidx)
            pltpu.sync_copy(dst_hbm.at[pl.ds(base, _EF_PW)], didx)

        @pl.when(wid == 31)
        def _():
            pltpu.sync_copy(src_hbm.at[pl.ds(base, _EF_LAST)],
                            sidx.at[pl.ds(0, _EF_LAST)])
            pltpu.sync_copy(dst_hbm.at[pl.ds(base, _EF_LAST)],
                            didx.at[pl.ds(0, _EF_LAST)])

        def body(i, carry):
            o = i * 16
            sv = sidx[pl.ds(o, 16)] * 2
            dv = didx[pl.ds(o, 16)] * 2
            buf[0, pl.ds(o, 16)] = plsc.load_gather(xv, [sv])
            buf[1, pl.ds(o, 16)] = plsc.load_gather(xv, [sv + 1])
            buf[2, pl.ds(o, 16)] = plsc.load_gather(xv, [dv])
            buf[3, pl.ds(o, 16)] = plsc.load_gather(xv, [dv + 1])
            return carry

        lax.fori_loop(0, n // 16, body, 0)

        @pl.when(wid != 31)
        def _():
            for r in range(4):
                pltpu.sync_copy(buf.at[r].at[pl.ds(0, _EF_PW)],
                                out_hbm.at[pl.ds(r * N_EDGES + base, _EF_PW)])

        @pl.when(wid == 31)
        def _():
            for r in range(4):
                pltpu.sync_copy(buf.at[r].at[pl.ds(0, _EF_LAST)],
                                out_hbm.at[pl.ds(r * N_EDGES + base, _EF_LAST)])

    return ef(xflat, src, dst)



_TN = 2000
_TE = 6400


def _tc_encode(x, W, b):
    def body(x_ref, w_ref, b_ref, o_ref):
        o_ref[...] = jax.nn.relu(
            jnp.dot(x_ref[...], w_ref[...], preferred_element_type=jnp.float32)
            + b_ref[...])

    return pl.pallas_call(
        body,
        grid=(N_NODES // _TN,),
        in_specs=[
            pl.BlockSpec((_TN, 2), lambda i: (i, 0)),
            pl.BlockSpec((2, N_HID), lambda i: (0, 0)),
            pl.BlockSpec((1, N_HID), lambda i: (0, 0)),
        ],
        out_specs=pl.BlockSpec((_TN, N_HID), lambda i: (i, 0)),
        out_shape=jax.ShapeDtypeStruct((N_NODES, N_HID), jnp.float32),
        interpret=_INTERPRET,
    )(x, W, b)


def _tc_layer(h, mp, W, b):
    def body(h_ref, m_ref, w_ref, b_ref, o_ref, g_ref):
        i = pl.program_id(0)
        hm = h_ref[...] + m_ref[0] + m_ref[1]
        hn = jax.nn.relu(
            jnp.dot(hm, w_ref[...], preferred_element_type=jnp.float32)
            + b_ref[...])
        o_ref[...] = hn
        part = jnp.sum(hn, axis=0, keepdims=True)
        part8 = jnp.concatenate([part, jnp.zeros((7, N_HID), jnp.float32)], 0)

        @pl.when(i == 0)
        def _():
            g_ref[...] = jnp.zeros_like(g_ref)

        g_ref[...] += part8

    return pl.pallas_call(
        body,
        grid=(N_NODES // _TN,),
        in_specs=[
            pl.BlockSpec((_TN, N_HID), lambda i: (i, 0)),
            pl.BlockSpec((_NC, _TN, N_HID), lambda i: (0, i, 0)),
            pl.BlockSpec((N_HID, N_HID), lambda i: (0, 0)),
            pl.BlockSpec((1, N_HID), lambda i: (0, 0)),
        ],
        out_specs=(pl.BlockSpec((_TN, N_HID), lambda i: (i, 0)),
                   pl.BlockSpec((8, N_HID), lambda i: (0, 0))),
        out_shape=(jax.ShapeDtypeStruct((N_NODES, N_HID), jnp.float32),
                   jax.ShapeDtypeStruct((8, N_HID), jnp.float32)),
        compiler_params=pltpu.CompilerParams(
            dimension_semantics=("arbitrary",)),
        interpret=_INTERPRET,
    )(h, mp, W, b)


def _tc_reduce(SCB, ef):
    def body(scb_ref, ef_ref, s_ref, mm_ref):
        i = pl.program_id(0)
        scb = scb_ref[...]
        efb = ef_ref[...]

        def pad8_128(v54):
            v = jnp.concatenate([v54, jnp.zeros((3, 4), jnp.float32)], 0)
            return jnp.concatenate([v, jnp.zeros((8, 124), jnp.float32)], 1)

        pe = [scb * efb[c:c + 1, :] for c in range(4)]
        s54 = jnp.concatenate(
            [jnp.sum(p, axis=1, keepdims=True) for p in pe], axis=1)
        inf = jnp.float32(jnp.inf)

        def mn(a, b2):
            va = jnp.where(a == 0, inf, a).min(axis=1, keepdims=True)
            vb = jnp.where(b2 == 0, inf, b2).min(axis=1, keepdims=True)
            return jnp.minimum(va, vb)

        def mx(a, b2):
            va = jnp.where(a == 0, -inf, a).max(axis=1, keepdims=True)
            vb = jnp.where(b2 == 0, -inf, b2).max(axis=1, keepdims=True)
            return jnp.maximum(va, vb)

        cols = jnp.concatenate(
            [mn(pe[0], pe[2]), mx(pe[0], pe[2]),
             mn(pe[1], pe[3]), mx(pe[1], pe[3])], axis=1)
        new = pad8_128(cols)
        colid = lax.broadcasted_iota(jnp.int32, (8, 128), 1)
        is_min = (colid == 0) | (colid == 2)

        @pl.when(i == 0)
        def _():
            s_ref[...] = jnp.zeros_like(s_ref)
            mm_ref[...] = jnp.where(is_min, inf, -inf)

        s_ref[...] += pad8_128(s54)
        old = mm_ref[...]
        mm_ref[...] = jnp.where(is_min, jnp.minimum(old, new),
                                jnp.maximum(old, new))

    return pl.pallas_call(
        body,
        grid=(N_EDGES // _TE,),
        in_specs=[
            pl.BlockSpec((5, _TE), lambda i: (0, i)),
            pl.BlockSpec((4, _TE), lambda i: (0, i)),
        ],
        out_specs=(pl.BlockSpec((8, 128), lambda i: (0, 0)),
                   pl.BlockSpec((8, 128), lambda i: (0, 0))),
        out_shape=(jax.ShapeDtypeStruct((8, 128), jnp.float32),
                   jax.ShapeDtypeStruct((8, 128), jnp.float32)),
        compiler_params=pltpu.CompilerParams(
            dimension_semantics=("arbitrary",)),
        interpret=_INTERPRET,
    )(SCB, ef)


def _tc_prep(s_pad, W1a, b1a, W1b, b1b, W2aU, b2a, W2b, W4a, b2b, b4a):
    def body(s_ref, w1a, b1a_, w1b, b1b_, w2au, b2a_, w2b, w4a, b2b_, b4a_,
             at_ref, w24_ref, c24_ref):
        s8 = s_ref[...][:, 0:4]
        h1 = jax.nn.relu(jnp.dot(s8, w1a[...],
                                 preferred_element_type=jnp.float32, precision=lax.Precision.HIGHEST) + b1a_[...])
        e1 = jnp.dot(h1, w1b[...], preferred_element_type=jnp.float32, precision=lax.Precision.HIGHEST) + b1b_[...]
        A8 = jnp.dot(e1, w2au[...], preferred_element_type=jnp.float32, precision=lax.Precision.HIGHEST) + b2a_[...]
        at_ref[...] = jnp.transpose(A8)
        W24v = jnp.dot(w2b[...], w4a[...],
                       preferred_element_type=jnp.float32,
                       precision=lax.Precision.HIGHEST)
        w24_ref[...] = W24v
        c24 = 5.0 * jnp.dot(b2b_[...], w4a[...],
                            preferred_element_type=jnp.float32, precision=lax.Precision.HIGHEST) + b4a_[...]
        rowid = lax.broadcasted_iota(jnp.int32, (8, 128), 0)
        reluA = jnp.where(rowid < 5, jax.nn.relu(A8), 0.0)
        R0 = jnp.sum(reluA, axis=0, keepdims=True)
        z0 = jnp.dot(R0, W24v,
                     preferred_element_type=jnp.float32,
                     precision=lax.Precision.HIGHEST) + c24
        z0p = jnp.concatenate([z0, jnp.zeros((7, 128), jnp.float32)], 0)
        c24_ref[...] = jnp.transpose(z0p)

    full = lambda shp: pl.BlockSpec(shp, lambda: (0,) * len(shp))
    return pl.pallas_call(
        body,
        in_specs=[full((8, 128)), full((4, 64)), full((1, 64)),
                  full((64, 64)), full((1, 64)), full((64, 128)),
                  full((1, 128)), full((128, 128)), full((128, 128)),
                  full((1, 128)), full((1, 128))],
        out_specs=(full((128, 8)), full((128, 128)), full((128, 8))),
        out_shape=(jax.ShapeDtypeStruct((128, 8), jnp.float32),
                   jax.ShapeDtypeStruct((128, 128), jnp.float32),
                   jax.ShapeDtypeStruct((128, 8), jnp.float32)),
        interpret=_INTERPRET,
    )(s_pad, W1a, b1a, W1b, b1b, W2aU, b2a, W2b, W4a, b2b, b4a)


def _tc_edge(SCB, ef, AT, W2a4, W24, z0T):
    def body(scb_ref, ef_ref, at_ref, w2a4_ref, w24_ref, z0_ref, t_ref):
        i = pl.program_id(0)
        scb = scb_ref[...]
        efb = ef_ref[...]
        vT = lax.dot_general(w2a4_ref[...].astype(jnp.bfloat16),
                             efb.astype(jnp.bfloat16),
                             (((0,), (0,)), ((), ())),
                             preferred_element_type=jnp.float32)
        at = at_ref[...]
        minA = jnp.minimum(at, 0.0)
        dT = jnp.zeros_like(vT)
        for b in range(5):
            dT += jnp.maximum(scb[b:b + 1, :] * vT, -at[:, b:b + 1]) \
                + minA[:, b:b + 1]
        tT = jax.nn.relu(
            lax.dot_general(w24_ref[...].astype(jnp.bfloat16),
                            dT.astype(jnp.bfloat16),
                            (((0,), (0,)), ((), ())),
                            preferred_element_type=jnp.float32)
            + z0_ref[...][:, 0:1])
        part = jnp.sum(tT, axis=1, keepdims=True)
        part8 = jnp.concatenate([part, jnp.zeros((128, 7), jnp.float32)], 1)

        @pl.when(i == 0)
        def _():
            t_ref[...] = jnp.zeros_like(t_ref)

        t_ref[...] += part8

    return pl.pallas_call(
        body,
        grid=(N_EDGES // _TE,),
        in_specs=[
            pl.BlockSpec((5, _TE), lambda i: (0, i)),
            pl.BlockSpec((4, _TE), lambda i: (0, i)),
            pl.BlockSpec((128, 8), lambda i: (0, 0)),
            pl.BlockSpec((4, 128), lambda i: (0, 0)),
            pl.BlockSpec((128, 128), lambda i: (0, 0)),
            pl.BlockSpec((128, 8), lambda i: (0, 0)),
        ],
        out_specs=pl.BlockSpec((128, 8), lambda i: (0, 0)),
        out_shape=jax.ShapeDtypeStruct((128, 8), jnp.float32),
        compiler_params=pltpu.CompilerParams(
            dimension_semantics=("arbitrary",)),
        interpret=_INTERPRET,
    )(SCB, ef, AT, W2a4, W24, z0T)


def _tc_final(gsum, T, mm, W4b, b4b, finaW, finab, finbW, finbb,
              feataW, featab, featbW, featbb, featcW, featcb):
    def body(g_ref, t_ref, mm_ref, w4b, b4b_, faw, fab, fbw, fbb,
             qaw, qab, qbw, qbb, qcw, qcb, o_ref):
        g = jnp.sum(g_ref[...], axis=0, keepdims=True) / N_NODES
        Tt = jnp.transpose(t_ref[...])
        Trow = Tt[0:1, :]
        L1sum = jnp.dot(Trow, w4b[...],
                        preferred_element_type=jnp.float32, precision=lax.Precision.HIGHEST) + N_EDGES * b4b_[...]
        cat = jnp.concatenate([g, L1sum], axis=1)
        m1 = jax.nn.relu(jnp.dot(cat, faw[...],
                                 preferred_element_type=jnp.float32, precision=lax.Precision.HIGHEST) + fab[...])
        main = jnp.dot(m1, fbw[...],
                       preferred_element_type=jnp.float32, precision=lax.Precision.HIGHEST) + fbb[...]
        mmt = jnp.transpose(mm_ref[...])
        L1f = jnp.concatenate([mmt[0:1, 0:5], mmt[1:2, 0:5],
                               mmt[2:3, 0:5], mmt[3:4, 0:5]], axis=1)
        f1 = jax.nn.relu(jnp.dot(L1f, qaw[...],
                                 preferred_element_type=jnp.float32, precision=lax.Precision.HIGHEST) + qab[...])
        f2 = jax.nn.relu(jnp.dot(f1, qbw[...],
                                 preferred_element_type=jnp.float32, precision=lax.Precision.HIGHEST) + qbb[...])
        feat = jnp.dot(f2, qcw[...],
                       preferred_element_type=jnp.float32, precision=lax.Precision.HIGHEST) + qcb[...]
        o_ref[...] = main + feat

    full = lambda shp: pl.BlockSpec(shp, lambda: (0,) * len(shp))
    return pl.pallas_call(
        body,
        in_specs=[full((8, 128)), full((128, 8)), full((8, 128)),
                  full((128, 128)), full((1, 128)),
                  full((256, 128)), full((1, 128)),
                  full((128, 64)), full((1, 64)),
                  full((20, 128)), full((1, 128)),
                  full((128, 128)), full((1, 128)),
                  full((128, 64)), full((1, 64))],
        out_specs=full((1, 64)),
        out_shape=jax.ShapeDtypeStruct((1, 64), jnp.float32),
        interpret=_INTERPRET,
    )(gsum, T, mm, W4b, b4b, finaW, finab, finbW, finbb,
      feataW, featab, featbW, featbb, featcW, featcb)



def kernel(x, edge_index, SCB, params):
    p = params
    src = edge_index[0].astype(jnp.int32)
    dst = edge_index[1].astype(jnp.int32)
    row = lambda b: b.reshape(1, -1)

    zrows = jnp.zeros((_RLAST, N_HID), jnp.float32)
    pad = jnp.zeros((_NC * _NS * _NCH * _CH - N_EDGES,), jnp.int32)
    src2 = jnp.concatenate([src, pad]).reshape(-1, _CH)
    dst2 = jnp.concatenate([dst, pad]).reshape(-1, _CH)
    h = _tc_encode(x, p["gnn_enc"]["W"], row(p["gnn_enc"]["b"]))
    gsum = None
    for lp in p["gnn_layers"]:
        mp = _sc_segsum(h, src2, dst2, zrows)
        h, gsum = _tc_layer(h, mp, lp["W"], row(lp["b"]))

    ef = _sc_ef(x.reshape(-1), src, dst).reshape(4, N_EDGES)

    s_pad, mm = _tc_reduce(SCB, ef)
    AT, W24, c24T = _tc_prep(
        s_pad, p["scb1_a"]["W"], row(p["scb1_a"]["b"]),
        p["scb1_b"]["W"], row(p["scb1_b"]["b"]),
        p["scb2_a"]["W"][:64], row(p["scb2_a"]["b"]),
        p["scb2_b"]["W"], p["scb4_a"]["W"],
        row(p["scb2_b"]["b"]), row(p["scb4_a"]["b"]))
    T = _tc_edge(SCB, ef, AT, p["scb2_a"]["W"][64:], W24, c24T)

    return _tc_final(
        gsum, T, mm, p["scb4_b"]["W"], row(p["scb4_b"]["b"]),
        p["fin_a"]["W"], row(p["fin_a"]["b"]),
        p["fin_b"]["W"], row(p["fin_b"]["b"]),
        p["feat_a"]["W"], row(p["feat_a"]["b"]),
        p["feat_b"]["W"], row(p["feat_b"]["b"]),
        p["feat_c"]["W"], row(p["feat_c"]["b"]))

# --- scband reference (transcript-rebuilt; emitter-appended) ---
"""Pipeline reference for scband-cycle-net-epd-new-16793322128017 (READ-ONLY COPY).

The authoritative reference and input builder live on the scoring server;
editing this copy changes nothing except your own understanding.
"""

import jax, jax.numpy as jnp
import numpy as np

N_NODES = 10000
N_EDGES = 160000
NODE_FEAT = 2
N_HID = 128
N_OUT = 64
NL_GNN = 3
N_BETA = 5


def _lin(key, fin, fout):
    return {"W": jax.random.normal(key, (fin, fout), jnp.float32) / np.sqrt(fin),
            "b": jnp.zeros((fout,), jnp.float32)}


def _apply(p, h):
    return h @ p["W"] + p["b"]


def setup_inputs(seed: int = 0) -> dict:
    key = jax.random.key(seed)
    ks = jax.random.split(key, 18)
    x = jax.random.normal(ks[0], (N_NODES, NODE_FEAT), jnp.float32)
    edge_index = jax.random.randint(ks[1], (2, N_EDGES), 0, N_NODES)
    # dense |SCB| cycle-incidence weights; strictly positive so no entry is exactly 0
    SCB = jax.random.uniform(ks[2], (N_BETA, N_EDGES), jnp.float32, 0.1, 1.0)
    params = {
        "gnn_enc": _lin(ks[3], NODE_FEAT, N_HID),
        "gnn_layers": [_lin(ks[4 + i], N_HID, N_HID) for i in range(NL_GNN)],
        "scb1_a": _lin(ks[7], 4, 64), "scb1_b": _lin(ks[8], 64, 64),
        "scb2_a": _lin(ks[9], 64 + 4, 128), "scb2_b": _lin(ks[10], 128, 128),
        "scb4_a": _lin(ks[11], 128, N_HID), "scb4_b": _lin(ks[12], N_HID, N_HID),
        "feat_a": _lin(ks[13], 20, N_HID), "feat_b": _lin(ks[14], N_HID, N_HID), "feat_c": _lin(ks[15], N_HID, N_OUT),
        "fin_a": _lin(ks[16], 2 * N_HID, N_HID), "fin_b": _lin(ks[17], N_HID, N_OUT),
    }
    return {"x": x, "edge_index": edge_index, "SCB": SCB, "params": params}


def _gnn(x, edge_index, params):
    # GIN-style message passing (GNN class is external in the original code):
    # encode -> nl_gnn rounds of scatter-add neighbor aggregation -> mean pool
    h = jax.nn.relu(_apply(params["gnn_enc"], x))
    src, dst = edge_index[0], edge_index[1]
    for lp in params["gnn_layers"]:
        m = jax.ops.segment_sum(h[src], dst, num_segments=N_NODES)
        h = jax.nn.relu(_apply(lp, h + m))
    return h.mean(axis=0, keepdims=True)  # [1, n_hid] (single-graph batch, mean pooling)


def _extract_scb_feature(pe):
    mask = pe == 0
    pmin = jnp.where(mask, jnp.inf, pe).min(axis=2).min(axis=2)
    pmax = jnp.where(mask, -jnp.inf, pe).max(axis=2).max(axis=2)
    return jnp.concatenate([pmin.ravel(), pmax.ravel()])


def reference(x, edge_index, SCB, params):
    g = _gnn(x, edge_index, params)
    # e_feat = x[edge_index].transpose(0,1).reshape(E, 2*node_feat) -> [E, 4]
    e_feat = jnp.transpose(x[edge_index], (1, 0, 2)).reshape(N_EDGES, -1)
    # SCB_feat = cat_i (e_feat[:, i] * SCB) -> [n_beta, E, 4]
    SCB_feat = SCB[:, :, None] * e_feat[None, :, :]
    max_beta = min(10, N_BETA)
    keep = SCB.sum(axis=1) > max_beta  # all True by construction (SCB >= 0.1, E = 160000)
    filtered = jnp.where(keep[:, None, None], SCB_feat, 0.0)
    # pad_SCB: shapes already [max_beta, max_edge, 4], so padding is identity; mask all ones
    pad_emb = filtered[None]  # [1, n_beta, E, 4]
    pe1 = _extract_scb_feature(jnp.concatenate([pad_emb[..., 0:1], pad_emb[..., 2:3]], axis=-1))
    pe2 = _extract_scb_feature(jnp.concatenate([pad_emb[..., 1:2], pad_emb[..., 3:4]], axis=-1))
    L1_feature = jnp.concatenate([pe1, pe2])[None]  # [1, 20]
    L1 = jnp.transpose(pad_emb, (0, 2, 1, 3))  # [1, E, n_beta, 4]
    s = L1.sum(axis=1)  # [1, n_beta, 4]
    e1 = _apply(params["scb1_b"], jax.nn.relu(_apply(params["scb1_a"], s)))  # [1, n_beta, 64]
    emb = jnp.broadcast_to(e1[:, None, :, :], (1, N_EDGES, N_BETA, 64))
    h2 = _apply(params["scb2_b"], jax.nn.relu(_apply(params["scb2_a"], jnp.concatenate([emb, L1], axis=-1)))).sum(axis=2)  # [1, E, 128]
    L1o = _apply(params["scb4_b"], jax.nn.relu(_apply(params["scb4_a"], h2)))  # [1, E, n_hid]
    L1sum = L1o.sum(axis=1)  # [1, n_hid]
    main = _apply(params["fin_b"], jax.nn.relu(_apply(params["fin_a"], jnp.concatenate([g, L1sum], axis=-1))))
    feat = _apply(params["feat_c"], jax.nn.relu(_apply(params["feat_b"], jax.nn.relu(_apply(params["feat_a"], L1_feature)))))
    return main + feat  # [1, n_out]

if __name__ == "__main__":
    import jax
    _d = setup_inputs()
    print(jax.jit(kernel)(*tuple(_d.values())))

</pallas_src>

<mosaic_0001>
#map = affine_map<(d0, d1) -> (0, 0)>
#map1 = affine_map<(d0, d1) -> (0, 0, 0)>
module attributes {stable_mosaic.version = 14 : i64} {
  func.func @seg(%arg0: i32, %arg1: i32, %arg2: memref<10000x128xf32, #tpu.memory_space<hbm>>, %arg3: memref<1280x128xi32, #tpu.memory_space<hbm>>, %arg4: memref<1280x128xi32, #tpu.memory_space<hbm>>, %arg5: memref<640x128xf32, #tpu.memory_space<hbm>>, %arg6: memref<2x10000x128xf32, #tpu.memory_space<hbm>>, %arg7: memref<40x128xi32, #tpu.memory_space<vmem>>, %arg8: memref<40x128xi32, #tpu.memory_space<vmem>>, %arg9: memref<128x128xf32, #tpu.memory_space<vmem>>, %arg10: memref<128x128xf32, #tpu.memory_space<vmem>>, %arg11: memref<10000x128xf32, #tpu.memory_space<vmem_shared>>, %arg12: memref<!tpu.dma_semaphore, #tpu.memory_space<semaphore_mem>>, %arg13: memref<!tpu.dma_semaphore, #tpu.memory_space<semaphore_mem>>, %arg14: memref<!tpu.dma_semaphore, #tpu.memory_space<semaphore_mem>>, %arg15: memref<!tpu.dma_semaphore, #tpu.memory_space<semaphore_mem>>) attributes {dimension_semantics = [#tpu.dimension_semantics<core_parallel>, #tpu.dimension_semantics<subcore_parallel>], iteration_bounds = array<i64: 2, 16>, scalar_prefetch = 0 : i64, scratch_operands = 9 : i64, tpu.core_type = #tpu.core_type<sc_vector_subcore>, window_params = [{transform_indices = #map}, {transform_indices = #map}, {transform_indices = #map}, {transform_indices = #map}, {transform_indices = #map1}]} {
    %mul3A = arith.constant 16 : i32
    %mul3A_0 = arith.muli %arg0, %mul3A : i32
    %add3A = arith.addi %mul3A_0, %arg1 : i32
    %mul3A_1 = arith.constant 624 : i32
    %mul3A_2 = arith.muli %arg1, %mul3A_1 : i32
    %ne3A = arith.constant 15 : i32
    %ne3A_3 = arith.cmpi ne, %arg1, %ne3A : i32
    %convert_element_type3A = arith.extui %ne3A_3 : i1 to i32
    %cond3A = arith.constant 0 : i32
    %cond3A_4 = arith.cmpi ne, %convert_element_type3A, %cond3A : i32
    scf.if %cond3A_4 {
      "tpu.region"() ({
        %run_scoped3A = tpu.sem_alloc : memref<!tpu.dma_semaphore, #tpu.memory_space<semaphore_mem>>
        %dma_start3A_56 = arith.constant 0 : i32
        %dma_start3A_57 = tpu.memref_slice %arg11[%mul3A_2, %dma_start3A_56] : memref<10000x128xf32, #tpu.memory_space<vmem_shared>> -> memref<624x128xf32, #tpu.memory_space<vmem_shared>>
        %dma_start3A_58 = arith.constant 0 : i32
        %dma_start3A_59 = arith.constant 0 : i32
        %dma_start3A_60 = tpu.memref_slice %arg5[%dma_start3A_58, %dma_start3A_59] : memref<640x128xf32, #tpu.memory_space<hbm>> -> memref<624x128xf32, #tpu.memory_space<hbm>>
        tpu.enqueue_dma source(%dma_start3A_60 : memref<624x128xf32, #tpu.memory_space<hbm>>) target(%dma_start3A_57 : memref<624x128xf32, #tpu.memory_space<vmem_shared>>) target_semaphore(%run_scoped3A : memref<!tpu.dma_semaphore, #tpu.memory_space<semaphore_mem>>)
        %dma_wait3A_61 = arith.constant 0 : i32
        %dma_wait3A_62 = tpu.memref_slice %arg11[%mul3A_2, %dma_wait3A_61] : memref<10000x128xf32, #tpu.memory_space<vmem_shared>> -> memref<624x128xf32, #tpu.memory_space<vmem_shared>>
        %dma_wait3A_63 = arith.constant 0 : i32
        %dma_wait3A_64 = arith.constant 0 : i32
        %dma_wait3A_65 = tpu.memref_slice %arg5[%dma_wait3A_63, %dma_wait3A_64] : memref<640x128xf32, #tpu.memory_space<hbm>> -> memref<624x128xf32, #tpu.memory_space<hbm>>
        tpu.wait_dma2 semaphore(%run_scoped3A : memref<!tpu.dma_semaphore, #tpu.memory_space<semaphore_mem>>) src(%dma_wait3A_65 : memref<624x128xf32, #tpu.memory_space<hbm>>) dst(%dma_wait3A_62 : memref<624x128xf32, #tpu.memory_space<vmem_shared>>)
        tpu.yield
      }) : () -> ()
    } else {
    }
    %eq3A = arith.constant 15 : i32
    %eq3A_5 = arith.cmpi eq, %arg1, %eq3A : i32
    %convert_element_type3A_6 = arith.extui %eq3A_5 : i1 to i32
    %cond3A_7 = arith.constant 0 : i32
    %cond3A_8 = arith.cmpi ne, %convert_element_type3A_6, %cond3A_7 : i32
    scf.if %cond3A_8 {
      "tpu.region"() ({
        %run_scoped3A = tpu.sem_alloc : memref<!tpu.dma_semaphore, #tpu.memory_space<semaphore_mem>>
        %dma_start3A_56 = arith.constant 0 : i32
        %dma_start3A_57 = tpu.memref_slice %arg11[%mul3A_2, %dma_start3A_56] : memref<10000x128xf32, #tpu.memory_space<vmem_shared>> -> memref<640x128xf32, #tpu.memory_space<vmem_shared>>
        tpu.enqueue_dma source(%arg5 : memref<640x128xf32, #tpu.memory_space<hbm>>) target(%dma_start3A_57 : memref<640x128xf32, #tpu.memory_space<vmem_shared>>) target_semaphore(%run_scoped3A : memref<!tpu.dma_semaphore, #tpu.memory_space<semaphore_mem>>)
        %dma_wait3A_58 = arith.constant 0 : i32
        %dma_wait3A_59 = tpu.memref_slice %arg11[%mul3A_2, %dma_wait3A_58] : memref<10000x128xf32, #tpu.memory_space<vmem_shared>> -> memref<640x128xf32, #tpu.memory_space<vmem_shared>>
        tpu.wait_dma2 semaphore(%run_scoped3A : memref<!tpu.dma_semaphore, #tpu.memory_space<semaphore_mem>>) src(%arg5 : memref<640x128xf32, #tpu.memory_space<hbm>>) dst(%dma_wait3A_59 : memref<640x128xf32, #tpu.memory_space<vmem_shared>>)
        tpu.yield
      }) : () -> ()
    } else {
    }
    %eq3A_9 = arith.constant 31 : i32
    %eq3A_10 = arith.cmpi eq, %add3A, %eq3A_9 : i32
    %jit3A = arith.constant 10 : i32
    %jit3A_11 = arith.constant 40 : i32
    %select_n3A = arith.select %eq3A_10, %jit3A, %jit3A_11 : i32
    %mul3A_12 = arith.constant 40 : i32
    %mul3A_13 = arith.muli %add3A, %mul3A_12 : i32
    "tpu.region"() ({
      %run_scoped3A = tpu.sem_alloc : memref<!tpu.dma_semaphore, #tpu.memory_space<semaphore_mem>>
      %dma_start3A_56 = arith.constant 0 : i32
      %dma_start3A_57 = tpu.memref_slice %arg3[%mul3A_13, %dma_start3A_56] : memref<1280x128xi32, #tpu.memory_space<hbm>> -> memref<40x128xi32, #tpu.memory_space<hbm>>
      %dma_start3A_58 = arith.constant 0 : i32
      %dma_start3A_59 = tpu.memref_slice %arg3[%mul3A_13, %dma_start3A_58] : memref<1280x128xi32, #tpu.memory_space<hbm>> -> memref<40x128xi32, #tpu.memory_space<hbm>>
      tpu.enqueue_dma source(%dma_start3A_59 : memref<40x128xi32, #tpu.memory_space<hbm>>) target(%arg7 : memref<40x128xi32, #tpu.memory_space<vmem>>) target_semaphore(%run_scoped3A : memref<!tpu.dma_semaphore, #tpu.memory_space<semaphore_mem>>)
      %dma_wait3A_60 = arith.constant 0 : i32
      %dma_wait3A_61 = tpu.memref_slice %arg3[%mul3A_13, %dma_wait3A_60] : memref<1280x128xi32, #tpu.memory_space<hbm>> -> memref<40x128xi32, #tpu.memory_space<hbm>>
      %dma_wait3A_62 = arith.constant 0 : i32
      %dma_wait3A_63 = tpu.memref_slice %arg3[%mul3A_13, %dma_wait3A_62] : memref<1280x128xi32, #tpu.memory_space<hbm>> -> memref<40x128xi32, #tpu.memory_space<hbm>>
      tpu.wait_dma2 semaphore(%run_scoped3A : memref<!tpu.dma_semaphore, #tpu.memory_space<semaphore_mem>>) src(%dma_wait3A_63 : memref<40x128xi32, #tpu.memory_space<hbm>>) dst(%arg7 : memref<40x128xi32, #tpu.memory_space<vmem>>)
      tpu.yield
    }) : () -> ()
    %mul3A_14 = arith.constant 40 : i32
    %mul3A_15 = arith.muli %add3A, %mul3A_14 : i32
    "tpu.region"() ({
      %run_scoped3A = tpu.sem_alloc : memref<!tpu.dma_semaphore, #tpu.memory_space<semaphore_mem>>
      %dma_start3A_56 = arith.constant 0 : i32
      %dma_start3A_57 = tpu.memref_slice %arg4[%mul3A_15, %dma_start3A_56] : memref<1280x128xi32, #tpu.memory_space<hbm>> -> memref<40x128xi32, #tpu.memory_space<hbm>>
      %dma_start3A_58 = arith.constant 0 : i32
      %dma_start3A_59 = tpu.memref_slice %arg4[%mul3A_15, %dma_start3A_58] : memref<1280x128xi32, #tpu.memory_space<hbm>> -> memref<40x128xi32, #tpu.memory_space<hbm>>
      tpu.enqueue_dma source(%dma_start3A_59 : memref<40x128xi32, #tpu.memory_space<hbm>>) target(%arg8 : memref<40x128xi32, #tpu.memory_space<vmem>>) target_semaphore(%run_scoped3A : memref<!tpu.dma_semaphore, #tpu.memory_space<semaphore_mem>>)
      %dma_wait3A_60 = arith.constant 0 : i32
      %dma_wait3A_61 = tpu.memref_slice %arg4[%mul3A_15, %dma_wait3A_60] : memref<1280x128xi32, #tpu.memory_space<hbm>> -> memref<40x128xi32, #tpu.memory_space<hbm>>
      %dma_wait3A_62 = arith.constant 0 : i32
      %dma_wait3A_63 = tpu.memref_slice %arg4[%mul3A_15, %dma_wait3A_62] : memref<1280x128xi32, #tpu.memory_space<hbm>> -> memref<40x128xi32, #tpu.memory_space<hbm>>
      tpu.wait_dma2 semaphore(%run_scoped3A : memref<!tpu.dma_semaphore, #tpu.memory_space<semaphore_mem>>) src(%dma_wait3A_63 : memref<40x128xi32, #tpu.memory_space<hbm>>) dst(%arg8 : memref<40x128xi32, #tpu.memory_space<vmem>>)
      tpu.yield
    }) : () -> ()
    %barrier3A = arith.constant 0 : index
    tpu.barrier barrier_id(%barrier3A)
    %dma_start3A = arith.constant 0 : i32
    %dma_start3A_16 = arith.constant 0 : i32
    %dma_start3A_17 = tpu.memref_slice %arg7[%dma_start3A, %dma_start3A_16] : memref<40x128xi32, #tpu.memory_space<vmem>> -> memref<1x128xi32, #tpu.memory_space<vmem>>
    %dma_start3A_18 = tpu.memref_squeeze %dma_start3A_17 : memref<1x128xi32, #tpu.memory_space<vmem>> -> memref<128xi32, #tpu.memory_space<vmem>>
    %dma_start3A_19 = arith.constant 0 : i32
    %dma_start3A_20 = arith.constant 0 : i32
    %dma_start3A_21 = tpu.memref_slice %arg2[%dma_start3A_19, %dma_start3A_20] : memref<10000x128xf32, #tpu.memory_space<hbm>> -> memref<10000x128xf32, #tpu.memory_space<hbm>>
    tpu.enqueue_indirect_dma source(%dma_start3A_21 : memref<10000x128xf32, #tpu.memory_space<hbm>>) target(%arg9 : memref<128x128xf32, #tpu.memory_space<vmem>>) offsets(%dma_start3A_18 : memref<128xi32, #tpu.memory_space<vmem>>) semaphore(%arg12 : memref<!tpu.dma_semaphore, #tpu.memory_space<semaphore_mem>>)
    %div3A = arith.constant 2 : i32
    %div3A_22 = arith.divsi %select_n3A, %div3A : i32
    %while3A = arith.constant 0 : i32
    %while3A_23 = arith.constant 0 : i32
    %while3A_24 = arith.subi %div3A_22, %while3A_23 : i32
    %while3A_25 = arith.addi %while3A_23, %while3A_24 : i32
    %while3A_26 = arith.constant 1 : i32
    %while3A_27 = arith.divsi %while3A_24, %while3A_26 : i32
    %while3A_28 = arith.muli %while3A_27, %while3A_26 : i32
    %while3A_29 = arith.addi %while3A_23, %while3A_28 : i32
    %while3A_30 = arith.constant 1 : i32
    scf.for %while3A_56 = %while3A_23 to %while3A_29 step %while3A_30  : i32 {
      %mul3A_57 = arith.constant 2 : i32
      %mul3A_58 = arith.muli %while3A_56, %mul3A_57 : i32
      %add3A_59 = arith.constant 0 : i32
      %add3A_60 = arith.addi %mul3A_58, %add3A_59 : i32
      %dma_wait3A_61 = arith.constant 0 : i32
      %dma_wait3A_62 = arith.constant 0 : i32
      %dma_wait3A_63 = tpu.memref_slice %arg7[%dma_wait3A_61, %dma_wait3A_62] : memref<40x128xi32, #tpu.memory_space<vmem>> -> memref<1x128xi32, #tpu.memory_space<vmem>>
      %dma_wait3A_64 = tpu.memref_squeeze %dma_wait3A_63 : memref<1x128xi32, #tpu.memory_space<vmem>> -> memref<128xi32, #tpu.memory_space<vmem>>
      %dma_wait3A_65 = arith.constant 0 : i32
      %dma_wait3A_66 = arith.constant 0 : i32
      %dma_wait3A_67 = tpu.memref_slice %arg2[%dma_wait3A_65, %dma_wait3A_66] : memref<10000x128xf32, #tpu.memory_space<hbm>> -> memref<10000x128xf32, #tpu.memory_space<hbm>>
      tpu.wait_indirect_dma semaphore(%arg12 : memref<!tpu.dma_semaphore, #tpu.memory_space<semaphore_mem>>) src(%dma_wait3A_67 : memref<10000x128xf32, #tpu.memory_space<hbm>>) dst(%arg9 : memref<128x128xf32, #tpu.memory_space<vmem>>)
      %dma_start3A_68 = arith.constant 0 : i32
      %dma_start3A_69 = tpu.memref_slice %arg8[%add3A_60, %dma_start3A_68] : memref<40x128xi32, #tpu.memory_space<vmem>> -> memref<1x128xi32, #tpu.memory_space<vmem>>
      %dma_start3A_70 = tpu.memref_squeeze %dma_start3A_69 : memref<1x128xi32, #tpu.memory_space<vmem>> -> memref<128xi32, #tpu.memory_space<vmem>>
      %dma_start3A_71 = arith.constant 0 : i32
      %dma_start3A_72 = arith.constant 0 : i32
      %dma_start3A_73 = tpu.memref_slice %arg11[%dma_start3A_71, %dma_start3A_72] : memref<10000x128xf32, #tpu.memory_space<vmem_shared>> -> memref<10000x128xf32, #tpu.memory_space<vmem_shared>>
      tpu.enqueue_indirect_dma source(%arg9 : memref<128x128xf32, #tpu.memory_space<vmem>>) target(%dma_start3A_73 : memref<10000x128xf32, #tpu.memory_space<vmem_shared>>) offsets(%dma_start3A_70 : memref<128xi32, #tpu.memory_space<vmem>>) semaphore(%arg14 : memref<!tpu.dma_semaphore, #tpu.memory_space<semaphore_mem>>) {add = true}
      %add3A_74 = arith.constant 1 : i32
      %add3A_75 = arith.addi %add3A_60, %add3A_74 : i32
      %lt3A = arith.cmpi slt, %add3A_75, %select_n3A : i32
      %convert_element_type3A_76 = arith.extui %lt3A : i1 to i32
      %cond3A_77 = arith.constant 0 : i32
      %cond3A_78 = arith.cmpi ne, %convert_element_type3A_76, %cond3A_77 : i32
      scf.if %cond3A_78 {
        %ge3A = arith.constant 2 : i32
        %ge3A_102 = arith.cmpi sge, %add3A_75, %ge3A : i32
        %convert_element_type3A_103 = arith.extui %ge3A_102 : i1 to i32
        %cond3A_104 = arith.constant 0 : i32
        %cond3A_105 = arith.cmpi ne, %convert_element_type3A_103, %cond3A_104 : i32
        scf.if %cond3A_105 {
          %dma_wait3A_112 = arith.constant 0 : i32
          %dma_wait3A_113 = arith.constant 0 : i32
          %dma_wait3A_114 = tpu.memref_slice %arg8[%dma_wait3A_112, %dma_wait3A_113] : memref<40x128xi32, #tpu.memory_space<vmem>> -> memref<1x128xi32, #tpu.memory_space<vmem>>
          %dma_wait3A_115 = tpu.memref_squeeze %dma_wait3A_114 : memref<1x128xi32, #tpu.memory_space<vmem>> -> memref<128xi32, #tpu.memory_space<vmem>>
          %dma_wait3A_116 = arith.constant 0 : i32
          %dma_wait3A_117 = arith.constant 0 : i32
          %dma_wait3A_118 = tpu.memref_slice %arg11[%dma_wait3A_116, %dma_wait3A_117] : memref<10000x128xf32, #tpu.memory_space<vmem_shared>> -> memref<10000x128xf32, #tpu.memory_space<vmem_shared>>
          tpu.wait_indirect_dma semaphore(%arg15 : memref<!tpu.dma_semaphore, #tpu.memory_space<semaphore_mem>>) src(%arg10 : memref<128x128xf32, #tpu.memory_space<vmem>>) dst(%dma_wait3A_118 : memref<10000x128xf32, #tpu.memory_space<vmem_shared>>)
        } else {
        }
        %dma_start3A_106 = arith.constant 0 : i32
        %dma_start3A_107 = tpu.memref_slice %arg7[%add3A_75, %dma_start3A_106] : memref<40x128xi32, #tpu.memory_space<vmem>> -> memref<1x128xi32, #tpu.memory_space<vmem>>
        %dma_start3A_108 = tpu.memref_squeeze %dma_start3A_107 : memref<1x128xi32, #tpu.memory_space<vmem>> -> memref<128xi32, #tpu.memory_space<vmem>>
        %dma_start3A_109 = arith.constant 0 : i32
        %dma_start3A_110 = arith.constant 0 : i32
        %dma_start3A_111 = tpu.memref_slice %arg2[%dma_start3A_109, %dma_start3A_110] : memref<10000x128xf32, #tpu.memory_space<hbm>> -> memref<10000x128xf32, #tpu.memory_space<hbm>>
        tpu.enqueue_indirect_dma source(%dma_start3A_111 : memref<10000x128xf32, #tpu.memory_space<hbm>>) target(%arg10 : memref<128x128xf32, #tpu.memory_space<vmem>>) offsets(%dma_start3A_108 : memref<128xi32, #tpu.memory_space<vmem>>) semaphore(%arg13 : memref<!tpu.dma_semaphore, #tpu.memory_space<semaphore_mem>>)
      } else {
      }
      %mul3A_79 = arith.constant 2 : i32
      %mul3A_80 = arith.muli %while3A_56, %mul3A_79 : i32
      %add3A_81 = arith.constant 1 : i32
      %add3A_82 = arith.addi %mul3A_80, %add3A_81 : i32
      %dma_wait3A_83 = arith.constant 0 : i32
      %dma_wait3A_84 = arith.constant 0 : i32
      %dma_wait3A_85 = tpu.memref_slice %arg7[%dma_wait3A_83, %dma_wait3A_84] : memref<40x128xi32, #tpu.memory_space<vmem>> -> memref<1x128xi32, #tpu.memory_space<vmem>>
      %dma_wait3A_86 = tpu.memref_squeeze %dma_wait3A_85 : memref<1x128xi32, #tpu.memory_space<vmem>> -> memref<128xi32, #tpu.memory_space<vmem>>
      %dma_wait3A_87 = arith.constant 0 : i32
      %dma_wait3A_88 = arith.constant 0 : i32
      %dma_wait3A_89 = tpu.memref_slice %arg2[%dma_wait3A_87, %dma_wait3A_88] : memref<10000x128xf32, #tpu.memory_space<hbm>> -> memref<10000x128xf32, #tpu.memory_space<hbm>>
      tpu.wait_indirect_dma semaphore(%arg13 : memref<!tpu.dma_semaphore, #tpu.memory_space<semaphore_mem>>) src(%dma_wait3A_89 : memref<10000x128xf32, #tpu.memory_space<hbm>>) dst(%arg10 : memref<128x128xf32, #tpu.memory_space<vmem>>)
      %dma_start3A_90 = arith.constant 0 : i32
      %dma_start3A_91 = tpu.memref_slice %arg8[%add3A_82, %dma_start3A_90] : memref<40x128xi32, #tpu.memory_space<vmem>> -> memref<1x128xi32, #tpu.memory_space<vmem>>
      %dma_start3A_92 = tpu.memref_squeeze %dma_start3A_91 : memref<1x128xi32, #tpu.memory_space<vmem>> -> memref<128xi32, #tpu.memory_space<vmem>>
      %dma_start3A_93 = arith.constant 0 : i32
      %dma_start3A_94 = arith.constant 0 : i32
      %dma_start3A_95 = tpu.memref_slice %arg11[%dma_start3A_93, %dma_start3A_94] : memref<10000x128xf32, #tpu.memory_space<vmem_shared>> -> memref<10000x128xf32, #tpu.memory_space<vmem_shared>>
      tpu.enqueue_indirect_dma source(%arg10 : memref<128x128xf32, #tpu.memory_space<vmem>>) target(%dma_start3A_95 : memref<10000x128xf32, #tpu.memory_space<vmem_shared>>) offsets(%dma_start3A_92 : memref<128xi32, #tpu.memory_space<vmem>>) semaphore(%arg15 : memref<!tpu.dma_semaphore, #tpu.memory_space<semaphore_mem>>) {add = true}
      %add3A_96 = arith.constant 1 : i32
      %add3A_97 = arith.addi %add3A_82, %add3A_96 : i32
      %lt3A_98 = arith.cmpi slt, %add3A_97, %select_n3A : i32
      %convert_element_type3A_99 = arith.extui %lt3A_98 : i1 to i32
      %cond3A_100 = arith.constant 0 : i32
      %cond3A_101 = arith.cmpi ne, %convert_element_type3A_99, %cond3A_100 : i32
      scf.if %cond3A_101 {
        %ge3A = arith.constant 2 : i32
        %ge3A_102 = arith.cmpi sge, %add3A_97, %ge3A : i32
        %convert_element_type3A_103 = arith.extui %ge3A_102 : i1 to i32
        %cond3A_104 = arith.constant 0 : i32
        %cond3A_105 = arith.cmpi ne, %convert_element_type3A_103, %cond3A_104 : i32
        scf.if %cond3A_105 {
          %dma_wait3A_112 = arith.constant 0 : i32
          %dma_wait3A_113 = arith.constant 0 : i32
          %dma_wait3A_114 = tpu.memref_slice %arg8[%dma_wait3A_112, %dma_wait3A_113] : memref<40x128xi32, #tpu.memory_space<vmem>> -> memref<1x128xi32, #tpu.memory_space<vmem>>
          %dma_wait3A_115 = tpu.memref_squeeze %dma_wait3A_114 : memref<1x128xi32, #tpu.memory_space<vmem>> -> memref<128xi32, #tpu.memory_space<vmem>>
          %dma_wait3A_116 = arith.constant 0 : i32
          %dma_wait3A_117 = arith.constant 0 : i32
          %dma_wait3A_118 = tpu.memref_slice %arg11[%dma_wait3A_116, %dma_wait3A_117] : memref<10000x128xf32, #tpu.memory_space<vmem_shared>> -> memref<10000x128xf32, #tpu.memory_space<vmem_shared>>
          tpu.wait_indirect_dma semaphore(%arg14 : memref<!tpu.dma_semaphore, #tpu.memory_space<semaphore_mem>>) src(%arg9 : memref<128x128xf32, #tpu.memory_space<vmem>>) dst(%dma_wait3A_118 : memref<10000x128xf32, #tpu.memory_space<vmem_shared>>)
        } else {
        }
        %dma_start3A_106 = arith.constant 0 : i32
        %dma_start3A_107 = tpu.memref_slice %arg7[%add3A_97, %dma_start3A_106] : memref<40x128xi32, #tpu.memory_space<vmem>> -> memref<1x128xi32, #tpu.memory_space<vmem>>
        %dma_start3A_108 = tpu.memref_squeeze %dma_start3A_107 : memref<1x128xi32, #tpu.memory_space<vmem>> -> memref<128xi32, #tpu.memory_space<vmem>>
        %dma_start3A_109 = arith.constant 0 : i32
        %dma_start3A_110 = arith.constant 0 : i32
        %dma_start3A_111 = tpu.memref_slice %arg2[%dma_start3A_109, %dma_start3A_110] : memref<10000x128xf32, #tpu.memory_space<hbm>> -> memref<10000x128xf32, #tpu.memory_space<hbm>>
        tpu.enqueue_indirect_dma source(%dma_start3A_111 : memref<10000x128xf32, #tpu.memory_space<hbm>>) target(%arg9 : memref<128x128xf32, #tpu.memory_space<vmem>>) offsets(%dma_start3A_108 : memref<128xi32, #tpu.memory_space<vmem>>) semaphore(%arg12 : memref<!tpu.dma_semaphore, #tpu.memory_space<semaphore_mem>>)
      } else {
      }
    }
    %while3A_31 = arith.constant 1 : i32
    scf.for %while3A_56 = %while3A_29 to %while3A_25 step %while3A_31  : i32 {
      %mul3A_57 = arith.constant 2 : i32
      %mul3A_58 = arith.muli %while3A_56, %mul3A_57 : i32
      %add3A_59 = arith.constant 0 : i32
      %add3A_60 = arith.addi %mul3A_58, %add3A_59 : i32
      %dma_wait3A_61 = arith.constant 0 : i32
      %dma_wait3A_62 = arith.constant 0 : i32
      %dma_wait3A_63 = tpu.memref_slice %arg7[%dma_wait3A_61, %dma_wait3A_62] : memref<40x128xi32, #tpu.memory_space<vmem>> -> memref<1x128xi32, #tpu.memory_space<vmem>>
      %dma_wait3A_64 = tpu.memref_squeeze %dma_wait3A_63 : memref<1x128xi32, #tpu.memory_space<vmem>> -> memref<128xi32, #tpu.memory_space<vmem>>
      %dma_wait3A_65 = arith.constant 0 : i32
      %dma_wait3A_66 = arith.constant 0 : i32
      %dma_wait3A_67 = tpu.memref_slice %arg2[%dma_wait3A_65, %dma_wait3A_66] : memref<10000x128xf32, #tpu.memory_space<hbm>> -> memref<10000x128xf32, #tpu.memory_space<hbm>>
      tpu.wait_indirect_dma semaphore(%arg12 : memref<!tpu.dma_semaphore, #tpu.memory_space<semaphore_mem>>) src(%dma_wait3A_67 : memref<10000x128xf32, #tpu.memory_space<hbm>>) dst(%arg9 : memref<128x128xf32, #tpu.memory_space<vmem>>)
      %dma_start3A_68 = arith.constant 0 : i32
      %dma_start3A_69 = tpu.memref_slice %arg8[%add3A_60, %dma_start3A_68] : memref<40x128xi32, #tpu.memory_space<vmem>> -> memref<1x128xi32, #tpu.memory_space<vmem>>
      %dma_start3A_70 = tpu.memref_squeeze %dma_start3A_69 : memref<1x128xi32, #tpu.memory_space<vmem>> -> memref<128xi32, #tpu.memory_space<vmem>>
      %dma_start3A_71 = arith.constant 0 : i32
      %dma_start3A_72 = arith.constant 0 : i32
      %dma_start3A_73 = tpu.memref_slice %arg11[%dma_start3A_71, %dma_start3A_72] : memref<10000x128xf32, #tpu.memory_space<vmem_shared>> -> memref<10000x128xf32, #tpu.memory_space<vmem_shared>>
      tpu.enqueue_indirect_dma source(%arg9 : memref<128x128xf32, #tpu.memory_space<vmem>>) target(%dma_start3A_73 : memref<10000x128xf32, #tpu.memory_space<vmem_shared>>) offsets(%dma_start3A_70 : memref<128xi32, #tpu.memory_space<vmem>>) semaphore(%arg14 : memref<!tpu.dma_semaphore, #tpu.memory_space<semaphore_mem>>) {add = true}
      %add3A_74 = arith.constant 1 : i32
      %add3A_75 = arith.addi %add3A_60, %add3A_74 : i32
      %lt3A = arith.cmpi slt, %add3A_75, %select_n3A : i32
      %convert_element_type3A_76 = arith.extui %lt3A : i1 to i32
      %cond3A_77 = arith.constant 0 : i32
      %cond3A_78 = arith.cmpi ne, %convert_element_type3A_76, %cond3A_77 : i32
      scf.if %cond3A_78 {
        %ge3A = arith.constant 2 : i32
        %ge3A_102 = arith.cmpi sge, %add3A_75, %ge3A : i32
        %convert_element_type3A_103 = arith.extui %ge3A_102 : i1 to i32
        %cond3A_104 = arith.constant 0 : i32
        %cond3A_105 = arith.cmpi ne, %convert_element_type3A_103, %cond3A_104 : i32
        scf.if %cond3A_105 {
          %dma_wait3A_112 = arith.constant 0 : i32
          %dma_wait3A_113 = arith.constant 0 : i32
          %dma_wait3A_114 = tpu.memref_slice %arg8[%dma_wait3A_112, %dma_wait3A_113] : memref<40x128xi32, #tpu.memory_space<vmem>> -> memref<1x128xi32, #tpu.memory_space<vmem>>
          %dma_wait3A_115 = tpu.memref_squeeze %dma_wait3A_114 : memref<1x128xi32, #tpu.memory_space<vmem>> -> memref<128xi32, #tpu.memory_space<vmem>>
          %dma_wait3A_116 = arith.constant 0 : i32
          %dma_wait3A_117 = arith.constant 0 : i32
          %dma_wait3A_118 = tpu.memref_slice %arg11[%dma_wait3A_116, %dma_wait3A_117] : memref<10000x128xf32, #tpu.memory_space<vmem_shared>> -> memref<10000x128xf32, #tpu.memory_space<vmem_shared>>
          tpu.wait_indirect_dma semaphore(%arg15 : memref<!tpu.dma_semaphore, #tpu.memory_space<semaphore_mem>>) src(%arg10 : memref<128x128xf32, #tpu.memory_space<vmem>>) dst(%dma_wait3A_118 : memref<10000x128xf32, #tpu.memory_space<vmem_shared>>)
        } else {
        }
        %dma_start3A_106 = arith.constant 0 : i32
        %dma_start3A_107 = tpu.memref_slice %arg7[%add3A_75, %dma_start3A_106] : memref<40x128xi32, #tpu.memory_space<vmem>> -> memref<1x128xi32, #tpu.memory_space<vmem>>
        %dma_start3A_108 = tpu.memref_squeeze %dma_start3A_107 : memref<1x128xi32, #tpu.memory_space<vmem>> -> memref<128xi32, #tpu.memory_space<vmem>>
        %dma_start3A_109 = arith.constant 0 : i32
        %dma_start3A_110 = arith.constant 0 : i32
        %dma_start3A_111 = tpu.memref_slice %arg2[%dma_start3A_109, %dma_start3A_110] : memref<10000x128xf32, #tpu.memory_space<hbm>> -> memref<10000x128xf32, #tpu.memory_space<hbm>>
        tpu.enqueue_indirect_dma source(%dma_start3A_111 : memref<10000x128xf32, #tpu.memory_space<hbm>>) target(%arg10 : memref<128x128xf32, #tpu.memory_space<vmem>>) offsets(%dma_start3A_108 : memref<128xi32, #tpu.memory_space<vmem>>) semaphore(%arg13 : memref<!tpu.dma_semaphore, #tpu.memory_space<semaphore_mem>>)
      } else {
      }
      %mul3A_79 = arith.constant 2 : i32
      %mul3A_80 = arith.muli %while3A_56, %mul3A_79 : i32
      %add3A_81 = arith.constant 1 : i32
      %add3A_82 = arith.addi %mul3A_80, %add3A_81 : i32
      %dma_wait3A_83 = arith.constant 0 : i32
      %dma_wait3A_84 = arith.constant 0 : i32
      %dma_wait3A_85 = tpu.memref_slice %arg7[%dma_wait3A_83, %dma_wait3A_84] : memref<40x128xi32, #tpu.memory_space<vmem>> -> memref<1x128xi32, #tpu.memory_space<vmem>>
      %dma_wait3A_86 = tpu.memref_squeeze %dma_wait3A_85 : memref<1x128xi32, #tpu.memory_space<vmem>> -> memref<128xi32, #tpu.memory_space<vmem>>
      %dma_wait3A_87 = arith.constant 0 : i32
      %dma_wait3A_88 = arith.constant 0 : i32
      %dma_wait3A_89 = tpu.memref_slice %arg2[%dma_wait3A_87, %dma_wait3A_88] : memref<10000x128xf32, #tpu.memory_space<hbm>> -> memref<10000x128xf32, #tpu.memory_space<hbm>>
      tpu.wait_indirect_dma semaphore(%arg13 : memref<!tpu.dma_semaphore, #tpu.memory_space<semaphore_mem>>) src(%dma_wait3A_89 : memref<10000x128xf32, #tpu.memory_space<hbm>>) dst(%arg10 : memref<128x128xf32, #tpu.memory_space<vmem>>)
      %dma_start3A_90 = arith.constant 0 : i32
      %dma_start3A_91 = tpu.memref_slice %arg8[%add3A_82, %dma_start3A_90] : memref<40x128xi32, #tpu.memory_space<vmem>> -> memref<1x128xi32, #tpu.memory_space<vmem>>
      %dma_start3A_92 = tpu.memref_squeeze %dma_start3A_91 : memref<1x128xi32, #tpu.memory_space<vmem>> -> memref<128xi32, #tpu.memory_space<vmem>>
      %dma_start3A_93 = arith.constant 0 : i32
      %dma_start3A_94 = arith.constant 0 : i32
      %dma_start3A_95 = tpu.memref_slice %arg11[%dma_start3A_93, %dma_start3A_94] : memref<10000x128xf32, #tpu.memory_space<vmem_shared>> -> memref<10000x128xf32, #tpu.memory_space<vmem_shared>>
      tpu.enqueue_indirect_dma source(%arg10 : memref<128x128xf32, #tpu.memory_space<vmem>>) target(%dma_start3A_95 : memref<10000x128xf32, #tpu.memory_space<vmem_shared>>) offsets(%dma_start3A_92 : memref<128xi32, #tpu.memory_space<vmem>>) semaphore(%arg15 : memref<!tpu.dma_semaphore, #tpu.memory_space<semaphore_mem>>) {add = true}
      %add3A_96 = arith.constant 1 : i32
      %add3A_97 = arith.addi %add3A_82, %add3A_96 : i32
      %lt3A_98 = arith.cmpi slt, %add3A_97, %select_n3A : i32
      %convert_element_type3A_99 = arith.extui %lt3A_98 : i1 to i32
      %cond3A_100 = arith.constant 0 : i32
      %cond3A_101 = arith.cmpi ne, %convert_element_type3A_99, %cond3A_100 : i32
      scf.if %cond3A_101 {
        %ge3A = arith.constant 2 : i32
        %ge3A_102 = arith.cmpi sge, %add3A_97, %ge3A : i32
        %convert_element_type3A_103 = arith.extui %ge3A_102 : i1 to i32
        %cond3A_104 = arith.constant 0 : i32
        %cond3A_105 = arith.cmpi ne, %convert_element_type3A_103, %cond3A_104 : i32
        scf.if %cond3A_105 {
          %dma_wait3A_112 = arith.constant 0 : i32
          %dma_wait3A_113 = arith.constant 0 : i32
          %dma_wait3A_114 = tpu.memref_slice %arg8[%dma_wait3A_112, %dma_wait3A_113] : memref<40x128xi32, #tpu.memory_space<vmem>> -> memref<1x128xi32, #tpu.memory_space<vmem>>
          %dma_wait3A_115 = tpu.memref_squeeze %dma_wait3A_114 : memref<1x128xi32, #tpu.memory_space<vmem>> -> memref<128xi32, #tpu.memory_space<vmem>>
          %dma_wait3A_116 = arith.constant 0 : i32
          %dma_wait3A_117 = arith.constant 0 : i32
          %dma_wait3A_118 = tpu.memref_slice %arg11[%dma_wait3A_116, %dma_wait3A_117] : memref<10000x128xf32, #tpu.memory_space<vmem_shared>> -> memref<10000x128xf32, #tpu.memory_space<vmem_shared>>
          tpu.wait_indirect_dma semaphore(%arg14 : memref<!tpu.dma_semaphore, #tpu.memory_space<semaphore_mem>>) src(%arg9 : memref<128x128xf32, #tpu.memory_space<vmem>>) dst(%dma_wait3A_118 : memref<10000x128xf32, #tpu.memory_space<vmem_shared>>)
        } else {
        }
        %dma_start3A_106 = arith.constant 0 : i32
        %dma_start3A_107 = tpu.memref_slice %arg7[%add3A_97, %dma_start3A_106] : memref<40x128xi32, #tpu.memory_space<vmem>> -> memref<1x128xi32, #tpu.memory_space<vmem>>
        %dma_start3A_108 = tpu.memref_squeeze %dma_start3A_107 : memref<1x128xi32, #tpu.memory_space<vmem>> -> memref<128xi32, #tpu.memory_space<vmem>>
        %dma_start3A_109 = arith.constant 0 : i32
        %dma_start3A_110 = arith.constant 0 : i32
        %dma_start3A_111 = tpu.memref_slice %arg2[%dma_start3A_109, %dma_start3A_110] : memref<10000x128xf32, #tpu.memory_space<hbm>> -> memref<10000x128xf32, #tpu.memory_space<hbm>>
        tpu.enqueue_indirect_dma source(%dma_start3A_111 : memref<10000x128xf32, #tpu.memory_space<hbm>>) target(%arg9 : memref<128x128xf32, #tpu.memory_space<vmem>>) offsets(%dma_start3A_108 : memref<128xi32, #tpu.memory_space<vmem>>) semaphore(%arg12 : memref<!tpu.dma_semaphore, #tpu.memory_space<semaphore_mem>>)
      } else {
      }
    }
    %dma_wait3A = arith.constant 0 : i32
    %dma_wait3A_32 = arith.constant 0 : i32
    %dma_wait3A_33 = tpu.memref_slice %arg8[%dma_wait3A, %dma_wait3A_32] : memref<40x128xi32, #tpu.memory_space<vmem>> -> memref<1x128xi32, #tpu.memory_space<vmem>>
    %dma_wait3A_34 = tpu.memref_squeeze %dma_wait3A_33 : memref<1x128xi32, #tpu.memory_space<vmem>> -> memref<128xi32, #tpu.memory_space<vmem>>
    %dma_wait3A_35 = arith.constant 0 : i32
    %dma_wait3A_36 = arith.constant 0 : i32
    %dma_wait3A_37 = tpu.memref_slice %arg11[%dma_wait3A_35, %dma_wait3A_36] : memref<10000x128xf32, #tpu.memory_space<vmem_shared>> -> memref<10000x128xf32, #tpu.memory_space<vmem_shared>>
    tpu.wait_indirect_dma semaphore(%arg14 : memref<!tpu.dma_semaphore, #tpu.memory_space<semaphore_mem>>) src(%arg9 : memref<128x128xf32, #tpu.memory_space<vmem>>) dst(%dma_wait3A_37 : memref<10000x128xf32, #tpu.memory_space<vmem_shared>>)
    %dma_wait3A_38 = arith.constant 0 : i32
    %dma_wait3A_39 = arith.constant 0 : i32
    %dma_wait3A_40 = tpu.memref_slice %arg8[%dma_wait3A_38, %dma_wait3A_39] : memref<40x128xi32, #tpu.memory_space<vmem>> -> memref<1x128xi32, #tpu.memory_space<vmem>>
    %dma_wait3A_41 = tpu.memref_squeeze %dma_wait3A_40 : memref<1x128xi32, #tpu.memory_space<vmem>> -> memref<128xi32, #tpu.memory_space<vmem>>
    %dma_wait3A_42 = arith.constant 0 : i32
    %dma_wait3A_43 = arith.constant 0 : i32
    %dma_wait3A_44 = tpu.memref_slice %arg11[%dma_wait3A_42, %dma_wait3A_43] : memref<10000x128xf32, #tpu.memory_space<vmem_shared>> -> memref<10000x128xf32, #tpu.memory_space<vmem_shared>>
    tpu.wait_indirect_dma semaphore(%arg15 : memref<!tpu.dma_semaphore, #tpu.memory_space<semaphore_mem>>) src(%arg10 : memref<128x128xf32, #tpu.memory_space<vmem>>) dst(%dma_wait3A_44 : memref<10000x128xf32, #tpu.memory_space<vmem_shared>>)
    %barrier3A_45 = arith.constant 0 : index
    tpu.barrier barrier_id(%barrier3A_45)
    %ne3A_46 = arith.constant 15 : i32
    %ne3A_47 = arith.cmpi ne, %arg1, %ne3A_46 : i32
    %convert_element_type3A_48 = arith.extui %ne3A_47 : i1 to i32
    %cond3A_49 = arith.constant 0 : i32
    %cond3A_50 = arith.cmpi ne, %convert_element_type3A_48, %cond3A_49 : i32
    scf.if %cond3A_50 {
      "tpu.region"() ({
        %run_scoped3A = tpu.sem_alloc : memref<!tpu.dma_semaphore, #tpu.memory_space<semaphore_mem>>
        %dma_start3A_56 = arith.constant 0 : i32
        %dma_start3A_57 = arith.constant 0 : i32
        %dma_start3A_58 = tpu.memref_slice %arg6[%arg0, %dma_start3A_56, %dma_start3A_57] : memref<2x10000x128xf32, #tpu.memory_space<hbm>> -> memref<1x10000x128xf32, #tpu.memory_space<hbm>>
        %dma_start3A_59 = tpu.memref_squeeze %dma_start3A_58 : memref<1x10000x128xf32, #tpu.memory_space<hbm>> -> memref<10000x128xf32, #tpu.memory_space<hbm>>
        %dma_start3A_60 = arith.constant 0 : i32
        %dma_start3A_61 = tpu.memref_slice %dma_start3A_59[%mul3A_2, %dma_start3A_60] : memref<10000x128xf32, #tpu.memory_space<hbm>> -> memref<624x128xf32, #tpu.memory_space<hbm>>
        %dma_start3A_62 = arith.constant 0 : i32
        %dma_start3A_63 = tpu.memref_slice %arg11[%mul3A_2, %dma_start3A_62] : memref<10000x128xf32, #tpu.memory_space<vmem_shared>> -> memref<624x128xf32, #tpu.memory_space<vmem_shared>>
        tpu.enqueue_dma source(%dma_start3A_63 : memref<624x128xf32, #tpu.memory_space<vmem_shared>>) target(%dma_start3A_61 : memref<624x128xf32, #tpu.memory_space<hbm>>) target_semaphore(%run_scoped3A : memref<!tpu.dma_semaphore, #tpu.memory_space<semaphore_mem>>)
        %dma_wait3A_64 = arith.constant 0 : i32
        %dma_wait3A_65 = arith.constant 0 : i32
        %dma_wait3A_66 = tpu.memref_slice %arg6[%arg0, %dma_wait3A_64, %dma_wait3A_65] : memref<2x10000x128xf32, #tpu.memory_space<hbm>> -> memref<1x10000x128xf32, #tpu.memory_space<hbm>>
        %dma_wait3A_67 = tpu.memref_squeeze %dma_wait3A_66 : memref<1x10000x128xf32, #tpu.memory_space<hbm>> -> memref<10000x128xf32, #tpu.memory_space<hbm>>
        %dma_wait3A_68 = arith.constant 0 : i32
        %dma_wait3A_69 = tpu.memref_slice %dma_wait3A_67[%mul3A_2, %dma_wait3A_68] : memref<10000x128xf32, #tpu.memory_space<hbm>> -> memref<624x128xf32, #tpu.memory_space<hbm>>
        %dma_wait3A_70 = arith.constant 0 : i32
        %dma_wait3A_71 = tpu.memref_slice %arg11[%mul3A_2, %dma_wait3A_70] : memref<10000x128xf32, #tpu.memory_space<vmem_shared>> -> memref<624x128xf32, #tpu.memory_space<vmem_shared>>
        tpu.wait_dma2 semaphore(%run_scoped3A : memref<!tpu.dma_semaphore, #tpu.memory_space<semaphore_mem>>) src(%dma_wait3A_71 : memref<624x128xf32, #tpu.memory_space<vmem_shared>>) dst(%dma_wait3A_69 : memref<624x128xf32, #tpu.memory_space<hbm>>)
        tpu.yield
      }) : () -> ()
    } else {
    }
    %eq3A_51 = arith.constant 15 : i32
    %eq3A_52 = arith.cmpi eq, %arg1, %eq3A_51 : i32
    %convert_element_type3A_53 = arith.extui %eq3A_52 : i1 to i32
    %cond3A_54 = arith.constant 0 : i32
    %cond3A_55 = arith.cmpi ne, %convert_element_type3A_53, %cond3A_54 : i32
    scf.if %cond3A_55 {
      "tpu.region"() ({
        %run_scoped3A = tpu.sem_alloc : memref<!tpu.dma_semaphore, #tpu.memory_space<semaphore_mem>>
        %dma_start3A_56 = arith.constant 0 : i32
        %dma_start3A_57 = arith.constant 0 : i32
        %dma_start3A_58 = tpu.memref_slice %arg6[%arg0, %dma_start3A_56, %dma_start3A_57] : memref<2x10000x128xf32, #tpu.memory_space<hbm>> -> memref<1x10000x128xf32, #tpu.memory_space<hbm>>
        %dma_start3A_59 = tpu.memref_squeeze %dma_start3A_58 : memref<1x10000x128xf32, #tpu.memory_space<hbm>> -> memref<10000x128xf32, #tpu.memory_space<hbm>>
        %dma_start3A_60 = arith.constant 0 : i32
        %dma_start3A_61 = tpu.memref_slice %dma_start3A_59[%mul3A_2, %dma_start3A_60] : memref<10000x128xf32, #tpu.memory_space<hbm>> -> memref<640x128xf32, #tpu.memory_space<hbm>>
        %dma_start3A_62 = arith.constant 0 : i32
        %dma_start3A_63 = tpu.memref_slice %arg11[%mul3A_2, %dma_start3A_62] : memref<10000x128xf32, #tpu.memory_space<vmem_shared>> -> memref<640x128xf32, #tpu.memory_space<vmem_shared>>
        tpu.enqueue_dma source(%dma_start3A_63 : memref<640x128xf32, #tpu.memory_space<vmem_shared>>) target(%dma_start3A_61 : memref<640x128xf32, #tpu.memory_space<hbm>>) target_semaphore(%run_scoped3A : memref<!tpu.dma_semaphore, #tpu.memory_space<semaphore_mem>>)
        %dma_wait3A_64 = arith.constant 0 : i32
        %dma_wait3A_65 = arith.constant 0 : i32
        %dma_wait3A_66 = tpu.memref_slice %arg6[%arg0, %dma_wait3A_64, %dma_wait3A_65] : memref<2x10000x128xf32, #tpu.memory_space<hbm>> -> memref<1x10000x128xf32, #tpu.memory_space<hbm>>
        %dma_wait3A_67 = tpu.memref_squeeze %dma_wait3A_66 : memref<1x10000x128xf32, #tpu.memory_space<hbm>> -> memref<10000x128xf32, #tpu.memory_space<hbm>>
        %dma_wait3A_68 = arith.constant 0 : i32
        %dma_wait3A_69 = tpu.memref_slice %dma_wait3A_67[%mul3A_2, %dma_wait3A_68] : memref<10000x128xf32, #tpu.memory_space<hbm>> -> memref<640x128xf32, #tpu.memory_space<hbm>>
        %dma_wait3A_70 = arith.constant 0 : i32
        %dma_wait3A_71 = tpu.memref_slice %arg11[%mul3A_2, %dma_wait3A_70] : memref<10000x128xf32, #tpu.memory_space<vmem_shared>> -> memref<640x128xf32, #tpu.memory_space<vmem_shared>>
        tpu.wait_dma2 semaphore(%run_scoped3A : memref<!tpu.dma_semaphore, #tpu.memory_space<semaphore_mem>>) src(%dma_wait3A_71 : memref<640x128xf32, #tpu.memory_space<vmem_shared>>) dst(%dma_wait3A_69 : memref<640x128xf32, #tpu.memory_space<hbm>>)
        tpu.yield
      }) : () -> ()
    } else {
    }
    return
  }
}

#map = affine_map<(d0, d1) -> (0)>
module attributes {stable_mosaic.version = 14 : i64} {
  func.func @ef(%arg0: i32, %arg1: i32, %arg2: memref<20000xf32, #tpu.memory_space<hbm>>, %arg3: memref<160000xi32, #tpu.memory_space<hbm>>, %arg4: memref<160000xi32, #tpu.memory_space<hbm>>, %arg5: memref<640000xf32, #tpu.memory_space<hbm>>, %arg6: memref<20000xf32, #tpu.memory_space<vmem>>, %arg7: memref<5120xi32, #tpu.memory_space<vmem>>, %arg8: memref<5120xi32, #tpu.memory_space<vmem>>, %arg9: memref<4x5120xf32, #tpu.memory_space<vmem>>) attributes {dimension_semantics = [#tpu.dimension_semantics<core_parallel>, #tpu.dimension_semantics<subcore_parallel>], iteration_bounds = array<i64: 2, 16>, scalar_prefetch = 0 : i64, scratch_operands = 4 : i64, tpu.core_type = #tpu.core_type<sc_vector_subcore>, window_params = [{transform_indices = #map}, {transform_indices = #map}, {transform_indices = #map}, {transform_indices = #map}]} {
    %mul3A = arith.constant 16 : i32
    %mul3A_0 = arith.muli %arg0, %mul3A : i32
    %add3A = arith.addi %mul3A_0, %arg1 : i32
    %mul3A_1 = arith.constant 5120 : i32
    %mul3A_2 = arith.muli %add3A, %mul3A_1 : i32
    %eq3A = arith.constant 31 : i32
    %eq3A_3 = arith.cmpi eq, %add3A, %eq3A : i32
    %jit3A = arith.constant 1280 : i32
    %jit3A_4 = arith.constant 5120 : i32
    %select_n3A = arith.select %eq3A_3, %jit3A, %jit3A_4 : i32
    "tpu.region"() ({
      %run_scoped3A = tpu.sem_alloc : memref<!tpu.dma_semaphore, #tpu.memory_space<semaphore_mem>>
      tpu.enqueue_dma source(%arg2 : memref<20000xf32, #tpu.memory_space<hbm>>) target(%arg6 : memref<20000xf32, #tpu.memory_space<vmem>>) target_semaphore(%run_scoped3A : memref<!tpu.dma_semaphore, #tpu.memory_space<semaphore_mem>>)
      tpu.wait_dma2 semaphore(%run_scoped3A : memref<!tpu.dma_semaphore, #tpu.memory_space<semaphore_mem>>) src(%arg2 : memref<20000xf32, #tpu.memory_space<hbm>>) dst(%arg6 : memref<20000xf32, #tpu.memory_space<vmem>>)
      tpu.yield
    }) : () -> ()
    %ne3A = arith.constant 31 : i32
    %ne3A_5 = arith.cmpi ne, %add3A, %ne3A : i32
    %convert_element_type3A = arith.extui %ne3A_5 : i1 to i32
    %cond3A = arith.constant 0 : i32
    %cond3A_6 = arith.cmpi ne, %convert_element_type3A, %cond3A : i32
    scf.if %cond3A_6 {
      "tpu.region"() ({
        %run_scoped3A = tpu.sem_alloc : memref<!tpu.dma_semaphore, #tpu.memory_space<semaphore_mem>>
        %dma_start3A = tpu.memref_slice %arg3[%mul3A_2] : memref<160000xi32, #tpu.memory_space<hbm>> -> memref<5120xi32, #tpu.memory_space<hbm>>
        %dma_start3A_50 = tpu.memref_slice %arg3[%mul3A_2] : memref<160000xi32, #tpu.memory_space<hbm>> -> memref<5120xi32, #tpu.memory_space<hbm>>
        tpu.enqueue_dma source(%dma_start3A_50 : memref<5120xi32, #tpu.memory_space<hbm>>) target(%arg7 : memref<5120xi32, #tpu.memory_space<vmem>>) target_semaphore(%run_scoped3A : memref<!tpu.dma_semaphore, #tpu.memory_space<semaphore_mem>>)
        %dma_wait3A = tpu.memref_slice %arg3[%mul3A_2] : memref<160000xi32, #tpu.memory_space<hbm>> -> memref<5120xi32, #tpu.memory_space<hbm>>
        %dma_wait3A_51 = tpu.memref_slice %arg3[%mul3A_2] : memref<160000xi32, #tpu.memory_space<hbm>> -> memref<5120xi32, #tpu.memory_space<hbm>>
        tpu.wait_dma2 semaphore(%run_scoped3A : memref<!tpu.dma_semaphore, #tpu.memory_space<semaphore_mem>>) src(%dma_wait3A_51 : memref<5120xi32, #tpu.memory_space<hbm>>) dst(%arg7 : memref<5120xi32, #tpu.memory_space<vmem>>)
        tpu.yield
      }) : () -> ()
      "tpu.region"() ({
        %run_scoped3A = tpu.sem_alloc : memref<!tpu.dma_semaphore, #tpu.memory_space<semaphore_mem>>
        %dma_start3A = tpu.memref_slice %arg4[%mul3A_2] : memref<160000xi32, #tpu.memory_space<hbm>> -> memref<5120xi32, #tpu.memory_space<hbm>>
        %dma_start3A_50 = tpu.memref_slice %arg4[%mul3A_2] : memref<160000xi32, #tpu.memory_space<hbm>> -> memref<5120xi32, #tpu.memory_space<hbm>>
        tpu.enqueue_dma source(%dma_start3A_50 : memref<5120xi32, #tpu.memory_space<hbm>>) target(%arg8 : memref<5120xi32, #tpu.memory_space<vmem>>) target_semaphore(%run_scoped3A : memref<!tpu.dma_semaphore, #tpu.memory_space<semaphore_mem>>)
        %dma_wait3A = tpu.memref_slice %arg4[%mul3A_2] : memref<160000xi32, #tpu.memory_space<hbm>> -> memref<5120xi32, #tpu.memory_space<hbm>>
        %dma_wait3A_51 = tpu.memref_slice %arg4[%mul3A_2] : memref<160000xi32, #tpu.memory_space<hbm>> -> memref<5120xi32, #tpu.memory_space<hbm>>
        tpu.wait_dma2 semaphore(%run_scoped3A : memref<!tpu.dma_semaphore, #tpu.memory_space<semaphore_mem>>) src(%dma_wait3A_51 : memref<5120xi32, #tpu.memory_space<hbm>>) dst(%arg8 : memref<5120xi32, #tpu.memory_space<vmem>>)
        tpu.yield
      }) : () -> ()
    } else {
    }
    %eq3A_7 = arith.constant 31 : i32
    %eq3A_8 = arith.cmpi eq, %add3A, %eq3A_7 : i32
    %convert_element_type3A_9 = arith.extui %eq3A_8 : i1 to i32
    %cond3A_10 = arith.constant 0 : i32
    %cond3A_11 = arith.cmpi ne, %convert_element_type3A_9, %cond3A_10 : i32
    scf.if %cond3A_11 {
      "tpu.region"() ({
        %run_scoped3A = tpu.sem_alloc : memref<!tpu.dma_semaphore, #tpu.memory_space<semaphore_mem>>
        %dma_start3A = arith.constant 0 : i32
        %dma_start3A_50 = tpu.memref_slice %arg7[%dma_start3A] : memref<5120xi32, #tpu.memory_space<vmem>> -> memref<1280xi32, #tpu.memory_space<vmem>>
        %dma_start3A_51 = tpu.memref_slice %arg3[%mul3A_2] : memref<160000xi32, #tpu.memory_space<hbm>> -> memref<1280xi32, #tpu.memory_space<hbm>>
        %dma_start3A_52 = arith.constant 0 : i32
        %dma_start3A_53 = tpu.memref_slice %arg7[%dma_start3A_52] : memref<5120xi32, #tpu.memory_space<vmem>> -> memref<1280xi32, #tpu.memory_space<vmem>>
        %dma_start3A_54 = tpu.memref_slice %arg3[%mul3A_2] : memref<160000xi32, #tpu.memory_space<hbm>> -> memref<1280xi32, #tpu.memory_space<hbm>>
        tpu.enqueue_dma source(%dma_start3A_54 : memref<1280xi32, #tpu.memory_space<hbm>>) target(%dma_start3A_53 : memref<1280xi32, #tpu.memory_space<vmem>>) target_semaphore(%run_scoped3A : memref<!tpu.dma_semaphore, #tpu.memory_space<semaphore_mem>>)
        %dma_wait3A = arith.constant 0 : i32
        %dma_wait3A_55 = tpu.memref_slice %arg7[%dma_wait3A] : memref<5120xi32, #tpu.memory_space<vmem>> -> memref<1280xi32, #tpu.memory_space<vmem>>
        %dma_wait3A_56 = tpu.memref_slice %arg3[%mul3A_2] : memref<160000xi32, #tpu.memory_space<hbm>> -> memref<1280xi32, #tpu.memory_space<hbm>>
        %dma_wait3A_57 = arith.constant 0 : i32
        %dma_wait3A_58 = tpu.memref_slice %arg7[%dma_wait3A_57] : memref<5120xi32, #tpu.memory_space<vmem>> -> memref<1280xi32, #tpu.memory_space<vmem>>
        %dma_wait3A_59 = tpu.memref_slice %arg3[%mul3A_2] : memref<160000xi32, #tpu.memory_space<hbm>> -> memref<1280xi32, #tpu.memory_space<hbm>>
        tpu.wait_dma2 semaphore(%run_scoped3A : memref<!tpu.dma_semaphore, #tpu.memory_space<semaphore_mem>>) src(%dma_wait3A_59 : memref<1280xi32, #tpu.memory_space<hbm>>) dst(%dma_wait3A_58 : memref<1280xi32, #tpu.memory_space<vmem>>)
        tpu.yield
      }) : () -> ()
      "tpu.region"() ({
        %run_scoped3A = tpu.sem_alloc : memref<!tpu.dma_semaphore, #tpu.memory_space<semaphore_mem>>
        %dma_start3A = arith.constant 0 : i32
        %dma_start3A_50 = tpu.memref_slice %arg8[%dma_start3A] : memref<5120xi32, #tpu.memory_space<vmem>> -> memref<1280xi32, #tpu.memory_space<vmem>>
        %dma_start3A_51 = tpu.memref_slice %arg4[%mul3A_2] : memref<160000xi32, #tpu.memory_space<hbm>> -> memref<1280xi32, #tpu.memory_space<hbm>>
        %dma_start3A_52 = arith.constant 0 : i32
        %dma_start3A_53 = tpu.memref_slice %arg8[%dma_start3A_52] : memref<5120xi32, #tpu.memory_space<vmem>> -> memref<1280xi32, #tpu.memory_space<vmem>>
        %dma_start3A_54 = tpu.memref_slice %arg4[%mul3A_2] : memref<160000xi32, #tpu.memory_space<hbm>> -> memref<1280xi32, #tpu.memory_space<hbm>>
        tpu.enqueue_dma source(%dma_start3A_54 : memref<1280xi32, #tpu.memory_space<hbm>>) target(%dma_start3A_53 : memref<1280xi32, #tpu.memory_space<vmem>>) target_semaphore(%run_scoped3A : memref<!tpu.dma_semaphore, #tpu.memory_space<semaphore_mem>>)
        %dma_wait3A = arith.constant 0 : i32
        %dma_wait3A_55 = tpu.memref_slice %arg8[%dma_wait3A] : memref<5120xi32, #tpu.memory_space<vmem>> -> memref<1280xi32, #tpu.memory_space<vmem>>
        %dma_wait3A_56 = tpu.memref_slice %arg4[%mul3A_2] : memref<160000xi32, #tpu.memory_space<hbm>> -> memref<1280xi32, #tpu.memory_space<hbm>>
        %dma_wait3A_57 = arith.constant 0 : i32
        %dma_wait3A_58 = tpu.memref_slice %arg8[%dma_wait3A_57] : memref<5120xi32, #tpu.memory_space<vmem>> -> memref<1280xi32, #tpu.memory_space<vmem>>
        %dma_wait3A_59 = tpu.memref_slice %arg4[%mul3A_2] : memref<160000xi32, #tpu.memory_space<hbm>> -> memref<1280xi32, #tpu.memory_space<hbm>>
        tpu.wait_dma2 semaphore(%run_scoped3A : memref<!tpu.dma_semaphore, #tpu.memory_space<semaphore_mem>>) src(%dma_wait3A_59 : memref<1280xi32, #tpu.memory_space<hbm>>) dst(%dma_wait3A_58 : memref<1280xi32, #tpu.memory_space<vmem>>)
        tpu.yield
      }) : () -> ()
    } else {
    }
    %jit3A_12 = arith.constant 16 : i32
    %div3A = arith.divsi %select_n3A, %jit3A_12 : i32
    %sign3A = arith.constant 0 : i32
    %sign3A_13 = arith.cmpi sgt, %select_n3A, %sign3A : i32
    %sign3A_14 = arith.extui %sign3A_13 : i1 to i32
    %sign3A_15 = arith.constant 0 : i32
    %sign3A_16 = arith.cmpi slt, %select_n3A, %sign3A_15 : i32
    %sign3A_17 = arith.extui %sign3A_16 : i1 to i32
    %sign3A_18 = arith.subi %sign3A_14, %sign3A_17 : i32
    %sign3A_19 = arith.constant 0 : i32
    %sign3A_20 = arith.cmpi sgt, %jit3A_12, %sign3A_19 : i32
    %sign3A_21 = arith.extui %sign3A_20 : i1 to i32
    %sign3A_22 = arith.constant 0 : i32
    %sign3A_23 = arith.cmpi slt, %jit3A_12, %sign3A_22 : i32
    %sign3A_24 = arith.extui %sign3A_23 : i1 to i32
    %sign3A_25 = arith.subi %sign3A_21, %sign3A_24 : i32
    %ne3A_26 = arith.cmpi ne, %sign3A_18, %sign3A_25 : i32
    %rem3A = arith.remsi %select_n3A, %jit3A_12 : i32
    %ne3A_27 = arith.constant 0 : i32
    %ne3A_28 = arith.cmpi ne, %rem3A, %ne3A_27 : i32
    %and3A = arith.andi %ne3A_26, %ne3A_28 : i1
    %sub3A = arith.constant 1 : i32
    %sub3A_29 = arith.subi %div3A, %sub3A : i32
    %select_n3A_30 = arith.select %and3A, %sub3A_29, %div3A : i32
    %while3A = arith.constant 0 : i32
    %while3A_31 = arith.constant 0 : i32
    %while3A_32 = arith.subi %select_n3A_30, %while3A_31 : i32
    %while3A_33 = arith.addi %while3A_31, %while3A_32 : i32
    %while3A_34 = arith.constant 1 : i32
    %while3A_35 = arith.divsi %while3A_32, %while3A_34 : i32
    %while3A_36 = arith.muli %while3A_35, %while3A_34 : i32
    %while3A_37 = arith.addi %while3A_31, %while3A_36 : i32
    %while3A_38 = arith.constant 1 : i32
    scf.for %while3A_50 = %while3A_31 to %while3A_37 step %while3A_38  : i32 {
      %mul3A_51 = arith.constant 16 : i32
      %mul3A_52 = arith.muli %while3A_50, %mul3A_51 : i32
      %get3A = arith.index_cast %mul3A_52 : i32 to index
      %get3A_53 = tpu.vector_load %arg7[%get3A] {strides = array<i32>} : memref<5120xi32, #tpu.memory_space<vmem>>, vector<16xi32>,
      %mul3A_54 = arith.constant 2 : i32
      %mul3A_55 = vector.broadcast %mul3A_54 : i32 to vector<16xi32>
      %mul3A_56 = arith.muli %get3A_53, %mul3A_55 : vector<16xi32>
      %get3A_57 = arith.index_cast %mul3A_52 : i32 to index
      %get3A_58 = tpu.vector_load %arg8[%get3A_57] {strides = array<i32>} : memref<5120xi32, #tpu.memory_space<vmem>>, vector<16xi32>,
      %mul3A_59 = arith.constant 2 : i32
      %mul3A_60 = vector.broadcast %mul3A_59 : i32 to vector<16xi32>
      %mul3A_61 = arith.muli %get3A_58, %mul3A_60 : vector<16xi32>
      %gather3A = tpu.vector_load_idx %arg6[%mul3A_56] : memref<20000xf32, #tpu.memory_space<vmem>>[vector<16xi32>], vector<16xf32>,
      %swap3A = arith.constant 0 : i32
      %swap3A_62 = arith.index_cast %swap3A : i32 to index
      %swap3A_63 = arith.index_cast %mul3A_52 : i32 to index
      %swap3A_64 = tpu.vector_load %arg9[%swap3A_62, %swap3A_63] {strides = array<i32>} : memref<4x5120xf32, #tpu.memory_space<vmem>>, vector<16xf32>,
      tpu.vector_store %arg9[%swap3A_62, %swap3A_63], %gather3A {strides = array<i32>} : memref<4x5120xf32, #tpu.memory_space<vmem>>, vector<16xf32>,
      %add3A_65 = arith.constant 1 : i32
      %add3A_66 = vector.broadcast %add3A_65 : i32 to vector<16xi32>
      %add3A_67 = arith.addi %mul3A_56, %add3A_66 : vector<16xi32>
      %gather3A_68 = tpu.vector_load_idx %arg6[%add3A_67] : memref<20000xf32, #tpu.memory_space<vmem>>[vector<16xi32>], vector<16xf32>,
      %swap3A_69 = arith.constant 1 : i32
      %swap3A_70 = arith.index_cast %swap3A_69 : i32 to index
      %swap3A_71 = arith.index_cast %mul3A_52 : i32 to index
      %swap3A_72 = tpu.vector_load %arg9[%swap3A_70, %swap3A_71] {strides = array<i32>} : memref<4x5120xf32, #tpu.memory_space<vmem>>, vector<16xf32>,
      tpu.vector_store %arg9[%swap3A_70, %swap3A_71], %gather3A_68 {strides = array<i32>} : memref<4x5120xf32, #tpu.memory_space<vmem>>, vector<16xf32>,
      %gather3A_73 = tpu.vector_load_idx %arg6[%mul3A_61] : memref<20000xf32, #tpu.memory_space<vmem>>[vector<16xi32>], vector<16xf32>,
      %swap3A_74 = arith.constant 2 : i32
      %swap3A_75 = arith.index_cast %swap3A_74 : i32 to index
      %swap3A_76 = arith.index_cast %mul3A_52 : i32 to index
      %swap3A_77 = tpu.vector_load %arg9[%swap3A_75, %swap3A_76] {strides = array<i32>} : memref<4x5120xf32, #tpu.memory_space<vmem>>, vector<16xf32>,
      tpu.vector_store %arg9[%swap3A_75, %swap3A_76], %gather3A_73 {strides = array<i32>} : memref<4x5120xf32, #tpu.memory_space<vmem>>, vector<16xf32>,
      %add3A_78 = arith.constant 1 : i32
      %add3A_79 = vector.broadcast %add3A_78 : i32 to vector<16xi32>
      %add3A_80 = arith.addi %mul3A_61, %add3A_79 : vector<16xi32>
      %gather3A_81 = tpu.vector_load_idx %arg6[%add3A_80] : memref<20000xf32, #tpu.memory_space<vmem>>[vector<16xi32>], vector<16xf32>,
      %swap3A_82 = arith.constant 3 : i32
      %swap3A_83 = arith.index_cast %swap3A_82 : i32 to index
      %swap3A_84 = arith.index_cast %mul3A_52 : i32 to index
      %swap3A_85 = tpu.vector_load %arg9[%swap3A_83, %swap3A_84] {strides = array<i32>} : memref<4x5120xf32, #tpu.memory_space<vmem>>, vector<16xf32>,
      tpu.vector_store %arg9[%swap3A_83, %swap3A_84], %gather3A_81 {strides = array<i32>} : memref<4x5120xf32, #tpu.memory_space<vmem>>, vector<16xf32>,
    }
    %while3A_39 = arith.constant 1 : i32
    scf.for %while3A_50 = %while3A_37 to %while3A_33 step %while3A_39  : i32 {
      %mul3A_51 = arith.constant 16 : i32
      %mul3A_52 = arith.muli %while3A_50, %mul3A_51 : i32
      %get3A = arith.index_cast %mul3A_52 : i32 to index
      %get3A_53 = tpu.vector_load %arg7[%get3A] {strides = array<i32>} : memref<5120xi32, #tpu.memory_space<vmem>>, vector<16xi32>,
      %mul3A_54 = arith.constant 2 : i32
      %mul3A_55 = vector.broadcast %mul3A_54 : i32 to vector<16xi32>
      %mul3A_56 = arith.muli %get3A_53, %mul3A_55 : vector<16xi32>
      %get3A_57 = arith.index_cast %mul3A_52 : i32 to index
      %get3A_58 = tpu.vector_load %arg8[%get3A_57] {strides = array<i32>} : memref<5120xi32, #tpu.memory_space<vmem>>, vector<16xi32>,
      %mul3A_59 = arith.constant 2 : i32
      %mul3A_60 = vector.broadcast %mul3A_59 : i32 to vector<16xi32>
      %mul3A_61 = arith.muli %get3A_58, %mul3A_60 : vector<16xi32>
      %gather3A = tpu.vector_load_idx %arg6[%mul3A_56] : memref<20000xf32, #tpu.memory_space<vmem>>[vector<16xi32>], vector<16xf32>,
      %swap3A = arith.constant 0 : i32
      %swap3A_62 = arith.index_cast %swap3A : i32 to index
      %swap3A_63 = arith.index_cast %mul3A_52 : i32 to index
      %swap3A_64 = tpu.vector_load %arg9[%swap3A_62, %swap3A_63] {strides = array<i32>} : memref<4x5120xf32, #tpu.memory_space<vmem>>, vector<16xf32>,
      tpu.vector_store %arg9[%swap3A_62, %swap3A_63], %gather3A {strides = array<i32>} : memref<4x5120xf32, #tpu.memory_space<vmem>>, vector<16xf32>,
      %add3A_65 = arith.constant 1 : i32
      %add3A_66 = vector.broadcast %add3A_65 : i32 to vector<16xi32>
      %add3A_67 = arith.addi %mul3A_56, %add3A_66 : vector<16xi32>
      %gather3A_68 = tpu.vector_load_idx %arg6[%add3A_67] : memref<20000xf32, #tpu.memory_space<vmem>>[vector<16xi32>], vector<16xf32>,
      %swap3A_69 = arith.constant 1 : i32
      %swap3A_70 = arith.index_cast %swap3A_69 : i32 to index
      %swap3A_71 = arith.index_cast %mul3A_52 : i32 to index
      %swap3A_72 = tpu.vector_load %arg9[%swap3A_70, %swap3A_71] {strides = array<i32>} : memref<4x5120xf32, #tpu.memory_space<vmem>>, vector<16xf32>,
      tpu.vector_store %arg9[%swap3A_70, %swap3A_71], %gather3A_68 {strides = array<i32>} : memref<4x5120xf32, #tpu.memory_space<vmem>>, vector<16xf32>,
      %gather3A_73 = tpu.vector_load_idx %arg6[%mul3A_61] : memref<20000xf32, #tpu.memory_space<vmem>>[vector<16xi32>], vector<16xf32>,
      %swap3A_74 = arith.constant 2 : i32
      %swap3A_75 = arith.index_cast %swap3A_74 : i32 to index
      %swap3A_76 = arith.index_cast %mul3A_52 : i32 to index
      %swap3A_77 = tpu.vector_load %arg9[%swap3A_75, %swap3A_76] {strides = array<i32>} : memref<4x5120xf32, #tpu.memory_space<vmem>>, vector<16xf32>,
      tpu.vector_store %arg9[%swap3A_75, %swap3A_76], %gather3A_73 {strides = array<i32>} : memref<4x5120xf32, #tpu.memory_space<vmem>>, vector<16xf32>,
      %add3A_78 = arith.constant 1 : i32
      %add3A_79 = vector.broadcast %add3A_78 : i32 to vector<16xi32>
      %add3A_80 = arith.addi %mul3A_61, %add3A_79 : vector<16xi32>
      %gather3A_81 = tpu.vector_load_idx %arg6[%add3A_80] : memref<20000xf32, #tpu.memory_space<vmem>>[vector<16xi32>], vector<16xf32>,
      %swap3A_82 = arith.constant 3 : i32
      %swap3A_83 = arith.index_cast %swap3A_82 : i32 to index
      %swap3A_84 = arith.index_cast %mul3A_52 : i32 to index
      %swap3A_85 = tpu.vector_load %arg9[%swap3A_83, %swap3A_84] {strides = array<i32>} : memref<4x5120xf32, #tpu.memory_space<vmem>>, vector<16xf32>,
      tpu.vector_store %arg9[%swap3A_83, %swap3A_84], %gather3A_81 {strides = array<i32>} : memref<4x5120xf32, #tpu.memory_space<vmem>>, vector<16xf32>,
    }
    %ne3A_40 = arith.constant 31 : i32
    %ne3A_41 = arith.cmpi ne, %add3A, %ne3A_40 : i32
    %convert_element_type3A_42 = arith.extui %ne3A_41 : i1 to i32
    %cond3A_43 = arith.constant 0 : i32
    %cond3A_44 = arith.cmpi ne, %convert_element_type3A_42, %cond3A_43 : i32
    scf.if %cond3A_44 {
      %add3A_50 = arith.constant 0 : i32
      %add3A_51 = arith.addi %add3A_50, %mul3A_2 : i32
      %run_scoped3A = arith.constant 0 : i32
      "tpu.region"() ({
        %run_scoped3A_61 = tpu.sem_alloc : memref<!tpu.dma_semaphore, #tpu.memory_space<semaphore_mem>>
        %dma_start3A = arith.constant 0 : i32
        %dma_start3A_62 = tpu.memref_slice %arg9[%run_scoped3A, %dma_start3A] : memref<4x5120xf32, #tpu.memory_space<vmem>> -> memref<1x5120xf32, #tpu.memory_space<vmem>>
        %dma_start3A_63 = tpu.memref_squeeze %dma_start3A_62 : memref<1x5120xf32, #tpu.memory_space<vmem>> -> memref<5120xf32, #tpu.memory_space<vmem>>
        %dma_start3A_64 = arith.constant 0 : i32
        %dma_start3A_65 = tpu.memref_slice %dma_start3A_63[%dma_start3A_64] : memref<5120xf32, #tpu.memory_space<vmem>> -> memref<5120xf32, #tpu.memory_space<vmem>>
        %dma_start3A_66 = tpu.memref_slice %arg5[%add3A_51] : memref<640000xf32, #tpu.memory_space<hbm>> -> memref<5120xf32, #tpu.memory_space<hbm>>
        %dma_start3A_67 = tpu.memref_slice %arg5[%add3A_51] : memref<640000xf32, #tpu.memory_space<hbm>> -> memref<5120xf32, #tpu.memory_space<hbm>>
        %dma_start3A_68 = arith.constant 0 : i32
        %dma_start3A_69 = tpu.memref_slice %arg9[%run_scoped3A, %dma_start3A_68] : memref<4x5120xf32, #tpu.memory_space<vmem>> -> memref<1x5120xf32, #tpu.memory_space<vmem>>
        %dma_start3A_70 = tpu.memref_squeeze %dma_start3A_69 : memref<1x5120xf32, #tpu.memory_space<vmem>> -> memref<5120xf32, #tpu.memory_space<vmem>>
        %dma_start3A_71 = arith.constant 0 : i32
        %dma_start3A_72 = tpu.memref_slice %dma_start3A_70[%dma_start3A_71] : memref<5120xf32, #tpu.memory_space<vmem>> -> memref<5120xf32, #tpu.memory_space<vmem>>
        tpu.enqueue_dma source(%dma_start3A_72 : memref<5120xf32, #tpu.memory_space<vmem>>) target(%dma_start3A_67 : memref<5120xf32, #tpu.memory_space<hbm>>) target_semaphore(%run_scoped3A_61 : memref<!tpu.dma_semaphore, #tpu.memory_space<semaphore_mem>>)
        %dma_wait3A = arith.constant 0 : i32
        %dma_wait3A_73 = tpu.memref_slice %arg9[%run_scoped3A, %dma_wait3A] : memref<4x5120xf32, #tpu.memory_space<vmem>> -> memref<1x5120xf32, #tpu.memory_space<vmem>>
        %dma_wait3A_74 = tpu.memref_squeeze %dma_wait3A_73 : memref<1x5120xf32, #tpu.memory_space<vmem>> -> memref<5120xf32, #tpu.memory_space<vmem>>
        %dma_wait3A_75 = arith.constant 0 : i32
        %dma_wait3A_76 = tpu.memref_slice %dma_wait3A_74[%dma_wait3A_75] : memref<5120xf32, #tpu.memory_space<vmem>> -> memref<5120xf32, #tpu.memory_space<vmem>>
        %dma_wait3A_77 = tpu.memref_slice %arg5[%add3A_51] : memref<640000xf32, #tpu.memory_space<hbm>> -> memref<5120xf32, #tpu.memory_space<hbm>>
        %dma_wait3A_78 = tpu.memref_slice %arg5[%add3A_51] : memref<640000xf32, #tpu.memory_space<hbm>> -> memref<5120xf32, #tpu.memory_space<hbm>>
        %dma_wait3A_79 = arith.constant 0 : i32
        %dma_wait3A_80 = tpu.memref_slice %arg9[%run_scoped3A, %dma_wait3A_79] : memref<4x5120xf32, #tpu.memory_space<vmem>> -> memref<1x5120xf32, #tpu.memory_space<vmem>>
        %dma_wait3A_81 = tpu.memref_squeeze %dma_wait3A_80 : memref<1x5120xf32, #tpu.memory_space<vmem>> -> memref<5120xf32, #tpu.memory_space<vmem>>
        %dma_wait3A_82 = arith.constant 0 : i32
        %dma_wait3A_83 = tpu.memref_slice %dma_wait3A_81[%dma_wait3A_82] : memref<5120xf32, #tpu.memory_space<vmem>> -> memref<5120xf32, #tpu.memory_space<vmem>>
        tpu.wait_dma2 semaphore(%run_scoped3A_61 : memref<!tpu.dma_semaphore, #tpu.memory_space<semaphore_mem>>) src(%dma_wait3A_83 : memref<5120xf32, #tpu.memory_space<vmem>>) dst(%dma_wait3A_78 : memref<5120xf32, #tpu.memory_space<hbm>>)
        tpu.yield
      }) : () -> ()
      %add3A_52 = arith.constant 160000 : i32
      %add3A_53 = arith.addi %add3A_52, %mul3A_2 : i32
      %run_scoped3A_54 = arith.constant 1 : i32
      "tpu.region"() ({
        %run_scoped3A_61 = tpu.sem_alloc : memref<!tpu.dma_semaphore, #tpu.memory_space<semaphore_mem>>
        %dma_start3A = arith.constant 0 : i32
        %dma_start3A_62 = tpu.memref_slice %arg9[%run_scoped3A_54, %dma_start3A] : memref<4x5120xf32, #tpu.memory_space<vmem>> -> memref<1x5120xf32, #tpu.memory_space<vmem>>
        %dma_start3A_63 = tpu.memref_squeeze %dma_start3A_62 : memref<1x5120xf32, #tpu.memory_space<vmem>> -> memref<5120xf32, #tpu.memory_space<vmem>>
        %dma_start3A_64 = arith.constant 0 : i32
        %dma_start3A_65 = tpu.memref_slice %dma_start3A_63[%dma_start3A_64] : memref<5120xf32, #tpu.memory_space<vmem>> -> memref<5120xf32, #tpu.memory_space<vmem>>
        %dma_start3A_66 = tpu.memref_slice %arg5[%add3A_53] : memref<640000xf32, #tpu.memory_space<hbm>> -> memref<5120xf32, #tpu.memory_space<hbm>>
        %dma_start3A_67 = tpu.memref_slice %arg5[%add3A_53] : memref<640000xf32, #tpu.memory_space<hbm>> -> memref<5120xf32, #tpu.memory_space<hbm>>
        %dma_start3A_68 = arith.constant 0 : i32
        %dma_start3A_69 = tpu.memref_slice %arg9[%run_scoped3A_54, %dma_start3A_68] : memref<4x5120xf32, #tpu.memory_space<vmem>> -> memref<1x5120xf32, #tpu.memory_space<vmem>>
        %dma_start3A_70 = tpu.memref_squeeze %dma_start3A_69 : memref<1x5120xf32, #tpu.memory_space<vmem>> -> memref<5120xf32, #tpu.memory_space<vmem>>
        %dma_start3A_71 = arith.constant 0 : i32
        %dma_start3A_72 = tpu.memref_slice %dma_start3A_70[%dma_start3A_71] : memref<5120xf32, #tpu.memory_space<vmem>> -> memref<5120xf32, #tpu.memory_space<vmem>>
        tpu.enqueue_dma source(%dma_start3A_72 : memref<5120xf32, #tpu.memory_space<vmem>>) target(%dma_start3A_67 : memref<5120xf32, #tpu.memory_space<hbm>>) target_semaphore(%run_scoped3A_61 : memref<!tpu.dma_semaphore, #tpu.memory_space<semaphore_mem>>)
        %dma_wait3A = arith.constant 0 : i32
        %dma_wait3A_73 = tpu.memref_slice %arg9[%run_scoped3A_54, %dma_wait3A] : memref<4x5120xf32, #tpu.memory_space<vmem>> -> memref<1x5120xf32, #tpu.memory_space<vmem>>
        %dma_wait3A_74 = tpu.memref_squeeze %dma_wait3A_73 : memref<1x5120xf32, #tpu.memory_space<vmem>> -> memref<5120xf32, #tpu.memory_space<vmem>>
        %dma_wait3A_75 = arith.constant 0 : i32
        %dma_wait3A_76 = tpu.memref_slice %dma_wait3A_74[%dma_wait3A_75] : memref<5120xf32, #tpu.memory_space<vmem>> -> memref<5120xf32, #tpu.memory_space<vmem>>
        %dma_wait3A_77 = tpu.memref_slice %arg5[%add3A_53] : memref<640000xf32, #tpu.memory_space<hbm>> -> memref<5120xf32, #tpu.memory_space<hbm>>
        %dma_wait3A_78 = tpu.memref_slice %arg5[%add3A_53] : memref<640000xf32, #tpu.memory_space<hbm>> -> memref<5120xf32, #tpu.memory_space<hbm>>
        %dma_wait3A_79 = arith.constant 0 : i32
        %dma_wait3A_80 = tpu.memref_slice %arg9[%run_scoped3A_54, %dma_wait3A_79] : memref<4x5120xf32, #tpu.memory_space<vmem>> -> memref<1x5120xf32, #tpu.memory_space<vmem>>
        %dma_wait3A_81 = tpu.memref_squeeze %dma_wait3A_80 : memref<1x5120xf32, #tpu.memory_space<vmem>> -> memref<5120xf32, #tpu.memory_space<vmem>>
        %dma_wait3A_82 = arith.constant 0 : i32
        %dma_wait3A_83 = tpu.memref_slice %dma_wait3A_81[%dma_wait3A_82] : memref<5120xf32, #tpu.memory_space<vmem>> -> memref<5120xf32, #tpu.memory_space<vmem>>
        tpu.wait_dma2 semaphore(%run_scoped3A_61 : memref<!tpu.dma_semaphore, #tpu.memory_space<semaphore_mem>>) src(%dma_wait3A_83 : memref<5120xf32, #tpu.memory_space<vmem>>) dst(%dma_wait3A_78 : memref<5120xf32, #tpu.memory_space<hbm>>)
        tpu.yield
      }) : () -> ()
      %add3A_55 = arith.constant 320000 : i32
      %add3A_56 = arith.addi %add3A_55, %mul3A_2 : i32
      %run_scoped3A_57 = arith.constant 2 : i32
      "tpu.region"() ({
        %run_scoped3A_61 = tpu.sem_alloc : memref<!tpu.dma_semaphore, #tpu.memory_space<semaphore_mem>>
        %dma_start3A = arith.constant 0 : i32
        %dma_start3A_62 = tpu.memref_slice %arg9[%run_scoped3A_57, %dma_start3A] : memref<4x5120xf32, #tpu.memory_space<vmem>> -> memref<1x5120xf32, #tpu.memory_space<vmem>>
        %dma_start3A_63 = tpu.memref_squeeze %dma_start3A_62 : memref<1x5120xf32, #tpu.memory_space<vmem>> -> memref<5120xf32, #tpu.memory_space<vmem>>
        %dma_start3A_64 = arith.constant 0 : i32
        %dma_start3A_65 = tpu.memref_slice %dma_start3A_63[%dma_start3A_64] : memref<5120xf32, #tpu.memory_space<vmem>> -> memref<5120xf32, #tpu.memory_space<vmem>>
        %dma_start3A_66 = tpu.memref_slice %arg5[%add3A_56] : memref<640000xf32, #tpu.memory_space<hbm>> -> memref<5120xf32, #tpu.memory_space<hbm>>
        %dma_start3A_67 = tpu.memref_slice %arg5[%add3A_56] : memref<640000xf32, #tpu.memory_space<hbm>> -> memref<5120xf32, #tpu.memory_space<hbm>>
        %dma_start3A_68 = arith.constant 0 : i32
        %dma_start3A_69 = tpu.memref_slice %arg9[%run_scoped3A_57, %dma_start3A_68] : memref<4x5120xf32, #tpu.memory_space<vmem>> -> memref<1x5120xf32, #tpu.memory_space<vmem>>
        %dma_start3A_70 = tpu.memref_squeeze %dma_start3A_69 : memref<1x5120xf32, #tpu.memory_space<vmem>> -> memref<5120xf32, #tpu.memory_space<vmem>>
        %dma_start3A_71 = arith.constant 0 : i32
        %dma_start3A_72 = tpu.memref_slice %dma_start3A_70[%dma_start3A_71] : memref<5120xf32, #tpu.memory_space<vmem>> -> memref<5120xf32, #tpu.memory_space<vmem>>
        tpu.enqueue_dma source(%dma_start3A_72 : memref<5120xf32, #tpu.memory_space<vmem>>) target(%dma_start3A_67 : memref<5120xf32, #tpu.memory_space<hbm>>) target_semaphore(%run_scoped3A_61 : memref<!tpu.dma_semaphore, #tpu.memory_space<semaphore_mem>>)
        %dma_wait3A = arith.constant 0 : i32
        %dma_wait3A_73 = tpu.memref_slice %arg9[%run_scoped3A_57, %dma_wait3A] : memref<4x5120xf32, #tpu.memory_space<vmem>> -> memref<1x5120xf32, #tpu.memory_space<vmem>>
        %dma_wait3A_74 = tpu.memref_squeeze %dma_wait3A_73 : memref<1x5120xf32, #tpu.memory_space<vmem>> -> memref<5120xf32, #tpu.memory_space<vmem>>
        %dma_wait3A_75 = arith.constant 0 : i32
        %dma_wait3A_76 = tpu.memref_slice %dma_wait3A_74[%dma_wait3A_75] : memref<5120xf32, #tpu.memory_space<vmem>> -> memref<5120xf32, #tpu.memory_space<vmem>>
        %dma_wait3A_77 = tpu.memref_slice %arg5[%add3A_56] : memref<640000xf32, #tpu.memory_space<hbm>> -> memref<5120xf32, #tpu.memory_space<hbm>>
        %dma_wait3A_78 = tpu.memref_slice %arg5[%add3A_56] : memref<640000xf32, #tpu.memory_space<hbm>> -> memref<5120xf32, #tpu.memory_space<hbm>>
        %dma_wait3A_79 = arith.constant 0 : i32
        %dma_wait3A_80 = tpu.memref_slice %arg9[%run_scoped3A_57, %dma_wait3A_79] : memref<4x5120xf32, #tpu.memory_space<vmem>> -> memref<1x5120xf32, #tpu.memory_space<vmem>>
        %dma_wait3A_81 = tpu.memref_squeeze %dma_wait3A_80 : memref<1x5120xf32, #tpu.memory_space<vmem>> -> memref<5120xf32, #tpu.memory_space<vmem>>
        %dma_wait3A_82 = arith.constant 0 : i32
        %dma_wait3A_83 = tpu.memref_slice %dma_wait3A_81[%dma_wait3A_82] : memref<5120xf32, #tpu.memory_space<vmem>> -> memref<5120xf32, #tpu.memory_space<vmem>>
        tpu.wait_dma2 semaphore(%run_scoped3A_61 : memref<!tpu.dma_semaphore, #tpu.memory_space<semaphore_mem>>) src(%dma_wait3A_83 : memref<5120xf32, #tpu.memory_space<vmem>>) dst(%dma_wait3A_78 : memref<5120xf32, #tpu.memory_space<hbm>>)
        tpu.yield
      }) : () -> ()
      %add3A_58 = arith.constant 480000 : i32
      %add3A_59 = arith.addi %add3A_58, %mul3A_2 : i32
      %run_scoped3A_60 = arith.constant 3 : i32
      "tpu.region"() ({
        %run_scoped3A_61 = tpu.sem_alloc : memref<!tpu.dma_semaphore, #tpu.memory_space<semaphore_mem>>
        %dma_start3A = arith.constant 0 : i32
        %dma_start3A_62 = tpu.memref_slice %arg9[%run_scoped3A_60, %dma_start3A] : memref<4x5120xf32, #tpu.memory_space<vmem>> -> memref<1x5120xf32, #tpu.memory_space<vmem>>
        %dma_start3A_63 = tpu.memref_squeeze %dma_start3A_62 : memref<1x5120xf32, #tpu.memory_space<vmem>> -> memref<5120xf32, #tpu.memory_space<vmem>>
        %dma_start3A_64 = arith.constant 0 : i32
        %dma_start3A_65 = tpu.memref_slice %dma_start3A_63[%dma_start3A_64] : memref<5120xf32, #tpu.memory_space<vmem>> -> memref<5120xf32, #tpu.memory_space<vmem>>
        %dma_start3A_66 = tpu.memref_slice %arg5[%add3A_59] : memref<640000xf32, #tpu.memory_space<hbm>> -> memref<5120xf32, #tpu.memory_space<hbm>>
        %dma_start3A_67 = tpu.memref_slice %arg5[%add3A_59] : memref<640000xf32, #tpu.memory_space<hbm>> -> memref<5120xf32, #tpu.memory_space<hbm>>
        %dma_start3A_68 = arith.constant 0 : i32
        %dma_start3A_69 = tpu.memref_slice %arg9[%run_scoped3A_60, %dma_start3A_68] : memref<4x5120xf32, #tpu.memory_space<vmem>> -> memref<1x5120xf32, #tpu.memory_space<vmem>>
        %dma_start3A_70 = tpu.memref_squeeze %dma_start3A_69 : memref<1x5120xf32, #tpu.memory_space<vmem>> -> memref<5120xf32, #tpu.memory_space<vmem>>
        %dma_start3A_71 = arith.constant 0 : i32
        %dma_start3A_72 = tpu.memref_slice %dma_start3A_70[%dma_start3A_71] : memref<5120xf32, #tpu.memory_space<vmem>> -> memref<5120xf32, #tpu.memory_space<vmem>>
        tpu.enqueue_dma source(%dma_start3A_72 : memref<5120xf32, #tpu.memory_space<vmem>>) target(%dma_start3A_67 : memref<5120xf32, #tpu.memory_space<hbm>>) target_semaphore(%run_scoped3A_61 : memref<!tpu.dma_semaphore, #tpu.memory_space<semaphore_mem>>)
        %dma_wait3A = arith.constant 0 : i32
        %dma_wait3A_73 = tpu.memref_slice %arg9[%run_scoped3A_60, %dma_wait3A] : memref<4x5120xf32, #tpu.memory_space<vmem>> -> memref<1x5120xf32, #tpu.memory_space<vmem>>
        %dma_wait3A_74 = tpu.memref_squeeze %dma_wait3A_73 : memref<1x5120xf32, #tpu.memory_space<vmem>> -> memref<5120xf32, #tpu.memory_space<vmem>>
        %dma_wait3A_75 = arith.constant 0 : i32
        %dma_wait3A_76 = tpu.memref_slice %dma_wait3A_74[%dma_wait3A_75] : memref<5120xf32, #tpu.memory_space<vmem>> -> memref<5120xf32, #tpu.memory_space<vmem>>
        %dma_wait3A_77 = tpu.memref_slice %arg5[%add3A_59] : memref<640000xf32, #tpu.memory_space<hbm>> -> memref<5120xf32, #tpu.memory_space<hbm>>
        %dma_wait3A_78 = tpu.memref_slice %arg5[%add3A_59] : memref<640000xf32, #tpu.memory_space<hbm>> -> memref<5120xf32, #tpu.memory_space<hbm>>
        %dma_wait3A_79 = arith.constant 0 : i32
        %dma_wait3A_80 = tpu.memref_slice %arg9[%run_scoped3A_60, %dma_wait3A_79] : memref<4x5120xf32, #tpu.memory_space<vmem>> -> memref<1x5120xf32, #tpu.memory_space<vmem>>
        %dma_wait3A_81 = tpu.memref_squeeze %dma_wait3A_80 : memref<1x5120xf32, #tpu.memory_space<vmem>> -> memref<5120xf32, #tpu.memory_space<vmem>>
        %dma_wait3A_82 = arith.constant 0 : i32
        %dma_wait3A_83 = tpu.memref_slice %dma_wait3A_81[%dma_wait3A_82] : memref<5120xf32, #tpu.memory_space<vmem>> -> memref<5120xf32, #tpu.memory_space<vmem>>
        tpu.wait_dma2 semaphore(%run_scoped3A_61 : memref<!tpu.dma_semaphore, #tpu.memory_space<semaphore_mem>>) src(%dma_wait3A_83 : memref<5120xf32, #tpu.memory_space<vmem>>) dst(%dma_wait3A_78 : memref<5120xf32, #tpu.memory_space<hbm>>)
        tpu.yield
      }) : () -> ()
    } else {
    }
    %eq3A_45 = arith.constant 31 : i32
    %eq3A_46 = arith.cmpi eq, %add3A, %eq3A_45 : i32
    %convert_element_type3A_47 = arith.extui %eq3A_46 : i1 to i32
    %cond3A_48 = arith.constant 0 : i32
    %cond3A_49 = arith.cmpi ne, %convert_element_type3A_47, %cond3A_48 : i32
    scf.if %cond3A_49 {
      %add3A_50 = arith.constant 0 : i32
      %add3A_51 = arith.addi %add3A_50, %mul3A_2 : i32
      %run_scoped3A = arith.constant 0 : i32
      "tpu.region"() ({
        %run_scoped3A_61 = tpu.sem_alloc : memref<!tpu.dma_semaphore, #tpu.memory_space<semaphore_mem>>
        %dma_start3A = arith.constant 0 : i32
        %dma_start3A_62 = tpu.memref_slice %arg9[%run_scoped3A, %dma_start3A] : memref<4x5120xf32, #tpu.memory_space<vmem>> -> memref<1x5120xf32, #tpu.memory_space<vmem>>
        %dma_start3A_63 = tpu.memref_squeeze %dma_start3A_62 : memref<1x5120xf32, #tpu.memory_space<vmem>> -> memref<5120xf32, #tpu.memory_space<vmem>>
        %dma_start3A_64 = arith.constant 0 : i32
        %dma_start3A_65 = tpu.memref_slice %dma_start3A_63[%dma_start3A_64] : memref<5120xf32, #tpu.memory_space<vmem>> -> memref<1280xf32, #tpu.memory_space<vmem>>
        %dma_start3A_66 = tpu.memref_slice %arg5[%add3A_51] : memref<640000xf32, #tpu.memory_space<hbm>> -> memref<1280xf32, #tpu.memory_space<hbm>>
        %dma_start3A_67 = tpu.memref_slice %arg5[%add3A_51] : memref<640000xf32, #tpu.memory_space<hbm>> -> memref<1280xf32, #tpu.memory_space<hbm>>
        %dma_start3A_68 = arith.constant 0 : i32
        %dma_start3A_69 = tpu.memref_slice %arg9[%run_scoped3A, %dma_start3A_68] : memref<4x5120xf32, #tpu.memory_space<vmem>> -> memref<1x5120xf32, #tpu.memory_space<vmem>>
        %dma_start3A_70 = tpu.memref_squeeze %dma_start3A_69 : memref<1x5120xf32, #tpu.memory_space<vmem>> -> memref<5120xf32, #tpu.memory_space<vmem>>
        %dma_start3A_71 = arith.constant 0 : i32
        %dma_start3A_72 = tpu.memref_slice %dma_start3A_70[%dma_start3A_71] : memref<5120xf32, #tpu.memory_space<vmem>> -> memref<1280xf32, #tpu.memory_space<vmem>>
        tpu.enqueue_dma source(%dma_start3A_72 : memref<1280xf32, #tpu.memory_space<vmem>>) target(%dma_start3A_67 : memref<1280xf32, #tpu.memory_space<hbm>>) target_semaphore(%run_scoped3A_61 : memref<!tpu.dma_semaphore, #tpu.memory_space<semaphore_mem>>)
        %dma_wait3A = arith.constant 0 : i32
        %dma_wait3A_73 = tpu.memref_slice %arg9[%run_scoped3A, %dma_wait3A] : memref<4x5120xf32, #tpu.memory_space<vmem>> -> memref<1x5120xf32, #tpu.memory_space<vmem>>
        %dma_wait3A_74 = tpu.memref_squeeze %dma_wait3A_73 : memref<1x5120xf32, #tpu.memory_space<vmem>> -> memref<5120xf32, #tpu.memory_space<vmem>>
        %dma_wait3A_75 = arith.constant 0 : i32
        %dma_wait3A_76 = tpu.memref_slice %dma_wait3A_74[%dma_wait3A_75] : memref<5120xf32, #tpu.memory_space<vmem>> -> memref<1280xf32, #tpu.memory_space<vmem>>
        %dma_wait3A_77 = tpu.memref_slice %arg5[%add3A_51] : memref<640000xf32, #tpu.memory_space<hbm>> -> memref<1280xf32, #tpu.memory_space<hbm>>
        %dma_wait3A_78 = tpu.memref_slice %arg5[%add3A_51] : memref<640000xf32, #tpu.memory_space<hbm>> -> memref<1280xf32, #tpu.memory_space<hbm>>
        %dma_wait3A_79 = arith.constant 0 : i32
        %dma_wait3A_80 = tpu.memref_slice %arg9[%run_scoped3A, %dma_wait3A_79] : memref<4x5120xf32, #tpu.memory_space<vmem>> -> memref<1x5120xf32, #tpu.memory_space<vmem>>
        %dma_wait3A_81 = tpu.memref_squeeze %dma_wait3A_80 : memref<1x5120xf32, #tpu.memory_space<vmem>> -> memref<5120xf32, #tpu.memory_space<vmem>>
        %dma_wait3A_82 = arith.constant 0 : i32
        %dma_wait3A_83 = tpu.memref_slice %dma_wait3A_81[%dma_wait3A_82] : memref<5120xf32, #tpu.memory_space<vmem>> -> memref<1280xf32, #tpu.memory_space<vmem>>
        tpu.wait_dma2 semaphore(%run_scoped3A_61 : memref<!tpu.dma_semaphore, #tpu.memory_space<semaphore_mem>>) src(%dma_wait3A_83 : memref<1280xf32, #tpu.memory_space<vmem>>) dst(%dma_wait3A_78 : memref<1280xf32, #tpu.memory_space<hbm>>)
        tpu.yield
      }) : () -> ()
      %add3A_52 = arith.constant 160000 : i32
      %add3A_53 = arith.addi %add3A_52, %mul3A_2 : i32
      %run_scoped3A_54 = arith.constant 1 : i32
      "tpu.region"() ({
        %run_scoped3A_61 = tpu.sem_alloc : memref<!tpu.dma_semaphore, #tpu.memory_space<semaphore_mem>>
        %dma_start3A = arith.constant 0 : i32
        %dma_start3A_62 = tpu.memref_slice %arg9[%run_scoped3A_54, %dma_start3A] : memref<4x5120xf32, #tpu.memory_space<vmem>> -> memref<1x5120xf32, #tpu.memory_space<vmem>>
        %dma_start3A_63 = tpu.memref_squeeze %dma_start3A_62 : memref<1x5120xf32, #tpu.memory_space<vmem>> -> memref<5120xf32, #tpu.memory_space<vmem>>
        %dma_start3A_64 = arith.constant 0 : i32
        %dma_start3A_65 = tpu.memref_slice %dma_start3A_63[%dma_start3A_64] : memref<5120xf32, #tpu.memory_space<vmem>> -> memref<1280xf32, #tpu.memory_space<vmem>>
        %dma_start3A_66 = tpu.memref_slice %arg5[%add3A_53] : memref<640000xf32, #tpu.memory_space<hbm>> -> memref<1280xf32, #tpu.memory_space<hbm>>
        %dma_start3A_67 = tpu.memref_slice %arg5[%add3A_53] : memref<640000xf32, #tpu.memory_space<hbm>> -> memref<1280xf32, #tpu.memory_space<hbm>>
        %dma_start3A_68 = arith.constant 0 : i32
        %dma_start3A_69 = tpu.memref_slice %arg9[%run_scoped3A_54, %dma_start3A_68] : memref<4x5120xf32, #tpu.memory_space<vmem>> -> memref<1x5120xf32, #tpu.memory_space<vmem>>
        %dma_start3A_70 = tpu.memref_squeeze %dma_start3A_69 : memref<1x5120xf32, #tpu.memory_space<vmem>> -> memref<5120xf32, #tpu.memory_space<vmem>>
        %dma_start3A_71 = arith.constant 0 : i32
        %dma_start3A_72 = tpu.memref_slice %dma_start3A_70[%dma_start3A_71] : memref<5120xf32, #tpu.memory_space<vmem>> -> memref<1280xf32, #tpu.memory_space<vmem>>
        tpu.enqueue_dma source(%dma_start3A_72 : memref<1280xf32, #tpu.memory_space<vmem>>) target(%dma_start3A_67 : memref<1280xf32, #tpu.memory_space<hbm>>) target_semaphore(%run_scoped3A_61 : memref<!tpu.dma_semaphore, #tpu.memory_space<semaphore_mem>>)
        %dma_wait3A = arith.constant 0 : i32
        %dma_wait3A_73 = tpu.memref_slice %arg9[%run_scoped3A_54, %dma_wait3A] : memref<4x5120xf32, #tpu.memory_space<vmem>> -> memref<1x5120xf32, #tpu.memory_space<vmem>>
        %dma_wait3A_74 = tpu.memref_squeeze %dma_wait3A_73 : memref<1x5120xf32, #tpu.memory_space<vmem>> -> memref<5120xf32, #tpu.memory_space<vmem>>
        %dma_wait3A_75 = arith.constant 0 : i32
        %dma_wait3A_76 = tpu.memref_slice %dma_wait3A_74[%dma_wait3A_75] : memref<5120xf32, #tpu.memory_space<vmem>> -> memref<1280xf32, #tpu.memory_space<vmem>>
        %dma_wait3A_77 = tpu.memref_slice %arg5[%add3A_53] : memref<640000xf32, #tpu.memory_space<hbm>> -> memref<1280xf32, #tpu.memory_space<hbm>>
        %dma_wait3A_78 = tpu.memref_slice %arg5[%add3A_53] : memref<640000xf32, #tpu.memory_space<hbm>> -> memref<1280xf32, #tpu.memory_space<hbm>>
        %dma_wait3A_79 = arith.constant 0 : i32
        %dma_wait3A_80 = tpu.memref_slice %arg9[%run_scoped3A_54, %dma_wait3A_79] : memref<4x5120xf32, #tpu.memory_space<vmem>> -> memref<1x5120xf32, #tpu.memory_space<vmem>>
        %dma_wait3A_81 = tpu.memref_squeeze %dma_wait3A_80 : memref<1x5120xf32, #tpu.memory_space<vmem>> -> memref<5120xf32, #tpu.memory_space<vmem>>
        %dma_wait3A_82 = arith.constant 0 : i32
        %dma_wait3A_83 = tpu.memref_slice %dma_wait3A_81[%dma_wait3A_82] : memref<5120xf32, #tpu.memory_space<vmem>> -> memref<1280xf32, #tpu.memory_space<vmem>>
        tpu.wait_dma2 semaphore(%run_scoped3A_61 : memref<!tpu.dma_semaphore, #tpu.memory_space<semaphore_mem>>) src(%dma_wait3A_83 : memref<1280xf32, #tpu.memory_space<vmem>>) dst(%dma_wait3A_78 : memref<1280xf32, #tpu.memory_space<hbm>>)
        tpu.yield
      }) : () -> ()
      %add3A_55 = arith.constant 320000 : i32
      %add3A_56 = arith.addi %add3A_55, %mul3A_2 : i32
      %run_scoped3A_57 = arith.constant 2 : i32
      "tpu.region"() ({
        %run_scoped3A_61 = tpu.sem_alloc : memref<!tpu.dma_semaphore, #tpu.memory_space<semaphore_mem>>
        %dma_start3A = arith.constant 0 : i32
        %dma_start3A_62 = tpu.memref_slice %arg9[%run_scoped3A_57, %dma_start3A] : memref<4x5120xf32, #tpu.memory_space<vmem>> -> memref<1x5120xf32, #tpu.memory_space<vmem>>
        %dma_start3A_63 = tpu.memref_squeeze %dma_start3A_62 : memref<1x5120xf32, #tpu.memory_space<vmem>> -> memref<5120xf32, #tpu.memory_space<vmem>>
        %dma_start3A_64 = arith.constant 0 : i32
        %dma_start3A_65 = tpu.memref_slice %dma_start3A_63[%dma_start3A_64] : memref<5120xf32, #tpu.memory_space<vmem>> -> memref<1280xf32, #tpu.memory_space<vmem>>
        %dma_start3A_66 = tpu.memref_slice %arg5[%add3A_56] : memref<640000xf32, #tpu.memory_space<hbm>> -> memref<1280xf32, #tpu.memory_space<hbm>>
        %dma_start3A_67 = tpu.memref_slice %arg5[%add3A_56] : memref<640000xf32, #tpu.memory_space<hbm>> -> memref<1280xf32, #tpu.memory_space<hbm>>
        %dma_start3A_68 = arith.constant 0 : i32
        %dma_start3A_69 = tpu.memref_slice %arg9[%run_scoped3A_57, %dma_start3A_68] : memref<4x5120xf32, #tpu.memory_space<vmem>> -> memref<1x5120xf32, #tpu.memory_space<vmem>>
        %dma_start3A_70 = tpu.memref_squeeze %dma_start3A_69 : memref<1x5120xf32, #tpu.memory_space<vmem>> -> memref<5120xf32, #tpu.memory_space<vmem>>
        %dma_start3A_71 = arith.constant 0 : i32
        %dma_start3A_72 = tpu.memref_slice %dma_start3A_70[%dma_start3A_71] : memref<5120xf32, #tpu.memory_space<vmem>> -> memref<1280xf32, #tpu.memory_space<vmem>>
        tpu.enqueue_dma source(%dma_start3A_72 : memref<1280xf32, #tpu.memory_space<vmem>>) target(%dma_start3A_67 : memref<1280xf32, #tpu.memory_space<hbm>>) target_semaphore(%run_scoped3A_61 : memref<!tpu.dma_semaphore, #tpu.memory_space<semaphore_mem>>)
        %dma_wait3A = arith.constant 0 : i32
        %dma_wait3A_73 = tpu.memref_slice %arg9[%run_scoped3A_57, %dma_wait3A] : memref<4x5120xf32, #tpu.memory_space<vmem>> -> memref<1x5120xf32, #tpu.memory_space<vmem>>
        %dma_wait3A_74 = tpu.memref_squeeze %dma_wait3A_73 : memref<1x5120xf32, #tpu.memory_space<vmem>> -> memref<5120xf32, #tpu.memory_space<vmem>>
        %dma_wait3A_75 = arith.constant 0 : i32
        %dma_wait3A_76 = tpu.memref_slice %dma_wait3A_74[%dma_wait3A_75] : memref<5120xf32, #tpu.memory_space<vmem>> -> memref<1280xf32, #tpu.memory_space<vmem>>
        %dma_wait3A_77 = tpu.memref_slice %arg5[%add3A_56] : memref<640000xf32, #tpu.memory_space<hbm>> -> memref<1280xf32, #tpu.memory_space<hbm>>
        %dma_wait3A_78 = tpu.memref_slice %arg5[%add3A_56] : memref<640000xf32, #tpu.memory_space<hbm>> -> memref<1280xf32, #tpu.memory_space<hbm>>
        %dma_wait3A_79 = arith.constant 0 : i32
        %dma_wait3A_80 = tpu.memref_slice %arg9[%run_scoped3A_57, %dma_wait3A_79] : memref<4x5120xf32, #tpu.memory_space<vmem>> -> memref<1x5120xf32, #tpu.memory_space<vmem>>
        %dma_wait3A_81 = tpu.memref_squeeze %dma_wait3A_80 : memref<1x5120xf32, #tpu.memory_space<vmem>> -> memref<5120xf32, #tpu.memory_space<vmem>>
        %dma_wait3A_82 = arith.constant 0 : i32
        %dma_wait3A_83 = tpu.memref_slice %dma_wait3A_81[%dma_wait3A_82] : memref<5120xf32, #tpu.memory_space<vmem>> -> memref<1280xf32, #tpu.memory_space<vmem>>
        tpu.wait_dma2 semaphore(%run_scoped3A_61 : memref<!tpu.dma_semaphore, #tpu.memory_space<semaphore_mem>>) src(%dma_wait3A_83 : memref<1280xf32, #tpu.memory_space<vmem>>) dst(%dma_wait3A_78 : memref<1280xf32, #tpu.memory_space<hbm>>)
        tpu.yield
      }) : () -> ()
      %add3A_58 = arith.constant 480000 : i32
      %add3A_59 = arith.addi %add3A_58, %mul3A_2 : i32
      %run_scoped3A_60 = arith.constant 3 : i32
      "tpu.region"() ({
        %run_scoped3A_61 = tpu.sem_alloc : memref<!tpu.dma_semaphore, #tpu.memory_space<semaphore_mem>>
        %dma_start3A = arith.constant 0 : i32
        %dma_start3A_62 = tpu.memref_slice %arg9[%run_scoped3A_60, %dma_start3A] : memref<4x5120xf32, #tpu.memory_space<vmem>> -> memref<1x5120xf32, #tpu.memory_space<vmem>>
        %dma_start3A_63 = tpu.memref_squeeze %dma_start3A_62 : memref<1x5120xf32, #tpu.memory_space<vmem>> -> memref<5120xf32, #tpu.memory_space<vmem>>
        %dma_start3A_64 = arith.constant 0 : i32
        %dma_start3A_65 = tpu.memref_slice %dma_start3A_63[%dma_start3A_64] : memref<5120xf32, #tpu.memory_space<vmem>> -> memref<1280xf32, #tpu.memory_space<vmem>>
        %dma_start3A_66 = tpu.memref_slice %arg5[%add3A_59] : memref<640000xf32, #tpu.memory_space<hbm>> -> memref<1280xf32, #tpu.memory_space<hbm>>
        %dma_start3A_67 = tpu.memref_slice %arg5[%add3A_59] : memref<640000xf32, #tpu.memory_space<hbm>> -> memref<1280xf32, #tpu.memory_space<hbm>>
        %dma_start3A_68 = arith.constant 0 : i32
        %dma_start3A_69 = tpu.memref_slice %arg9[%run_scoped3A_60, %dma_start3A_68] : memref<4x5120xf32, #tpu.memory_space<vmem>> -> memref<1x5120xf32, #tpu.memory_space<vmem>>
        %dma_start3A_70 = tpu.memref_squeeze %dma_start3A_69 : memref<1x5120xf32, #tpu.memory_space<vmem>> -> memref<5120xf32, #tpu.memory_space<vmem>>
        %dma_start3A_71 = arith.constant 0 : i32
        %dma_start3A_72 = tpu.memref_slice %dma_start3A_70[%dma_start3A_71] : memref<5120xf32, #tpu.memory_space<vmem>> -> memref<1280xf32, #tpu.memory_space<vmem>>
        tpu.enqueue_dma source(%dma_start3A_72 : memref<1280xf32, #tpu.memory_space<vmem>>) target(%dma_start3A_67 : memref<1280xf32, #tpu.memory_space<hbm>>) target_semaphore(%run_scoped3A_61 : memref<!tpu.dma_semaphore, #tpu.memory_space<semaphore_mem>>)
        %dma_wait3A = arith.constant 0 : i32
        %dma_wait3A_73 = tpu.memref_slice %arg9[%run_scoped3A_60, %dma_wait3A] : memref<4x5120xf32, #tpu.memory_space<vmem>> -> memref<1x5120xf32, #tpu.memory_space<vmem>>
        %dma_wait3A_74 = tpu.memref_squeeze %dma_wait3A_73 : memref<1x5120xf32, #tpu.memory_space<vmem>> -> memref<5120xf32, #tpu.memory_space<vmem>>
        %dma_wait3A_75 = arith.constant 0 : i32
        %dma_wait3A_76 = tpu.memref_slice %dma_wait3A_74[%dma_wait3A_75] : memref<5120xf32, #tpu.memory_space<vmem>> -> memref<1280xf32, #tpu.memory_space<vmem>>
        %dma_wait3A_77 = tpu.memref_slice %arg5[%add3A_59] : memref<640000xf32, #tpu.memory_space<hbm>> -> memref<1280xf32, #tpu.memory_space<hbm>>
        %dma_wait3A_78 = tpu.memref_slice %arg5[%add3A_59] : memref<640000xf32, #tpu.memory_space<hbm>> -> memref<1280xf32, #tpu.memory_space<hbm>>
        %dma_wait3A_79 = arith.constant 0 : i32
        %dma_wait3A_80 = tpu.memref_slice %arg9[%run_scoped3A_60, %dma_wait3A_79] : memref<4x5120xf32, #tpu.memory_space<vmem>> -> memref<1x5120xf32, #tpu.memory_space<vmem>>
        %dma_wait3A_81 = tpu.memref_squeeze %dma_wait3A_80 : memref<1x5120xf32, #tpu.memory_space<vmem>> -> memref<5120xf32, #tpu.memory_space<vmem>>
        %dma_wait3A_82 = arith.constant 0 : i32
        %dma_wait3A_83 = tpu.memref_slice %dma_wait3A_81[%dma_wait3A_82] : memref<5120xf32, #tpu.memory_space<vmem>> -> memref<1280xf32, #tpu.memory_space<vmem>>
        tpu.wait_dma2 semaphore(%run_scoped3A_61 : memref<!tpu.dma_semaphore, #tpu.memory_space<semaphore_mem>>) src(%dma_wait3A_83 : memref<1280xf32, #tpu.memory_space<vmem>>) dst(%dma_wait3A_78 : memref<1280xf32, #tpu.memory_space<hbm>>)
        tpu.yield
      }) : () -> ()
    } else {
    }
    return
  }
}

#map = affine_map<(d0, d1) -> (0, 0)>
#map1 = affine_map<(d0, d1) -> (0, 0, 0)>
module attributes {stable_mosaic.version = 14 : i64} {
  func.func @seg(%arg0: i32, %arg1: i32, %arg2: memref<10000x128xf32, #tpu.memory_space<hbm>>, %arg3: memref<1280x128xi32, #tpu.memory_space<hbm>>, %arg4: memref<1280x128xi32, #tpu.memory_space<hbm>>, %arg5: memref<640x128xf32, #tpu.memory_space<hbm>>, %arg6: memref<2x10000x128xf32, #tpu.memory_space<hbm>>, %arg7: memref<40x128xi32, #tpu.memory_space<vmem>>, %arg8: memref<40x128xi32, #tpu.memory_space<vmem>>, %arg9: memref<128x128xf32, #tpu.memory_space<vmem>>, %arg10: memref<128x128xf32, #tpu.memory_space<vmem>>, %arg11: memref<10000x128xf32, #tpu.memory_space<vmem_shared>>, %arg12: memref<!tpu.dma_semaphore, #tpu.memory_space<semaphore_mem>>, %arg13: memref<!tpu.dma_semaphore, #tpu.memory_space<semaphore_mem>>, %arg14: memref<!tpu.dma_semaphore, #tpu.memory_space<semaphore_mem>>, %arg15: memref<!tpu.dma_semaphore, #tpu.memory_space<semaphore_mem>>) attributes {dimension_semantics = [#tpu.dimension_semantics<core_parallel>, #tpu.dimension_semantics<subcore_parallel>], iteration_bounds = array<i64: 2, 16>, scalar_prefetch = 0 : i64, scratch_operands = 9 : i64, tpu.core_type = #tpu.core_type<sc_vector_subcore>, window_params = [{transform_indices = #map}, {transform_indices = #map}, {transform_indices = #map}, {transform_indices = #map}, {transform_indices = #map1}]} {
    %mul3A = arith.constant 16 : i32
    %mul3A_0 = arith.muli %arg0, %mul3A : i32
    %add3A = arith.addi %mul3A_0, %arg1 : i32
    %mul3A_1 = arith.constant 624 : i32
    %mul3A_2 = arith.muli %arg1, %mul3A_1 : i32
    %ne3A = arith.constant 15 : i32
    %ne3A_3 = arith.cmpi ne, %arg1, %ne3A : i32
    %convert_element_type3A = arith.extui %ne3A_3 : i1 to i32
    %cond3A = arith.constant 0 : i32
    %cond3A_4 = arith.cmpi ne, %convert_element_type3A, %cond3A : i32
    scf.if %cond3A_4 {
      "tpu.region"() ({
        %run_scoped3A = tpu.sem_alloc : memref<!tpu.dma_semaphore, #tpu.memory_space<semaphore_mem>>
        %dma_start3A_56 = arith.constant 0 : i32
        %dma_start3A_57 = tpu.memref_slice %arg11[%mul3A_2, %dma_start3A_56] : memref<10000x128xf32, #tpu.memory_space<vmem_shared>> -> memref<624x128xf32, #tpu.memory_space<vmem_shared>>
        %dma_start3A_58 = arith.constant 0 : i32
        %dma_start3A_59 = arith.constant 0 : i32
        %dma_start3A_60 = tpu.memref_slice %arg5[%dma_start3A_58, %dma_start3A_59] : memref<640x128xf32, #tpu.memory_space<hbm>> -> memref<624x128xf32, #tpu.memory_space<hbm>>
        tpu.enqueue_dma source(%dma_start3A_60 : memref<624x128xf32, #tpu.memory_space<hbm>>) target(%dma_start3A_57 : memref<624x128xf32, #tpu.memory_space<vmem_shared>>) target_semaphore(%run_scoped3A : memref<!tpu.dma_semaphore, #tpu.memory_space<semaphore_mem>>)
        %dma_wait3A_61 = arith.constant 0 : i32
        %dma_wait3A_62 = tpu.memref_slice %arg11[%mul3A_2, %dma_wait3A_61] : memref<10000x128xf32, #tpu.memory_space<vmem_shared>> -> memref<624x128xf32, #tpu.memory_space<vmem_shared>>
        %dma_wait3A_63 = arith.constant 0 : i32
        %dma_wait3A_64 = arith.constant 0 : i32
        %dma_wait3A_65 = tpu.memref_slice %arg5[%dma_wait3A_63, %dma_wait3A_64] : memref<640x128xf32, #tpu.memory_space<hbm>> -> memref<624x128xf32, #tpu.memory_space<hbm>>
        tpu.wait_dma2 semaphore(%run_scoped3A : memref<!tpu.dma_semaphore, #tpu.memory_space<semaphore_mem>>) src(%dma_wait3A_65 : memref<624x128xf32, #tpu.memory_space<hbm>>) dst(%dma_wait3A_62 : memref<624x128xf32, #tpu.memory_space<vmem_shared>>)
        tpu.yield
      }) : () -> ()
    } else {
    }
    %eq3A = arith.constant 15 : i32
    %eq3A_5 = arith.cmpi eq, %arg1, %eq3A : i32
    %convert_element_type3A_6 = arith.extui %eq3A_5 : i1 to i32
    %cond3A_7 = arith.constant 0 : i32
    %cond3A_8 = arith.cmpi ne, %convert_element_type3A_6, %cond3A_7 : i32
    scf.if %cond3A_8 {
      "tpu.region"() ({
        %run_scoped3A = tpu.sem_alloc : memref<!tpu.dma_semaphore, #tpu.memory_space<semaphore_mem>>
        %dma_start3A_56 = arith.constant 0 : i32
        %dma_start3A_57 = tpu.memref_slice %arg11[%mul3A_2, %dma_start3A_56] : memref<10000x128xf32, #tpu.memory_space<vmem_shared>> -> memref<640x128xf32, #tpu.memory_space<vmem_shared>>
        tpu.enqueue_dma source(%arg5 : memref<640x128xf32, #tpu.memory_space<hbm>>) target(%dma_start3A_57 : memref<640x128xf32, #tpu.memory_space<vmem_shared>>) target_semaphore(%run_scoped3A : memref<!tpu.dma_semaphore, #tpu.memory_space<semaphore_mem>>)
        %dma_wait3A_58 = arith.constant 0 : i32
        %dma_wait3A_59 = tpu.memref_slice %arg11[%mul3A_2, %dma_wait3A_58] : memref<10000x128xf32, #tpu.memory_space<vmem_shared>> -> memref<640x128xf32, #tpu.memory_space<vmem_shared>>
        tpu.wait_dma2 semaphore(%run_scoped3A : memref<!tpu.dma_semaphore, #tpu.memory_space<semaphore_mem>>) src(%arg5 : memref<640x128xf32, #tpu.memory_space<hbm>>) dst(%dma_wait3A_59 : memref<640x128xf32, #tpu.memory_space<vmem_shared>>)
        tpu.yield
      }) : () -> ()
    } else {
    }
    %eq3A_9 = arith.constant 31 : i32
    %eq3A_10 = arith.cmpi eq, %add3A, %eq3A_9 : i32
    %jit3A = arith.constant 10 : i32
    %jit3A_11 = arith.constant 40 : i32
    %select_n3A = arith.select %eq3A_10, %jit3A, %jit3A_11 : i32
    %mul3A_12 = arith.constant 40 : i32
    %mul3A_13 = arith.muli %add3A, %mul3A_12 : i32
    "tpu.region"() ({
      %run_scoped3A = tpu.sem_alloc : memref<!tpu.dma_semaphore, #tpu.memory_space<semaphore_mem>>
      %dma_start3A_56 = arith.constant 0 : i32
      %dma_start3A_57 = tpu.memref_slice %arg3[%mul3A_13, %dma_start3A_56] : memref<1280x128xi32, #tpu.memory_space<hbm>> -> memref<40x128xi32, #tpu.memory_space<hbm>>
      %dma_start3A_58 = arith.constant 0 : i32
      %dma_start3A_59 = tpu.memref_slice %arg3[%mul3A_13, %dma_start3A_58] : memref<1280x128xi32, #tpu.memory_space<hbm>> -> memref<40x128xi32, #tpu.memory_space<hbm>>
      tpu.enqueue_dma source(%dma_start3A_59 : memref<40x128xi32, #tpu.memory_space<hbm>>) target(%arg7 : memref<40x128xi32, #tpu.memory_space<vmem>>) target_semaphore(%run_scoped3A : memref<!tpu.dma_semaphore, #tpu.memory_space<semaphore_mem>>)
      %dma_wait3A_60 = arith.constant 0 : i32
      %dma_wait3A_61 = tpu.memref_slice %arg3[%mul3A_13, %dma_wait3A_60] : memref<1280x128xi32, #tpu.memory_space<hbm>> -> memref<40x128xi32, #tpu.memory_space<hbm>>
      %dma_wait3A_62 = arith.constant 0 : i32
      %dma_wait3A_63 = tpu.memref_slice %arg3[%mul3A_13, %dma_wait3A_62] : memref<1280x128xi32, #tpu.memory_space<hbm>> -> memref<40x128xi32, #tpu.memory_space<hbm>>
      tpu.wait_dma2 semaphore(%run_scoped3A : memref<!tpu.dma_semaphore, #tpu.memory_space<semaphore_mem>>) src(%dma_wait3A_63 : memref<40x128xi32, #tpu.memory_space<hbm>>) dst(%arg7 : memref<40x128xi32, #tpu.memory_space<vmem>>)
      tpu.yield
    }) : () -> ()
    %mul3A_14 = arith.constant 40 : i32
    %mul3A_15 = arith.muli %add3A, %mul3A_14 : i32
    "tpu.region"() ({
      %run_scoped3A = tpu.sem_alloc : memref<!tpu.dma_semaphore, #tpu.memory_space<semaphore_mem>>
      %dma_start3A_56 = arith.constant 0 : i32
      %dma_start3A_57 = tpu.memref_slice %arg4[%mul3A_15, %dma_start3A_56] : memref<1280x128xi32, #tpu.memory_space<hbm>> -> memref<40x128xi32, #tpu.memory_space<hbm>>
      %dma_start3A_58 = arith.constant 0 : i32
      %dma_start3A_59 = tpu.memref_slice %arg4[%mul3A_15, %dma_start3A_58] : memref<1280x128xi32, #tpu.memory_space<hbm>> -> memref<40x128xi32, #tpu.memory_space<hbm>>
      tpu.enqueue_dma source(%dma_start3A_59 : memref<40x128xi32, #tpu.memory_space<hbm>>) target(%arg8 : memref<40x128xi32, #tpu.memory_space<vmem>>) target_semaphore(%run_scoped3A : memref<!tpu.dma_semaphore, #tpu.memory_space<semaphore_mem>>)
      %dma_wait3A_60 = arith.constant 0 : i32
      %dma_wait3A_61 = tpu.memref_slice %arg4[%mul3A_15, %dma_wait3A_60] : memref<1280x128xi32, #tpu.memory_space<hbm>> -> memref<40x128xi32, #tpu.memory_space<hbm>>
      %dma_wait3A_62 = arith.constant 0 : i32
      %dma_wait3A_63 = tpu.memref_slice %arg4[%mul3A_15, %dma_wait3A_62] : memref<1280x128xi32, #tpu.memory_space<hbm>> -> memref<40x128xi32, #tpu.memory_space<hbm>>
      tpu.wait_dma2 semaphore(%run_scoped3A : memref<!tpu.dma_semaphore, #tpu.memory_space<semaphore_mem>>) src(%dma_wait3A_63 : memref<40x128xi32, #tpu.memory_space<hbm>>) dst(%arg8 : memref<40x128xi32, #tpu.memory_space<vmem>>)
      tpu.yield
    }) : () -> ()
    %barrier3A = arith.constant 0 : index
    tpu.barrier barrier_id(%barrier3A)
    %dma_start3A = arith.constant 0 : i32
    %dma_start3A_16 = arith.constant 0 : i32
    %dma_start3A_17 = tpu.memref_slice %arg7[%dma_start3A, %dma_start3A_16] : memref<40x128xi32, #tpu.memory_space<vmem>> -> memref<1x128xi32, #tpu.memory_space<vmem>>
    %dma_start3A_18 = tpu.memref_squeeze %dma_start3A_17 : memref<1x128xi32, #tpu.memory_space<vmem>> -> memref<128xi32, #tpu.memory_space<vmem>>
    %dma_start3A_19 = arith.constant 0 : i32
    %dma_start3A_20 = arith.constant 0 : i32
    %dma_start3A_21 = tpu.memref_slice %arg2[%dma_start3A_19, %dma_start3A_20] : memref<10000x128xf32, #tpu.memory_space<hbm>> -> memref<10000x128xf32, #tpu.memory_space<hbm>>
    tpu.enqueue_indirect_dma source(%dma_start3A_21 : memref<10000x128xf32, #tpu.memory_space<hbm>>) target(%arg9 : memref<128x128xf32, #tpu.memory_space<vmem>>) offsets(%dma_start3A_18 : memref<128xi32, #tpu.memory_space<vmem>>) semaphore(%arg12 : memref<!tpu.dma_semaphore, #tpu.memory_space<semaphore_mem>>)
    %div3A = arith.constant 2 : i32
    %div3A_22 = arith.divsi %select_n3A, %div3A : i32
    %while3A = arith.constant 0 : i32
    %while3A_23 = arith.constant 0 : i32
    %while3A_24 = arith.subi %div3A_22, %while3A_23 : i32
    %while3A_25 = arith.addi %while3A_23, %while3A_24 : i32
    %while3A_26 = arith.constant 1 : i32
    %while3A_27 = arith.divsi %while3A_24, %while3A_26 : i32
    %while3A_28 = arith.muli %while3A_27, %while3A_26 : i32
    %while3A_29 = arith.addi %while3A_23, %while3A_28 : i32
    %while3A_30 = arith.constant 1 : i32
    scf.for %while3A_56 = %while3A_23 to %while3A_29 step %while3A_30  : i32 {
      %mul3A_57 = arith.constant 2 : i32
      %mul3A_58 = arith.muli %while3A_56, %mul3A_57 : i32
      %add3A_59 = arith.constant 0 : i32
      %add3A_60 = arith.addi %mul3A_58, %add3A_59 : i32
      %dma_wait3A_61 = arith.constant 0 : i32
      %dma_wait3A_62 = arith.constant 0 : i32
      %dma_wait3A_63 = tpu.memref_slice %arg7[%dma_wait3A_61, %dma_wait3A_62] : memref<40x128xi32, #tpu.memory_space<vmem>> -> memref<1x128xi32, #tpu.memory_space<vmem>>
      %dma_wait3A_64 = tpu.memref_squeeze %dma_wait3A_63 : memref<1x128xi32, #tpu.memory_space<vmem>> -> memref<128xi32, #tpu.memory_space<vmem>>
      %dma_wait3A_65 = arith.constant 0 : i32
      %dma_wait3A_66 = arith.constant 0 : i32
      %dma_wait3A_67 = tpu.memref_slice %arg2[%dma_wait3A_65, %dma_wait3A_66] : memref<10000x128xf32, #tpu.memory_space<hbm>> -> memref<10000x128xf32, #tpu.memory_space<hbm>>
      tpu.wait_indirect_dma semaphore(%arg12 : memref<!tpu.dma_semaphore, #tpu.memory_space<semaphore_mem>>) src(%dma_wait3A_67 : memref<10000x128xf32, #tpu.memory_space<hbm>>) dst(%arg9 : memref<128x128xf32, #tpu.memory_space<vmem>>)
      %dma_start3A_68 = arith.constant 0 : i32
      %dma_start3A_69 = tpu.memref_slice %arg8[%add3A_60, %dma_start3A_68] : memref<40x128xi32, #tpu.memory_space<vmem>> -> memref<1x128xi32, #tpu.memory_space<vmem>>
      %dma_start3A_70 = tpu.memref_squeeze %dma_start3A_69 : memref<1x128xi32, #tpu.memory_space<vmem>> -> memref<128xi32, #tpu.memory_space<vmem>>
      %dma_start3A_71 = arith.constant 0 : i32
      %dma_start3A_72 = arith.constant 0 : i32
      %dma_start3A_73 = tpu.memref_slice %arg11[%dma_start3A_71, %dma_start3A_72] : memref<10000x128xf32, #tpu.memory_space<vmem_shared>> -> memref<10000x128xf32, #tpu.memory_space<vmem_shared>>
      tpu.enqueue_indirect_dma source(%arg9 : memref<128x128xf32, #tpu.memory_space<vmem>>) target(%dma_start3A_73 : memref<10000x128xf32, #tpu.memory_space<vmem_shared>>) offsets(%dma_start3A_70 : memref<128xi32, #tpu.memory_space<vmem>>) semaphore(%arg14 : memref<!tpu.dma_semaphore, #tpu.memory_space<semaphore_mem>>) {add = true}
      %add3A_74 = arith.constant 1 : i32
      %add3A_75 = arith.addi %add3A_60, %add3A_74 : i32
      %lt3A = arith.cmpi slt, %add3A_75, %select_n3A : i32
      %convert_element_type3A_76 = arith.extui %lt3A : i1 to i32
      %cond3A_77 = arith.constant 0 : i32
      %cond3A_78 = arith.cmpi ne, %convert_element_type3A_76, %cond3A_77 : i32
      scf.if %cond3A_78 {
        %ge3A = arith.constant 2 : i32
        %ge3A_102 = arith.cmpi sge, %add3A_75, %ge3A : i32
        %convert_element_type3A_103 = arith.extui %ge3A_102 : i1 to i32
        %cond3A_104 = arith.constant 0 : i32
        %cond3A_105 = arith.cmpi ne, %convert_element_type3A_103, %cond3A_104 : i32
        scf.if %cond3A_105 {
          %dma_wait3A_112 = arith.constant 0 : i32
          %dma_wait3A_113 = arith.constant 0 : i32
          %dma_wait3A_114 = tpu.memref_slice %arg8[%dma_wait3A_112, %dma_wait3A_113] : memref<40x128xi32, #tpu.memory_space<vmem>> -> memref<1x128xi32, #tpu.memory_space<vmem>>
          %dma_wait3A_115 = tpu.memref_squeeze %dma_wait3A_114 : memref<1x128xi32, #tpu.memory_space<vmem>> -> memref<128xi32, #tpu.memory_space<vmem>>
          %dma_wait3A_116 = arith.constant 0 : i32
          %dma_wait3A_117 = arith.constant 0 : i32
          %dma_wait3A_118 = tpu.memref_slice %arg11[%dma_wait3A_116, %dma_wait3A_117] : memref<10000x128xf32, #tpu.memory_space<vmem_shared>> -> memref<10000x128xf32, #tpu.memory_space<vmem_shared>>
          tpu.wait_indirect_dma semaphore(%arg15 : memref<!tpu.dma_semaphore, #tpu.memory_space<semaphore_mem>>) src(%arg10 : memref<128x128xf32, #tpu.memory_space<vmem>>) dst(%dma_wait3A_118 : memref<10000x128xf32, #tpu.memory_space<vmem_shared>>)
        } else {
        }
        %dma_start3A_106 = arith.constant 0 : i32
        %dma_start3A_107 = tpu.memref_slice %arg7[%add3A_75, %dma_start3A_106] : memref<40x128xi32, #tpu.memory_space<vmem>> -> memref<1x128xi32, #tpu.memory_space<vmem>>
        %dma_start3A_108 = tpu.memref_squeeze %dma_start3A_107 : memref<1x128xi32, #tpu.memory_space<vmem>> -> memref<128xi32, #tpu.memory_space<vmem>>
        %dma_start3A_109 = arith.constant 0 : i32
        %dma_start3A_110 = arith.constant 0 : i32
        %dma_start3A_111 = tpu.memref_slice %arg2[%dma_start3A_109, %dma_start3A_110] : memref<10000x128xf32, #tpu.memory_space<hbm>> -> memref<10000x128xf32, #tpu.memory_space<hbm>>
        tpu.enqueue_indirect_dma source(%dma_start3A_111 : memref<10000x128xf32, #tpu.memory_space<hbm>>) target(%arg10 : memref<128x128xf32, #tpu.memory_space<vmem>>) offsets(%dma_start3A_108 : memref<128xi32, #tpu.memory_space<vmem>>) semaphore(%arg13 : memref<!tpu.dma_semaphore, #tpu.memory_space<semaphore_mem>>)
      } else {
      }
      %mul3A_79 = arith.constant 2 : i32
      %mul3A_80 = arith.muli %while3A_56, %mul3A_79 : i32
      %add3A_81 = arith.constant 1 : i32
      %add3A_82 = arith.addi %mul3A_80, %add3A_81 : i32
      %dma_wait3A_83 = arith.constant 0 : i32
      %dma_wait3A_84 = arith.constant 0 : i32
      %dma_wait3A_85 = tpu.memref_slice %arg7[%dma_wait3A_83, %dma_wait3A_84] : memref<40x128xi32, #tpu.memory_space<vmem>> -> memref<1x128xi32, #tpu.memory_space<vmem>>
      %dma_wait3A_86 = tpu.memref_squeeze %dma_wait3A_85 : memref<1x128xi32, #tpu.memory_space<vmem>> -> memref<128xi32, #tpu.memory_space<vmem>>
      %dma_wait3A_87 = arith.constant 0 : i32
      %dma_wait3A_88 = arith.constant 0 : i32
      %dma_wait3A_89 = tpu.memref_slice %arg2[%dma_wait3A_87, %dma_wait3A_88] : memref<10000x128xf32, #tpu.memory_space<hbm>> -> memref<10000x128xf32, #tpu.memory_space<hbm>>
      tpu.wait_indirect_dma semaphore(%arg13 : memref<!tpu.dma_semaphore, #tpu.memory_space<semaphore_mem>>) src(%dma_wait3A_89 : memref<10000x128xf32, #tpu.memory_space<hbm>>) dst(%arg10 : memref<128x128xf32, #tpu.memory_space<vmem>>)
      %dma_start3A_90 = arith.constant 0 : i32
      %dma_start3A_91 = tpu.memref_slice %arg8[%add3A_82, %dma_start3A_90] : memref<40x128xi32, #tpu.memory_space<vmem>> -> memref<1x128xi32, #tpu.memory_space<vmem>>
      %dma_start3A_92 = tpu.memref_squeeze %dma_start3A_91 : memref<1x128xi32, #tpu.memory_space<vmem>> -> memref<128xi32, #tpu.memory_space<vmem>>
      %dma_start3A_93 = arith.constant 0 : i32
      %dma_start3A_94 = arith.constant 0 : i32
      %dma_start3A_95 = tpu.memref_slice %arg11[%dma_start3A_93, %dma_start3A_94] : memref<10000x128xf32, #tpu.memory_space<vmem_shared>> -> memref<10000x128xf32, #tpu.memory_space<vmem_shared>>
      tpu.enqueue_indirect_dma source(%arg10 : memref<128x128xf32, #tpu.memory_space<vmem>>) target(%dma_start3A_95 : memref<10000x128xf32, #tpu.memory_space<vmem_shared>>) offsets(%dma_start3A_92 : memref<128xi32, #tpu.memory_space<vmem>>) semaphore(%arg15 : memref<!tpu.dma_semaphore, #tpu.memory_space<semaphore_mem>>) {add = true}
      %add3A_96 = arith.constant 1 : i32
      %add3A_97 = arith.addi %add3A_82, %add3A_96 : i32
      %lt3A_98 = arith.cmpi slt, %add3A_97, %select_n3A : i32
      %convert_element_type3A_99 = arith.extui %lt3A_98 : i1 to i32
      %cond3A_100 = arith.constant 0 : i32
      %cond3A_101 = arith.cmpi ne, %convert_element_type3A_99, %cond3A_100 : i32
      scf.if %cond3A_101 {
        %ge3A = arith.constant 2 : i32
        %ge3A_102 = arith.cmpi sge, %add3A_97, %ge3A : i32
        %convert_element_type3A_103 = arith.extui %ge3A_102 : i1 to i32
        %cond3A_104 = arith.constant 0 : i32
        %cond3A_105 = arith.cmpi ne, %convert_element_type3A_103, %cond3A_104 : i32
        scf.if %cond3A_105 {
          %dma_wait3A_112 = arith.constant 0 : i32
          %dma_wait3A_113 = arith.constant 0 : i32
          %dma_wait3A_114 = tpu.memref_slice %arg8[%dma_wait3A_112, %dma_wait3A_113] : memref<40x128xi32, #tpu.memory_space<vmem>> -> memref<1x128xi32, #tpu.memory_space<vmem>>
          %dma_wait3A_115 = tpu.memref_squeeze %dma_wait3A_114 : memref<1x128xi32, #tpu.memory_space<vmem>> -> memref<128xi32, #tpu.memory_space<vmem>>
          %dma_wait3A_116 = arith.constant 0 : i32
          %dma_wait3A_117 = arith.constant 0 : i32
          %dma_wait3A_118 = tpu.memref_slice %arg11[%dma_wait3A_116, %dma_wait3A_117] : memref<10000x128xf32, #tpu.memory_space<vmem_shared>> -> memref<10000x128xf32, #tpu.memory_space<vmem_shared>>
          tpu.wait_indirect_dma semaphore(%arg14 : memref<!tpu.dma_semaphore, #tpu.memory_space<semaphore_mem>>) src(%arg9 : memref<128x128xf32, #tpu.memory_space<vmem>>) dst(%dma_wait3A_118 : memref<10000x128xf32, #tpu.memory_space<vmem_shared>>)
        } else {
        }
        %dma_start3A_106 = arith.constant 0 : i32
        %dma_start3A_107 = tpu.memref_slice %arg7[%add3A_97, %dma_start3A_106] : memref<40x128xi32, #tpu.memory_space<vmem>> -> memref<1x128xi32, #tpu.memory_space<vmem>>
        %dma_start3A_108 = tpu.memref_squeeze %dma_start3A_107 : memref<1x128xi32, #tpu.memory_space<vmem>> -> memref<128xi32, #tpu.memory_space<vmem>>
        %dma_start3A_109 = arith.constant 0 : i32
        %dma_start3A_110 = arith.constant 0 : i32
        %dma_start3A_111 = tpu.memref_slice %arg2[%dma_start3A_109, %dma_start3A_110] : memref<10000x128xf32, #tpu.memory_space<hbm>> -> memref<10000x128xf32, #tpu.memory_space<hbm>>
        tpu.enqueue_indirect_dma source(%dma_start3A_111 : memref<10000x128xf32, #tpu.memory_space<hbm>>) target(%arg9 : memref<128x128xf32, #tpu.memory_space<vmem>>) offsets(%dma_start3A_108 : memref<128xi32, #tpu.memory_space<vmem>>) semaphore(%arg12 : memref<!tpu.dma_semaphore, #tpu.memory_space<semaphore_mem>>)
      } else {
      }
    }
    %while3A_31 = arith.constant 1 : i32
    scf.for %while3A_56 = %while3A_29 to %while3A_25 step %while3A_31  : i32 {
      %mul3A_57 = arith.constant 2 : i32
      %mul3A_58 = arith.muli %while3A_56, %mul3A_57 : i32
      %add3A_59 = arith.constant 0 : i32
      %add3A_60 = arith.addi %mul3A_58, %add3A_59 : i32
      %dma_wait3A_61 = arith.constant 0 : i32
      %dma_wait3A_62 = arith.constant 0 : i32
      %dma_wait3A_63 = tpu.memref_slice %arg7[%dma_wait3A_61, %dma_wait3A_62] : memref<40x128xi32, #tpu.memory_space<vmem>> -> memref<1x128xi32, #tpu.memory_space<vmem>>
      %dma_wait3A_64 = tpu.memref_squeeze %dma_wait3A_63 : memref<1x128xi32, #tpu.memory_space<vmem>> -> memref<128xi32, #tpu.memory_space<vmem>>
      %dma_wait3A_65 = arith.constant 0 : i32
      %dma_wait3A_66 = arith.constant 0 : i32
      %dma_wait3A_67 = tpu.memref_slice %arg2[%dma_wait3A_65, %dma_wait3A_66] : memref<10000x128xf32, #tpu.memory_space<hbm>> -> memref<10000x128xf32, #tpu.memory_space<hbm>>
      tpu.wait_indirect_dma semaphore(%arg12 : memref<!tpu.dma_semaphore, #tpu.memory_space<semaphore_mem>>) src(%dma_wait3A_67 : memref<10000x128xf32, #tpu.memory_space<hbm>>) dst(%arg9 : memref<128x128xf32, #tpu.memory_space<vmem>>)
      %dma_start3A_68 = arith.constant 0 : i32
      %dma_start3A_69 = tpu.memref_slice %arg8[%add3A_60, %dma_start3A_68] : memref<40x128xi32, #tpu.memory_space<vmem>> -> memref<1x128xi32, #tpu.memory_space<vmem>>
      %dma_start3A_70 = tpu.memref_squeeze %dma_start3A_69 : memref<1x128xi32, #tpu.memory_space<vmem>> -> memref<128xi32, #tpu.memory_space<vmem>>
      %dma_start3A_71 = arith.constant 0 : i32
      %dma_start3A_72 = arith.constant 0 : i32
      %dma_start3A_73 = tpu.memref_slice %arg11[%dma_start3A_71, %dma_start3A_72] : memref<10000x128xf32, #tpu.memory_space<vmem_shared>> -> memref<10000x128xf32, #tpu.memory_space<vmem_shared>>
      tpu.enqueue_indirect_dma source(%arg9 : memref<128x128xf32, #tpu.memory_space<vmem>>) target(%dma_start3A_73 : memref<10000x128xf32, #tpu.memory_space<vmem_shared>>) offsets(%dma_start3A_70 : memref<128xi32, #tpu.memory_space<vmem>>) semaphore(%arg14 : memref<!tpu.dma_semaphore, #tpu.memory_space<semaphore_mem>>) {add = true}
      %add3A_74 = arith.constant 1 : i32
      %add3A_75 = arith.addi %add3A_60, %add3A_74 : i32
      %lt3A = arith.cmpi slt, %add3A_75, %select_n3A : i32
      %convert_element_type3A_76 = arith.extui %lt3A : i1 to i32
      %cond3A_77 = arith.constant 0 : i32
      %cond3A_78 = arith.cmpi ne, %convert_element_type3A_76, %cond3A_77 : i32
      scf.if %cond3A_78 {
        %ge3A = arith.constant 2 : i32
        %ge3A_102 = arith.cmpi sge, %add3A_75, %ge3A : i32
        %convert_element_type3A_103 = arith.extui %ge3A_102 : i1 to i32
        %cond3A_104 = arith.constant 0 : i32
        %cond3A_105 = arith.cmpi ne, %convert_element_type3A_103, %cond3A_104 : i32
        scf.if %cond3A_105 {
          %dma_wait3A_112 = arith.constant 0 : i32
          %dma_wait3A_113 = arith.constant 0 : i32
          %dma_wait3A_114 = tpu.memref_slice %arg8[%dma_wait3A_112, %dma_wait3A_113] : memref<40x128xi32, #tpu.memory_space<vmem>> -> memref<1x128xi32, #tpu.memory_space<vmem>>
          %dma_wait3A_115 = tpu.memref_squeeze %dma_wait3A_114 : memref<1x128xi32, #tpu.memory_space<vmem>> -> memref<128xi32, #tpu.memory_space<vmem>>
          %dma_wait3A_116 = arith.constant 0 : i32
          %dma_wait3A_117 = arith.constant 0 : i32
          %dma_wait3A_118 = tpu.memref_slice %arg11[%dma_wait3A_116, %dma_wait3A_117] : memref<10000x128xf32, #tpu.memory_space<vmem_shared>> -> memref<10000x128xf32, #tpu.memory_space<vmem_shared>>
          tpu.wait_indirect_dma semaphore(%arg15 : memref<!tpu.dma_semaphore, #tpu.memory_space<semaphore_mem>>) src(%arg10 : memref<128x128xf32, #tpu.memory_space<vmem>>) dst(%dma_wait3A_118 : memref<10000x128xf32, #tpu.memory_space<vmem_shared>>)
        } else {
        }
        %dma_start3A_106 = arith.constant 0 : i32
        %dma_start3A_107 = tpu.memref_slice %arg7[%add3A_75, %dma_start3A_106] : memref<40x128xi32, #tpu.memory_space<vmem>> -> memref<1x128xi32, #tpu.memory_space<vmem>>
        %dma_start3A_108 = tpu.memref_squeeze %dma_start3A_107 : memref<1x128xi32, #tpu.memory_space<vmem>> -> memref<128xi32, #tpu.memory_space<vmem>>
        %dma_start3A_109 = arith.constant 0 : i32
        %dma_start3A_110 = arith.constant 0 : i32
        %dma_start3A_111 = tpu.memref_slice %arg2[%dma_start3A_109, %dma_start3A_110] : memref<10000x128xf32, #tpu.memory_space<hbm>> -> memref<10000x128xf32, #tpu.memory_space<hbm>>
        tpu.enqueue_indirect_dma source(%dma_start3A_111 : memref<10000x128xf32, #tpu.memory_space<hbm>>) target(%arg10 : memref<128x128xf32, #tpu.memory_space<vmem>>) offsets(%dma_start3A_108 : memref<128xi32, #tpu.memory_space<vmem>>) semaphore(%arg13 : memref<!tpu.dma_semaphore, #tpu.memory_space<semaphore_mem>>)
      } else {
      }
      %mul3A_79 = arith.constant 2 : i32
      %mul3A_80 = arith.muli %while3A_56, %mul3A_79 : i32
      %add3A_81 = arith.constant 1 : i32
      %add3A_82 = arith.addi %mul3A_80, %add3A_81 : i32
      %dma_wait3A_83 = arith.constant 0 : i32
      %dma_wait3A_84 = arith.constant 0 : i32
      %dma_wait3A_85 = tpu.memref_slice %arg7[%dma_wait3A_83, %dma_wait3A_84] : memref<40x128xi32, #tpu.memory_space<vmem>> -> memref<1x128xi32, #tpu.memory_space<vmem>>
      %dma_wait3A_86 = tpu.memref_squeeze %dma_wait3A_85 : memref<1x128xi32, #tpu.memory_space<vmem>> -> memref<128xi32, #tpu.memory_space<vmem>>
      %dma_wait3A_87 = arith.constant 0 : i32
      %dma_wait3A_88 = arith.constant 0 : i32
      %dma_wait3A_89 = tpu.memref_slice %arg2[%dma_wait3A_87, %dma_wait3A_88] : memref<10000x128xf32, #tpu.memory_space<hbm>> -> memref<10000x128xf32, #tpu.memory_space<hbm>>
      tpu.wait_indirect_dma semaphore(%arg13 : memref<!tpu.dma_semaphore, #tpu.memory_space<semaphore_mem>>) src(%dma_wait3A_89 : memref<10000x128xf32, #tpu.memory_space<hbm>>) dst(%arg10 : memref<128x128xf32, #tpu.memory_space<vmem>>)
      %dma_start3A_90 = arith.constant 0 : i32
      %dma_start3A_91 = tpu.memref_slice %arg8[%add3A_82, %dma_start3A_90] : memref<40x128xi32, #tpu.memory_space<vmem>> -> memref<1x128xi32, #tpu.memory_space<vmem>>
      %dma_start3A_92 = tpu.memref_squeeze %dma_start3A_91 : memref<1x128xi32, #tpu.memory_space<vmem>> -> memref<128xi32, #tpu.memory_space<vmem>>
      %dma_start3A_93 = arith.constant 0 : i32
      %dma_start3A_94 = arith.constant 0 : i32
      %dma_start3A_95 = tpu.memref_slice %arg11[%dma_start3A_93, %dma_start3A_94] : memref<10000x128xf32, #tpu.memory_space<vmem_shared>> -> memref<10000x128xf32, #tpu.memory_space<vmem_shared>>
      tpu.enqueue_indirect_dma source(%arg10 : memref<128x128xf32, #tpu.memory_space<vmem>>) target(%dma_start3A_95 : memref<10000x128xf32, #tpu.memory_space<vmem_shared>>) offsets(%dma_start3A_92 : memref<128xi32, #tpu.memory_space<vmem>>) semaphore(%arg15 : memref<!tpu.dma_semaphore, #tpu.memory_space<semaphore_mem>>) {add = true}
      %add3A_96 = arith.constant 1 : i32
      %add3A_97 = arith.addi %add3A_82, %add3A_96 : i32
      %lt3A_98 = arith.cmpi slt, %add3A_97, %select_n3A : i32
      %convert_element_type3A_99 = arith.extui %lt3A_98 : i1 to i32
      %cond3A_100 = arith.constant 0 : i32
      %cond3A_101 = arith.cmpi ne, %convert_element_type3A_99, %cond3A_100 : i32
      scf.if %cond3A_101 {
        %ge3A = arith.constant 2 : i32
        %ge3A_102 = arith.cmpi sge, %add3A_97, %ge3A : i32
        %convert_element_type3A_103 = arith.extui %ge3A_102 : i1 to i32
        %cond3A_104 = arith.constant 0 : i32
        %cond3A_105 = arith.cmpi ne, %convert_element_type3A_103, %cond3A_104 : i32
        scf.if %cond3A_105 {
          %dma_wait3A_112 = arith.constant 0 : i32
          %dma_wait3A_113 = arith.constant 0 : i32
          %dma_wait3A_114 = tpu.memref_slice %arg8[%dma_wait3A_112, %dma_wait3A_113] : memref<40x128xi32, #tpu.memory_space<vmem>> -> memref<1x128xi32, #tpu.memory_space<vmem>>
          %dma_wait3A_115 = tpu.memref_squeeze %dma_wait3A_114 : memref<1x128xi32, #tpu.memory_space<vmem>> -> memref<128xi32, #tpu.memory_space<vmem>>
          %dma_wait3A_116 = arith.constant 0 : i32
          %dma_wait3A_117 = arith.constant 0 : i32
          %dma_wait3A_118 = tpu.memref_slice %arg11[%dma_wait3A_116, %dma_wait3A_117] : memref<10000x128xf32, #tpu.memory_space<vmem_shared>> -> memref<10000x128xf32, #tpu.memory_space<vmem_shared>>
          tpu.wait_indirect_dma semaphore(%arg14 : memref<!tpu.dma_semaphore, #tpu.memory_space<semaphore_mem>>) src(%arg9 : memref<128x128xf32, #tpu.memory_space<vmem>>) dst(%dma_wait3A_118 : memref<10000x128xf32, #tpu.memory_space<vmem_shared>>)
        } else {
        }
        %dma_start3A_106 = arith.constant 0 : i32
        %dma_start3A_107 = tpu.memref_slice %arg7[%add3A_97, %dma_start3A_106] : memref<40x128xi32, #tpu.memory_space<vmem>> -> memref<1x128xi32, #tpu.memory_space<vmem>>
        %dma_start3A_108 = tpu.memref_squeeze %dma_start3A_107 : memref<1x128xi32, #tpu.memory_space<vmem>> -> memref<128xi32, #tpu.memory_space<vmem>>
        %dma_start3A_109 = arith.constant 0 : i32
        %dma_start3A_110 = arith.constant 0 : i32
        %dma_start3A_111 = tpu.memref_slice %arg2[%dma_start3A_109, %dma_start3A_110] : memref<10000x128xf32, #tpu.memory_space<hbm>> -> memref<10000x128xf32, #tpu.memory_space<hbm>>
        tpu.enqueue_indirect_dma source(%dma_start3A_111 : memref<10000x128xf32, #tpu.memory_space<hbm>>) target(%arg9 : memref<128x128xf32, #tpu.memory_space<vmem>>) offsets(%dma_start3A_108 : memref<128xi32, #tpu.memory_space<vmem>>) semaphore(%arg12 : memref<!tpu.dma_semaphore, #tpu.memory_space<semaphore_mem>>)
      } else {
      }
    }
    %dma_wait3A = arith.constant 0 : i32
    %dma_wait3A_32 = arith.constant 0 : i32
    %dma_wait3A_33 = tpu.memref_slice %arg8[%dma_wait3A, %dma_wait3A_32] : memref<40x128xi32, #tpu.memory_space<vmem>> -> memref<1x128xi32, #tpu.memory_space<vmem>>
    %dma_wait3A_34 = tpu.memref_squeeze %dma_wait3A_33 : memref<1x128xi32, #tpu.memory_space<vmem>> -> memref<128xi32, #tpu.memory_space<vmem>>
    %dma_wait3A_35 = arith.constant 0 : i32
    %dma_wait3A_36 = arith.constant 0 : i32
    %dma_wait3A_37 = tpu.memref_slice %arg11[%dma_wait3A_35, %dma_wait3A_36] : memref<10000x128xf32, #tpu.memory_space<vmem_shared>> -> memref<10000x128xf32, #tpu.memory_space<vmem_shared>>
    tpu.wait_indirect_dma semaphore(%arg14 : memref<!tpu.dma_semaphore, #tpu.memory_space<semaphore_mem>>) src(%arg9 : memref<128x128xf32, #tpu.memory_space<vmem>>) dst(%dma_wait3A_37 : memref<10000x128xf32, #tpu.memory_space<vmem_shared>>)
    %dma_wait3A_38 = arith.constant 0 : i32
    %dma_wait3A_39 = arith.constant 0 : i32
    %dma_wait3A_40 = tpu.memref_slice %arg8[%dma_wait3A_38, %dma_wait3A_39] : memref<40x128xi32, #tpu.memory_space<vmem>> -> memref<1x128xi32, #tpu.memory_space<vmem>>
    %dma_wait3A_41 = tpu.memref_squeeze %dma_wait3A_40 : memref<1x128xi32, #tpu.memory_space<vmem>> -> memref<128xi32, #tpu.memory_space<vmem>>
    %dma_wait3A_42 = arith.constant 0 : i32
    %dma_wait3A_43 = arith.constant 0 : i32
    %dma_wait3A_44 = tpu.memref_slice %arg11[%dma_wait3A_42, %dma_wait3A_43] : memref<10000x128xf32, #tpu.memory_space<vmem_shared>> -> memref<10000x128xf32, #tpu.memory_space<vmem_shared>>
    tpu.wait_indirect_dma semaphore(%arg15 : memref<!tpu.dma_semaphore, #tpu.memory_space<semaphore_mem>>) src(%arg10 : memref<128x128xf32, #tpu.memory_space<vmem>>) dst(%dma_wait3A_44 : memref<10000x128xf32, #tpu.memory_space<vmem_shared>>)
    %barrier3A_45 = arith.constant 0 : index
    tpu.barrier barrier_id(%barrier3A_45)
    %ne3A_46 = arith.constant 15 : i32
    %ne3A_47 = arith.cmpi ne, %arg1, %ne3A_46 : i32
    %convert_element_type3A_48 = arith.extui %ne3A_47 : i1 to i32
    %cond3A_49 = arith.constant 0 : i32
    %cond3A_50 = arith.cmpi ne, %convert_element_type3A_48, %cond3A_49 : i32
    scf.if %cond3A_50 {
      "tpu.region"() ({
        %run_scoped3A = tpu.sem_alloc : memref<!tpu.dma_semaphore, #tpu.memory_space<semaphore_mem>>
        %dma_start3A_56 = arith.constant 0 : i32
        %dma_start3A_57 = arith.constant 0 : i32
        %dma_start3A_58 = tpu.memref_slice %arg6[%arg0, %dma_start3A_56, %dma_start3A_57] : memref<2x10000x128xf32, #tpu.memory_space<hbm>> -> memref<1x10000x128xf32, #tpu.memory_space<hbm>>
        %dma_start3A_59 = tpu.memref_squeeze %dma_start3A_58 : memref<1x10000x128xf32, #tpu.memory_space<hbm>> -> memref<10000x128xf32, #tpu.memory_space<hbm>>
        %dma_start3A_60 = arith.constant 0 : i32
        %dma_start3A_61 = tpu.memref_slice %dma_start3A_59[%mul3A_2, %dma_start3A_60] : memref<10000x128xf32, #tpu.memory_space<hbm>> -> memref<624x128xf32, #tpu.memory_space<hbm>>
        %dma_start3A_62 = arith.constant 0 : i32
        %dma_start3A_63 = tpu.memref_slice %arg11[%mul3A_2, %dma_start3A_62] : memref<10000x128xf32, #tpu.memory_space<vmem_shared>> -> memref<624x128xf32, #tpu.memory_space<vmem_shared>>
        tpu.enqueue_dma source(%dma_start3A_63 : memref<624x128xf32, #tpu.memory_space<vmem_shared>>) target(%dma_start3A_61 : memref<624x128xf32, #tpu.memory_space<hbm>>) target_semaphore(%run_scoped3A : memref<!tpu.dma_semaphore, #tpu.memory_space<semaphore_mem>>)
        %dma_wait3A_64 = arith.constant 0 : i32
        %dma_wait3A_65 = arith.constant 0 : i32
        %dma_wait3A_66 = tpu.memref_slice %arg6[%arg0, %dma_wait3A_64, %dma_wait3A_65] : memref<2x10000x128xf32, #tpu.memory_space<hbm>> -> memref<1x10000x128xf32, #tpu.memory_space<hbm>>
        %dma_wait3A_67 = tpu.memref_squeeze %dma_wait3A_66 : memref<1x10000x128xf32, #tpu.memory_space<hbm>> -> memref<10000x128xf32, #tpu.memory_space<hbm>>
        %dma_wait3A_68 = arith.constant 0 : i32
        %dma_wait3A_69 = tpu.memref_slice %dma_wait3A_67[%mul3A_2, %dma_wait3A_68] : memref<10000x128xf32, #tpu.memory_space<hbm>> -> memref<624x128xf32, #tpu.memory_space<hbm>>
        %dma_wait3A_70 = arith.constant 0 : i32
        %dma_wait3A_71 = tpu.memref_slice %arg11[%mul3A_2, %dma_wait3A_70] : memref<10000x128xf32, #tpu.memory_space<vmem_shared>> -> memref<624x128xf32, #tpu.memory_space<vmem_shared>>
        tpu.wait_dma2 semaphore(%run_scoped3A : memref<!tpu.dma_semaphore, #tpu.memory_space<semaphore_mem>>) src(%dma_wait3A_71 : memref<624x128xf32, #tpu.memory_space<vmem_shared>>) dst(%dma_wait3A_69 : memref<624x128xf32, #tpu.memory_space<hbm>>)
        tpu.yield
      }) : () -> ()
    } else {
    }
    %eq3A_51 = arith.constant 15 : i32
    %eq3A_52 = arith.cmpi eq, %arg1, %eq3A_51 : i32
    %convert_element_type3A_53 = arith.extui %eq3A_52 : i1 to i32
    %cond3A_54 = arith.constant 0 : i32
    %cond3A_55 = arith.cmpi ne, %convert_element_type3A_53, %cond3A_54 : i32
    scf.if %cond3A_55 {
      "tpu.region"() ({
        %run_scoped3A = tpu.sem_alloc : memref<!tpu.dma_semaphore, #tpu.memory_space<semaphore_mem>>
        %dma_start3A_56 = arith.constant 0 : i32
        %dma_start3A_57 = arith.constant 0 : i32
        %dma_start3A_58 = tpu.memref_slice %arg6[%arg0, %dma_start3A_56, %dma_start3A_57] : memref<2x10000x128xf32, #tpu.memory_space<hbm>> -> memref<1x10000x128xf32, #tpu.memory_space<hbm>>
        %dma_start3A_59 = tpu.memref_squeeze %dma_start3A_58 : memref<1x10000x128xf32, #tpu.memory_space<hbm>> -> memref<10000x128xf32, #tpu.memory_space<hbm>>
        %dma_start3A_60 = arith.constant 0 : i32
        %dma_start3A_61 = tpu.memref_slice %dma_start3A_59[%mul3A_2, %dma_start3A_60] : memref<10000x128xf32, #tpu.memory_space<hbm>> -> memref<640x128xf32, #tpu.memory_space<hbm>>
        %dma_start3A_62 = arith.constant 0 : i32
        %dma_start3A_63 = tpu.memref_slice %arg11[%mul3A_2, %dma_start3A_62] : memref<10000x128xf32, #tpu.memory_space<vmem_shared>> -> memref<640x128xf32, #tpu.memory_space<vmem_shared>>
        tpu.enqueue_dma source(%dma_start3A_63 : memref<640x128xf32, #tpu.memory_space<vmem_shared>>) target(%dma_start3A_61 : memref<640x128xf32, #tpu.memory_space<hbm>>) target_semaphore(%run_scoped3A : memref<!tpu.dma_semaphore, #tpu.memory_space<semaphore_mem>>)
        %dma_wait3A_64 = arith.constant 0 : i32
        %dma_wait3A_65 = arith.constant 0 : i32
        %dma_wait3A_66 = tpu.memref_slice %arg6[%arg0, %dma_wait3A_64, %dma_wait3A_65] : memref<2x10000x128xf32, #tpu.memory_space<hbm>> -> memref<1x10000x128xf32, #tpu.memory_space<hbm>>
        %dma_wait3A_67 = tpu.memref_squeeze %dma_wait3A_66 : memref<1x10000x128xf32, #tpu.memory_space<hbm>> -> memref<10000x128xf32, #tpu.memory_space<hbm>>
        %dma_wait3A_68 = arith.constant 0 : i32
        %dma_wait3A_69 = tpu.memref_slice %dma_wait3A_67[%mul3A_2, %dma_wait3A_68] : memref<10000x128xf32, #tpu.memory_space<hbm>> -> memref<640x128xf32, #tpu.memory_space<hbm>>
        %dma_wait3A_70 = arith.constant 0 : i32
        %dma_wait3A_71 = tpu.memref_slice %arg11[%mul3A_2, %dma_wait3A_70] : memref<10000x128xf32, #tpu.memory_space<vmem_shared>> -> memref<640x128xf32, #tpu.memory_space<vmem_shared>>
        tpu.wait_dma2 semaphore(%run_scoped3A : memref<!tpu.dma_semaphore, #tpu.memory_space<semaphore_mem>>) src(%dma_wait3A_71 : memref<640x128xf32, #tpu.memory_space<vmem_shared>>) dst(%dma_wait3A_69 : memref<640x128xf32, #tpu.memory_space<hbm>>)
        tpu.yield
      }) : () -> ()
    } else {
    }
    return
  }
}

#map = affine_map<(d0, d1) -> (0, 0)>
#map1 = affine_map<(d0, d1) -> (0, 0, 0)>
module attributes {stable_mosaic.version = 14 : i64} {
  func.func @seg(%arg0: i32, %arg1: i32, %arg2: memref<10000x128xf32, #tpu.memory_space<hbm>>, %arg3: memref<1280x128xi32, #tpu.memory_space<hbm>>, %arg4: memref<1280x128xi32, #tpu.memory_space<hbm>>, %arg5: memref<640x128xf32, #tpu.memory_space<hbm>>, %arg6: memref<2x10000x128xf32, #tpu.memory_space<hbm>>, %arg7: memref<40x128xi32, #tpu.memory_space<vmem>>, %arg8: memref<40x128xi32, #tpu.memory_space<vmem>>, %arg9: memref<128x128xf32, #tpu.memory_space<vmem>>, %arg10: memref<128x128xf32, #tpu.memory_space<vmem>>, %arg11: memref<10000x128xf32, #tpu.memory_space<vmem_shared>>, %arg12: memref<!tpu.dma_semaphore, #tpu.memory_space<semaphore_mem>>, %arg13: memref<!tpu.dma_semaphore, #tpu.memory_space<semaphore_mem>>, %arg14: memref<!tpu.dma_semaphore, #tpu.memory_space<semaphore_mem>>, %arg15: memref<!tpu.dma_semaphore, #tpu.memory_space<semaphore_mem>>) attributes {dimension_semantics = [#tpu.dimension_semantics<core_parallel>, #tpu.dimension_semantics<subcore_parallel>], iteration_bounds = array<i64: 2, 16>, scalar_prefetch = 0 : i64, scratch_operands = 9 : i64, tpu.core_type = #tpu.core_type<sc_vector_subcore>, window_params = [{transform_indices = #map}, {transform_indices = #map}, {transform_indices = #map}, {transform_indices = #map}, {transform_indices = #map1}]} {
    %mul3A = arith.constant 16 : i32
    %mul3A_0 = arith.muli %arg0, %mul3A : i32
    %add3A = arith.addi %mul3A_0, %arg1 : i32
    %mul3A_1 = arith.constant 624 : i32
    %mul3A_2 = arith.muli %arg1, %mul3A_1 : i32
    %ne3A = arith.constant 15 : i32
    %ne3A_3 = arith.cmpi ne, %arg1, %ne3A : i32
    %convert_element_type3A = arith.extui %ne3A_3 : i1 to i32
    %cond3A = arith.constant 0 : i32
    %cond3A_4 = arith.cmpi ne, %convert_element_type3A, %cond3A : i32
    scf.if %cond3A_4 {
      "tpu.region"() ({
        %run_scoped3A = tpu.sem_alloc : memref<!tpu.dma_semaphore, #tpu.memory_space<semaphore_mem>>
        %dma_start3A_56 = arith.constant 0 : i32
        %dma_start3A_57 = tpu.memref_slice %arg11[%mul3A_2, %dma_start3A_56] : memref<10000x128xf32, #tpu.memory_space<vmem_shared>> -> memref<624x128xf32, #tpu.memory_space<vmem_shared>>
        %dma_start3A_58 = arith.constant 0 : i32
        %dma_start3A_59 = arith.constant 0 : i32
        %dma_start3A_60 = tpu.memref_slice %arg5[%dma_start3A_58, %dma_start3A_59] : memref<640x128xf32, #tpu.memory_space<hbm>> -> memref<624x128xf32, #tpu.memory_space<hbm>>
        tpu.enqueue_dma source(%dma_start3A_60 : memref<624x128xf32, #tpu.memory_space<hbm>>) target(%dma_start3A_57 : memref<624x128xf32, #tpu.memory_space<vmem_shared>>) target_semaphore(%run_scoped3A : memref<!tpu.dma_semaphore, #tpu.memory_space<semaphore_mem>>)
        %dma_wait3A_61 = arith.constant 0 : i32
        %dma_wait3A_62 = tpu.memref_slice %arg11[%mul3A_2, %dma_wait3A_61] : memref<10000x128xf32, #tpu.memory_space<vmem_shared>> -> memref<624x128xf32, #tpu.memory_space<vmem_shared>>
        %dma_wait3A_63 = arith.constant 0 : i32
        %dma_wait3A_64 = arith.constant 0 : i32
        %dma_wait3A_65 = tpu.memref_slice %arg5[%dma_wait3A_63, %dma_wait3A_64] : memref<640x128xf32, #tpu.memory_space<hbm>> -> memref<624x128xf32, #tpu.memory_space<hbm>>
        tpu.wait_dma2 semaphore(%run_scoped3A : memref<!tpu.dma_semaphore, #tpu.memory_space<semaphore_mem>>) src(%dma_wait3A_65 : memref<624x128xf32, #tpu.memory_space<hbm>>) dst(%dma_wait3A_62 : memref<624x128xf32, #tpu.memory_space<vmem_shared>>)
        tpu.yield
      }) : () -> ()
    } else {
    }
    %eq3A = arith.constant 15 : i32
    %eq3A_5 = arith.cmpi eq, %arg1, %eq3A : i32
    %convert_element_type3A_6 = arith.extui %eq3A_5 : i1 to i32
    %cond3A_7 = arith.constant 0 : i32
    %cond3A_8 = arith.cmpi ne, %convert_element_type3A_6, %cond3A_7 : i32
    scf.if %cond3A_8 {
      "tpu.region"() ({
        %run_scoped3A = tpu.sem_alloc : memref<!tpu.dma_semaphore, #tpu.memory_space<semaphore_mem>>
        %dma_start3A_56 = arith.constant 0 : i32
        %dma_start3A_57 = tpu.memref_slice %arg11[%mul3A_2, %dma_start3A_56] : memref<10000x128xf32, #tpu.memory_space<vmem_shared>> -> memref<640x128xf32, #tpu.memory_space<vmem_shared>>
        tpu.enqueue_dma source(%arg5 : memref<640x128xf32, #tpu.memory_space<hbm>>) target(%dma_start3A_57 : memref<640x128xf32, #tpu.memory_space<vmem_shared>>) target_semaphore(%run_scoped3A : memref<!tpu.dma_semaphore, #tpu.memory_space<semaphore_mem>>)
        %dma_wait3A_58 = arith.constant 0 : i32
        %dma_wait3A_59 = tpu.memref_slice %arg11[%mul3A_2, %dma_wait3A_58] : memref<10000x128xf32, #tpu.memory_space<vmem_shared>> -> memref<640x128xf32, #tpu.memory_space<vmem_shared>>
        tpu.wait_dma2 semaphore(%run_scoped3A : memref<!tpu.dma_semaphore, #tpu.memory_space<semaphore_mem>>) src(%arg5 : memref<640x128xf32, #tpu.memory_space<hbm>>) dst(%dma_wait3A_59 : memref<640x128xf32, #tpu.memory_space<vmem_shared>>)
        tpu.yield
      }) : () -> ()
    } else {
    }
    %eq3A_9 = arith.constant 31 : i32
    %eq3A_10 = arith.cmpi eq, %add3A, %eq3A_9 : i32
    %jit3A = arith.constant 10 : i32
    %jit3A_11 = arith.constant 40 : i32
    %select_n3A = arith.select %eq3A_10, %jit3A, %jit3A_11 : i32
    %mul3A_12 = arith.constant 40 : i32
    %mul3A_13 = arith.muli %add3A, %mul3A_12 : i32
    "tpu.region"() ({
      %run_scoped3A = tpu.sem_alloc : memref<!tpu.dma_semaphore, #tpu.memory_space<semaphore_mem>>
      %dma_start3A_56 = arith.constant 0 : i32
      %dma_start3A_57 = tpu.memref_slice %arg3[%mul3A_13, %dma_start3A_56] : memref<1280x128xi32, #tpu.memory_space<hbm>> -> memref<40x128xi32, #tpu.memory_space<hbm>>
      %dma_start3A_58 = arith.constant 0 : i32
      %dma_start3A_59 = tpu.memref_slice %arg3[%mul3A_13, %dma_start3A_58] : memref<1280x128xi32, #tpu.memory_space<hbm>> -> memref<40x128xi32, #tpu.memory_space<hbm>>
      tpu.enqueue_dma source(%dma_start3A_59 : memref<40x128xi32, #tpu.memory_space<hbm>>) target(%arg7 : memref<40x128xi32, #tpu.memory_space<vmem>>) target_semaphore(%run_scoped3A : memref<!tpu.dma_semaphore, #tpu.memory_space<semaphore_mem>>)
      %dma_wait3A_60 = arith.constant 0 : i32
      %dma_wait3A_61 = tpu.memref_slice %arg3[%mul3A_13, %dma_wait3A_60] : memref<1280x128xi32, #tpu.memory_space<hbm>> -> memref<40x128xi32, #tpu.memory_space<hbm>>
      %dma_wait3A_62 = arith.constant 0 : i32
      %dma_wait3A_63 = tpu.memref_slice %arg3[%mul3A_13, %dma_wait3A_62] : memref<1280x128xi32, #tpu.memory_space<hbm>> -> memref<40x128xi32, #tpu.memory_space<hbm>>
      tpu.wait_dma2 semaphore(%run_scoped3A : memref<!tpu.dma_semaphore, #tpu.memory_space<semaphore_mem>>) src(%dma_wait3A_63 : memref<40x128xi32, #tpu.memory_space<hbm>>) dst(%arg7 : memref<40x128xi32, #tpu.memory_space<vmem>>)
      tpu.yield
    }) : () -> ()
    %mul3A_14 = arith.constant 40 : i32
    %mul3A_15 = arith.muli %add3A, %mul3A_14 : i32
    "tpu.region"() ({
      %run_scoped3A = tpu.sem_alloc : memref<!tpu.dma_semaphore, #tpu.memory_space<semaphore_mem>>
      %dma_start3A_56 = arith.constant 0 : i32
      %dma_start3A_57 = tpu.memref_slice %arg4[%mul3A_15, %dma_start3A_56] : memref<1280x128xi32, #tpu.memory_space<hbm>> -> memref<40x128xi32, #tpu.memory_space<hbm>>
      %dma_start3A_58 = arith.constant 0 : i32
      %dma_start3A_59 = tpu.memref_slice %arg4[%mul3A_15, %dma_start3A_58] : memref<1280x128xi32, #tpu.memory_space<hbm>> -> memref<40x128xi32, #tpu.memory_space<hbm>>
      tpu.enqueue_dma source(%dma_start3A_59 : memref<40x128xi32, #tpu.memory_space<hbm>>) target(%arg8 : memref<40x128xi32, #tpu.memory_space<vmem>>) target_semaphore(%run_scoped3A : memref<!tpu.dma_semaphore, #tpu.memory_space<semaphore_mem>>)
      %dma_wait3A_60 = arith.constant 0 : i32
      %dma_wait3A_61 = tpu.memref_slice %arg4[%mul3A_15, %dma_wait3A_60] : memref<1280x128xi32, #tpu.memory_space<hbm>> -> memref<40x128xi32, #tpu.memory_space<hbm>>
      %dma_wait3A_62 = arith.constant 0 : i32
      %dma_wait3A_63 = tpu.memref_slice %arg4[%mul3A_15, %dma_wait3A_62] : memref<1280x128xi32, #tpu.memory_space<hbm>> -> memref<40x128xi32, #tpu.memory_space<hbm>>
      tpu.wait_dma2 semaphore(%run_scoped3A : memref<!tpu.dma_semaphore, #tpu.memory_space<semaphore_mem>>) src(%dma_wait3A_63 : memref<40x128xi32, #tpu.memory_space<hbm>>) dst(%arg8 : memref<40x128xi32, #tpu.memory_space<vmem>>)
      tpu.yield
    }) : () -> ()
    %barrier3A = arith.constant 0 : index
    tpu.barrier barrier_id(%barrier3A)
    %dma_start3A = arith.constant 0 : i32
    %dma_start3A_16 = arith.constant 0 : i32
    %dma_start3A_17 = tpu.memref_slice %arg7[%dma_start3A, %dma_start3A_16] : memref<40x128xi32, #tpu.memory_space<vmem>> -> memref<1x128xi32, #tpu.memory_space<vmem>>
    %dma_start3A_18 = tpu.memref_squeeze %dma_start3A_17 : memref<1x128xi32, #tpu.memory_space<vmem>> -> memref<128xi32, #tpu.memory_space<vmem>>
    %dma_start3A_19 = arith.constant 0 : i32
    %dma_start3A_20 = arith.constant 0 : i32
    %dma_start3A_21 = tpu.memref_slice %arg2[%dma_start3A_19, %dma_start3A_20] : memref<10000x128xf32, #tpu.memory_space<hbm>> -> memref<10000x128xf32, #tpu.memory_space<hbm>>
    tpu.enqueue_indirect_dma source(%dma_start3A_21 : memref<10000x128xf32, #tpu.memory_space<hbm>>) target(%arg9 : memref<128x128xf32, #tpu.memory_space<vmem>>) offsets(%dma_start3A_18 : memref<128xi32, #tpu.memory_space<vmem>>) semaphore(%arg12 : memref<!tpu.dma_semaphore, #tpu.memory_space<semaphore_mem>>)
    %div3A = arith.constant 2 : i32
    %div3A_22 = arith.divsi %select_n3A, %div3A : i32
    %while3A = arith.constant 0 : i32
    %while3A_23 = arith.constant 0 : i32
    %while3A_24 = arith.subi %div3A_22, %while3A_23 : i32
    %while3A_25 = arith.addi %while3A_23, %while3A_24 : i32
    %while3A_26 = arith.constant 1 : i32
    %while3A_27 = arith.divsi %while3A_24, %while3A_26 : i32
    %while3A_28 = arith.muli %while3A_27, %while3A_26 : i32
    %while3A_29 = arith.addi %while3A_23, %while3A_28 : i32
    %while3A_30 = arith.constant 1 : i32
    scf.for %while3A_56 = %while3A_23 to %while3A_29 step %while3A_30  : i32 {
      %mul3A_57 = arith.constant 2 : i32
      %mul3A_58 = arith.muli %while3A_56, %mul3A_57 : i32
      %add3A_59 = arith.constant 0 : i32
      %add3A_60 = arith.addi %mul3A_58, %add3A_59 : i32
      %dma_wait3A_61 = arith.constant 0 : i32
      %dma_wait3A_62 = arith.constant 0 : i32
      %dma_wait3A_63 = tpu.memref_slice %arg7[%dma_wait3A_61, %dma_wait3A_62] : memref<40x128xi32, #tpu.memory_space<vmem>> -> memref<1x128xi32, #tpu.memory_space<vmem>>
      %dma_wait3A_64 = tpu.memref_squeeze %dma_wait3A_63 : memref<1x128xi32, #tpu.memory_space<vmem>> -> memref<128xi32, #tpu.memory_space<vmem>>
      %dma_wait3A_65 = arith.constant 0 : i32
      %dma_wait3A_66 = arith.constant 0 : i32
      %dma_wait3A_67 = tpu.memref_slice %arg2[%dma_wait3A_65, %dma_wait3A_66] : memref<10000x128xf32, #tpu.memory_space<hbm>> -> memref<10000x128xf32, #tpu.memory_space<hbm>>
      tpu.wait_indirect_dma semaphore(%arg12 : memref<!tpu.dma_semaphore, #tpu.memory_space<semaphore_mem>>) src(%dma_wait3A_67 : memref<10000x128xf32, #tpu.memory_space<hbm>>) dst(%arg9 : memref<128x128xf32, #tpu.memory_space<vmem>>)
      %dma_start3A_68 = arith.constant 0 : i32
      %dma_start3A_69 = tpu.memref_slice %arg8[%add3A_60, %dma_start3A_68] : memref<40x128xi32, #tpu.memory_space<vmem>> -> memref<1x128xi32, #tpu.memory_space<vmem>>
      %dma_start3A_70 = tpu.memref_squeeze %dma_start3A_69 : memref<1x128xi32, #tpu.memory_space<vmem>> -> memref<128xi32, #tpu.memory_space<vmem>>
      %dma_start3A_71 = arith.constant 0 : i32
      %dma_start3A_72 = arith.constant 0 : i32
      %dma_start3A_73 = tpu.memref_slice %arg11[%dma_start3A_71, %dma_start3A_72] : memref<10000x128xf32, #tpu.memory_space<vmem_shared>> -> memref<10000x128xf32, #tpu.memory_space<vmem_shared>>
      tpu.enqueue_indirect_dma source(%arg9 : memref<128x128xf32, #tpu.memory_space<vmem>>) target(%dma_start3A_73 : memref<10000x128xf32, #tpu.memory_space<vmem_shared>>) offsets(%dma_start3A_70 : memref<128xi32, #tpu.memory_space<vmem>>) semaphore(%arg14 : memref<!tpu.dma_semaphore, #tpu.memory_space<semaphore_mem>>) {add = true}
      %add3A_74 = arith.constant 1 : i32
      %add3A_75 = arith.addi %add3A_60, %add3A_74 : i32
      %lt3A = arith.cmpi slt, %add3A_75, %select_n3A : i32
      %convert_element_type3A_76 = arith.extui %lt3A : i1 to i32
      %cond3A_77 = arith.constant 0 : i32
      %cond3A_78 = arith.cmpi ne, %convert_element_type3A_76, %cond3A_77 : i32
      scf.if %cond3A_78 {
        %ge3A = arith.constant 2 : i32
        %ge3A_102 = arith.cmpi sge, %add3A_75, %ge3A : i32
        %convert_element_type3A_103 = arith.extui %ge3A_102 : i1 to i32
        %cond3A_104 = arith.constant 0 : i32
        %cond3A_105 = arith.cmpi ne, %convert_element_type3A_103, %cond3A_104 : i32
        scf.if %cond3A_105 {
          %dma_wait3A_112 = arith.constant 0 : i32
          %dma_wait3A_113 = arith.constant 0 : i32
          %dma_wait3A_114 = tpu.memref_slice %arg8[%dma_wait3A_112, %dma_wait3A_113] : memref<40x128xi32, #tpu.memory_space<vmem>> -> memref<1x128xi32, #tpu.memory_space<vmem>>
          %dma_wait3A_115 = tpu.memref_squeeze %dma_wait3A_114 : memref<1x128xi32, #tpu.memory_space<vmem>> -> memref<128xi32, #tpu.memory_space<vmem>>
          %dma_wait3A_116 = arith.constant 0 : i32
          %dma_wait3A_117 = arith.constant 0 : i32
          %dma_wait3A_118 = tpu.memref_slice %arg11[%dma_wait3A_116, %dma_wait3A_117] : memref<10000x128xf32, #tpu.memory_space<vmem_shared>> -> memref<10000x128xf32, #tpu.memory_space<vmem_shared>>
          tpu.wait_indirect_dma semaphore(%arg15 : memref<!tpu.dma_semaphore, #tpu.memory_space<semaphore_mem>>) src(%arg10 : memref<128x128xf32, #tpu.memory_space<vmem>>) dst(%dma_wait3A_118 : memref<10000x128xf32, #tpu.memory_space<vmem_shared>>)
        } else {
        }
        %dma_start3A_106 = arith.constant 0 : i32
        %dma_start3A_107 = tpu.memref_slice %arg7[%add3A_75, %dma_start3A_106] : memref<40x128xi32, #tpu.memory_space<vmem>> -> memref<1x128xi32, #tpu.memory_space<vmem>>
        %dma_start3A_108 = tpu.memref_squeeze %dma_start3A_107 : memref<1x128xi32, #tpu.memory_space<vmem>> -> memref<128xi32, #tpu.memory_space<vmem>>
        %dma_start3A_109 = arith.constant 0 : i32
        %dma_start3A_110 = arith.constant 0 : i32
        %dma_start3A_111 = tpu.memref_slice %arg2[%dma_start3A_109, %dma_start3A_110] : memref<10000x128xf32, #tpu.memory_space<hbm>> -> memref<10000x128xf32, #tpu.memory_space<hbm>>
        tpu.enqueue_indirect_dma source(%dma_start3A_111 : memref<10000x128xf32, #tpu.memory_space<hbm>>) target(%arg10 : memref<128x128xf32, #tpu.memory_space<vmem>>) offsets(%dma_start3A_108 : memref<128xi32, #tpu.memory_space<vmem>>) semaphore(%arg13 : memref<!tpu.dma_semaphore, #tpu.memory_space<semaphore_mem>>)
      } else {
      }
      %mul3A_79 = arith.constant 2 : i32
      %mul3A_80 = arith.muli %while3A_56, %mul3A_79 : i32
      %add3A_81 = arith.constant 1 : i32
      %add3A_82 = arith.addi %mul3A_80, %add3A_81 : i32
      %dma_wait3A_83 = arith.constant 0 : i32
      %dma_wait3A_84 = arith.constant 0 : i32
      %dma_wait3A_85 = tpu.memref_slice %arg7[%dma_wait3A_83, %dma_wait3A_84] : memref<40x128xi32, #tpu.memory_space<vmem>> -> memref<1x128xi32, #tpu.memory_space<vmem>>
      %dma_wait3A_86 = tpu.memref_squeeze %dma_wait3A_85 : memref<1x128xi32, #tpu.memory_space<vmem>> -> memref<128xi32, #tpu.memory_space<vmem>>
      %dma_wait3A_87 = arith.constant 0 : i32
      %dma_wait3A_88 = arith.constant 0 : i32
      %dma_wait3A_89 = tpu.memref_slice %arg2[%dma_wait3A_87, %dma_wait3A_88] : memref<10000x128xf32, #tpu.memory_space<hbm>> -> memref<10000x128xf32, #tpu.memory_space<hbm>>
      tpu.wait_indirect_dma semaphore(%arg13 : memref<!tpu.dma_semaphore, #tpu.memory_space<semaphore_mem>>) src(%dma_wait3A_89 : memref<10000x128xf32, #tpu.memory_space<hbm>>) dst(%arg10 : memref<128x128xf32, #tpu.memory_space<vmem>>)
      %dma_start3A_90 = arith.constant 0 : i32
      %dma_start3A_91 = tpu.memref_slice %arg8[%add3A_82, %dma_start3A_90] : memref<40x128xi32, #tpu.memory_space<vmem>> -> memref<1x128xi32, #tpu.memory_space<vmem>>
      %dma_start3A_92 = tpu.memref_squeeze %dma_start3A_91 : memref<1x128xi32, #tpu.memory_space<vmem>> -> memref<128xi32, #tpu.memory_space<vmem>>
      %dma_start3A_93 = arith.constant 0 : i32
      %dma_start3A_94 = arith.constant 0 : i32
      %dma_start3A_95 = tpu.memref_slice %arg11[%dma_start3A_93, %dma_start3A_94] : memref<10000x128xf32, #tpu.memory_space<vmem_shared>> -> memref<10000x128xf32, #tpu.memory_space<vmem_shared>>
      tpu.enqueue_indirect_dma source(%arg10 : memref<128x128xf32, #tpu.memory_space<vmem>>) target(%dma_start3A_95 : memref<10000x128xf32, #tpu.memory_space<vmem_shared>>) offsets(%dma_start3A_92 : memref<128xi32, #tpu.memory_space<vmem>>) semaphore(%arg15 : memref<!tpu.dma_semaphore, #tpu.memory_space<semaphore_mem>>) {add = true}
      %add3A_96 = arith.constant 1 : i32
      %add3A_97 = arith.addi %add3A_82, %add3A_96 : i32
      %lt3A_98 = arith.cmpi slt, %add3A_97, %select_n3A : i32
      %convert_element_type3A_99 = arith.extui %lt3A_98 : i1 to i32
      %cond3A_100 = arith.constant 0 : i32
      %cond3A_101 = arith.cmpi ne, %convert_element_type3A_99, %cond3A_100 : i32
      scf.if %cond3A_101 {
        %ge3A = arith.constant 2 : i32
        %ge3A_102 = arith.cmpi sge, %add3A_97, %ge3A : i32
        %convert_element_type3A_103 = arith.extui %ge3A_102 : i1 to i32
        %cond3A_104 = arith.constant 0 : i32
        %cond3A_105 = arith.cmpi ne, %convert_element_type3A_103, %cond3A_104 : i32
        scf.if %cond3A_105 {
          %dma_wait3A_112 = arith.constant 0 : i32
          %dma_wait3A_113 = arith.constant 0 : i32
          %dma_wait3A_114 = tpu.memref_slice %arg8[%dma_wait3A_112, %dma_wait3A_113] : memref<40x128xi32, #tpu.memory_space<vmem>> -> memref<1x128xi32, #tpu.memory_space<vmem>>
          %dma_wait3A_115 = tpu.memref_squeeze %dma_wait3A_114 : memref<1x128xi32, #tpu.memory_space<vmem>> -> memref<128xi32, #tpu.memory_space<vmem>>
          %dma_wait3A_116 = arith.constant 0 : i32
          %dma_wait3A_117 = arith.constant 0 : i32
          %dma_wait3A_118 = tpu.memref_slice %arg11[%dma_wait3A_116, %dma_wait3A_117] : memref<10000x128xf32, #tpu.memory_space<vmem_shared>> -> memref<10000x128xf32, #tpu.memory_space<vmem_shared>>
          tpu.wait_indirect_dma semaphore(%arg14 : memref<!tpu.dma_semaphore, #tpu.memory_space<semaphore_mem>>) src(%arg9 : memref<128x128xf32, #tpu.memory_space<vmem>>) dst(%dma_wait3A_118 : memref<10000x128xf32, #tpu.memory_space<vmem_shared>>)
        } else {
        }
        %dma_start3A_106 = arith.constant 0 : i32
        %dma_start3A_107 = tpu.memref_slice %arg7[%add3A_97, %dma_start3A_106] : memref<40x128xi32, #tpu.memory_space<vmem>> -> memref<1x128xi32, #tpu.memory_space<vmem>>
        %dma_start3A_108 = tpu.memref_squeeze %dma_start3A_107 : memref<1x128xi32, #tpu.memory_space<vmem>> -> memref<128xi32, #tpu.memory_space<vmem>>
        %dma_start3A_109 = arith.constant 0 : i32
        %dma_start3A_110 = arith.constant 0 : i32
        %dma_start3A_111 = tpu.memref_slice %arg2[%dma_start3A_109, %dma_start3A_110] : memref<10000x128xf32, #tpu.memory_space<hbm>> -> memref<10000x128xf32, #tpu.memory_space<hbm>>
        tpu.enqueue_indirect_dma source(%dma_start3A_111 : memref<10000x128xf32, #tpu.memory_space<hbm>>) target(%arg9 : memref<128x128xf32, #tpu.memory_space<vmem>>) offsets(%dma_start3A_108 : memref<128xi32, #tpu.memory_space<vmem>>) semaphore(%arg12 : memref<!tpu.dma_semaphore, #tpu.memory_space<semaphore_mem>>)
      } else {
      }
    }
    %while3A_31 = arith.constant 1 : i32
    scf.for %while3A_56 = %while3A_29 to %while3A_25 step %while3A_31  : i32 {
      %mul3A_57 = arith.constant 2 : i32
      %mul3A_58 = arith.muli %while3A_56, %mul3A_57 : i32
      %add3A_59 = arith.constant 0 : i32
      %add3A_60 = arith.addi %mul3A_58, %add3A_59 : i32
      %dma_wait3A_61 = arith.constant 0 : i32
      %dma_wait3A_62 = arith.constant 0 : i32
      %dma_wait3A_63 = tpu.memref_slice %arg7[%dma_wait3A_61, %dma_wait3A_62] : memref<40x128xi32, #tpu.memory_space<vmem>> -> memref<1x128xi32, #tpu.memory_space<vmem>>
      %dma_wait3A_64 = tpu.memref_squeeze %dma_wait3A_63 : memref<1x128xi32, #tpu.memory_space<vmem>> -> memref<128xi32, #tpu.memory_space<vmem>>
      %dma_wait3A_65 = arith.constant 0 : i32
      %dma_wait3A_66 = arith.constant 0 : i32
      %dma_wait3A_67 = tpu.memref_slice %arg2[%dma_wait3A_65, %dma_wait3A_66] : memref<10000x128xf32, #tpu.memory_space<hbm>> -> memref<10000x128xf32, #tpu.memory_space<hbm>>
      tpu.wait_indirect_dma semaphore(%arg12 : memref<!tpu.dma_semaphore, #tpu.memory_space<semaphore_mem>>) src(%dma_wait3A_67 : memref<10000x128xf32, #tpu.memory_space<hbm>>) dst(%arg9 : memref<128x128xf32, #tpu.memory_space<vmem>>)
      %dma_start3A_68 = arith.constant 0 : i32
      %dma_start3A_69 = tpu.memref_slice %arg8[%add3A_60, %dma_start3A_68] : memref<40x128xi32, #tpu.memory_space<vmem>> -> memref<1x128xi32, #tpu.memory_space<vmem>>
      %dma_start3A_70 = tpu.memref_squeeze %dma_start3A_69 : memref<1x128xi32, #tpu.memory_space<vmem>> -> memref<128xi32, #tpu.memory_space<vmem>>
      %dma_start3A_71 = arith.constant 0 : i32
      %dma_start3A_72 = arith.constant 0 : i32
      %dma_start3A_73 = tpu.memref_slice %arg11[%dma_start3A_71, %dma_start3A_72] : memref<10000x128xf32, #tpu.memory_space<vmem_shared>> -> memref<10000x128xf32, #tpu.memory_space<vmem_shared>>
      tpu.enqueue_indirect_dma source(%arg9 : memref<128x128xf32, #tpu.memory_space<vmem>>) target(%dma_start3A_73 : memref<10000x128xf32, #tpu.memory_space<vmem_shared>>) offsets(%dma_start3A_70 : memref<128xi32, #tpu.memory_space<vmem>>) semaphore(%arg14 : memref<!tpu.dma_semaphore, #tpu.memory_space<semaphore_mem>>) {add = true}
      %add3A_74 = arith.constant 1 : i32
      %add3A_75 = arith.addi %add3A_60, %add3A_74 : i32
      %lt3A = arith.cmpi slt, %add3A_75, %select_n3A : i32
      %convert_element_type3A_76 = arith.extui %lt3A : i1 to i32
      %cond3A_77 = arith.constant 0 : i32
      %cond3A_78 = arith.cmpi ne, %convert_element_type3A_76, %cond3A_77 : i32
      scf.if %cond3A_78 {
        %ge3A = arith.constant 2 : i32
        %ge3A_102 = arith.cmpi sge, %add3A_75, %ge3A : i32
        %convert_element_type3A_103 = arith.extui %ge3A_102 : i1 to i32
        %cond3A_104 = arith.constant 0 : i32
        %cond3A_105 = arith.cmpi ne, %convert_element_type3A_103, %cond3A_104 : i32
        scf.if %cond3A_105 {
          %dma_wait3A_112 = arith.constant 0 : i32
          %dma_wait3A_113 = arith.constant 0 : i32
          %dma_wait3A_114 = tpu.memref_slice %arg8[%dma_wait3A_112, %dma_wait3A_113] : memref<40x128xi32, #tpu.memory_space<vmem>> -> memref<1x128xi32, #tpu.memory_space<vmem>>
          %dma_wait3A_115 = tpu.memref_squeeze %dma_wait3A_114 : memref<1x128xi32, #tpu.memory_space<vmem>> -> memref<128xi32, #tpu.memory_space<vmem>>
          %dma_wait3A_116 = arith.constant 0 : i32
          %dma_wait3A_117 = arith.constant 0 : i32
          %dma_wait3A_118 = tpu.memref_slice %arg11[%dma_wait3A_116, %dma_wait3A_117] : memref<10000x128xf32, #tpu.memory_space<vmem_shared>> -> memref<10000x128xf32, #tpu.memory_space<vmem_shared>>
          tpu.wait_indirect_dma semaphore(%arg15 : memref<!tpu.dma_semaphore, #tpu.memory_space<semaphore_mem>>) src(%arg10 : memref<128x128xf32, #tpu.memory_space<vmem>>) dst(%dma_wait3A_118 : memref<10000x128xf32, #tpu.memory_space<vmem_shared>>)
        } else {
        }
        %dma_start3A_106 = arith.constant 0 : i32
        %dma_start3A_107 = tpu.memref_slice %arg7[%add3A_75, %dma_start3A_106] : memref<40x128xi32, #tpu.memory_space<vmem>> -> memref<1x128xi32, #tpu.memory_space<vmem>>
        %dma_start3A_108 = tpu.memref_squeeze %dma_start3A_107 : memref<1x128xi32, #tpu.memory_space<vmem>> -> memref<128xi32, #tpu.memory_space<vmem>>
        %dma_start3A_109 = arith.constant 0 : i32
        %dma_start3A_110 = arith.constant 0 : i32
        %dma_start3A_111 = tpu.memref_slice %arg2[%dma_start3A_109, %dma_start3A_110] : memref<10000x128xf32, #tpu.memory_space<hbm>> -> memref<10000x128xf32, #tpu.memory_space<hbm>>
        tpu.enqueue_indirect_dma source(%dma_start3A_111 : memref<10000x128xf32, #tpu.memory_space<hbm>>) target(%arg10 : memref<128x128xf32, #tpu.memory_space<vmem>>) offsets(%dma_start3A_108 : memref<128xi32, #tpu.memory_space<vmem>>) semaphore(%arg13 : memref<!tpu.dma_semaphore, #tpu.memory_space<semaphore_mem>>)
      } else {
      }
      %mul3A_79 = arith.constant 2 : i32
      %mul3A_80 = arith.muli %while3A_56, %mul3A_79 : i32
      %add3A_81 = arith.constant 1 : i32
      %add3A_82 = arith.addi %mul3A_80, %add3A_81 : i32
      %dma_wait3A_83 = arith.constant 0 : i32
      %dma_wait3A_84 = arith.constant 0 : i32
      %dma_wait3A_85 = tpu.memref_slice %arg7[%dma_wait3A_83, %dma_wait3A_84] : memref<40x128xi32, #tpu.memory_space<vmem>> -> memref<1x128xi32, #tpu.memory_space<vmem>>
      %dma_wait3A_86 = tpu.memref_squeeze %dma_wait3A_85 : memref<1x128xi32, #tpu.memory_space<vmem>> -> memref<128xi32, #tpu.memory_space<vmem>>
      %dma_wait3A_87 = arith.constant 0 : i32
      %dma_wait3A_88 = arith.constant 0 : i32
      %dma_wait3A_89 = tpu.memref_slice %arg2[%dma_wait3A_87, %dma_wait3A_88] : memref<10000x128xf32, #tpu.memory_space<hbm>> -> memref<10000x128xf32, #tpu.memory_space<hbm>>
      tpu.wait_indirect_dma semaphore(%arg13 : memref<!tpu.dma_semaphore, #tpu.memory_space<semaphore_mem>>) src(%dma_wait3A_89 : memref<10000x128xf32, #tpu.memory_space<hbm>>) dst(%arg10 : memref<128x128xf32, #tpu.memory_space<vmem>>)
      %dma_start3A_90 = arith.constant 0 : i32
      %dma_start3A_91 = tpu.memref_slice %arg8[%add3A_82, %dma_start3A_90] : memref<40x128xi32, #tpu.memory_space<vmem>> -> memref<1x128xi32, #tpu.memory_space<vmem>>
      %dma_start3A_92 = tpu.memref_squeeze %dma_start3A_91 : memref<1x128xi32, #tpu.memory_space<vmem>> -> memref<128xi32, #tpu.memory_space<vmem>>
      %dma_start3A_93 = arith.constant 0 : i32
      %dma_start3A_94 = arith.constant 0 : i32
      %dma_start3A_95 = tpu.memref_slice %arg11[%dma_start3A_93, %dma_start3A_94] : memref<10000x128xf32, #tpu.memory_space<vmem_shared>> -> memref<10000x128xf32, #tpu.memory_space<vmem_shared>>
      tpu.enqueue_indirect_dma source(%arg10 : memref<128x128xf32, #tpu.memory_space<vmem>>) target(%dma_start3A_95 : memref<10000x128xf32, #tpu.memory_space<vmem_shared>>) offsets(%dma_start3A_92 : memref<128xi32, #tpu.memory_space<vmem>>) semaphore(%arg15 : memref<!tpu.dma_semaphore, #tpu.memory_space<semaphore_mem>>) {add = true}
      %add3A_96 = arith.constant 1 : i32
      %add3A_97 = arith.addi %add3A_82, %add3A_96 : i32
      %lt3A_98 = arith.cmpi slt, %add3A_97, %select_n3A : i32
      %convert_element_type3A_99 = arith.extui %lt3A_98 : i1 to i32
      %cond3A_100 = arith.constant 0 : i32
      %cond3A_101 = arith.cmpi ne, %convert_element_type3A_99, %cond3A_100 : i32
      scf.if %cond3A_101 {
        %ge3A = arith.constant 2 : i32
        %ge3A_102 = arith.cmpi sge, %add3A_97, %ge3A : i32
        %convert_element_type3A_103 = arith.extui %ge3A_102 : i1 to i32
        %cond3A_104 = arith.constant 0 : i32
        %cond3A_105 = arith.cmpi ne, %convert_element_type3A_103, %cond3A_104 : i32
        scf.if %cond3A_105 {
          %dma_wait3A_112 = arith.constant 0 : i32
          %dma_wait3A_113 = arith.constant 0 : i32
          %dma_wait3A_114 = tpu.memref_slice %arg8[%dma_wait3A_112, %dma_wait3A_113] : memref<40x128xi32, #tpu.memory_space<vmem>> -> memref<1x128xi32, #tpu.memory_space<vmem>>
          %dma_wait3A_115 = tpu.memref_squeeze %dma_wait3A_114 : memref<1x128xi32, #tpu.memory_space<vmem>> -> memref<128xi32, #tpu.memory_space<vmem>>
          %dma_wait3A_116 = arith.constant 0 : i32
          %dma_wait3A_117 = arith.constant 0 : i32
          %dma_wait3A_118 = tpu.memref_slice %arg11[%dma_wait3A_116, %dma_wait3A_117] : memref<10000x128xf32, #tpu.memory_space<vmem_shared>> -> memref<10000x128xf32, #tpu.memory_space<vmem_shared>>
          tpu.wait_indirect_dma semaphore(%arg14 : memref<!tpu.dma_semaphore, #tpu.memory_space<semaphore_mem>>) src(%arg9 : memref<128x128xf32, #tpu.memory_space<vmem>>) dst(%dma_wait3A_118 : memref<10000x128xf32, #tpu.memory_space<vmem_shared>>)
        } else {
        }
        %dma_start3A_106 = arith.constant 0 : i32
        %dma_start3A_107 = tpu.memref_slice %arg7[%add3A_97, %dma_start3A_106] : memref<40x128xi32, #tpu.memory_space<vmem>> -> memref<1x128xi32, #tpu.memory_space<vmem>>
        %dma_start3A_108 = tpu.memref_squeeze %dma_start3A_107 : memref<1x128xi32, #tpu.memory_space<vmem>> -> memref<128xi32, #tpu.memory_space<vmem>>
        %dma_start3A_109 = arith.constant 0 : i32
        %dma_start3A_110 = arith.constant 0 : i32
        %dma_start3A_111 = tpu.memref_slice %arg2[%dma_start3A_109, %dma_start3A_110] : memref<10000x128xf32, #tpu.memory_space<hbm>> -> memref<10000x128xf32, #tpu.memory_space<hbm>>
        tpu.enqueue_indirect_dma source(%dma_start3A_111 : memref<10000x128xf32, #tpu.memory_space<hbm>>) target(%arg9 : memref<128x128xf32, #tpu.memory_space<vmem>>) offsets(%dma_start3A_108 : memref<128xi32, #tpu.memory_space<vmem>>) semaphore(%arg12 : memref<!tpu.dma_semaphore, #tpu.memory_space<semaphore_mem>>)
      } else {
      }
    }
    %dma_wait3A = arith.constant 0 : i32
    %dma_wait3A_32 = arith.constant 0 : i32
    %dma_wait3A_33 = tpu.memref_slice %arg8[%dma_wait3A, %dma_wait3A_32] : memref<40x128xi32, #tpu.memory_space<vmem>> -> memref<1x128xi32, #tpu.memory_space<vmem>>
    %dma_wait3A_34 = tpu.memref_squeeze %dma_wait3A_33 : memref<1x128xi32, #tpu.memory_space<vmem>> -> memref<128xi32, #tpu.memory_space<vmem>>
    %dma_wait3A_35 = arith.constant 0 : i32
    %dma_wait3A_36 = arith.constant 0 : i32
    %dma_wait3A_37 = tpu.memref_slice %arg11[%dma_wait3A_35, %dma_wait3A_36] : memref<10000x128xf32, #tpu.memory_space<vmem_shared>> -> memref<10000x128xf32, #tpu.memory_space<vmem_shared>>
    tpu.wait_indirect_dma semaphore(%arg14 : memref<!tpu.dma_semaphore, #tpu.memory_space<semaphore_mem>>) src(%arg9 : memref<128x128xf32, #tpu.memory_space<vmem>>) dst(%dma_wait3A_37 : memref<10000x128xf32, #tpu.memory_space<vmem_shared>>)
    %dma_wait3A_38 = arith.constant 0 : i32
    %dma_wait3A_39 = arith.constant 0 : i32
    %dma_wait3A_40 = tpu.memref_slice %arg8[%dma_wait3A_38, %dma_wait3A_39] : memref<40x128xi32, #tpu.memory_space<vmem>> -> memref<1x128xi32, #tpu.memory_space<vmem>>
    %dma_wait3A_41 = tpu.memref_squeeze %dma_wait3A_40 : memref<1x128xi32, #tpu.memory_space<vmem>> -> memref<128xi32, #tpu.memory_space<vmem>>
    %dma_wait3A_42 = arith.constant 0 : i32
    %dma_wait3A_43 = arith.constant 0 : i32
    %dma_wait3A_44 = tpu.memref_slice %arg11[%dma_wait3A_42, %dma_wait3A_43] : memref<10000x128xf32, #tpu.memory_space<vmem_shared>> -> memref<10000x128xf32, #tpu.memory_space<vmem_shared>>
    tpu.wait_indirect_dma semaphore(%arg15 : memref<!tpu.dma_semaphore, #tpu.memory_space<semaphore_mem>>) src(%arg10 : memref<128x128xf32, #tpu.memory_space<vmem>>) dst(%dma_wait3A_44 : memref<10000x128xf32, #tpu.memory_space<vmem_shared>>)
    %barrier3A_45 = arith.constant 0 : index
    tpu.barrier barrier_id(%barrier3A_45)
    %ne3A_46 = arith.constant 15 : i32
    %ne3A_47 = arith.cmpi ne, %arg1, %ne3A_46 : i32
    %convert_element_type3A_48 = arith.extui %ne3A_47 : i1 to i32
    %cond3A_49 = arith.constant 0 : i32
    %cond3A_50 = arith.cmpi ne, %convert_element_type3A_48, %cond3A_49 : i32
    scf.if %cond3A_50 {
      "tpu.region"() ({
        %run_scoped3A = tpu.sem_alloc : memref<!tpu.dma_semaphore, #tpu.memory_space<semaphore_mem>>
        %dma_start3A_56 = arith.constant 0 : i32
        %dma_start3A_57 = arith.constant 0 : i32
        %dma_start3A_58 = tpu.memref_slice %arg6[%arg0, %dma_start3A_56, %dma_start3A_57] : memref<2x10000x128xf32, #tpu.memory_space<hbm>> -> memref<1x10000x128xf32, #tpu.memory_space<hbm>>
        %dma_start3A_59 = tpu.memref_squeeze %dma_start3A_58 : memref<1x10000x128xf32, #tpu.memory_space<hbm>> -> memref<10000x128xf32, #tpu.memory_space<hbm>>
        %dma_start3A_60 = arith.constant 0 : i32
        %dma_start3A_61 = tpu.memref_slice %dma_start3A_59[%mul3A_2, %dma_start3A_60] : memref<10000x128xf32, #tpu.memory_space<hbm>> -> memref<624x128xf32, #tpu.memory_space<hbm>>
        %dma_start3A_62 = arith.constant 0 : i32
        %dma_start3A_63 = tpu.memref_slice %arg11[%mul3A_2, %dma_start3A_62] : memref<10000x128xf32, #tpu.memory_space<vmem_shared>> -> memref<624x128xf32, #tpu.memory_space<vmem_shared>>
        tpu.enqueue_dma source(%dma_start3A_63 : memref<624x128xf32, #tpu.memory_space<vmem_shared>>) target(%dma_start3A_61 : memref<624x128xf32, #tpu.memory_space<hbm>>) target_semaphore(%run_scoped3A : memref<!tpu.dma_semaphore, #tpu.memory_space<semaphore_mem>>)
        %dma_wait3A_64 = arith.constant 0 : i32
        %dma_wait3A_65 = arith.constant 0 : i32
        %dma_wait3A_66 = tpu.memref_slice %arg6[%arg0, %dma_wait3A_64, %dma_wait3A_65] : memref<2x10000x128xf32, #tpu.memory_space<hbm>> -> memref<1x10000x128xf32, #tpu.memory_space<hbm>>
        %dma_wait3A_67 = tpu.memref_squeeze %dma_wait3A_66 : memref<1x10000x128xf32, #tpu.memory_space<hbm>> -> memref<10000x128xf32, #tpu.memory_space<hbm>>
        %dma_wait3A_68 = arith.constant 0 : i32
        %dma_wait3A_69 = tpu.memref_slice %dma_wait3A_67[%mul3A_2, %dma_wait3A_68] : memref<10000x128xf32, #tpu.memory_space<hbm>> -> memref<624x128xf32, #tpu.memory_space<hbm>>
        %dma_wait3A_70 = arith.constant 0 : i32
        %dma_wait3A_71 = tpu.memref_slice %arg11[%mul3A_2, %dma_wait3A_70] : memref<10000x128xf32, #tpu.memory_space<vmem_shared>> -> memref<624x128xf32, #tpu.memory_space<vmem_shared>>
        tpu.wait_dma2 semaphore(%run_scoped3A : memref<!tpu.dma_semaphore, #tpu.memory_space<semaphore_mem>>) src(%dma_wait3A_71 : memref<624x128xf32, #tpu.memory_space<vmem_shared>>) dst(%dma_wait3A_69 : memref<624x128xf32, #tpu.memory_space<hbm>>)
        tpu.yield
      }) : () -> ()
    } else {
    }
    %eq3A_51 = arith.constant 15 : i32
    %eq3A_52 = arith.cmpi eq, %arg1, %eq3A_51 : i32
    %convert_element_type3A_53 = arith.extui %eq3A_52 : i1 to i32
    %cond3A_54 = arith.constant 0 : i32
    %cond3A_55 = arith.cmpi ne, %convert_element_type3A_53, %cond3A_54 : i32
    scf.if %cond3A_55 {
      "tpu.region"() ({
        %run_scoped3A = tpu.sem_alloc : memref<!tpu.dma_semaphore, #tpu.memory_space<semaphore_mem>>
        %dma_start3A_56 = arith.constant 0 : i32
        %dma_start3A_57 = arith.constant 0 : i32
        %dma_start3A_58 = tpu.memref_slice %arg6[%arg0, %dma_start3A_56, %dma_start3A_57] : memref<2x10000x128xf32, #tpu.memory_space<hbm>> -> memref<1x10000x128xf32, #tpu.memory_space<hbm>>
        %dma_start3A_59 = tpu.memref_squeeze %dma_start3A_58 : memref<1x10000x128xf32, #tpu.memory_space<hbm>> -> memref<10000x128xf32, #tpu.memory_space<hbm>>
        %dma_start3A_60 = arith.constant 0 : i32
        %dma_start3A_61 = tpu.memref_slice %dma_start3A_59[%mul3A_2, %dma_start3A_60] : memref<10000x128xf32, #tpu.memory_space<hbm>> -> memref<640x128xf32, #tpu.memory_space<hbm>>
        %dma_start3A_62 = arith.constant 0 : i32
        %dma_start3A_63 = tpu.memref_slice %arg11[%mul3A_2, %dma_start3A_62] : memref<10000x128xf32, #tpu.memory_space<vmem_shared>> -> memref<640x128xf32, #tpu.memory_space<vmem_shared>>
        tpu.enqueue_dma source(%dma_start3A_63 : memref<640x128xf32, #tpu.memory_space<vmem_shared>>) target(%dma_start3A_61 : memref<640x128xf32, #tpu.memory_space<hbm>>) target_semaphore(%run_scoped3A : memref<!tpu.dma_semaphore, #tpu.memory_space<semaphore_mem>>)
        %dma_wait3A_64 = arith.constant 0 : i32
        %dma_wait3A_65 = arith.constant 0 : i32
        %dma_wait3A_66 = tpu.memref_slice %arg6[%arg0, %dma_wait3A_64, %dma_wait3A_65] : memref<2x10000x128xf32, #tpu.memory_space<hbm>> -> memref<1x10000x128xf32, #tpu.memory_space<hbm>>
        %dma_wait3A_67 = tpu.memref_squeeze %dma_wait3A_66 : memref<1x10000x128xf32, #tpu.memory_space<hbm>> -> memref<10000x128xf32, #tpu.memory_space<hbm>>
        %dma_wait3A_68 = arith.constant 0 : i32
        %dma_wait3A_69 = tpu.memref_slice %dma_wait3A_67[%mul3A_2, %dma_wait3A_68] : memref<10000x128xf32, #tpu.memory_space<hbm>> -> memref<640x128xf32, #tpu.memory_space<hbm>>
        %dma_wait3A_70 = arith.constant 0 : i32
        %dma_wait3A_71 = tpu.memref_slice %arg11[%mul3A_2, %dma_wait3A_70] : memref<10000x128xf32, #tpu.memory_space<vmem_shared>> -> memref<640x128xf32, #tpu.memory_space<vmem_shared>>
        tpu.wait_dma2 semaphore(%run_scoped3A : memref<!tpu.dma_semaphore, #tpu.memory_space<semaphore_mem>>) src(%dma_wait3A_71 : memref<640x128xf32, #tpu.memory_space<vmem_shared>>) dst(%dma_wait3A_69 : memref<640x128xf32, #tpu.memory_space<hbm>>)
        tpu.yield
      }) : () -> ()
    } else {
    }
    return
  }
}

module attributes {stable_mosaic.version = 14 : i64} {
  func.func @body(%arg0: i32, %arg1: memref<2000x2xf32, #tpu.memory_space<vmem>>, %arg2: memref<2x128xf32, #tpu.memory_space<vmem>>, %arg3: memref<1x128xf32, #tpu.memory_space<vmem>>, %arg4: memref<2000x128xf32, #tpu.memory_space<vmem>>) attributes {dimension_semantics = [#tpu.dimension_semantics<arbitrary>], iteration_bounds = array<i64: 5>, scalar_prefetch = 0 : i64, scratch_operands = 0 : i64, tpu.core_type = #tpu.core_type<tc>, window_params = [{transform_indices = @transform_0, window_bounds = array<i64: 2000, 2>}, {pipeline_mode = #tpu.pipeline_mode<synchronous>, transform_indices = @transform_1, window_bounds = array<i64: 2, 128>}, {pipeline_mode = #tpu.pipeline_mode<synchronous>, transform_indices = @transform_2, window_bounds = array<i64: 1, 128>}, {transform_indices = @transform_3, window_bounds = array<i64: 2000, 128>}]} {
    %get3A = arith.constant 0 : index
    %get3A_0 = arith.constant 0 : index
    %get3A_1 = vector.load %arg1[%get3A, %get3A_0] : memref<2000x2xf32, #tpu.memory_space<vmem>>, vector<2000x2xf32>
    %get3A_2 = arith.constant 0 : index
    %get3A_3 = arith.constant 0 : index
    %get3A_4 = vector.load %arg2[%get3A_2, %get3A_3] : memref<2x128xf32, #tpu.memory_space<vmem>>, vector<2x128xf32>
    %dot_general3A = arith.constant dense<0.000000e+00> : vector<2000x128xf32>
    %dot_general3A_5 = tpu.matmul %get3A_1, %get3A_4, %dot_general3A {dimension_numbers = #tpu.dot_dimension_numbers<[1], [0], [0], [1], [0, 0, 1, 1], [], []>, transpose_lhs_hint = false} : vector<2000x2xf32>, vector<2x128xf32>, vector<2000x128xf32> -> vector<2000x128xf32>
    %get3A_6 = arith.constant 0 : index
    %get3A_7 = arith.constant 0 : index
    %get3A_8 = vector.load %arg3[%get3A_6, %get3A_7] : memref<1x128xf32, #tpu.memory_space<vmem>>, vector<1x128xf32>
    %add3A = vector.broadcast %get3A_8 : vector<1x128xf32> to vector<2000x128xf32>
    %add3A_9 = arith.addf %dot_general3A_5, %add3A : vector<2000x128xf32>
    %max3A = arith.constant 0.000000e+00 : f32
    %max3A_10 = vector.broadcast %max3A : f32 to vector<2000x128xf32>
    %max3A_11 = arith.maximumf %add3A_9, %max3A_10 : vector<2000x128xf32>
    %swap3A = arith.constant 0 : index
    %swap3A_12 = arith.constant 0 : index
    %swap3A_13 = vector.load %arg4[%swap3A, %swap3A_12] : memref<2000x128xf32, #tpu.memory_space<vmem>>, vector<2000x128xf32>
    tpu.vector_store %arg4[%swap3A, %swap3A_12], %max3A_11 {strides = array<i32>} : memref<2000x128xf32, #tpu.memory_space<vmem>>, vector<2000x128xf32>,
    return
  }
  func.func @transform_0(%arg0: i32) -> (i32, i32) {
    %c0_i32 = arith.constant 0 : i32
    %c0_i32_0 = arith.constant 0 : i32
    return %arg0, %c0_i32 : i32, i32
  }
  func.func @transform_1(%arg0: i32) -> (i32, i32) {
    %c0_i32 = arith.constant 0 : i32
    %c0_i32_0 = arith.constant 0 : i32
    %c0_i32_1 = arith.constant 0 : i32
    return %c0_i32, %c0_i32_0 : i32, i32
  }
  func.func @transform_2(%arg0: i32) -> (i32, i32) {
    %c0_i32 = arith.constant 0 : i32
    %c0_i32_0 = arith.constant 0 : i32
    %c0_i32_1 = arith.constant 0 : i32
    return %c0_i32, %c0_i32_0 : i32, i32
  }
  func.func @transform_3(%arg0: i32) -> (i32, i32) {
    %c0_i32 = arith.constant 0 : i32
    %c0_i32_0 = arith.constant 0 : i32
    return %arg0, %c0_i32 : i32, i32
  }
}

module attributes {stable_mosaic.version = 14 : i64} {
  func.func @body(%arg0: i32, %arg1: memref<2000x128xf32, #tpu.memory_space<vmem>>, %arg2: memref<2x2000x128xf32, #tpu.memory_space<vmem>>, %arg3: memref<128x128xf32, #tpu.memory_space<vmem>>, %arg4: memref<1x128xf32, #tpu.memory_space<vmem>>, %arg5: memref<2000x128xf32, #tpu.memory_space<vmem>>, %arg6: memref<8x128xf32, #tpu.memory_space<vmem>>) attributes {dimension_semantics = [#tpu.dimension_semantics<arbitrary>], iteration_bounds = array<i64: 5>, scalar_prefetch = 0 : i64, scratch_operands = 0 : i64, tpu.core_type = #tpu.core_type<tc>, window_params = [{transform_indices = @transform_0, window_bounds = array<i64: 2000, 128>}, {transform_indices = @transform_1, window_bounds = array<i64: 2, 2000, 128>}, {pipeline_mode = #tpu.pipeline_mode<synchronous>, transform_indices = @transform_2, window_bounds = array<i64: 128, 128>}, {pipeline_mode = #tpu.pipeline_mode<synchronous>, transform_indices = @transform_3, window_bounds = array<i64: 1, 128>}, {transform_indices = @transform_4, window_bounds = array<i64: 2000, 128>}, {pipeline_mode = #tpu.pipeline_mode<synchronous>, transform_indices = @transform_5, window_bounds = array<i64: 8, 128>}]} {
    %get3A = arith.constant 0 : index
    %get3A_0 = arith.constant 0 : index
    %get3A_1 = vector.load %arg1[%get3A, %get3A_0] : memref<2000x128xf32, #tpu.memory_space<vmem>>, vector<2000x128xf32>
    %get3A_2 = arith.constant 0 : index
    %get3A_3 = arith.constant 0 : index
    %get3A_4 = arith.constant 0 : index
    %get3A_5 = vector.load %arg2[%get3A_2, %get3A_3, %get3A_4] : memref<2x2000x128xf32, #tpu.memory_space<vmem>>, vector<1x2000x128xf32>
    %get3A_6 = vector.shape_cast %get3A_5 : vector<1x2000x128xf32> to vector<2000x128xf32>
    %add3A = arith.addf %get3A_1, %get3A_6 : vector<2000x128xf32>
    %get3A_7 = arith.constant 1 : index
    %get3A_8 = arith.constant 0 : index
    %get3A_9 = arith.constant 0 : index
    %get3A_10 = vector.load %arg2[%get3A_7, %get3A_8, %get3A_9] : memref<2x2000x128xf32, #tpu.memory_space<vmem>>, vector<1x2000x128xf32>
    %get3A_11 = vector.shape_cast %get3A_10 : vector<1x2000x128xf32> to vector<2000x128xf32>
    %add3A_12 = arith.addf %add3A, %get3A_11 : vector<2000x128xf32>
    %get3A_13 = arith.constant 0 : index
    %get3A_14 = arith.constant 0 : index
    %get3A_15 = vector.load %arg3[%get3A_13, %get3A_14] : memref<128x128xf32, #tpu.memory_space<vmem>>, vector<128x128xf32>
    %dot_general3A = arith.constant dense<0.000000e+00> : vector<2000x128xf32>
    %dot_general3A_16 = tpu.matmul %add3A_12, %get3A_15, %dot_general3A {dimension_numbers = #tpu.dot_dimension_numbers<[1], [0], [0], [1], [0, 0, 1, 1], [], []>, transpose_lhs_hint = false} : vector<2000x128xf32>, vector<128x128xf32>, vector<2000x128xf32> -> vector<2000x128xf32>
    %get3A_17 = arith.constant 0 : index
    %get3A_18 = arith.constant 0 : index
    %get3A_19 = vector.load %arg4[%get3A_17, %get3A_18] : memref<1x128xf32, #tpu.memory_space<vmem>>, vector<1x128xf32>
    %add3A_20 = vector.broadcast %get3A_19 : vector<1x128xf32> to vector<2000x128xf32>
    %add3A_21 = arith.addf %dot_general3A_16, %add3A_20 : vector<2000x128xf32>
    %max3A = arith.constant 0.000000e+00 : f32
    %max3A_22 = vector.broadcast %max3A : f32 to vector<2000x128xf32>
    %max3A_23 = arith.maximumf %add3A_21, %max3A_22 : vector<2000x128xf32>
    %swap3A = arith.constant 0 : index
    %swap3A_24 = arith.constant 0 : index
    %swap3A_25 = vector.load %arg5[%swap3A, %swap3A_24] : memref<2000x128xf32, #tpu.memory_space<vmem>>, vector<2000x128xf32>
    tpu.vector_store %arg5[%swap3A, %swap3A_24], %max3A_23 {strides = array<i32>} : memref<2000x128xf32, #tpu.memory_space<vmem>>, vector<2000x128xf32>,
    %reduce_sum3A = arith.constant dense<0.000000e+00> : vector<128xf32>
    %reduce_sum3A_26 = vector.multi_reduction <add>, %max3A_23, %reduce_sum3A [0] : vector<2000x128xf32> to vector<128xf32>
    %broadcast_in_dim3A = vector.shape_cast %reduce_sum3A_26 : vector<128xf32> to vector<1x128xf32>
    %broadcast_in_dim3A_27 = arith.constant 0.000000e+00 : f32
    %broadcast_in_dim3A_28 = vector.broadcast %broadcast_in_dim3A_27 : f32 to vector<7x128xf32>
    %concatenate3A = tpu.concatenate %broadcast_in_dim3A, %broadcast_in_dim3A_28 in 0 : vector<1x128xf32>, vector<7x128xf32> -> vector<8x128xf32>
    %eq3A = arith.constant 0 : i32
    %eq3A_29 = arith.cmpi eq, %arg0, %eq3A : i32
    %convert_element_type3A = arith.extui %eq3A_29 : i1 to i32
    %cond3A = arith.constant 0 : i32
    %cond3A_30 = arith.cmpi ne, %convert_element_type3A, %cond3A : i32
    scf.if %cond3A_30 {
      %broadcast_in_dim3A_38 = arith.constant 0.000000e+00 : f32
      %broadcast_in_dim3A_39 = vector.broadcast %broadcast_in_dim3A_38 : f32 to vector<8x128xf32>
      %swap3A_40 = arith.constant 0 : index
      %swap3A_41 = arith.constant 0 : index
      %swap3A_42 = vector.load %arg6[%swap3A_40, %swap3A_41] : memref<8x128xf32, #tpu.memory_space<vmem>>, vector<8x128xf32>
      tpu.vector_store %arg6[%swap3A_40, %swap3A_41], %broadcast_in_dim3A_39 {strides = array<i32>} : memref<8x128xf32, #tpu.memory_space<vmem>>, vector<8x128xf32>,
    } else {
    }
    %get3A_31 = arith.constant 0 : index
    %get3A_32 = arith.constant 0 : index
    %get3A_33 = vector.load %arg6[%get3A_31, %get3A_32] : memref<8x128xf32, #tpu.memory_space<vmem>>, vector<8x128xf32>
    %add3A_34 = arith.addf %get3A_33, %concatenate3A : vector<8x128xf32>
    %swap3A_35 = arith.constant 0 : index
    %swap3A_36 = arith.constant 0 : index
    %swap3A_37 = vector.load %arg6[%swap3A_35, %swap3A_36] : memref<8x128xf32, #tpu.memory_space<vmem>>, vector<8x128xf32>
    tpu.vector_store %arg6[%swap3A_35, %swap3A_36], %add3A_34 {strides = array<i32>} : memref<8x128xf32, #tpu.memory_space<vmem>>, vector<8x128xf32>,
    return
  }
  func.func @transform_0(%arg0: i32) -> (i32, i32) {
    %c0_i32 = arith.constant 0 : i32
    %c0_i32_0 = arith.constant 0 : i32
    return %arg0, %c0_i32 : i32, i32
  }
  func.func @transform_1(%arg0: i32) -> (i32, i32, i32) {
    %c0_i32 = arith.constant 0 : i32
    %c0_i32_0 = arith.constant 0 : i32
    %c0_i32_1 = arith.constant 0 : i32
    return %c0_i32, %arg0, %c0_i32_0 : i32, i32, i32
  }
  func.func @transform_2(%arg0: i32) -> (i32, i32) {
    %c0_i32 = arith.constant 0 : i32
    %c0_i32_0 = arith.constant 0 : i32
    %c0_i32_1 = arith.constant 0 : i32
    return %c0_i32, %c0_i32_0 : i32, i32
  }
  func.func @transform_3(%arg0: i32) -> (i32, i32) {
    %c0_i32 = arith.constant 0 : i32
    %c0_i32_0 = arith.constant 0 : i32
    %c0_i32_1 = arith.constant 0 : i32
    return %c0_i32, %c0_i32_0 : i32, i32
  }
  func.func @transform_4(%arg0: i32) -> (i32, i32) {
    %c0_i32 = arith.constant 0 : i32
    %c0_i32_0 = arith.constant 0 : i32
    return %arg0, %c0_i32 : i32, i32
  }
  func.func @transform_5(%arg0: i32) -> (i32, i32) {
    %c0_i32 = arith.constant 0 : i32
    %c0_i32_0 = arith.constant 0 : i32
    %c0_i32_1 = arith.constant 0 : i32
    return %c0_i32, %c0_i32_0 : i32, i32
  }
}

module attributes {stable_mosaic.version = 14 : i64} {
  func.func @body(%arg0: i32, %arg1: memref<5x6400xf32, #tpu.memory_space<vmem>>, %arg2: memref<4x6400xf32, #tpu.memory_space<vmem>>, %arg3: memref<8x128xf32, #tpu.memory_space<vmem>>, %arg4: memref<8x128xf32, #tpu.memory_space<vmem>>) attributes {dimension_semantics = [#tpu.dimension_semantics<arbitrary>], iteration_bounds = array<i64: 25>, scalar_prefetch = 0 : i64, scratch_operands = 0 : i64, tpu.core_type = #tpu.core_type<tc>, window_params = [{transform_indices = @transform_0, window_bounds = array<i64: 5, 6400>}, {transform_indices = @transform_1, window_bounds = array<i64: 4, 6400>}, {pipeline_mode = #tpu.pipeline_mode<synchronous>, transform_indices = @transform_2, window_bounds = array<i64: 8, 128>}, {pipeline_mode = #tpu.pipeline_mode<synchronous>, transform_indices = @transform_3, window_bounds = array<i64: 8, 128>}]} {
    %get3A = arith.constant 0 : index
    %get3A_0 = arith.constant 0 : index
    %get3A_1 = vector.load %arg1[%get3A, %get3A_0] : memref<5x6400xf32, #tpu.memory_space<vmem>>, vector<5x6400xf32>
    %get3A_2 = arith.constant 0 : index
    %get3A_3 = arith.constant 0 : index
    %get3A_4 = vector.load %arg2[%get3A_2, %get3A_3] : memref<4x6400xf32, #tpu.memory_space<vmem>>, vector<4x6400xf32>
    %slice3A = vector.extract_strided_slice %get3A_4 {offsets = [0, 0], sizes = [1, 6400], strides = [1, 1]} : vector<4x6400xf32> to vector<1x6400xf32>
    %mul3A = vector.broadcast %slice3A : vector<1x6400xf32> to vector<5x6400xf32>
    %mul3A_5 = arith.mulf %get3A_1, %mul3A : vector<5x6400xf32>
    %slice3A_6 = vector.extract_strided_slice %get3A_4 {offsets = [1, 0], sizes = [1, 6400], strides = [1, 1]} : vector<4x6400xf32> to vector<1x6400xf32>
    %mul3A_7 = vector.broadcast %slice3A_6 : vector<1x6400xf32> to vector<5x6400xf32>
    %mul3A_8 = arith.mulf %get3A_1, %mul3A_7 : vector<5x6400xf32>
    %slice3A_9 = vector.extract_strided_slice %get3A_4 {offsets = [2, 0], sizes = [1, 6400], strides = [1, 1]} : vector<4x6400xf32> to vector<1x6400xf32>
    %mul3A_10 = vector.broadcast %slice3A_9 : vector<1x6400xf32> to vector<5x6400xf32>
    %mul3A_11 = arith.mulf %get3A_1, %mul3A_10 : vector<5x6400xf32>
    %slice3A_12 = vector.extract_strided_slice %get3A_4 {offsets = [3, 0], sizes = [1, 6400], strides = [1, 1]} : vector<4x6400xf32> to vector<1x6400xf32>
    %mul3A_13 = vector.broadcast %slice3A_12 : vector<1x6400xf32> to vector<5x6400xf32>
    %mul3A_14 = arith.mulf %get3A_1, %mul3A_13 : vector<5x6400xf32>
    %reduce_sum3A = arith.constant dense<0.000000e+00> : vector<5xf32>
    %reduce_sum3A_15 = vector.multi_reduction <add>, %mul3A_5, %reduce_sum3A [1] : vector<5x6400xf32> to vector<5xf32>
    %broadcast_in_dim3A = vector.shape_cast %reduce_sum3A_15 : vector<5xf32> to vector<5x1xf32>
    %reduce_sum3A_16 = arith.constant dense<0.000000e+00> : vector<5xf32>
    %reduce_sum3A_17 = vector.multi_reduction <add>, %mul3A_8, %reduce_sum3A_16 [1] : vector<5x6400xf32> to vector<5xf32>
    %broadcast_in_dim3A_18 = vector.shape_cast %reduce_sum3A_17 : vector<5xf32> to vector<5x1xf32>
    %reduce_sum3A_19 = arith.constant dense<0.000000e+00> : vector<5xf32>
    %reduce_sum3A_20 = vector.multi_reduction <add>, %mul3A_11, %reduce_sum3A_19 [1] : vector<5x6400xf32> to vector<5xf32>
    %broadcast_in_dim3A_21 = vector.shape_cast %reduce_sum3A_20 : vector<5xf32> to vector<5x1xf32>
    %reduce_sum3A_22 = arith.constant dense<0.000000e+00> : vector<5xf32>
    %reduce_sum3A_23 = vector.multi_reduction <add>, %mul3A_14, %reduce_sum3A_22 [1] : vector<5x6400xf32> to vector<5xf32>
    %broadcast_in_dim3A_24 = vector.shape_cast %reduce_sum3A_23 : vector<5xf32> to vector<5x1xf32>
    %concatenate3A = tpu.concatenate %broadcast_in_dim3A, %broadcast_in_dim3A_18, %broadcast_in_dim3A_21, %broadcast_in_dim3A_24 in 1 : vector<5x1xf32>, vector<5x1xf32>, vector<5x1xf32>, vector<5x1xf32> -> vector<5x4xf32>
    %eq3A = arith.constant 0.000000e+00 : f32
    %eq3A_25 = vector.broadcast %eq3A : f32 to vector<5x6400xf32>
    %eq3A_26 = arith.cmpf oeq, %mul3A_5, %eq3A_25 : vector<5x6400xf32>
    %jit3A = arith.constant 0x7F800000 : f32
    %broadcast_in_dim3A_27 = vector.broadcast %jit3A : f32 to vector<5x6400xf32>
    %select_n3A = arith.select %eq3A_26, %broadcast_in_dim3A_27, %mul3A_5 : vector<5x6400xi1>, vector<5x6400xf32>
    %reduce_min3A = arith.constant dense<0x7F800000> : vector<5xf32>
    %reduce_min3A_28 = vector.multi_reduction <minimumf>, %select_n3A, %reduce_min3A [1] : vector<5x6400xf32> to vector<5xf32>
    %broadcast_in_dim3A_29 = vector.shape_cast %reduce_min3A_28 : vector<5xf32> to vector<5x1xf32>
    %eq3A_30 = arith.constant 0.000000e+00 : f32
    %eq3A_31 = vector.broadcast %eq3A_30 : f32 to vector<5x6400xf32>
    %eq3A_32 = arith.cmpf oeq, %mul3A_11, %eq3A_31 : vector<5x6400xf32>
    %jit3A_33 = arith.constant 0x7F800000 : f32
    %broadcast_in_dim3A_34 = vector.broadcast %jit3A_33 : f32 to vector<5x6400xf32>
    %select_n3A_35 = arith.select %eq3A_32, %broadcast_in_dim3A_34, %mul3A_11 : vector<5x6400xi1>, vector<5x6400xf32>
    %reduce_min3A_36 = arith.constant dense<0x7F800000> : vector<5xf32>
    %reduce_min3A_37 = vector.multi_reduction <minimumf>, %select_n3A_35, %reduce_min3A_36 [1] : vector<5x6400xf32> to vector<5xf32>
    %broadcast_in_dim3A_38 = vector.shape_cast %reduce_min3A_37 : vector<5xf32> to vector<5x1xf32>
    %min3A = arith.minimumf %broadcast_in_dim3A_29, %broadcast_in_dim3A_38 : vector<5x1xf32>
    %eq3A_39 = arith.constant 0.000000e+00 : f32
    %eq3A_40 = vector.broadcast %eq3A_39 : f32 to vector<5x6400xf32>
    %eq3A_41 = arith.cmpf oeq, %mul3A_5, %eq3A_40 : vector<5x6400xf32>
    %neg3A = arith.constant 0.000000e+00 : f32
    %neg3A_42 = arith.constant 0x7F800000 : f32
    %neg3A_43 = arith.subf %neg3A, %neg3A_42 : f32
    %broadcast_in_dim3A_44 = vector.broadcast %neg3A_43 : f32 to vector<5x6400xf32>
    %select_n3A_45 = arith.select %eq3A_41, %broadcast_in_dim3A_44, %mul3A_5 : vector<5x6400xi1>, vector<5x6400xf32>
    %reduce_max3A = arith.constant dense<0xFF800000> : vector<5xf32>
    %reduce_max3A_46 = vector.multi_reduction <maximumf>, %select_n3A_45, %reduce_max3A [1] : vector<5x6400xf32> to vector<5xf32>
    %broadcast_in_dim3A_47 = vector.shape_cast %reduce_max3A_46 : vector<5xf32> to vector<5x1xf32>
    %eq3A_48 = arith.constant 0.000000e+00 : f32
    %eq3A_49 = vector.broadcast %eq3A_48 : f32 to vector<5x6400xf32>
    %eq3A_50 = arith.cmpf oeq, %mul3A_11, %eq3A_49 : vector<5x6400xf32>
    %neg3A_51 = arith.constant 0.000000e+00 : f32
    %neg3A_52 = arith.constant 0x7F800000 : f32
    %neg3A_53 = arith.subf %neg3A_51, %neg3A_52 : f32
    %broadcast_in_dim3A_54 = vector.broadcast %neg3A_53 : f32 to vector<5x6400xf32>
    %select_n3A_55 = arith.select %eq3A_50, %broadcast_in_dim3A_54, %mul3A_11 : vector<5x6400xi1>, vector<5x6400xf32>
    %reduce_max3A_56 = arith.constant dense<0xFF800000> : vector<5xf32>
    %reduce_max3A_57 = vector.multi_reduction <maximumf>, %select_n3A_55, %reduce_max3A_56 [1] : vector<5x6400xf32> to vector<5xf32>
    %broadcast_in_dim3A_58 = vector.shape_cast %reduce_max3A_57 : vector<5xf32> to vector<5x1xf32>
    %max3A = arith.maximumf %broadcast_in_dim3A_47, %broadcast_in_dim3A_58 : vector<5x1xf32>
    %eq3A_59 = arith.constant 0.000000e+00 : f32
    %eq3A_60 = vector.broadcast %eq3A_59 : f32 to vector<5x6400xf32>
    %eq3A_61 = arith.cmpf oeq, %mul3A_8, %eq3A_60 : vector<5x6400xf32>
    %jit3A_62 = arith.constant 0x7F800000 : f32
    %broadcast_in_dim3A_63 = vector.broadcast %jit3A_62 : f32 to vector<5x6400xf32>
    %select_n3A_64 = arith.select %eq3A_61, %broadcast_in_dim3A_63, %mul3A_8 : vector<5x6400xi1>, vector<5x6400xf32>
    %reduce_min3A_65 = arith.constant dense<0x7F800000> : vector<5xf32>
    %reduce_min3A_66 = vector.multi_reduction <minimumf>, %select_n3A_64, %reduce_min3A_65 [1] : vector<5x6400xf32> to vector<5xf32>
    %broadcast_in_dim3A_67 = vector.shape_cast %reduce_min3A_66 : vector<5xf32> to vector<5x1xf32>
    %eq3A_68 = arith.constant 0.000000e+00 : f32
    %eq3A_69 = vector.broadcast %eq3A_68 : f32 to vector<5x6400xf32>
    %eq3A_70 = arith.cmpf oeq, %mul3A_14, %eq3A_69 : vector<5x6400xf32>
    %jit3A_71 = arith.constant 0x7F800000 : f32
    %broadcast_in_dim3A_72 = vector.broadcast %jit3A_71 : f32 to vector<5x6400xf32>
    %select_n3A_73 = arith.select %eq3A_70, %broadcast_in_dim3A_72, %mul3A_14 : vector<5x6400xi1>, vector<5x6400xf32>
    %reduce_min3A_74 = arith.constant dense<0x7F800000> : vector<5xf32>
    %reduce_min3A_75 = vector.multi_reduction <minimumf>, %select_n3A_73, %reduce_min3A_74 [1] : vector<5x6400xf32> to vector<5xf32>
    %broadcast_in_dim3A_76 = vector.shape_cast %reduce_min3A_75 : vector<5xf32> to vector<5x1xf32>
    %min3A_77 = arith.minimumf %broadcast_in_dim3A_67, %broadcast_in_dim3A_76 : vector<5x1xf32>
    %eq3A_78 = arith.constant 0.000000e+00 : f32
    %eq3A_79 = vector.broadcast %eq3A_78 : f32 to vector<5x6400xf32>
    %eq3A_80 = arith.cmpf oeq, %mul3A_8, %eq3A_79 : vector<5x6400xf32>
    %neg3A_81 = arith.constant 0.000000e+00 : f32
    %neg3A_82 = arith.constant 0x7F800000 : f32
    %neg3A_83 = arith.subf %neg3A_81, %neg3A_82 : f32
    %broadcast_in_dim3A_84 = vector.broadcast %neg3A_83 : f32 to vector<5x6400xf32>
    %select_n3A_85 = arith.select %eq3A_80, %broadcast_in_dim3A_84, %mul3A_8 : vector<5x6400xi1>, vector<5x6400xf32>
    %reduce_max3A_86 = arith.constant dense<0xFF800000> : vector<5xf32>
    %reduce_max3A_87 = vector.multi_reduction <maximumf>, %select_n3A_85, %reduce_max3A_86 [1] : vector<5x6400xf32> to vector<5xf32>
    %broadcast_in_dim3A_88 = vector.shape_cast %reduce_max3A_87 : vector<5xf32> to vector<5x1xf32>
    %eq3A_89 = arith.constant 0.000000e+00 : f32
    %eq3A_90 = vector.broadcast %eq3A_89 : f32 to vector<5x6400xf32>
    %eq3A_91 = arith.cmpf oeq, %mul3A_14, %eq3A_90 : vector<5x6400xf32>
    %neg3A_92 = arith.constant 0.000000e+00 : f32
    %neg3A_93 = arith.constant 0x7F800000 : f32
    %neg3A_94 = arith.subf %neg3A_92, %neg3A_93 : f32
    %broadcast_in_dim3A_95 = vector.broadcast %neg3A_94 : f32 to vector<5x6400xf32>
    %select_n3A_96 = arith.select %eq3A_91, %broadcast_in_dim3A_95, %mul3A_14 : vector<5x6400xi1>, vector<5x6400xf32>
    %reduce_max3A_97 = arith.constant dense<0xFF800000> : vector<5xf32>
    %reduce_max3A_98 = vector.multi_reduction <maximumf>, %select_n3A_96, %reduce_max3A_97 [1] : vector<5x6400xf32> to vector<5xf32>
    %broadcast_in_dim3A_99 = vector.shape_cast %reduce_max3A_98 : vector<5xf32> to vector<5x1xf32>
    %max3A_100 = arith.maximumf %broadcast_in_dim3A_88, %broadcast_in_dim3A_99 : vector<5x1xf32>
    %concatenate3A_101 = tpu.concatenate %min3A, %max3A, %min3A_77, %max3A_100 in 1 : vector<5x1xf32>, vector<5x1xf32>, vector<5x1xf32>, vector<5x1xf32> -> vector<5x4xf32>
    %broadcast_in_dim3A_102 = arith.constant 0.000000e+00 : f32
    %broadcast_in_dim3A_103 = vector.broadcast %broadcast_in_dim3A_102 : f32 to vector<3x4xf32>
    %concatenate3A_104 = tpu.concatenate %concatenate3A_101, %broadcast_in_dim3A_103 in 0 : vector<5x4xf32>, vector<3x4xf32> -> vector<8x4xf32>
    %broadcast_in_dim3A_105 = arith.constant 0.000000e+00 : f32
    %broadcast_in_dim3A_106 = vector.broadcast %broadcast_in_dim3A_105 : f32 to vector<8x124xf32>
    %concatenate3A_107 = tpu.concatenate %concatenate3A_104, %broadcast_in_dim3A_106 in 1 : vector<8x4xf32>, vector<8x124xf32> -> vector<8x128xf32>
    %iota3A = tpu.iota {dimensions = array<i32: 1>} : vector<8x128xi32>
    %eq3A_108 = arith.constant 0 : i32
    %eq3A_109 = vector.broadcast %eq3A_108 : i32 to vector<8x128xi32>
    %eq3A_110 = arith.cmpi eq, %iota3A, %eq3A_109 : vector<8x128xi32>
    %eq3A_111 = arith.constant 2 : i32
    %eq3A_112 = vector.broadcast %eq3A_111 : i32 to vector<8x128xi32>
    %eq3A_113 = arith.cmpi eq, %iota3A, %eq3A_112 : vector<8x128xi32>
    %or3A = arith.ori %eq3A_110, %eq3A_113 : vector<8x128xi1>
    %eq3A_114 = arith.constant 0 : i32
    %eq3A_115 = arith.cmpi eq, %arg0, %eq3A_114 : i32
    %convert_element_type3A = arith.extui %eq3A_115 : i1 to i32
    %cond3A = arith.constant 0x7F800000 : f32
    %cond3A_116 = arith.constant 0 : i32
    %cond3A_117 = arith.cmpi ne, %convert_element_type3A, %cond3A_116 : i32
    scf.if %cond3A_117 {
      %broadcast_in_dim3A_138 = arith.constant 0.000000e+00 : f32
      %broadcast_in_dim3A_139 = vector.broadcast %broadcast_in_dim3A_138 : f32 to vector<8x128xf32>
      %swap3A_140 = arith.constant 0 : index
      %swap3A_141 = arith.constant 0 : index
      %swap3A_142 = vector.load %arg3[%swap3A_140, %swap3A_141] : memref<8x128xf32, #tpu.memory_space<vmem>>, vector<8x128xf32>
      tpu.vector_store %arg3[%swap3A_140, %swap3A_141], %broadcast_in_dim3A_139 {strides = array<i32>} : memref<8x128xf32, #tpu.memory_space<vmem>>, vector<8x128xf32>,
      %neg3A_143 = arith.constant 0.000000e+00 : f32
      %neg3A_144 = arith.subf %neg3A_143, %cond3A : f32
      %broadcast_in_dim3A_145 = vector.broadcast %cond3A : f32 to vector<8x128xf32>
      %broadcast_in_dim3A_146 = vector.broadcast %neg3A_144 : f32 to vector<8x128xf32>
      %select_n3A_147 = arith.select %or3A, %broadcast_in_dim3A_145, %broadcast_in_dim3A_146 : vector<8x128xi1>, vector<8x128xf32>
      %swap3A_148 = arith.constant 0 : index
      %swap3A_149 = arith.constant 0 : index
      %swap3A_150 = vector.load %arg4[%swap3A_148, %swap3A_149] : memref<8x128xf32, #tpu.memory_space<vmem>>, vector<8x128xf32>
      tpu.vector_store %arg4[%swap3A_148, %swap3A_149], %select_n3A_147 {strides = array<i32>} : memref<8x128xf32, #tpu.memory_space<vmem>>, vector<8x128xf32>,
    } else {
    }
    %get3A_118 = arith.constant 0 : index
    %get3A_119 = arith.constant 0 : index
    %get3A_120 = vector.load %arg3[%get3A_118, %get3A_119] : memref<8x128xf32, #tpu.memory_space<vmem>>, vector<8x128xf32>
    %broadcast_in_dim3A_121 = arith.constant 0.000000e+00 : f32
    %broadcast_in_dim3A_122 = vector.broadcast %broadcast_in_dim3A_121 : f32 to vector<3x4xf32>
    %concatenate3A_123 = tpu.concatenate %concatenate3A, %broadcast_in_dim3A_122 in 0 : vector<5x4xf32>, vector<3x4xf32> -> vector<8x4xf32>
    %broadcast_in_dim3A_124 = arith.constant 0.000000e+00 : f32
    %broadcast_in_dim3A_125 = vector.broadcast %broadcast_in_dim3A_124 : f32 to vector<8x124xf32>
    %concatenate3A_126 = tpu.concatenate %concatenate3A_123, %broadcast_in_dim3A_125 in 1 : vector<8x4xf32>, vector<8x124xf32> -> vector<8x128xf32>
    %add3A = arith.addf %get3A_120, %concatenate3A_126 : vector<8x128xf32>
    %swap3A = arith.constant 0 : index
    %swap3A_127 = arith.constant 0 : index
    %swap3A_128 = vector.load %arg3[%swap3A, %swap3A_127] : memref<8x128xf32, #tpu.memory_space<vmem>>, vector<8x128xf32>
    tpu.vector_store %arg3[%swap3A, %swap3A_127], %add3A {strides = array<i32>} : memref<8x128xf32, #tpu.memory_space<vmem>>, vector<8x128xf32>,
    %get3A_129 = arith.constant 0 : index
    %get3A_130 = arith.constant 0 : index
    %get3A_131 = vector.load %arg4[%get3A_129, %get3A_130] : memref<8x128xf32, #tpu.memory_space<vmem>>, vector<8x128xf32>
    %min3A_132 = arith.minimumf %get3A_131, %concatenate3A_107 : vector<8x128xf32>
    %max3A_133 = arith.maximumf %get3A_131, %concatenate3A_107 : vector<8x128xf32>
    %select_n3A_134 = arith.select %or3A, %min3A_132, %max3A_133 : vector<8x128xi1>, vector<8x128xf32>
    %swap3A_135 = arith.constant 0 : index
    %swap3A_136 = arith.constant 0 : index
    %swap3A_137 = vector.load %arg4[%swap3A_135, %swap3A_136] : memref<8x128xf32, #tpu.memory_space<vmem>>, vector<8x128xf32>
    tpu.vector_store %arg4[%swap3A_135, %swap3A_136], %select_n3A_134 {strides = array<i32>} : memref<8x128xf32, #tpu.memory_space<vmem>>, vector<8x128xf32>,
    return
  }
  func.func @transform_0(%arg0: i32) -> (i32, i32) {
    %c0_i32 = arith.constant 0 : i32
    %c0_i32_0 = arith.constant 0 : i32
    return %c0_i32, %arg0 : i32, i32
  }
  func.func @transform_1(%arg0: i32) -> (i32, i32) {
    %c0_i32 = arith.constant 0 : i32
    %c0_i32_0 = arith.constant 0 : i32
    return %c0_i32, %arg0 : i32, i32
  }
  func.func @transform_2(%arg0: i32) -> (i32, i32) {
    %c0_i32 = arith.constant 0 : i32
    %c0_i32_0 = arith.constant 0 : i32
    %c0_i32_1 = arith.constant 0 : i32
    return %c0_i32, %c0_i32_0 : i32, i32
  }
  func.func @transform_3(%arg0: i32) -> (i32, i32) {
    %c0_i32 = arith.constant 0 : i32
    %c0_i32_0 = arith.constant 0 : i32
    %c0_i32_1 = arith.constant 0 : i32
    return %c0_i32, %c0_i32_0 : i32, i32
  }
}

module attributes {stable_mosaic.version = 14 : i64} {
  func.func @body(%arg0: memref<8x128xf32, #tpu.memory_space<vmem>>, %arg1: memref<4x64xf32, #tpu.memory_space<vmem>>, %arg2: memref<1x64xf32, #tpu.memory_space<vmem>>, %arg3: memref<64x64xf32, #tpu.memory_space<vmem>>, %arg4: memref<1x64xf32, #tpu.memory_space<vmem>>, %arg5: memref<64x128xf32, #tpu.memory_space<vmem>>, %arg6: memref<1x128xf32, #tpu.memory_space<vmem>>, %arg7: memref<128x128xf32, #tpu.memory_space<vmem>>, %arg8: memref<128x128xf32, #tpu.memory_space<vmem>>, %arg9: memref<1x128xf32, #tpu.memory_space<vmem>>, %arg10: memref<1x128xf32, #tpu.memory_space<vmem>>, %arg11: memref<128x8xf32, #tpu.memory_space<vmem>>, %arg12: memref<128x128xf32, #tpu.memory_space<vmem>>, %arg13: memref<128x8xf32, #tpu.memory_space<vmem>>) attributes {dimension_semantics = [], scalar_prefetch = 0 : i64, scratch_operands = 0 : i64, tpu.core_type = #tpu.core_type<tc>} {
    %get3A = arith.constant 0 : index
    %get3A_0 = arith.constant 0 : index
    %get3A_1 = vector.load %arg0[%get3A, %get3A_0] : memref<8x128xf32, #tpu.memory_space<vmem>>, vector<8x128xf32>
    %slice3A = vector.extract_strided_slice %get3A_1 {offsets = [0, 0], sizes = [8, 4], strides = [1, 1]} : vector<8x128xf32> to vector<8x4xf32>
    %get3A_2 = arith.constant 0 : index
    %get3A_3 = arith.constant 0 : index
    %get3A_4 = vector.load %arg1[%get3A_2, %get3A_3] : memref<4x64xf32, #tpu.memory_space<vmem>>, vector<4x64xf32>
    %dot_general3A = arith.constant dense<0.000000e+00> : vector<8x64xf32>
    %dot_general3A_5 = tpu.matmul %slice3A, %get3A_4, %dot_general3A {dimension_numbers = #tpu.dot_dimension_numbers<[1], [0], [0], [1], [0, 0, 1, 1], [], []>, precision = #tpu.contract_precision<fp32>, transpose_lhs_hint = false} : vector<8x4xf32>, vector<4x64xf32>, vector<8x64xf32> -> vector<8x64xf32>
    %get3A_6 = arith.constant 0 : index
    %get3A_7 = arith.constant 0 : index
    %get3A_8 = vector.load %arg2[%get3A_6, %get3A_7] : memref<1x64xf32, #tpu.memory_space<vmem>>, vector<1x64xf32>
    %add3A = vector.broadcast %get3A_8 : vector<1x64xf32> to vector<8x64xf32>
    %add3A_9 = arith.addf %dot_general3A_5, %add3A : vector<8x64xf32>
    %max3A = arith.constant 0.000000e+00 : f32
    %max3A_10 = vector.broadcast %max3A : f32 to vector<8x64xf32>
    %max3A_11 = arith.maximumf %add3A_9, %max3A_10 : vector<8x64xf32>
    %get3A_12 = arith.constant 0 : index
    %get3A_13 = arith.constant 0 : index
    %get3A_14 = vector.load %arg3[%get3A_12, %get3A_13] : memref<64x64xf32, #tpu.memory_space<vmem>>, vector<64x64xf32>
    %dot_general3A_15 = arith.constant dense<0.000000e+00> : vector<8x64xf32>
    %dot_general3A_16 = tpu.matmul %max3A_11, %get3A_14, %dot_general3A_15 {dimension_numbers = #tpu.dot_dimension_numbers<[1], [0], [0], [1], [0, 0, 1, 1], [], []>, precision = #tpu.contract_precision<fp32>, transpose_lhs_hint = false} : vector<8x64xf32>, vector<64x64xf32>, vector<8x64xf32> -> vector<8x64xf32>
    %get3A_17 = arith.constant 0 : index
    %get3A_18 = arith.constant 0 : index
    %get3A_19 = vector.load %arg4[%get3A_17, %get3A_18] : memref<1x64xf32, #tpu.memory_space<vmem>>, vector<1x64xf32>
    %add3A_20 = vector.broadcast %get3A_19 : vector<1x64xf32> to vector<8x64xf32>
    %add3A_21 = arith.addf %dot_general3A_16, %add3A_20 : vector<8x64xf32>
    %get3A_22 = arith.constant 0 : index
    %get3A_23 = arith.constant 0 : index
    %get3A_24 = vector.load %arg5[%get3A_22, %get3A_23] : memref<64x128xf32, #tpu.memory_space<vmem>>, vector<64x128xf32>
    %dot_general3A_25 = arith.constant dense<0.000000e+00> : vector<8x128xf32>
    %dot_general3A_26 = tpu.matmul %add3A_21, %get3A_24, %dot_general3A_25 {dimension_numbers = #tpu.dot_dimension_numbers<[1], [0], [0], [1], [0, 0, 1, 1], [], []>, precision = #tpu.contract_precision<fp32>, transpose_lhs_hint = false} : vector<8x64xf32>, vector<64x128xf32>, vector<8x128xf32> -> vector<8x128xf32>
    %get3A_27 = arith.constant 0 : index
    %get3A_28 = arith.constant 0 : index
    %get3A_29 = vector.load %arg6[%get3A_27, %get3A_28] : memref<1x128xf32, #tpu.memory_space<vmem>>, vector<1x128xf32>
    %add3A_30 = vector.broadcast %get3A_29 : vector<1x128xf32> to vector<8x128xf32>
    %add3A_31 = arith.addf %dot_general3A_26, %add3A_30 : vector<8x128xf32>
    %transpose3A = tpu.transpose %add3A_31, [1, 0] : vector<8x128xf32> -> vector<128x8xf32>
    %swap3A = arith.constant 0 : index
    %swap3A_32 = arith.constant 0 : index
    %swap3A_33 = vector.load %arg11[%swap3A, %swap3A_32] : memref<128x8xf32, #tpu.memory_space<vmem>>, vector<128x8xf32>
    tpu.vector_store %arg11[%swap3A, %swap3A_32], %transpose3A {strides = array<i32>} : memref<128x8xf32, #tpu.memory_space<vmem>>, vector<128x8xf32>,
    %get3A_34 = arith.constant 0 : index
    %get3A_35 = arith.constant 0 : index
    %get3A_36 = vector.load %arg7[%get3A_34, %get3A_35] : memref<128x128xf32, #tpu.memory_space<vmem>>, vector<128x128xf32>
    %get3A_37 = arith.constant 0 : index
    %get3A_38 = arith.constant 0 : index
    %get3A_39 = vector.load %arg8[%get3A_37, %get3A_38] : memref<128x128xf32, #tpu.memory_space<vmem>>, vector<128x128xf32>
    %dot_general3A_40 = arith.constant dense<0.000000e+00> : vector<128x128xf32>
    %dot_general3A_41 = tpu.matmul %get3A_36, %get3A_39, %dot_general3A_40 {dimension_numbers = #tpu.dot_dimension_numbers<[1], [0], [0], [1], [0, 0, 1, 1], [], []>, precision = #tpu.contract_precision<fp32>, transpose_lhs_hint = false} : vector<128x128xf32>, vector<128x128xf32>, vector<128x128xf32> -> vector<128x128xf32>
    %swap3A_42 = arith.constant 0 : index
    %swap3A_43 = arith.constant 0 : index
    %swap3A_44 = vector.load %arg12[%swap3A_42, %swap3A_43] : memref<128x128xf32, #tpu.memory_space<vmem>>, vector<128x128xf32>
    tpu.vector_store %arg12[%swap3A_42, %swap3A_43], %dot_general3A_41 {strides = array<i32>} : memref<128x128xf32, #tpu.memory_space<vmem>>, vector<128x128xf32>,
    %get3A_45 = arith.constant 0 : index
    %get3A_46 = arith.constant 0 : index
    %get3A_47 = vector.load %arg9[%get3A_45, %get3A_46] : memref<1x128xf32, #tpu.memory_space<vmem>>, vector<1x128xf32>
    %get3A_48 = arith.constant 0 : index
    %get3A_49 = arith.constant 0 : index
    %get3A_50 = vector.load %arg8[%get3A_48, %get3A_49] : memref<128x128xf32, #tpu.memory_space<vmem>>, vector<128x128xf32>
    %dot_general3A_51 = arith.constant dense<0.000000e+00> : vector<1x128xf32>
    %dot_general3A_52 = tpu.matmul %get3A_47, %get3A_50, %dot_general3A_51 {dimension_numbers = #tpu.dot_dimension_numbers<[1], [0], [0], [1], [0, 0, 1, 1], [], []>, precision = #tpu.contract_precision<fp32>, transpose_lhs_hint = false} : vector<1x128xf32>, vector<128x128xf32>, vector<1x128xf32> -> vector<1x128xf32>
    %mul3A = arith.constant 5.000000e+00 : f32
    %mul3A_53 = vector.broadcast %mul3A : f32 to vector<1x128xf32>
    %mul3A_54 = arith.mulf %mul3A_53, %dot_general3A_52 : vector<1x128xf32>
    %get3A_55 = arith.constant 0 : index
    %get3A_56 = arith.constant 0 : index
    %get3A_57 = vector.load %arg10[%get3A_55, %get3A_56] : memref<1x128xf32, #tpu.memory_space<vmem>>, vector<1x128xf32>
    %add3A_58 = arith.addf %mul3A_54, %get3A_57 : vector<1x128xf32>
    %iota3A = tpu.iota {dimensions = array<i32: 0>} : vector<8x128xi32>
    %lt3A = arith.constant 5 : i32
    %lt3A_59 = vector.broadcast %lt3A : i32 to vector<8x128xi32>
    %lt3A_60 = arith.cmpi slt, %iota3A, %lt3A_59 : vector<8x128xi32>
    %max3A_61 = arith.constant 0.000000e+00 : f32
    %max3A_62 = vector.broadcast %max3A_61 : f32 to vector<8x128xf32>
    %max3A_63 = arith.maximumf %add3A_31, %max3A_62 : vector<8x128xf32>
    %jit3A = arith.constant 0.000000e+00 : f32
    %broadcast_in_dim3A = vector.broadcast %jit3A : f32 to vector<8x128xf32>
    %select_n3A = arith.select %lt3A_60, %max3A_63, %broadcast_in_dim3A : vector<8x128xi1>, vector<8x128xf32>
    %reduce_sum3A = arith.constant dense<0.000000e+00> : vector<128xf32>
    %reduce_sum3A_64 = vector.multi_reduction <add>, %select_n3A, %reduce_sum3A [0] : vector<8x128xf32> to vector<128xf32>
    %broadcast_in_dim3A_65 = vector.shape_cast %reduce_sum3A_64 : vector<128xf32> to vector<1x128xf32>
    %dot_general3A_66 = arith.constant dense<0.000000e+00> : vector<1x128xf32>
    %dot_general3A_67 = tpu.matmul %broadcast_in_dim3A_65, %dot_general3A_41, %dot_general3A_66 {dimension_numbers = #tpu.dot_dimension_numbers<[1], [0], [0], [1], [0, 0, 1, 1], [], []>, precision = #tpu.contract_precision<fp32>, transpose_lhs_hint = false} : vector<1x128xf32>, vector<128x128xf32>, vector<1x128xf32> -> vector<1x128xf32>
    %add3A_68 = arith.addf %dot_general3A_67, %add3A_58 : vector<1x128xf32>
    %broadcast_in_dim3A_69 = arith.constant 0.000000e+00 : f32
    %broadcast_in_dim3A_70 = vector.broadcast %broadcast_in_dim3A_69 : f32 to vector<7x128xf32>
    %concatenate3A = tpu.concatenate %add3A_68, %broadcast_in_dim3A_70 in 0 : vector<1x128xf32>, vector<7x128xf32> -> vector<8x128xf32>
    %transpose3A_71 = tpu.transpose %concatenate3A, [1, 0] : vector<8x128xf32> -> vector<128x8xf32>
    %swap3A_72 = arith.constant 0 : index
    %swap3A_73 = arith.constant 0 : index
    %swap3A_74 = vector.load %arg13[%swap3A_72, %swap3A_73] : memref<128x8xf32, #tpu.memory_space<vmem>>, vector<128x8xf32>
    tpu.vector_store %arg13[%swap3A_72, %swap3A_73], %transpose3A_71 {strides = array<i32>} : memref<128x8xf32, #tpu.memory_space<vmem>>, vector<128x8xf32>,
    return
  }
}

module attributes {stable_mosaic.version = 14 : i64} {
  func.func @body(%arg0: i32, %arg1: memref<5x6400xf32, #tpu.memory_space<vmem>>, %arg2: memref<4x6400xf32, #tpu.memory_space<vmem>>, %arg3: memref<128x8xf32, #tpu.memory_space<vmem>>, %arg4: memref<4x128xf32, #tpu.memory_space<vmem>>, %arg5: memref<128x128xf32, #tpu.memory_space<vmem>>, %arg6: memref<128x8xf32, #tpu.memory_space<vmem>>, %arg7: memref<128x8xf32, #tpu.memory_space<vmem>>) attributes {dimension_semantics = [#tpu.dimension_semantics<arbitrary>], iteration_bounds = array<i64: 25>, scalar_prefetch = 0 : i64, scratch_operands = 0 : i64, tpu.core_type = #tpu.core_type<tc>, window_params = [{transform_indices = @transform_0, window_bounds = array<i64: 5, 6400>}, {transform_indices = @transform_1, window_bounds = array<i64: 4, 6400>}, {pipeline_mode = #tpu.pipeline_mode<synchronous>, transform_indices = @transform_2, window_bounds = array<i64: 128, 8>}, {pipeline_mode = #tpu.pipeline_mode<synchronous>, transform_indices = @transform_3, window_bounds = array<i64: 4, 128>}, {pipeline_mode = #tpu.pipeline_mode<synchronous>, transform_indices = @transform_4, window_bounds = array<i64: 128, 128>}, {pipeline_mode = #tpu.pipeline_mode<synchronous>, transform_indices = @transform_5, window_bounds = array<i64: 128, 8>}, {pipeline_mode = #tpu.pipeline_mode<synchronous>, transform_indices = @transform_6, window_bounds = array<i64: 128, 8>}]} {
    %get3A = arith.constant 0 : index
    %get3A_0 = arith.constant 0 : index
    %get3A_1 = vector.load %arg1[%get3A, %get3A_0] : memref<5x6400xf32, #tpu.memory_space<vmem>>, vector<5x6400xf32>
    %get3A_2 = arith.constant 0 : index
    %get3A_3 = arith.constant 0 : index
    %get3A_4 = vector.load %arg2[%get3A_2, %get3A_3] : memref<4x6400xf32, #tpu.memory_space<vmem>>, vector<4x6400xf32>
    %get3A_5 = arith.constant 0 : index
    %get3A_6 = arith.constant 0 : index
    %get3A_7 = vector.load %arg4[%get3A_5, %get3A_6] : memref<4x128xf32, #tpu.memory_space<vmem>>, vector<4x128xf32>
    %convert_element_type3A = arith.truncf %get3A_7 : vector<4x128xf32> to vector<4x128xbf16>
    %convert_element_type3A_8 = arith.truncf %get3A_4 : vector<4x6400xf32> to vector<4x6400xbf16>
    %dot_general3A = arith.constant dense<0.000000e+00> : vector<128x6400xf32>
    %dot_general3A_9 = tpu.matmul %convert_element_type3A, %convert_element_type3A_8, %dot_general3A {dimension_numbers = #tpu.dot_dimension_numbers<[0], [0], [1], [1], [0, 1, 1, 1], [], []>, transpose_lhs_hint = false} : vector<4x128xbf16>, vector<4x6400xbf16>, vector<128x6400xf32> -> vector<128x6400xf32>
    %get3A_10 = arith.constant 0 : index
    %get3A_11 = arith.constant 0 : index
    %get3A_12 = vector.load %arg3[%get3A_10, %get3A_11] : memref<128x8xf32, #tpu.memory_space<vmem>>, vector<128x8xf32>
    %min3A = arith.constant 0.000000e+00 : f32
    %min3A_13 = vector.broadcast %min3A : f32 to vector<128x8xf32>
    %min3A_14 = arith.minimumf %get3A_12, %min3A_13 : vector<128x8xf32>
    %broadcast_in_dim3A = arith.constant 0.000000e+00 : f32
    %broadcast_in_dim3A_15 = vector.broadcast %broadcast_in_dim3A : f32 to vector<128x6400xf32>
    %slice3A = vector.extract_strided_slice %get3A_1 {offsets = [0, 0], sizes = [1, 6400], strides = [1, 1]} : vector<5x6400xf32> to vector<1x6400xf32>
    %mul3A = vector.broadcast %slice3A : vector<1x6400xf32> to vector<128x6400xf32>
    %mul3A_16 = arith.mulf %mul3A, %dot_general3A_9 : vector<128x6400xf32>
    %slice3A_17 = vector.extract_strided_slice %get3A_12 {offsets = [0, 0], sizes = [128, 1], strides = [1, 1]} : vector<128x8xf32> to vector<128x1xf32>
    %neg3A = arith.constant 0.000000e+00 : f32
    %neg3A_18 = vector.broadcast %neg3A : f32 to vector<128x1xf32>
    %neg3A_19 = arith.subf %neg3A_18, %slice3A_17 : vector<128x1xf32>
    %max3A = vector.broadcast %neg3A_19 : vector<128x1xf32> to vector<128x6400xf32>
    %max3A_20 = arith.maximumf %mul3A_16, %max3A : vector<128x6400xf32>
    %slice3A_21 = vector.extract_strided_slice %min3A_14 {offsets = [0, 0], sizes = [128, 1], strides = [1, 1]} : vector<128x8xf32> to vector<128x1xf32>
    %add3A = vector.broadcast %slice3A_21 : vector<128x1xf32> to vector<128x6400xf32>
    %add3A_22 = arith.addf %max3A_20, %add3A : vector<128x6400xf32>
    %add3A_23 = arith.addf %broadcast_in_dim3A_15, %add3A_22 : vector<128x6400xf32>
    %slice3A_24 = vector.extract_strided_slice %get3A_1 {offsets = [1, 0], sizes = [1, 6400], strides = [1, 1]} : vector<5x6400xf32> to vector<1x6400xf32>
    %mul3A_25 = vector.broadcast %slice3A_24 : vector<1x6400xf32> to vector<128x6400xf32>
    %mul3A_26 = arith.mulf %mul3A_25, %dot_general3A_9 : vector<128x6400xf32>
    %slice3A_27 = vector.extract_strided_slice %get3A_12 {offsets = [0, 1], sizes = [128, 1], strides = [1, 1]} : vector<128x8xf32> to vector<128x1xf32>
    %neg3A_28 = arith.constant 0.000000e+00 : f32
    %neg3A_29 = vector.broadcast %neg3A_28 : f32 to vector<128x1xf32>
    %neg3A_30 = arith.subf %neg3A_29, %slice3A_27 : vector<128x1xf32>
    %max3A_31 = vector.broadcast %neg3A_30 : vector<128x1xf32> to vector<128x6400xf32>
    %max3A_32 = arith.maximumf %mul3A_26, %max3A_31 : vector<128x6400xf32>
    %slice3A_33 = vector.extract_strided_slice %min3A_14 {offsets = [0, 1], sizes = [128, 1], strides = [1, 1]} : vector<128x8xf32> to vector<128x1xf32>
    %add3A_34 = vector.broadcast %slice3A_33 : vector<128x1xf32> to vector<128x6400xf32>
    %add3A_35 = arith.addf %max3A_32, %add3A_34 : vector<128x6400xf32>
    %add3A_36 = arith.addf %add3A_23, %add3A_35 : vector<128x6400xf32>
    %slice3A_37 = vector.extract_strided_slice %get3A_1 {offsets = [2, 0], sizes = [1, 6400], strides = [1, 1]} : vector<5x6400xf32> to vector<1x6400xf32>
    %mul3A_38 = vector.broadcast %slice3A_37 : vector<1x6400xf32> to vector<128x6400xf32>
    %mul3A_39 = arith.mulf %mul3A_38, %dot_general3A_9 : vector<128x6400xf32>
    %slice3A_40 = vector.extract_strided_slice %get3A_12 {offsets = [0, 2], sizes = [128, 1], strides = [1, 1]} : vector<128x8xf32> to vector<128x1xf32>
    %neg3A_41 = arith.constant 0.000000e+00 : f32
    %neg3A_42 = vector.broadcast %neg3A_41 : f32 to vector<128x1xf32>
    %neg3A_43 = arith.subf %neg3A_42, %slice3A_40 : vector<128x1xf32>
    %max3A_44 = vector.broadcast %neg3A_43 : vector<128x1xf32> to vector<128x6400xf32>
    %max3A_45 = arith.maximumf %mul3A_39, %max3A_44 : vector<128x6400xf32>
    %slice3A_46 = vector.extract_strided_slice %min3A_14 {offsets = [0, 2], sizes = [128, 1], strides = [1, 1]} : vector<128x8xf32> to vector<128x1xf32>
    %add3A_47 = vector.broadcast %slice3A_46 : vector<128x1xf32> to vector<128x6400xf32>
    %add3A_48 = arith.addf %max3A_45, %add3A_47 : vector<128x6400xf32>
    %add3A_49 = arith.addf %add3A_36, %add3A_48 : vector<128x6400xf32>
    %slice3A_50 = vector.extract_strided_slice %get3A_1 {offsets = [3, 0], sizes = [1, 6400], strides = [1, 1]} : vector<5x6400xf32> to vector<1x6400xf32>
    %mul3A_51 = vector.broadcast %slice3A_50 : vector<1x6400xf32> to vector<128x6400xf32>
    %mul3A_52 = arith.mulf %mul3A_51, %dot_general3A_9 : vector<128x6400xf32>
    %slice3A_53 = vector.extract_strided_slice %get3A_12 {offsets = [0, 3], sizes = [128, 1], strides = [1, 1]} : vector<128x8xf32> to vector<128x1xf32>
    %neg3A_54 = arith.constant 0.000000e+00 : f32
    %neg3A_55 = vector.broadcast %neg3A_54 : f32 to vector<128x1xf32>
    %neg3A_56 = arith.subf %neg3A_55, %slice3A_53 : vector<128x1xf32>
    %max3A_57 = vector.broadcast %neg3A_56 : vector<128x1xf32> to vector<128x6400xf32>
    %max3A_58 = arith.maximumf %mul3A_52, %max3A_57 : vector<128x6400xf32>
    %slice3A_59 = vector.extract_strided_slice %min3A_14 {offsets = [0, 3], sizes = [128, 1], strides = [1, 1]} : vector<128x8xf32> to vector<128x1xf32>
    %add3A_60 = vector.broadcast %slice3A_59 : vector<128x1xf32> to vector<128x6400xf32>
    %add3A_61 = arith.addf %max3A_58, %add3A_60 : vector<128x6400xf32>
    %add3A_62 = arith.addf %add3A_49, %add3A_61 : vector<128x6400xf32>
    %slice3A_63 = vector.extract_strided_slice %get3A_1 {offsets = [4, 0], sizes = [1, 6400], strides = [1, 1]} : vector<5x6400xf32> to vector<1x6400xf32>
    %mul3A_64 = vector.broadcast %slice3A_63 : vector<1x6400xf32> to vector<128x6400xf32>
    %mul3A_65 = arith.mulf %mul3A_64, %dot_general3A_9 : vector<128x6400xf32>
    %slice3A_66 = vector.extract_strided_slice %get3A_12 {offsets = [0, 4], sizes = [128, 1], strides = [1, 1]} : vector<128x8xf32> to vector<128x1xf32>
    %neg3A_67 = arith.constant 0.000000e+00 : f32
    %neg3A_68 = vector.broadcast %neg3A_67 : f32 to vector<128x1xf32>
    %neg3A_69 = arith.subf %neg3A_68, %slice3A_66 : vector<128x1xf32>
    %max3A_70 = vector.broadcast %neg3A_69 : vector<128x1xf32> to vector<128x6400xf32>
    %max3A_71 = arith.maximumf %mul3A_65, %max3A_70 : vector<128x6400xf32>
    %slice3A_72 = vector.extract_strided_slice %min3A_14 {offsets = [0, 4], sizes = [128, 1], strides = [1, 1]} : vector<128x8xf32> to vector<128x1xf32>
    %add3A_73 = vector.broadcast %slice3A_72 : vector<128x1xf32> to vector<128x6400xf32>
    %add3A_74 = arith.addf %max3A_71, %add3A_73 : vector<128x6400xf32>
    %add3A_75 = arith.addf %add3A_62, %add3A_74 : vector<128x6400xf32>
    %get3A_76 = arith.constant 0 : index
    %get3A_77 = arith.constant 0 : index
    %get3A_78 = vector.load %arg5[%get3A_76, %get3A_77] : memref<128x128xf32, #tpu.memory_space<vmem>>, vector<128x128xf32>
    %convert_element_type3A_79 = arith.truncf %get3A_78 : vector<128x128xf32> to vector<128x128xbf16>
    %convert_element_type3A_80 = arith.truncf %add3A_75 : vector<128x6400xf32> to vector<128x6400xbf16>
    %dot_general3A_81 = arith.constant dense<0.000000e+00> : vector<128x6400xf32>
    %dot_general3A_82 = tpu.matmul %convert_element_type3A_79, %convert_element_type3A_80, %dot_general3A_81 {dimension_numbers = #tpu.dot_dimension_numbers<[0], [0], [1], [1], [0, 1, 1, 1], [], []>, transpose_lhs_hint = false} : vector<128x128xbf16>, vector<128x6400xbf16>, vector<128x6400xf32> -> vector<128x6400xf32>
    %get3A_83 = arith.constant 0 : index
    %get3A_84 = arith.constant 0 : index
    %get3A_85 = vector.load %arg6[%get3A_83, %get3A_84] : memref<128x8xf32, #tpu.memory_space<vmem>>, vector<128x8xf32>
    %slice3A_86 = vector.extract_strided_slice %get3A_85 {offsets = [0, 0], sizes = [128, 1], strides = [1, 1]} : vector<128x8xf32> to vector<128x1xf32>
    %add3A_87 = vector.broadcast %slice3A_86 : vector<128x1xf32> to vector<128x6400xf32>
    %add3A_88 = arith.addf %dot_general3A_82, %add3A_87 : vector<128x6400xf32>
    %max3A_89 = arith.constant 0.000000e+00 : f32
    %max3A_90 = vector.broadcast %max3A_89 : f32 to vector<128x6400xf32>
    %max3A_91 = arith.maximumf %add3A_88, %max3A_90 : vector<128x6400xf32>
    %reduce_sum3A = arith.constant dense<0.000000e+00> : vector<128xf32>
    %reduce_sum3A_92 = vector.multi_reduction <add>, %max3A_91, %reduce_sum3A [1] : vector<128x6400xf32> to vector<128xf32>
    %broadcast_in_dim3A_93 = vector.shape_cast %reduce_sum3A_92 : vector<128xf32> to vector<128x1xf32>
    %broadcast_in_dim3A_94 = arith.constant 0.000000e+00 : f32
    %broadcast_in_dim3A_95 = vector.broadcast %broadcast_in_dim3A_94 : f32 to vector<128x7xf32>
    %concatenate3A = tpu.concatenate %broadcast_in_dim3A_93, %broadcast_in_dim3A_95 in 1 : vector<128x1xf32>, vector<128x7xf32> -> vector<128x8xf32>
    %eq3A = arith.constant 0 : i32
    %eq3A_96 = arith.cmpi eq, %arg0, %eq3A : i32
    %convert_element_type3A_97 = arith.extui %eq3A_96 : i1 to i32
    %cond3A = arith.constant 0 : i32
    %cond3A_98 = arith.cmpi ne, %convert_element_type3A_97, %cond3A : i32
    scf.if %cond3A_98 {
      %broadcast_in_dim3A_105 = arith.constant 0.000000e+00 : f32
      %broadcast_in_dim3A_106 = vector.broadcast %broadcast_in_dim3A_105 : f32 to vector<128x8xf32>
      %swap3A_107 = arith.constant 0 : index
      %swap3A_108 = arith.constant 0 : index
      %swap3A_109 = vector.load %arg7[%swap3A_107, %swap3A_108] : memref<128x8xf32, #tpu.memory_space<vmem>>, vector<128x8xf32>
      tpu.vector_store %arg7[%swap3A_107, %swap3A_108], %broadcast_in_dim3A_106 {strides = array<i32>} : memref<128x8xf32, #tpu.memory_space<vmem>>, vector<128x8xf32>,
    } else {
    }
    %get3A_99 = arith.constant 0 : index
    %get3A_100 = arith.constant 0 : index
    %get3A_101 = vector.load %arg7[%get3A_99, %get3A_100] : memref<128x8xf32, #tpu.memory_space<vmem>>, vector<128x8xf32>
    %add3A_102 = arith.addf %get3A_101, %concatenate3A : vector<128x8xf32>
    %swap3A = arith.constant 0 : index
    %swap3A_103 = arith.constant 0 : index
    %swap3A_104 = vector.load %arg7[%swap3A, %swap3A_103] : memref<128x8xf32, #tpu.memory_space<vmem>>, vector<128x8xf32>
    tpu.vector_store %arg7[%swap3A, %swap3A_103], %add3A_102 {strides = array<i32>} : memref<128x8xf32, #tpu.memory_space<vmem>>, vector<128x8xf32>,
    return
  }
  func.func @transform_0(%arg0: i32) -> (i32, i32) {
    %c0_i32 = arith.constant 0 : i32
    %c0_i32_0 = arith.constant 0 : i32
    return %c0_i32, %arg0 : i32, i32
  }
  func.func @transform_1(%arg0: i32) -> (i32, i32) {
    %c0_i32 = arith.constant 0 : i32
    %c0_i32_0 = arith.constant 0 : i32
    return %c0_i32, %arg0 : i32, i32
  }
  func.func @transform_2(%arg0: i32) -> (i32, i32) {
    %c0_i32 = arith.constant 0 : i32
    %c0_i32_0 = arith.constant 0 : i32
    %c0_i32_1 = arith.constant 0 : i32
    return %c0_i32, %c0_i32_0 : i32, i32
  }
  func.func @transform_3(%arg0: i32) -> (i32, i32) {
    %c0_i32 = arith.constant 0 : i32
    %c0_i32_0 = arith.constant 0 : i32
    %c0_i32_1 = arith.constant 0 : i32
    return %c0_i32, %c0_i32_0 : i32, i32
  }
  func.func @transform_4(%arg0: i32) -> (i32, i32) {
    %c0_i32 = arith.constant 0 : i32
    %c0_i32_0 = arith.constant 0 : i32
    %c0_i32_1 = arith.constant 0 : i32
    return %c0_i32, %c0_i32_0 : i32, i32
  }
  func.func @transform_5(%arg0: i32) -> (i32, i32) {
    %c0_i32 = arith.constant 0 : i32
    %c0_i32_0 = arith.constant 0 : i32
    %c0_i32_1 = arith.constant 0 : i32
    return %c0_i32, %c0_i32_0 : i32, i32
  }
  func.func @transform_6(%arg0: i32) -> (i32, i32) {
    %c0_i32 = arith.constant 0 : i32
    %c0_i32_0 = arith.constant 0 : i32
    %c0_i32_1 = arith.constant 0 : i32
    return %c0_i32, %c0_i32_0 : i32, i32
  }
}

module attributes {stable_mosaic.version = 14 : i64} {
  func.func @body(%arg0: i32, %arg1: memref<2000x128xf32, #tpu.memory_space<vmem>>, %arg2: memref<2x2000x128xf32, #tpu.memory_space<vmem>>, %arg3: memref<128x128xf32, #tpu.memory_space<vmem>>, %arg4: memref<1x128xf32, #tpu.memory_space<vmem>>, %arg5: memref<2000x128xf32, #tpu.memory_space<vmem>>, %arg6: memref<8x128xf32, #tpu.memory_space<vmem>>) attributes {dimension_semantics = [#tpu.dimension_semantics<arbitrary>], iteration_bounds = array<i64: 5>, scalar_prefetch = 0 : i64, scratch_operands = 0 : i64, tpu.core_type = #tpu.core_type<tc>, window_params = [{transform_indices = @transform_0, window_bounds = array<i64: 2000, 128>}, {transform_indices = @transform_1, window_bounds = array<i64: 2, 2000, 128>}, {pipeline_mode = #tpu.pipeline_mode<synchronous>, transform_indices = @transform_2, window_bounds = array<i64: 128, 128>}, {pipeline_mode = #tpu.pipeline_mode<synchronous>, transform_indices = @transform_3, window_bounds = array<i64: 1, 128>}, {transform_indices = @transform_4, window_bounds = array<i64: 2000, 128>}, {pipeline_mode = #tpu.pipeline_mode<synchronous>, transform_indices = @transform_5, window_bounds = array<i64: 8, 128>}]} {
    %get3A = arith.constant 0 : index
    %get3A_0 = arith.constant 0 : index
    %get3A_1 = vector.load %arg1[%get3A, %get3A_0] : memref<2000x128xf32, #tpu.memory_space<vmem>>, vector<2000x128xf32>
    %get3A_2 = arith.constant 0 : index
    %get3A_3 = arith.constant 0 : index
    %get3A_4 = arith.constant 0 : index
    %get3A_5 = vector.load %arg2[%get3A_2, %get3A_3, %get3A_4] : memref<2x2000x128xf32, #tpu.memory_space<vmem>>, vector<1x2000x128xf32>
    %get3A_6 = vector.shape_cast %get3A_5 : vector<1x2000x128xf32> to vector<2000x128xf32>
    %add3A = arith.addf %get3A_1, %get3A_6 : vector<2000x128xf32>
    %get3A_7 = arith.constant 1 : index
    %get3A_8 = arith.constant 0 : index
    %get3A_9 = arith.constant 0 : index
    %get3A_10 = vector.load %arg2[%get3A_7, %get3A_8, %get3A_9] : memref<2x2000x128xf32, #tpu.memory_space<vmem>>, vector<1x2000x128xf32>
    %get3A_11 = vector.shape_cast %get3A_10 : vector<1x2000x128xf32> to vector<2000x128xf32>
    %add3A_12 = arith.addf %add3A, %get3A_11 : vector<2000x128xf32>
    %get3A_13 = arith.constant 0 : index
    %get3A_14 = arith.constant 0 : index
    %get3A_15 = vector.load %arg3[%get3A_13, %get3A_14] : memref<128x128xf32, #tpu.memory_space<vmem>>, vector<128x128xf32>
    %dot_general3A = arith.constant dense<0.000000e+00> : vector<2000x128xf32>
    %dot_general3A_16 = tpu.matmul %add3A_12, %get3A_15, %dot_general3A {dimension_numbers = #tpu.dot_dimension_numbers<[1], [0], [0], [1], [0, 0, 1, 1], [], []>, transpose_lhs_hint = false} : vector<2000x128xf32>, vector<128x128xf32>, vector<2000x128xf32> -> vector<2000x128xf32>
    %get3A_17 = arith.constant 0 : index
    %get3A_18 = arith.constant 0 : index
    %get3A_19 = vector.load %arg4[%get3A_17, %get3A_18] : memref<1x128xf32, #tpu.memory_space<vmem>>, vector<1x128xf32>
    %add3A_20 = vector.broadcast %get3A_19 : vector<1x128xf32> to vector<2000x128xf32>
    %add3A_21 = arith.addf %dot_general3A_16, %add3A_20 : vector<2000x128xf32>
    %max3A = arith.constant 0.000000e+00 : f32
    %max3A_22 = vector.broadcast %max3A : f32 to vector<2000x128xf32>
    %max3A_23 = arith.maximumf %add3A_21, %max3A_22 : vector<2000x128xf32>
    %swap3A = arith.constant 0 : index
    %swap3A_24 = arith.constant 0 : index
    %swap3A_25 = vector.load %arg5[%swap3A, %swap3A_24] : memref<2000x128xf32, #tpu.memory_space<vmem>>, vector<2000x128xf32>
    tpu.vector_store %arg5[%swap3A, %swap3A_24], %max3A_23 {strides = array<i32>} : memref<2000x128xf32, #tpu.memory_space<vmem>>, vector<2000x128xf32>,
    %reduce_sum3A = arith.constant dense<0.000000e+00> : vector<128xf32>
    %reduce_sum3A_26 = vector.multi_reduction <add>, %max3A_23, %reduce_sum3A [0] : vector<2000x128xf32> to vector<128xf32>
    %broadcast_in_dim3A = vector.shape_cast %reduce_sum3A_26 : vector<128xf32> to vector<1x128xf32>
    %broadcast_in_dim3A_27 = arith.constant 0.000000e+00 : f32
    %broadcast_in_dim3A_28 = vector.broadcast %broadcast_in_dim3A_27 : f32 to vector<7x128xf32>
    %concatenate3A = tpu.concatenate %broadcast_in_dim3A, %broadcast_in_dim3A_28 in 0 : vector<1x128xf32>, vector<7x128xf32> -> vector<8x128xf32>
    %eq3A = arith.constant 0 : i32
    %eq3A_29 = arith.cmpi eq, %arg0, %eq3A : i32
    %convert_element_type3A = arith.extui %eq3A_29 : i1 to i32
    %cond3A = arith.constant 0 : i32
    %cond3A_30 = arith.cmpi ne, %convert_element_type3A, %cond3A : i32
    scf.if %cond3A_30 {
      %broadcast_in_dim3A_38 = arith.constant 0.000000e+00 : f32
      %broadcast_in_dim3A_39 = vector.broadcast %broadcast_in_dim3A_38 : f32 to vector<8x128xf32>
      %swap3A_40 = arith.constant 0 : index
      %swap3A_41 = arith.constant 0 : index
      %swap3A_42 = vector.load %arg6[%swap3A_40, %swap3A_41] : memref<8x128xf32, #tpu.memory_space<vmem>>, vector<8x128xf32>
      tpu.vector_store %arg6[%swap3A_40, %swap3A_41], %broadcast_in_dim3A_39 {strides = array<i32>} : memref<8x128xf32, #tpu.memory_space<vmem>>, vector<8x128xf32>,
    } else {
    }
    %get3A_31 = arith.constant 0 : index
    %get3A_32 = arith.constant 0 : index
    %get3A_33 = vector.load %arg6[%get3A_31, %get3A_32] : memref<8x128xf32, #tpu.memory_space<vmem>>, vector<8x128xf32>
    %add3A_34 = arith.addf %get3A_33, %concatenate3A : vector<8x128xf32>
    %swap3A_35 = arith.constant 0 : index
    %swap3A_36 = arith.constant 0 : index
    %swap3A_37 = vector.load %arg6[%swap3A_35, %swap3A_36] : memref<8x128xf32, #tpu.memory_space<vmem>>, vector<8x128xf32>
    tpu.vector_store %arg6[%swap3A_35, %swap3A_36], %add3A_34 {strides = array<i32>} : memref<8x128xf32, #tpu.memory_space<vmem>>, vector<8x128xf32>,
    return
  }
  func.func @transform_0(%arg0: i32) -> (i32, i32) {
    %c0_i32 = arith.constant 0 : i32
    %c0_i32_0 = arith.constant 0 : i32
    return %arg0, %c0_i32 : i32, i32
  }
  func.func @transform_1(%arg0: i32) -> (i32, i32, i32) {
    %c0_i32 = arith.constant 0 : i32
    %c0_i32_0 = arith.constant 0 : i32
    %c0_i32_1 = arith.constant 0 : i32
    return %c0_i32, %arg0, %c0_i32_0 : i32, i32, i32
  }
  func.func @transform_2(%arg0: i32) -> (i32, i32) {
    %c0_i32 = arith.constant 0 : i32
    %c0_i32_0 = arith.constant 0 : i32
    %c0_i32_1 = arith.constant 0 : i32
    return %c0_i32, %c0_i32_0 : i32, i32
  }
  func.func @transform_3(%arg0: i32) -> (i32, i32) {
    %c0_i32 = arith.constant 0 : i32
    %c0_i32_0 = arith.constant 0 : i32
    %c0_i32_1 = arith.constant 0 : i32
    return %c0_i32, %c0_i32_0 : i32, i32
  }
  func.func @transform_4(%arg0: i32) -> (i32, i32) {
    %c0_i32 = arith.constant 0 : i32
    %c0_i32_0 = arith.constant 0 : i32
    return %arg0, %c0_i32 : i32, i32
  }
  func.func @transform_5(%arg0: i32) -> (i32, i32) {
    %c0_i32 = arith.constant 0 : i32
    %c0_i32_0 = arith.constant 0 : i32
    %c0_i32_1 = arith.constant 0 : i32
    return %c0_i32, %c0_i32_0 : i32, i32
  }
}

module attributes {stable_mosaic.version = 14 : i64} {
  func.func @body(%arg0: memref<8x128xf32, #tpu.memory_space<vmem>>, %arg1: memref<128x8xf32, #tpu.memory_space<vmem>>, %arg2: memref<8x128xf32, #tpu.memory_space<vmem>>, %arg3: memref<128x128xf32, #tpu.memory_space<vmem>>, %arg4: memref<1x128xf32, #tpu.memory_space<vmem>>, %arg5: memref<256x128xf32, #tpu.memory_space<vmem>>, %arg6: memref<1x128xf32, #tpu.memory_space<vmem>>, %arg7: memref<128x64xf32, #tpu.memory_space<vmem>>, %arg8: memref<1x64xf32, #tpu.memory_space<vmem>>, %arg9: memref<20x128xf32, #tpu.memory_space<vmem>>, %arg10: memref<1x128xf32, #tpu.memory_space<vmem>>, %arg11: memref<128x128xf32, #tpu.memory_space<vmem>>, %arg12: memref<1x128xf32, #tpu.memory_space<vmem>>, %arg13: memref<128x64xf32, #tpu.memory_space<vmem>>, %arg14: memref<1x64xf32, #tpu.memory_space<vmem>>, %arg15: memref<1x64xf32, #tpu.memory_space<vmem>>) attributes {dimension_semantics = [], scalar_prefetch = 0 : i64, scratch_operands = 0 : i64, tpu.core_type = #tpu.core_type<tc>} {
    %get3A = arith.constant 0 : index
    %get3A_0 = arith.constant 0 : index
    %get3A_1 = vector.load %arg0[%get3A, %get3A_0] : memref<8x128xf32, #tpu.memory_space<vmem>>, vector<8x128xf32>
    %reduce_sum3A = arith.constant dense<0.000000e+00> : vector<128xf32>
    %reduce_sum3A_2 = vector.multi_reduction <add>, %get3A_1, %reduce_sum3A [0] : vector<8x128xf32> to vector<128xf32>
    %broadcast_in_dim3A = vector.shape_cast %reduce_sum3A_2 : vector<128xf32> to vector<1x128xf32>
    %div3A = arith.constant 1.000000e+04 : f32
    %div3A_3 = vector.broadcast %div3A : f32 to vector<1x128xf32>
    %div3A_4 = arith.divf %broadcast_in_dim3A, %div3A_3 : vector<1x128xf32>
    %get3A_5 = arith.constant 0 : index
    %get3A_6 = arith.constant 0 : index
    %get3A_7 = vector.load %arg1[%get3A_5, %get3A_6] : memref<128x8xf32, #tpu.memory_space<vmem>>, vector<128x8xf32>
    %transpose3A = tpu.transpose %get3A_7, [1, 0] : vector<128x8xf32> -> vector<8x128xf32>
    %slice3A = vector.extract_strided_slice %transpose3A {offsets = [0, 0], sizes = [1, 128], strides = [1, 1]} : vector<8x128xf32> to vector<1x128xf32>
    %get3A_8 = arith.constant 0 : index
    %get3A_9 = arith.constant 0 : index
    %get3A_10 = vector.load %arg3[%get3A_8, %get3A_9] : memref<128x128xf32, #tpu.memory_space<vmem>>, vector<128x128xf32>
    %dot_general3A = arith.constant dense<0.000000e+00> : vector<1x128xf32>
    %dot_general3A_11 = tpu.matmul %slice3A, %get3A_10, %dot_general3A {dimension_numbers = #tpu.dot_dimension_numbers<[1], [0], [0], [1], [0, 0, 1, 1], [], []>, precision = #tpu.contract_precision<fp32>, transpose_lhs_hint = false} : vector<1x128xf32>, vector<128x128xf32>, vector<1x128xf32> -> vector<1x128xf32>
    %get3A_12 = arith.constant 0 : index
    %get3A_13 = arith.constant 0 : index
    %get3A_14 = vector.load %arg4[%get3A_12, %get3A_13] : memref<1x128xf32, #tpu.memory_space<vmem>>, vector<1x128xf32>
    %mul3A = arith.constant 1.600000e+05 : f32
    %mul3A_15 = vector.broadcast %mul3A : f32 to vector<1x128xf32>
    %mul3A_16 = arith.mulf %mul3A_15, %get3A_14 : vector<1x128xf32>
    %add3A = arith.addf %dot_general3A_11, %mul3A_16 : vector<1x128xf32>
    %concatenate3A = tpu.concatenate %div3A_4, %add3A in 1 : vector<1x128xf32>, vector<1x128xf32> -> vector<1x256xf32>
    %get3A_17 = arith.constant 0 : index
    %get3A_18 = arith.constant 0 : index
    %get3A_19 = vector.load %arg5[%get3A_17, %get3A_18] : memref<256x128xf32, #tpu.memory_space<vmem>>, vector<256x128xf32>
    %dot_general3A_20 = arith.constant dense<0.000000e+00> : vector<1x128xf32>
    %dot_general3A_21 = tpu.matmul %concatenate3A, %get3A_19, %dot_general3A_20 {dimension_numbers = #tpu.dot_dimension_numbers<[1], [0], [0], [1], [0, 0, 1, 1], [], []>, precision = #tpu.contract_precision<fp32>, transpose_lhs_hint = false} : vector<1x256xf32>, vector<256x128xf32>, vector<1x128xf32> -> vector<1x128xf32>
    %get3A_22 = arith.constant 0 : index
    %get3A_23 = arith.constant 0 : index
    %get3A_24 = vector.load %arg6[%get3A_22, %get3A_23] : memref<1x128xf32, #tpu.memory_space<vmem>>, vector<1x128xf32>
    %add3A_25 = arith.addf %dot_general3A_21, %get3A_24 : vector<1x128xf32>
    %max3A = arith.constant 0.000000e+00 : f32
    %max3A_26 = vector.broadcast %max3A : f32 to vector<1x128xf32>
    %max3A_27 = arith.maximumf %add3A_25, %max3A_26 : vector<1x128xf32>
    %get3A_28 = arith.constant 0 : index
    %get3A_29 = arith.constant 0 : index
    %get3A_30 = vector.load %arg7[%get3A_28, %get3A_29] : memref<128x64xf32, #tpu.memory_space<vmem>>, vector<128x64xf32>
    %dot_general3A_31 = arith.constant dense<0.000000e+00> : vector<1x64xf32>
    %dot_general3A_32 = tpu.matmul %max3A_27, %get3A_30, %dot_general3A_31 {dimension_numbers = #tpu.dot_dimension_numbers<[1], [0], [0], [1], [0, 0, 1, 1], [], []>, precision = #tpu.contract_precision<fp32>, transpose_lhs_hint = false} : vector<1x128xf32>, vector<128x64xf32>, vector<1x64xf32> -> vector<1x64xf32>
    %get3A_33 = arith.constant 0 : index
    %get3A_34 = arith.constant 0 : index
    %get3A_35 = vector.load %arg8[%get3A_33, %get3A_34] : memref<1x64xf32, #tpu.memory_space<vmem>>, vector<1x64xf32>
    %add3A_36 = arith.addf %dot_general3A_32, %get3A_35 : vector<1x64xf32>
    %get3A_37 = arith.constant 0 : index
    %get3A_38 = arith.constant 0 : index
    %get3A_39 = vector.load %arg2[%get3A_37, %get3A_38] : memref<8x128xf32, #tpu.memory_space<vmem>>, vector<8x128xf32>
    %transpose3A_40 = tpu.transpose %get3A_39, [1, 0] : vector<8x128xf32> -> vector<128x8xf32>
    %slice3A_41 = vector.extract_strided_slice %transpose3A_40 {offsets = [0, 0], sizes = [1, 5], strides = [1, 1]} : vector<128x8xf32> to vector<1x5xf32>
    %slice3A_42 = vector.extract_strided_slice %transpose3A_40 {offsets = [1, 0], sizes = [1, 5], strides = [1, 1]} : vector<128x8xf32> to vector<1x5xf32>
    %slice3A_43 = vector.extract_strided_slice %transpose3A_40 {offsets = [2, 0], sizes = [1, 5], strides = [1, 1]} : vector<128x8xf32> to vector<1x5xf32>
    %slice3A_44 = vector.extract_strided_slice %transpose3A_40 {offsets = [3, 0], sizes = [1, 5], strides = [1, 1]} : vector<128x8xf32> to vector<1x5xf32>
    %concatenate3A_45 = tpu.concatenate %slice3A_41, %slice3A_42, %slice3A_43, %slice3A_44 in 1 : vector<1x5xf32>, vector<1x5xf32>, vector<1x5xf32>, vector<1x5xf32> -> vector<1x20xf32>
    %get3A_46 = arith.constant 0 : index
    %get3A_47 = arith.constant 0 : index
    %get3A_48 = vector.load %arg9[%get3A_46, %get3A_47] : memref<20x128xf32, #tpu.memory_space<vmem>>, vector<20x128xf32>
    %dot_general3A_49 = arith.constant dense<0.000000e+00> : vector<1x128xf32>
    %dot_general3A_50 = tpu.matmul %concatenate3A_45, %get3A_48, %dot_general3A_49 {dimension_numbers = #tpu.dot_dimension_numbers<[1], [0], [0], [1], [0, 0, 1, 1], [], []>, precision = #tpu.contract_precision<fp32>, transpose_lhs_hint = false} : vector<1x20xf32>, vector<20x128xf32>, vector<1x128xf32> -> vector<1x128xf32>
    %get3A_51 = arith.constant 0 : index
    %get3A_52 = arith.constant 0 : index
    %get3A_53 = vector.load %arg10[%get3A_51, %get3A_52] : memref<1x128xf32, #tpu.memory_space<vmem>>, vector<1x128xf32>
    %add3A_54 = arith.addf %dot_general3A_50, %get3A_53 : vector<1x128xf32>
    %max3A_55 = arith.constant 0.000000e+00 : f32
    %max3A_56 = vector.broadcast %max3A_55 : f32 to vector<1x128xf32>
    %max3A_57 = arith.maximumf %add3A_54, %max3A_56 : vector<1x128xf32>
    %get3A_58 = arith.constant 0 : index
    %get3A_59 = arith.constant 0 : index
    %get3A_60 = vector.load %arg11[%get3A_58, %get3A_59] : memref<128x128xf32, #tpu.memory_space<vmem>>, vector<128x128xf32>
    %dot_general3A_61 = arith.constant dense<0.000000e+00> : vector<1x128xf32>
    %dot_general3A_62 = tpu.matmul %max3A_57, %get3A_60, %dot_general3A_61 {dimension_numbers = #tpu.dot_dimension_numbers<[1], [0], [0], [1], [0, 0, 1, 1], [], []>, precision = #tpu.contract_precision<fp32>, transpose_lhs_hint = false} : vector<1x128xf32>, vector<128x128xf32>, vector<1x128xf32> -> vector<1x128xf32>
    %get3A_63 = arith.constant 0 : index
    %get3A_64 = arith.constant 0 : index
    %get3A_65 = vector.load %arg12[%get3A_63, %get3A_64] : memref<1x128xf32, #tpu.memory_space<vmem>>, vector<1x128xf32>
    %add3A_66 = arith.addf %dot_general3A_62, %get3A_65 : vector<1x128xf32>
    %max3A_67 = arith.constant 0.000000e+00 : f32
    %max3A_68 = vector.broadcast %max3A_67 : f32 to vector<1x128xf32>
    %max3A_69 = arith.maximumf %add3A_66, %max3A_68 : vector<1x128xf32>
    %get3A_70 = arith.constant 0 : index
    %get3A_71 = arith.constant 0 : index
    %get3A_72 = vector.load %arg13[%get3A_70, %get3A_71] : memref<128x64xf32, #tpu.memory_space<vmem>>, vector<128x64xf32>
    %dot_general3A_73 = arith.constant dense<0.000000e+00> : vector<1x64xf32>
    %dot_general3A_74 = tpu.matmul %max3A_69, %get3A_72, %dot_general3A_73 {dimension_numbers = #tpu.dot_dimension_numbers<[1], [0], [0], [1], [0, 0, 1, 1], [], []>, precision = #tpu.contract_precision<fp32>, transpose_lhs_hint = false} : vector<1x128xf32>, vector<128x64xf32>, vector<1x64xf32> -> vector<1x64xf32>
    %get3A_75 = arith.constant 0 : index
    %get3A_76 = arith.constant 0 : index
    %get3A_77 = vector.load %arg14[%get3A_75, %get3A_76] : memref<1x64xf32, #tpu.memory_space<vmem>>, vector<1x64xf32>
    %add3A_78 = arith.addf %dot_general3A_74, %get3A_77 : vector<1x64xf32>
    %add3A_79 = arith.addf %add3A_36, %add3A_78 : vector<1x64xf32>
    %swap3A = arith.constant 0 : index
    %swap3A_80 = arith.constant 0 : index
    %swap3A_81 = vector.load %arg15[%swap3A, %swap3A_80] : memref<1x64xf32, #tpu.memory_space<vmem>>, vector<1x64xf32>
    tpu.vector_store %arg15[%swap3A, %swap3A_80], %add3A_79 {strides = array<i32>} : memref<1x64xf32, #tpu.memory_space<vmem>>, vector<1x64xf32>,
    return
  }
}

</mosaic_0001>

<sc_bundles>
// kernel: kernel.14.cloned.1.call-start
scs
__scs_entry_jumppad:
0x0: {  	(pc) =	sbr.rel $0x88, $3  }
0x1: {  	(tag) =	ssettag $0x0;
	lr =	simm.s32 $0x1  }
0x2: {  	[smem:$0x3F80] =	sst lr;
	_ =	strace $0xD0000000  }
0x3: {  	_ = 	snop  }
0x4: {  	_ = 	snop  }
0x5: {  	_ = 	snop  }
0x6: {  	_ = 	snop  }
0x7: {  	_ = 	snop  }
__scs_overlays_trampoline_lowered:
0x8: {  	[smem:$0x3F8F] =	sst s0  }
0x9: {  	[smem:$0x3F90] =	sst s1  }
0xa: {  	[smem:$0x3F91] =	sst s2  }
0xb: {  	[smem:$0x3F92] =	sst s3  }
0xc: {  	[smem:$0x3F93] =	sst s4  }
0xd: {  	[smem:$0x3F94] =	sst s5  }
0xe: {  	[smem:$0x3F95] =	sst s6  }
0xf: {  	[smem:$0x3F96] =	sst s7  }
0x10: {  	[smem:$0x3F97] =	sst s8  }
0x11: {  	[smem:$0x3F98] =	sst s9;
	s0 =	simm.s32 @!p0 $0x0  }
0x12: {  	s1 =	sld [smem:$0x3F7E];
	s0 =	simm.s32 @p0 $0x1  }
0x13: {  	[smem:$0x3F99] =	sst s0;
	s0 =	simm.s32 @!p1 $0x0  }
0x14: {  	s2 =	sld [smem:$0x3F7D];
	s0 =	simm.s32 @p1 $0x1  }
0x15: {  	[smem:$0x3F9A] =	sst s0;
	s0 =	simm.s32 @!p2 $0x0  }
0x16: {  	s3 =	sld [smem:$0x3FDB];
	s0 =	simm.s32 @p2 $0x1  }
0x17: {  	s4 =	simm.s32 $0x1BF5;
	[smem:$0x3F9C] =	sst s0  }
0x18: {  	s0 =	sld [smem:$0x3F7F];
	_ =	swait.ge [sflag:s4], $0x0  }
0x19: {  	s7 =	sld [smem:$0x3F80]  }
0x1a: {  	s8 =	sadd.s32 $0xFFFFE003, lr  }
0x1b: {  	s9 =	sadd.s32 $0xFFFFFEF7, lr;
	s5 =	simm.s32 $0xFFFFFFFF;
	p2 =	slt.u32 s8, $0xFFFFF086  }
0x1c: {  	p1 =	slt.u32 s9, $0xF7A;
	s5 =	simm.s32 @!p2 $0x0  }
0x1d: {  	s5 =	simm.s32 @p1 $0x1;
	p0 =	seq.s32 s7, s2  }
0x1e: {  	s7 =	smul.u32 @!p0 $0xF7A, s2;
	p2 =	seq.s32 @!p0 s5, $0x0  }
0x1f: {  	s9 =	smul.u32 $0xF7A, s1;
	s8 =	simm.s32 @!p0 $0x1BF5;
	p2 =	por !p2, p0  }
0x20: {  	[sflag:s8] =	ssyncset.s32 @!p0 $0xFFFFF086;
	s6 =	sadd.s32 @!p0 s3, s7;
	s7 =	simm.s32 @!p0 $0x108  }
0x21: {  	s3 =	sadd.s32 s3, s9;
	s6 =	sadd.s32 @!p0 $0x88, s6;
	s7 =	simm.s32 @p2 $0x1082  }
0x22: {  	[simem:s7], [sflag:s8] =	dma.local @!p0 [hbm:s6], $0xF7A  }
0x23: {  	s9 =	sor.u32 $0xD0000000, s2;
	s6 =	simm.s32 $0x108;
	_ =	swait.ge @!p0 [sflag:s8], $0x0  }
0x24: {  	s3 =	sadd.s32 $0x88, s3;
	s6 =	simm.s32 @!p1 $0x1082;
	[sflag:s4] =	ssyncset.s32 $0xFFFFF086  }
0x25: {  	[simem:s6], [sflag:s4] =	dma.local [hbm:s3], $0xF7A  }
0x26: {  	[smem:$0x3F80] =	sst s1;
	(tag) =	ssettag s2;
	_ =	strace s9  }
0x27: {  	s1 =	sld [smem:$0x3F90]  }
0x28: {  	s2 =	sld [smem:$0x3F91]  }
0x29: {  	s4 =	sld [smem:$0x3F93]  }
0x2a: {  	p0 =	seq.s32 s5, $0x0;
	s5 =	sld [smem:$0x3F94]  }
0x2b: {  	s6 =	sld [smem:$0x3F95]  }
0x2c: {  	s7 =	sld [smem:$0x3F96]  }
0x2d: {  	s3 =	simm.s32 $0x108;
	s8 =	sld [smem:$0x3F97]  }
0x2e: {  	s3 =	simm.s32 @!p0 $0x1082;
	s9 =	sld [smem:$0x3F98]  }
0x2f: {  	lr =	sadd.s32 s0, s3;
	s0 =	sld [smem:$0x3F8F]  }
0x30: {  	s3 =	sld [smem:$0x3F92]  }
0x31: {  	[smem:$0x3F9B] =	sst s10  }
0x32: {  	s10 =	sld [smem:$0x3F99];
	_ =	sdelay $0x3  }
0x33: {  	p0 =	seq.s32 s10, $0x1;
	s10 =	sld [smem:$0x3F9B];
	_ =	sdelay $0x3  }
0x34: {  	[smem:$0x3F9B] =	sst s10  }
0x35: {  	s10 =	sld [smem:$0x3F9A];
	_ =	sdelay $0x3  }
0x36: {  	p1 =	seq.s32 s10, $0x1;
	s10 =	sld [smem:$0x3F9B];
	_ =	sdelay $0x3  }
0x37: {  	[smem:$0x3F9B] =	sst s10  }
0x38: {  	s10 =	sld [smem:$0x3F9C]  }
0x39: {  	_ = 	snop;
	(pc) =	sbr.ind lr, $3  }
0x3a: {  	_ = 	snop  }
0x3b: {  	_ = 	snop  }
0x3c: {  	p2 =	seq.s32 s10, $0x1;
	s10 =	sld [smem:$0x3F9B]  }
0x3d: {  	_ =	shalt  }
0x3e: {  	_ =	shalt  }
0x3f: {  	_ =	shalt  }
0x40: {  	_ =	shalt  }
0x41: {  	_ =	shalt  }
0x42: {  	_ =	shalt  }
0x43: {  	_ =	shalt  }
0x44: {  	_ =	shalt  }
0x45: {  	_ =	shalt  }
0x46: {  	_ =	shalt  }
0x47: {  	_ =	shalt  }
0x48: {  	_ =	shalt  }
0x49: {  	_ =	shalt  }
0x4a: {  	_ =	shalt  }
0x4b: {  	_ =	shalt  }
0x4c: {  	_ =	shalt  }
0x4d: {  	_ =	shalt  }
0x4e: {  	_ =	shalt  }
0x4f: {  	_ =	shalt  }
0x50: {  	_ =	shalt  }
0x51: {  	_ =	shalt  }
0x52: {  	_ =	shalt  }
0x53: {  	_ =	shalt  }
0x54: {  	_ =	shalt  }
0x55: {  	_ =	shalt  }
0x56: {  	_ =	shalt  }
0x57: {  	_ =	shalt  }
0x58: {  	_ =	shalt  }
0x59: {  	_ =	shalt  }
0x5a: {  	_ =	shalt  }
0x5b: {  	_ =	shalt  }
0x5c: {  	_ =	shalt  }
0x5d: {  	_ =	shalt  }
0x5e: {  	_ =	shalt  }
0x5f: {  	_ =	shalt  }
0x60: {  	_ =	shalt  }
0x61: {  	_ =	shalt  }
0x62: {  	_ =	shalt  }
0x63: {  	_ =	shalt  }
0x64: {  	_ =	shalt  }
0x65: {  	_ =	shalt  }
0x66: {  	_ =	shalt  }
0x67: {  	_ =	shalt  }
0x68: {  	_ =	shalt  }
0x69: {  	_ =	shalt  }
0x6a: {  	_ =	shalt  }
0x6b: {  	_ =	shalt  }
0x6c: {  	_ =	shalt  }
0x6d: {  	_ =	shalt  }
0x6e: {  	_ =	shalt  }
0x6f: {  	_ =	shalt  }
0x70: {  	_ =	shalt  }
0x71: {  	_ =	shalt  }
0x72: {  	_ =	shalt  }
0x73: {  	_ =	shalt  }
0x74: {  	_ =	shalt  }
0x75: {  	_ =	shalt  }
0x76: {  	_ =	shalt  }
0x77: {  	_ =	shalt  }
0x78: {  	_ =	shalt  }
0x79: {  	_ =	shalt  }
0x7a: {  	_ =	shalt  }
0x7b: {  	_ =	shalt  }
0x7c: {  	_ =	shalt  }
0x7d: {  	_ =	shalt  }
0x7e: {  	_ =	shalt  }
0x7f: {  	_ =	shalt  }
0x80: {  	_ =	shalt  }
0x81: {  	_ =	shalt  }
0x82: {  	_ =	shalt  }
0x83: {  	_ =	shalt  }
0x84: {  	_ =	shalt  }
0x85: {  	_ =	shalt  }
0x86: {  	_ =	shalt  }
0x87: {  	_ =	shalt  }
.Lfunc_end0:
.L_simem_size_0:
called_computation_lowered:
.L_overlay_start_0:
0x88: {  	s2 =	sld [smem:$0x3FD9]  }
0x89: {  	s3 =	sld [smem:$0x3FFE];
	_ =	sdelay $0x1  }
0x8a: {  	s1 =	srdreg.scid  }
0x8b: {  	s0 =	sand.u32 $0x1, s1  }
0x8c: {  	s16 =	sshll.u32 s0, $0xA;
	s2 =	sadd.s32 s3, s2  }
0x8d: {  	s2 =	sadd.s32 s2, s16  }
0x8e: {  	[smem:$0x3FA7] =	sst s2  }
0x8f: {  	_ = 	snop  }
0x90: {  	(tm) =	ssettm $0x1  }
0x91: {  	s17 =	sld [smem:$0x3FFB];
	_ =	sdelay $0x3  }
0x92: {  	_ =	strace s17  }
0x93: {  	s2 =	sld [smem:$0x3FFC];
	_ =	sdelay $0x3  }
0x94: {  	_ =	strace s2  }
0x95: {  	s2 =	sld [smem:$0x3FFD];
	_ =	sdelay $0x3  }
0x96: {  	_ =	strace s2  }
0x97: {  	_ =	strace $0x8FFFFFFF  }
0x98: {  	s18 =	sld [smem:$0x3FDB];
	_ =	sdelay $0x1  }
0x99: {  	s19 =	simm.s32 $_scs_section_size  }
0x9a: {  	s4 =	simm.s32 $_size__tile_overlayer_lowered;
	s5 =	simm.s32 $_tile_overlayer_lowered  }
0x9b: {  	s22 =	simm.s32 $0x1BFF;
	s21 =	sshll.u32 s5, $0x1;
	s2 =	sadd.s32 s19, s18  }
0x9c: {  	s6 =	simm.s32 $0x0;
	s20 =	sshll.u32 s4, $0x1;
	s4 =	sadd.s32 s21, s2  }
0x9d: {  	[timem:s6], [sflag:s22] =	dma.local [hbm:s4], s20  }
0x9e: {  	_ =	swait.ge [sflag:s22], s20  }
0x9f: {  	s3 =	ssub.s32 $0x0, s20;
	[sflag:s22] =	ssyncset.done $0x0  }
0xa0: {  	[sflag:s22] =	ssyncadd.s32 s3;
	_ =	sdelay $0x1  }
0xa1: {  	s23 =	simm.s32 $0x1B8B  }
0xa2: {  	_ =	swait.ge [sflag:s23], $0x1  }
0xa3: {  	[sflag:s23] =	ssyncset.done $0x0  }
0xa4: {  	s25 =	simm.s32 $0x1B8E;
	s24 =	sld [smem:$0x3FFE];
	[sflag:s23] =	ssyncadd.s32 $0xFFFFFFFF  }
0xa5: {  	s26 =	simm.s32 $execute0_lowered;
	[smem:$0x3FD2] =	sst s25  }
0xa6: {  	s4 =	sshll.u32 s26, $0x1;
	_ =	strace $0x80000046;
	[dreg:$0x1] =	wrdreg $0xFFFFFFFF  }
0xa7: {  	s28 =	simm.s32 $_size_execute0_lowered;
	s2 =	sadd.s32 s2, s4;
	[dreg:$0x0] =	wrdreg $0x0  }
0xa8: {  	s4 =	sshll.u32 s28, $0x1;
	[dreg:$0x2] =	wrdreg s2  }
0xa9: {  	[dreg:$0x3] =	wrdreg s4  }
0xaa: {  	[dreg:$0x4] =	wrdreg $0xC0  }
0xab: {  	_ =	task [dreg:s6], $0x5FFFF  }
0xac: {  	[dreg:$0x1] =	wrdreg $0xFFFFFFFF  }
0xad: {  	[dreg:$0x0] =	wrdreg $0x60  }
0xae: {  	[dreg:$0x2] =	wrdreg s24  }
0xaf: {  	[dreg:$0x3] =	wrdreg $0xA8000  }
0xb0: {  	[dreg:$0x4] =	wrdreg $0x9  }
0xb1: {  	_ =	task.clear_ibuf [dreg:s6], $0x5FFFF;
	_ =	strace $0x90000046  }
0xb2: {  	s29 =	simm.s32 $0x9;
	_ =	strace $0x80000048  }
0xb3: {  	_ =	swait.ge [sflag:s29], $0x1  }
0xb4: {  	[sflag:s29] =	ssyncadd.s32 $0xFFFFFFFF  }
0xb5: {  	_ =	strace $0x90000048  }
0xb6: {  	_ =	sfence  }
0xb7: {  	s30 =	sld [smem:$0x0];
	_ =	sdelay $0x2  }
0xb8: {  	s31 =	sshll.u32 s1, $0xD;
	s1 =	sshrl.u32 s1, $0x2  }
0xb9: {  	s3 =	sand.u32 $0x4000, s31;
	s1 =	sadd.s32 s1, s30  }
0xba: {  	s0 =	sor.u32 s3, s0;
	s1 =	sshll.u32 s1, $0x11  }
0xbb: {  	s0 =	sor.u32 s1, s0  }
0xbc: {  	s0 =	sadd.s32 $0x8F2B, s0  }
0xbd: {  	[sflag:s0] =	ssyncadd.remote.s32 $0x1  }
0xbe: {  	_ =	sfence.sel $0xFFFF  }
0xbf: {  	[dreg:$0x0] =	wrdreg $0xFFFFFFFF;
	(pc) =	sbr.abs _section_cstart, $3  }
0xc0: {  	[dreg:$0x1] =	wrdreg $0xFFFFFFFF  }
0xc1: {  	_ =	task.clear_ibuf [dreg:s6], $0x2FFFF;
	_ =	strace $0x9FFFFFFF  }
0xc2: {  	(tm) =	ssettm $0x7FFFFFFF  }
0xc3: {  	_ =	shalt  }
tec
execute0_lowered:
.L_overlay_start_1:
0x0: {  	(tag) =	ssettag $0x1  }
0x1: {  	s0 =	srdreg.scid;
	s1 =	rddreg [dreg:$0x0]  }
0x2: {  	s2 =	rddreg [dreg:$0x1];
	s13 =	stileid.u32  }
0x3: {  	s3 =	simm.s32 $0x0;
	s15 =	simm.s32 $0x5;
	s17 =	simm.s32 $0x80  }
0x4: {  	s18 =	simm.s32 $0x2800;
	s19 =	simm.s32 $0x1;
	s20 =	simm.s32 $0x6800  }
0x5: {  	s21 =	simm.s32 $0x2;
	s23 =	simm.s32 $0x3;
	s26 =	simm.s32 $0x4  }
0x6: {  	s28 =	simm.s32 $0x0;
	s0 =	sand.u32 $0x1, s0;
	[smem:$0x7FF] =	sst s3  }
0x7: {  	s8 =	smul.u32 $0x4E000, s13;
	s4 =	sshll.u32 s0, $0x4;
	_ =	strace $0x80000047  }
0x8: {  	s7 =	smul.u32 $0x27100, s0;
	s0 =	ssub.s32 $0x2, s0;
	s6 =	sor.u32 s13, s4  }
0x9: {  	s4 =	sadd.s32 $0x1BA00, s1;
	s10 =	sshrl.u32 s0, $0x1;
	s29 =	sshrl.u32 s8, $0x2  }
0xa: {  	s5 =	smul.u32 $0x280, s6;
	p0 =	seq.s32 s6, $0x1F;
	s6 =	simm.s32 $0xA  }
0xb: {  	s8 =	sadd.s32 $0x124800, s2;
	s0 =	ssub.s32 s0, s10;
	s6 =	simm.s32 @!p0 $0x28  }
0xc: {  	s0 =	smax.u32 s0, $0x1;
	p0 =	seq.s32 s13, $0xF;
	s9 =	sadd.s32 s5, s1  }
0xd: {  	s5 =	sadd.s32 $0x42C00, s1;
	s1 =	sadd.s32 s7, s1;
	s7 =	sadd.s32 s29, s2  }
0xe: {  	[dreg:$0x5] =	wrdreg s0;
	s31 =	sshll.u32 s6, $0x9;
	s12 =	sshrl.u32 @p0 s8, $0x3  }
0xf: {  	s0 =	sshll.u32 @!p0 s13, $0x6;
	s30 =	sadd.s32 $0x16A00, s9;
	s9 =	sadd.s32 $0x11A00, s9  }
0x10: {  	[dreg:$0x4] =	wrdreg s9;
	s9 =	sadd.s32 $0x45400, s1;
	s1 =	smul.u32 $0x2700, s13  }
0x11: {  	s11 =	sadd.s32 $0xFFFFF800, s31;
	s14 =	sshrl.u32 @!p0 s7, $0x3;
	[dreg:$0x3] =	wrdreg s30  }
0x12: {  	s13 =	sor.u32 @!p0 $0x1C05, s0;
	s16 =	smov.u32 s9;
	s25 =	sadd.s32 @!p0 s1, s9  }
.LBB2_1:
0x13: {  	s31 =	simm.s32 @p0 $0x1FC5;
	s30 =	simm.s32 @p0 $0x5  }
0x14: {  	[spmem:s12], [sflag:s31] =	dma.local @p0 [hbm:s5], $0x2800  }
0x15: {  	_ =	swait.ge @p0 [sflag:s30], $0x2800  }
0x16: {  	[sflag:s30] =	ssyncset.done @p0 $0x0  }
0x17: {  	s29 =	simm.s32 @!p0 $0x5;
	[sflag:s30] =	ssyncadd.s32 @p0 $0xFFFFD800  }
0x18: {  	[spmem:s14], [sflag:s13] =	dma.local @!p0 [hbm:s5], $0x2700  }
0x19: {  	_ =	swait.ge @!p0 [sflag:s29], $0x2700  }
0x1a: {  	[sflag:s29] =	ssyncset.done @!p0 $0x0  }
0x1b: {  	s0 =	rddreg [dreg:$0x3];
	[sflag:s29] =	ssyncadd.s32 @!p0 $0xFFFFD900  }
0x1c: {  	[tilespmem:s3], [sflag:$0x5] =	stream.linear.gather [hbm4b:s0+s3], $0x1400, $0x38;
	[tilespmem:$0x1E080] =	vst v63  }
0x1d: {  	_ =	swait.ge [sflag:s15], $0x1400  }
0x1e: {  	[sflag:s15] =	ssyncset.done $0x0  }
0x1f: {  	s1 =	simm.s32 $0x1400;
	s8 =	rddreg [dreg:$0x4];
	[sflag:s15] =	ssyncadd.s32 $0xFFFFEC00  }
0x20: {  	[tilespmem:s1], [sflag:$0x5] =	stream.linear.gather [hbm4b:s8+s3], $0x1400, $0x38;
	[tilespmem:$0x1E080] =	vst v63  }
0x21: {  	_ =	swait.ge [sflag:s15], $0x1400  }
0x22: {  	[sflag:s15] =	ssyncset.done $0x0  }
0x23: {  	[sflag:s15] =	ssyncadd.s32 $0xFFFFEC00  }
0x24: {  	[bflag:$0x0] =	sbarrier.arrive $0xFFFF  }
0x25: {  	[tilespmem:s18], [sflag:$0x1] =	stream.indirect.gather [hbm4b:s4+s17], $0x80, s3, s17, $0xb8;
	[tilespmem:$0x1E080] =	vst v63  }
0x26: {  	_ =	swait.ge [sflag:s19], $0x4000  }
0x27: {  	[sflag:s19] =	ssyncset.done $0x0  }
0x28: {  	[sflag:s19] =	ssyncadd.s32 $0xFFFFC000  }
0x29: {  	[spmem:s2] =	stream.indirect.scatter.add.f32 [tilespmem:s18], [sflag:$0x3], $0x80, s1, s17, $0xb8;
	[tilespmem:$0x1E080] =	vst v63  }
0x2a: {  	_ = 	snop  }
0x2b: {  	[tilespmem:s20], [sflag:$0x2] =	stream.indirect.gather [hbm4b:s4+s17], $0x80, s17, s17, $0xb8;
	[tilespmem:$0x1E080] =	vst v63  }
0x2c: {  	_ =	swait.ge [sflag:s21], $0x4000  }
0x2d: {  	[sflag:s21] =	ssyncset.done $0x0  }
0x2e: {  	s9 =	simm.s32 $0x1480;
	[sflag:s21] =	ssyncadd.s32 $0xFFFFC000  }
0x2f: {  	[spmem:s2] =	stream.indirect.scatter.add.f32 [tilespmem:s20], [sflag:$0x4], $0x80, s9, s17, $0xb8;
	[tilespmem:$0x1E080] =	vst v63  }
0x30: {  	_ =	swait.ge [sflag:s23], $0x4000  }
0x31: {  	[sflag:s23] =	ssyncset.done $0x0  }
0x32: {  	s10 =	simm.s32 $0x100;
	[sflag:s23] =	ssyncadd.s32 $0xFFFFC000  }
0x33: {  	[tilespmem:s18], [sflag:$0x1] =	stream.indirect.gather [hbm4b:s4+s17], $0x80, s10, s17, $0xb8;
	[tilespmem:$0x1E080] =	vst v63  }
0x34: {  	_ =	swait.ge [sflag:s19], $0x4000  }
0x35: {  	p1 =	sle.u32 s6, $0x3;
	[sflag:s19] =	ssyncset.done $0x0  }
0x36: {  	s22 =	simm.s32 $0x1500;
	s1 =	simm.s32 @!p1 $0x4;
	[sflag:s19] =	ssyncadd.s32 $0xFFFFC000  }
0x37: {  	[spmem:s2] =	stream.indirect.scatter.add.f32 [tilespmem:s18], [sflag:$0x3], $0x80, s22, s17, $0xb8;
	[tilespmem:$0x1E080] =	vst v63  }
0x38: {  	_ =	swait.ge @!p1 [sflag:s1], $0x4000  }
0x39: {  	s7 =	simm.s32 @!p1 $0x80;
	[sflag:s1] =	ssyncset.done @!p1 $0x0  }
0x3a: {  	s0 =	simm.s32 @!p1 $0x180;
	s8 =	simm.s32 @!p1 $0x6800;
	[sflag:s1] =	ssyncadd.s32 @!p1 $0xFFFFC000  }
0x3b: {  	[tilespmem:s8], [sflag:$0x2] =	stream.indirect.gather @!p1 [hbm4b:s4+s7], $0x80, s0, s7, $0xb8;
	[tilespmem:$0x1E080] =	vst v63  }
0x3c: {  	s24 =	simm.s32 $0x1580;
	p2 =	sne.s32 s11, $0x400;
	_ =	swait.ge [sflag:s21], $0x4000  }
.Ltmp0:
0x3d: {  	p1 =	sle.u32 s6, $0x4;
	[sflag:s21] =	ssyncset.done $0x0;
	(pc) =	sbr.rel @!p2 .LBB2_3-.Ltmp0, $4  }
0x3e: {  	s1 =	simm.s32 $0x4;
	s22 =	simm.s32 @!p1 $0x3;
	[sflag:s21] =	ssyncadd.s32 $0xFFFFC000  }
0x3f: {  	[spmem:s2] =	stream.indirect.scatter.add.f32 [tilespmem:s20], [sflag:$0x4], $0x80, s24, s17, $0xb8;
	[tilespmem:$0x1E080] =	vst v63  }
0x40: {  	s0 =	simm.s32 $0x400;
	s7 =	simm.s32 @!p1 $0x80;
	_ =	swait.ge @!p1 [sflag:s22], $0x4000  }
0x41: {  	s8 =	simm.s32 @!p1 $0x2800;
	s24 =	simm.s32 @!p1 $0x200;
	[sflag:s22] =	ssyncset.done @!p1 $0x0  }
.LBB2_2:
0x42: {  	[sflag:s22] =	ssyncadd.s32 @!p1 $0xFFFFC000  }
0x43: {  	s1 =	sadd.s32 $0x2, s1;
	s10 =	smov.u32 s0;
	s0 =	sadd.s32 $0x400, s0  }
0x44: {  	[tilespmem:s8], [sflag:$0x1] =	stream.indirect.gather @!p1 [hbm4b:s4+s7], $0x80, s24, s7, $0xb8;
	[tilespmem:$0x1E080] =	vst v63  }
0x45: {  	s7 =	sshra.s32 s10, $0x2;
	s8 =	sadd.s32 $0xFFFFFFFF, s1;
	_ =	swait.ge [sflag:s19], $0x4000  }
0x46: {  	s22 =	sadd.s32 $0x1500, s7;
	p1 =	sge.u32 s8, s6;
	[sflag:s19] =	ssyncset.done $0x0  }
0x47: {  	s8 =	simm.s32 @!p1 $0x4;
	s24 =	sshra.s32 @!p1 s10, $0x2;
	[sflag:s19] =	ssyncadd.s32 $0xFFFFC000  }
0x48: {  	[spmem:s2] =	stream.indirect.scatter.add.f32 [tilespmem:s18], [sflag:$0x3], $0x80, s22, s17, $0xb8;
	[tilespmem:$0x1E080] =	vst v63  }
0x49: {  	p2 =	sne.s32 s11, s0;
	s22 =	sadd.s32 @!p1 $0x180, s24;
	_ =	swait.ge @!p1 [sflag:s8], $0x4000  }
0x4a: {  	s9 =	simm.s32 @!p1 $0x6800;
	s24 =	simm.s32 @!p1 $0x80;
	[sflag:s8] =	ssyncset.done @!p1 $0x0  }
0x4b: {  	[sflag:s8] =	ssyncadd.s32 @!p1 $0xFFFFC000  }
0x4c: {  	[tilespmem:s9], [sflag:$0x2] =	stream.indirect.gather @!p1 [hbm4b:s4+s24], $0x80, s22, s24, $0xb8;
	[tilespmem:$0x1E080] =	vst v63  }
0x4d: {  	p1 =	sge.u32 s1, s6;
	_ =	swait.ge [sflag:s21], $0x4000  }
.Ltmp1:
0x4e: {  	s7 =	sadd.s32 $0x1580, s7;
	[sflag:s21] =	ssyncset.done $0x0;
	(pc) =	sbr.rel @p2 .LBB2_2-.Ltmp1, $4  }
0x4f: {  	s22 =	simm.s32 @!p1 $0x3;
	s8 =	sshra.s32 @!p1 s10, $0x2;
	[sflag:s21] =	ssyncadd.s32 $0xFFFFC000  }
0x50: {  	[spmem:s2] =	stream.indirect.scatter.add.f32 [tilespmem:s20], [sflag:$0x4], $0x80, s7, s17, $0xb8;
	[tilespmem:$0x1E080] =	vst v63  }
0x51: {  	s24 =	sadd.s32 @!p1 $0x200, s8;
	_ =	swait.ge @!p1 [sflag:s22], $0x4000  }
0x52: {  	s8 =	simm.s32 @!p1 $0x2800;
	s7 =	simm.s32 @!p1 $0x80;
	[sflag:s22] =	ssyncset.done @!p1 $0x0  }
.LBB2_3:
0x53: {  	[sflag:s22] =	ssyncadd.s32 @!p1 $0xFFFFC000  }
0x54: {  	[tilespmem:s8], [sflag:$0x1] =	stream.indirect.gather @!p1 [hbm4b:s4+s7], $0x80, s24, s7, $0xb8;
	[tilespmem:$0x1E080] =	vst v63  }
0x55: {  	s1 =	sadd.s32 $0x2, s1;
	_ =	swait.ge [sflag:s19], $0x4000  }
0x56: {  	s22 =	sshra.s32 s0, $0x2;
	s24 =	sadd.s32 $0xFFFFFFFF, s1;
	[sflag:s19] =	ssyncset.done $0x0  }
0x57: {  	s7 =	sadd.s32 $0x1500, s22;
	p1 =	slt.u32 s24, s6;
	[sflag:s19] =	ssyncadd.s32 $0xFFFFC000  }
0x58: {  	[spmem:s2] =	stream.indirect.scatter.add.f32 [tilespmem:s18], [sflag:$0x3], $0x80, s7, s17, $0xb8;
	[tilespmem:$0x1E080] =	vst v63  }
0x59: {  	s7 =	simm.s32 @p1 $0x4  }
0x5a: {  	_ =	swait.ge @p1 [sflag:s7], $0x4000  }
0x5b: {  	[sflag:s7] =	ssyncset.done @p1 $0x0  }
0x5c: {  	[sflag:s7] =	ssyncadd.s32 @p1 $0xFFFFC000;
	s7 =	sshra.s32 @p1 s0, $0x2  }
0x5d: {  	s8 =	simm.s32 @p1 $0x80;
	s9 =	simm.s32 @p1 $0x6800;
	s7 =	sadd.s32 @p1 $0x180, s7  }
0x5e: {  	[tilespmem:s9], [sflag:$0x2] =	stream.indirect.gather @p1 [hbm4b:s4+s8], $0x80, s7, s8, $0xb8;
	[tilespmem:$0x1E080] =	vst v63  }
0x5f: {  	s7 =	sadd.s32 @p1 $0x600, s0;
	s8 =	sadd.s32 @!p1 $0x600, s0  }
0x60: {  	s8 =	smov.u32 @p1 s7;
	_ =	swait.ge [sflag:s21], $0x4000  }
0x61: {  	p1 =	sge.u32 s1, s6;
	[sflag:s21] =	ssyncset.done $0x0;
	s7 =	sshra.s32 s8, $0x2  }
0x62: {  	s1 =	simm.s32 @!p1 $0x3;
	[sflag:s21] =	ssyncadd.s32 $0xFFFFC000;
	s7 =	sadd.s32 $0x1400, s7  }
0x63: {  	[spmem:s2] =	stream.indirect.scatter.add.f32 [tilespmem:s20], [sflag:$0x4], $0x80, s7, s17, $0xb8;
	[tilespmem:$0x1E080] =	vst v63  }
0x64: {  	s0 =	sshra.s32 @!p1 s0, $0x2;
	_ =	swait.ge @!p1 [sflag:s1], $0x4000  }
0x65: {  	s0 =	sadd.s32 @!p1 $0x200, s0;
	[sflag:s1] =	ssyncset.done @!p1 $0x0  }
0x66: {  	s7 =	simm.s32 @!p1 $0x2800;
	[sflag:s1] =	ssyncadd.s32 @!p1 $0xFFFFC000;
	s1 =	simm.s32 @!p1 $0x80  }
0x67: {  	[tilespmem:s7], [sflag:$0x1] =	stream.indirect.gather @!p1 [hbm4b:s4+s1], $0x80, s0, s1, $0xb8;
	[tilespmem:$0x1E080] =	vst v63  }
0x68: {  	_ =	swait.ge [sflag:s23], $0x4000  }
0x69: {  	[sflag:s23] =	ssyncset.done $0x0  }
0x6a: {  	[sflag:s23] =	ssyncadd.s32 $0xFFFFC000  }
0x6b: {  	_ =	swait.ge [sflag:s26], $0x4000  }
0x6c: {  	[sflag:s26] =	ssyncset.done $0x0  }
0x6d: {  	[sflag:s26] =	ssyncadd.s32 $0xFFFFC000  }
0x6e: {  	s0 =	sadd.s32 @p0 $0x24900, s16;
	[bflag:$0x0] =	sbarrier.arrive $0xFFFF  }
0x6f: {  	[hbm:s0], [sflag:s31] =	dma.local @p0 [spmem:s12], $0x2800  }
0x70: {  	_ =	swait.ge @p0 [sflag:s30], $0x2800  }
0x71: {  	[sflag:s30] =	ssyncset.done @p0 $0x0  }
0x72: {  	[sflag:s30] =	ssyncadd.s32 @p0 $0xFFFFD800  }
0x73: {  	[hbm:s25], [sflag:s13] =	dma.local @!p0 [spmem:s14], $0x2700  }
0x74: {  	_ =	swait.ge @!p0 [sflag:s29], $0x2700  }
0x75: {  	s28 =	sadd.s32 $0x1, s28;
	s31 =	rddreg [dreg:$0x5]  }
0x76: {  	p1 =	sne.s32 s28, s31  }
.Ltmp2:
0x77: {  	_ = 	snop;
	(pc) =	sbr.rel @p1 .LBB2_1-.Ltmp2, $3  }
0x78: {  	_ =	sdelay $0x1  }
0x79: {  	[sflag:s29] =	ssyncset.done @!p0 $0x0  }
0x7a: {  	[sflag:s29] =	ssyncadd.s32 @!p0 $0xFFFFD900  }
0x7b: {  	_ =	sfence.sel $0x180000  }
0x7c: {  	[bflag:$0x0] =	sbarrier.arrive $0xFFFF  }
0x7d: {  	_ =	strace $0x90000047  }
0x7e: {  	s0 =	stileid.u32;
	[bflag:$0x2] =	sbarrier.arrive $0xFFFF  }
0x7f: {  	p0 =	sne.s32 s0, $0x0;
	s0 =	rddreg [dreg:$0x2]  }
0x80: {  	s0 =	sadd.s32 @!p0 $0x100000, s0  }
0x81: {  	[sflag:s0] =	ssyncadd.tile.s32 @!p0 $0x1;
	_ =	shalt  }
.Lfunc_end2:
_tile_overlayer_lowered:
.L_overlay_start_2:
0x82: {  	(tag) =	ssettag $0x2  }
0x83: {  	s0 =	rddreg [dreg:$0x0];
	s2 =	stileid.u32  }
0x84: {  	s1 =	rddreg [dreg:$0x1];
	p0 =	sne.s32 s2, $0x0  }
0x85: {  	s3 =	rddreg [dreg:$0x2];
	[bflag:$0x3] =	sbarrier.arrive $0xFFFF;
	s2 =	simm.s32 @!p0 $0x1C05  }
0x86: {  	[timem:s3], [sflag:s2] =	dma.local @!p0 [hbm:s0], s1  }
0x87: {  	s0 =	simm.s32 @!p0 $0x5  }
0x88: {  	_ =	swait.ge @!p0 [sflag:s0], s1  }
0x89: {  	s1 =	ssub.s32 @!p0 $0x0, s1;
	[sflag:s0] =	ssyncset.done @!p0 $0x0  }
0x8a: {  	[sflag:s0] =	ssyncadd.s32 @!p0 s1  }
0x8b: {  	[bflag:$0x3] =	sbarrier.arrive $0xFFFF  }
0x8c: {  	_ =	shalt  }

// kernel: kernel.17.cloned.1.call-start
scs
__scs_entry_jumppad:
0x0: {  	(pc) =	sbr.rel $0x88, $3  }
0x1: {  	(tag) =	ssettag $0x0;
	lr =	simm.s32 $0x1  }
0x2: {  	[smem:$0x3F80] =	sst lr;
	_ =	strace $0xD0000000  }
0x3: {  	_ = 	snop  }
0x4: {  	_ = 	snop  }
0x5: {  	_ = 	snop  }
0x6: {  	_ = 	snop  }
0x7: {  	_ = 	snop  }
__scs_overlays_trampoline_lowered:
0x8: {  	[smem:$0x3F8F] =	sst s0  }
0x9: {  	[smem:$0x3F90] =	sst s1  }
0xa: {  	[smem:$0x3F91] =	sst s2  }
0xb: {  	[smem:$0x3F92] =	sst s3  }
0xc: {  	[smem:$0x3F93] =	sst s4  }
0xd: {  	[smem:$0x3F94] =	sst s5  }
0xe: {  	[smem:$0x3F95] =	sst s6  }
0xf: {  	[smem:$0x3F96] =	sst s7  }
0x10: {  	[smem:$0x3F97] =	sst s8  }
0x11: {  	[smem:$0x3F98] =	sst s9;
	s0 =	simm.s32 @!p0 $0x0  }
0x12: {  	s1 =	sld [smem:$0x3F7E];
	s0 =	simm.s32 @p0 $0x1  }
0x13: {  	[smem:$0x3F99] =	sst s0;
	s0 =	simm.s32 @!p1 $0x0  }
0x14: {  	s2 =	sld [smem:$0x3F7D];
	s0 =	simm.s32 @p1 $0x1  }
0x15: {  	[smem:$0x3F9A] =	sst s0;
	s0 =	simm.s32 @!p2 $0x0  }
0x16: {  	s3 =	sld [smem:$0x3FDB];
	s0 =	simm.s32 @p2 $0x1  }
0x17: {  	s4 =	simm.s32 $0x1BF5;
	[smem:$0x3F9C] =	sst s0  }
0x18: {  	s0 =	sld [smem:$0x3F7F];
	_ =	swait.ge [sflag:s4], $0x0  }
0x19: {  	s7 =	sld [smem:$0x3F80]  }
0x1a: {  	s8 =	sadd.s32 $0xFFFFE003, lr  }
0x1b: {  	s9 =	sadd.s32 $0xFFFFFEF7, lr;
	s5 =	simm.s32 $0xFFFFFFFF;
	p2 =	slt.u32 s8, $0xFFFFF086  }
0x1c: {  	p1 =	slt.u32 s9, $0xF7A;
	s5 =	simm.s32 @!p2 $0x0  }
0x1d: {  	s5 =	simm.s32 @p1 $0x1;
	p0 =	seq.s32 s7, s2  }
0x1e: {  	s7 =	smul.u32 @!p0 $0xF7A, s2;
	p2 =	seq.s32 @!p0 s5, $0x0  }
0x1f: {  	s9 =	smul.u32 $0xF7A, s1;
	s8 =	simm.s32 @!p0 $0x1BF5;
	p2 =	por !p2, p0  }
0x20: {  	[sflag:s8] =	ssyncset.s32 @!p0 $0xFFFFF086;
	s6 =	sadd.s32 @!p0 s3, s7;
	s7 =	simm.s32 @!p0 $0x108  }
0x21: {  	s3 =	sadd.s32 s3, s9;
	s6 =	sadd.s32 @!p0 $0x88, s6;
	s7 =	simm.s32 @p2 $0x1082  }
0x22: {  	[simem:s7], [sflag:s8] =	dma.local @!p0 [hbm:s6], $0xF7A  }
0x23: {  	s9 =	sor.u32 $0xD0000000, s2;
	s6 =	simm.s32 $0x108;
	_ =	swait.ge @!p0 [sflag:s8], $0x0  }
0x24: {  	s3 =	sadd.s32 $0x88, s3;
	s6 =	simm.s32 @!p1 $0x1082;
	[sflag:s4] =	ssyncset.s32 $0xFFFFF086  }
0x25: {  	[simem:s6], [sflag:s4] =	dma.local [hbm:s3], $0xF7A  }
0x26: {  	[smem:$0x3F80] =	sst s1;
	(tag) =	ssettag s2;
	_ =	strace s9  }
0x27: {  	s1 =	sld [smem:$0x3F90]  }
0x28: {  	s2 =	sld [smem:$0x3F91]  }
0x29: {  	s4 =	sld [smem:$0x3F93]  }
0x2a: {  	p0 =	seq.s32 s5, $0x0;
	s5 =	sld [smem:$0x3F94]  }
0x2b: {  	s6 =	sld [smem:$0x3F95]  }
0x2c: {  	s7 =	sld [smem:$0x3F96]  }
0x2d: {  	s3 =	simm.s32 $0x108;
	s8 =	sld [smem:$0x3F97]  }
0x2e: {  	s3 =	simm.s32 @!p0 $0x1082;
	s9 =	sld [smem:$0x3F98]  }
0x2f: {  	lr =	sadd.s32 s0, s3;
	s0 =	sld [smem:$0x3F8F]  }
0x30: {  	s3 =	sld [smem:$0x3F92]  }
0x31: {  	[smem:$0x3F9B] =	sst s10  }
0x32: {  	s10 =	sld [smem:$0x3F99];
	_ =	sdelay $0x3  }
0x33: {  	p0 =	seq.s32 s10, $0x1;
	s10 =	sld [smem:$0x3F9B];
	_ =	sdelay $0x3  }
0x34: {  	[smem:$0x3F9B] =	sst s10  }
0x35: {  	s10 =	sld [smem:$0x3F9A];
	_ =	sdelay $0x3  }
0x36: {  	p1 =	seq.s32 s10, $0x1;
	s10 =	sld [smem:$0x3F9B];
	_ =	sdelay $0x3  }
0x37: {  	[smem:$0x3F9B] =	sst s10  }
0x38: {  	s10 =	sld [smem:$0x3F9C]  }
0x39: {  	_ = 	snop;
	(pc) =	sbr.ind lr, $3  }
0x3a: {  	_ = 	snop  }
0x3b: {  	_ = 	snop  }
0x3c: {  	p2 =	seq.s32 s10, $0x1;
	s10 =	sld [smem:$0x3F9B]  }
0x3d: {  	_ =	shalt  }
0x3e: {  	_ =	shalt  }
0x3f: {  	_ =	shalt  }
0x40: {  	_ =	shalt  }
0x41: {  	_ =	shalt  }
0x42: {  	_ =	shalt  }
0x43: {  	_ =	shalt  }
0x44: {  	_ =	shalt  }
0x45: {  	_ =	shalt  }
0x46: {  	_ =	shalt  }
0x47: {  	_ =	shalt  }
0x48: {  	_ =	shalt  }
0x49: {  	_ =	shalt  }
0x4a: {  	_ =	shalt  }
0x4b: {  	_ =	shalt  }
0x4c: {  	_ =	shalt  }
0x4d: {  	_ =	shalt  }
0x4e: {  	_ =	shalt  }
0x4f: {  	_ =	shalt  }
0x50: {  	_ =	shalt  }
0x51: {  	_ =	shalt  }
0x52: {  	_ =	shalt  }
0x53: {  	_ =	shalt  }
0x54: {  	_ =	shalt  }
0x55: {  	_ =	shalt  }
0x56: {  	_ =	shalt  }
0x57: {  	_ =	shalt  }
0x58: {  	_ =	shalt  }
0x59: {  	_ =	shalt  }
0x5a: {  	_ =	shalt  }
0x5b: {  	_ =	shalt  }
0x5c: {  	_ =	shalt  }
0x5d: {  	_ =	shalt  }
0x5e: {  	_ =	shalt  }
0x5f: {  	_ =	shalt  }
0x60: {  	_ =	shalt  }
0x61: {  	_ =	shalt  }
0x62: {  	_ =	shalt  }
0x63: {  	_ =	shalt  }
0x64: {  	_ =	shalt  }
0x65: {  	_ =	shalt  }
0x66: {  	_ =	shalt  }
0x67: {  	_ =	shalt  }
0x68: {  	_ =	shalt  }
0x69: {  	_ =	shalt  }
0x6a: {  	_ =	shalt  }
0x6b: {  	_ =	shalt  }
0x6c: {  	_ =	shalt  }
0x6d: {  	_ =	shalt  }
0x6e: {  	_ =	shalt  }
0x6f: {  	_ =	shalt  }
0x70: {  	_ =	shalt  }
0x71: {  	_ =	shalt  }
0x72: {  	_ =	shalt  }
0x73: {  	_ =	shalt  }
0x74: {  	_ =	shalt  }
0x75: {  	_ =	shalt  }
0x76: {  	_ =	shalt  }
0x77: {  	_ =	shalt  }
0x78: {  	_ =	shalt  }
0x79: {  	_ =	shalt  }
0x7a: {  	_ =	shalt  }
0x7b: {  	_ =	shalt  }
0x7c: {  	_ =	shalt  }
0x7d: {  	_ =	shalt  }
0x7e: {  	_ =	shalt  }
0x7f: {  	_ =	shalt  }
0x80: {  	_ =	shalt  }
0x81: {  	_ =	shalt  }
0x82: {  	_ =	shalt  }
0x83: {  	_ =	shalt  }
0x84: {  	_ =	shalt  }
0x85: {  	_ =	shalt  }
0x86: {  	_ =	shalt  }
0x87: {  	_ =	shalt  }
.Lfunc_end0:
.L_simem_size_0:
called_computation.1_lowered:
.L_overlay_start_0:
0x88: {  	s2 =	sld [smem:$0x3FD9]  }
0x89: {  	s3 =	sld [smem:$0x3FFE];
	_ =	sdelay $0x1  }
0x8a: {  	s1 =	srdreg.scid  }
0x8b: {  	s0 =	sand.u32 $0x1, s1  }
0x8c: {  	s16 =	sshll.u32 s0, $0xA;
	s2 =	sadd.s32 s3, s2  }
0x8d: {  	s2 =	sadd.s32 s2, s16  }
0x8e: {  	[smem:$0x3FA7] =	sst s2  }
0x8f: {  	_ = 	snop  }
0x90: {  	(tm) =	ssettm $0x1  }
0x91: {  	s17 =	sld [smem:$0x3FFB];
	_ =	sdelay $0x3  }
0x92: {  	_ =	strace s17  }
0x93: {  	s2 =	sld [smem:$0x3FFC];
	_ =	sdelay $0x3  }
0x94: {  	_ =	strace s2  }
0x95: {  	s2 =	sld [smem:$0x3FFD];
	_ =	sdelay $0x3  }
0x96: {  	_ =	strace s2  }
0x97: {  	_ =	strace $0x8FFFFFFF  }
0x98: {  	s18 =	sld [smem:$0x3FDB];
	_ =	sdelay $0x1  }
0x99: {  	s19 =	simm.s32 $_scs_section_size  }
0x9a: {  	s4 =	simm.s32 $_size__tile_overlayer_lowered;
	s5 =	simm.s32 $_tile_overlayer_lowered  }
0x9b: {  	s22 =	simm.s32 $0x1BFF;
	s21 =	sshll.u32 s5, $0x1;
	s2 =	sadd.s32 s19, s18  }
0x9c: {  	s6 =	simm.s32 $0x0;
	s20 =	sshll.u32 s4, $0x1;
	s4 =	sadd.s32 s21, s2  }
0x9d: {  	[timem:s6], [sflag:s22] =	dma.local [hbm:s4], s20  }
0x9e: {  	_ =	swait.ge [sflag:s22], s20  }
0x9f: {  	s3 =	ssub.s32 $0x0, s20;
	[sflag:s22] =	ssyncset.done $0x0  }
0xa0: {  	[sflag:s22] =	ssyncadd.s32 s3;
	_ =	sdelay $0x1  }
0xa1: {  	s23 =	simm.s32 $0x1B8B  }
0xa2: {  	_ =	swait.ge [sflag:s23], $0x1  }
0xa3: {  	[sflag:s23] =	ssyncset.done $0x0  }
0xa4: {  	s25 =	simm.s32 $0x1B8E;
	s24 =	sld [smem:$0x3FFE];
	[sflag:s23] =	ssyncadd.s32 $0xFFFFFFFF  }
0xa5: {  	s26 =	simm.s32 $execute0_lowered;
	[smem:$0x3FD2] =	sst s25  }
0xa6: {  	s4 =	sshll.u32 s26, $0x1;
	_ =	strace $0x80000049;
	[dreg:$0x1] =	wrdreg $0xFFFFFFFF  }
0xa7: {  	s28 =	simm.s32 $_size_execute0_lowered;
	s2 =	sadd.s32 s2, s4;
	[dreg:$0x0] =	wrdreg $0x0  }
0xa8: {  	s4 =	sshll.u32 s28, $0x1;
	[dreg:$0x2] =	wrdreg s2  }
0xa9: {  	[dreg:$0x3] =	wrdreg s4  }
0xaa: {  	[dreg:$0x4] =	wrdreg $0xC0  }
0xab: {  	_ =	task [dreg:s6], $0x5FFFF  }
0xac: {  	[dreg:$0x1] =	wrdreg $0xFFFFFFFF  }
0xad: {  	[dreg:$0x0] =	wrdreg $0x60  }
0xae: {  	[dreg:$0x2] =	wrdreg s24  }
0xaf: {  	[dreg:$0x3] =	wrdreg $0xA8000  }
0xb0: {  	[dreg:$0x4] =	wrdreg $0xA  }
0xb1: {  	_ =	task.clear_ibuf [dreg:s6], $0x5FFFF;
	_ =	strace $0x90000049  }
0xb2: {  	s29 =	simm.s32 $0xA;
	_ =	strace $0x8000004B  }
0xb3: {  	_ =	swait.ge [sflag:s29], $0x1  }
0xb4: {  	[sflag:s29] =	ssyncadd.s32 $0xFFFFFFFF  }
0xb5: {  	_ =	strace $0x9000004B  }
0xb6: {  	_ =	sfence  }
0xb7: {  	s30 =	sld [smem:$0x0];
	_ =	sdelay $0x2  }
0xb8: {  	s31 =	sshll.u32 s1, $0xD;
	s1 =	sshrl.u32 s1, $0x2  }
0xb9: {  	s3 =	sand.u32 $0x4000, s31;
	s1 =	sadd.s32 s1, s30  }
0xba: {  	s0 =	sor.u32 s3, s0;
	s1 =	sshll.u32 s1, $0x11  }
0xbb: {  	s0 =	sor.u32 s1, s0  }
0xbc: {  	s0 =	sadd.s32 $0x8F2B, s0  }
0xbd: {  	[sflag:s0] =	ssyncadd.remote.s32 $0x1  }
0xbe: {  	_ =	sfence.sel $0xFFFF  }
0xbf: {  	[dreg:$0x0] =	wrdreg $0xFFFFFFFF;
	(pc) =	sbr.abs _section_cstart, $3  }
0xc0: {  	[dreg:$0x1] =	wrdreg $0xFFFFFFFF  }
0xc1: {  	_ =	task.clear_ibuf [dreg:s6], $0x2FFFF;
	_ =	strace $0x9FFFFFFF  }
0xc2: {  	(tm) =	ssettm $0x7FFFFFFF  }
0xc3: {  	_ =	shalt  }
tec
execute0_lowered:
.L_overlay_start_1:
0x0: {  	(tag) =	ssettag $0x1  }
0x1: {  	s0 =	srdreg.scid;
	s1 =	rddreg [dreg:$0x0]  }
0x2: {  	s2 =	rddreg [dreg:$0x1];
	s13 =	stileid.u32  }
0x3: {  	s3 =	simm.s32 $0x0;
	s15 =	simm.s32 $0x5;
	s17 =	simm.s32 $0x80  }
0x4: {  	s18 =	simm.s32 $0x2800;
	s19 =	simm.s32 $0x1;
	s20 =	simm.s32 $0x6800  }
0x5: {  	s21 =	simm.s32 $0x2;
	s23 =	simm.s32 $0x3;
	s26 =	simm.s32 $0x4  }
0x6: {  	s28 =	simm.s32 $0x0;
	s0 =	sand.u32 $0x1, s0;
	[smem:$0x7FF] =	sst s3  }
0x7: {  	s8 =	smul.u32 $0x4E000, s13;
	s4 =	sshll.u32 s0, $0x4;
	_ =	strace $0x8000004A  }
0x8: {  	s7 =	smul.u32 $0x27100, s0;
	s0 =	ssub.s32 $0x2, s0;
	s6 =	sor.u32 s13, s4  }
0x9: {  	s4 =	sadd.s32 $0x1BA00, s1;
	s10 =	sshrl.u32 s0, $0x1;
	s29 =	sshrl.u32 s8, $0x2  }
0xa: {  	s5 =	smul.u32 $0x280, s6;
	p0 =	seq.s32 s6, $0x1F;
	s6 =	simm.s32 $0xA  }
0xb: {  	s8 =	sadd.s32 $0x124800, s2;
	s0 =	ssub.s32 s0, s10;
	s6 =	simm.s32 @!p0 $0x28  }
0xc: {  	s0 =	smax.u32 s0, $0x1;
	p0 =	seq.s32 s13, $0xF;
	s9 =	sadd.s32 s5, s1  }
0xd: {  	s5 =	sadd.s32 $0x42C00, s1;
	s1 =	sadd.s32 s7, s1;
	s7 =	sadd.s32 s29, s2  }
0xe: {  	[dreg:$0x5] =	wrdreg s0;
	s31 =	sshll.u32 s6, $0x9;
	s12 =	sshrl.u32 @p0 s8, $0x3  }
0xf: {  	s0 =	sshll.u32 @!p0 s13, $0x6;
	s30 =	sadd.s32 $0x16A00, s9;
	s9 =	sadd.s32 $0x11A00, s9  }
0x10: {  	[dreg:$0x4] =	wrdreg s9;
	s9 =	sadd.s32 $0x45400, s1;
	s1 =	smul.u32 $0x2700, s13  }
0x11: {  	s11 =	sadd.s32 $0xFFFFF800, s31;
	s14 =	sshrl.u32 @!p0 s7, $0x3;
	[dreg:$0x3] =	wrdreg s30  }
0x12: {  	s13 =	sor.u32 @!p0 $0x1C05, s0;
	s16 =	smov.u32 s9;
	s25 =	sadd.s32 @!p0 s1, s9  }
.LBB2_1:
0x13: {  	s31 =	simm.s32 @p0 $0x1FC5;
	s30 =	simm.s32 @p0 $0x5  }
0x14: {  	[spmem:s12], [sflag:s31] =	dma.local @p0 [hbm:s5], $0x2800  }
0x15: {  	_ =	swait.ge @p0 [sflag:s30], $0x2800  }
0x16: {  	[sflag:s30] =	ssyncset.done @p0 $0x0  }
0x17: {  	s29 =	simm.s32 @!p0 $0x5;
	[sflag:s30] =	ssyncadd.s32 @p0 $0xFFFFD800  }
0x18: {  	[spmem:s14], [sflag:s13] =	dma.local @!p0 [hbm:s5], $0x2700  }
0x19: {  	_ =	swait.ge @!p0 [sflag:s29], $0x2700  }
0x1a: {  	[sflag:s29] =	ssyncset.done @!p0 $0x0  }
0x1b: {  	s0 =	rddreg [dreg:$0x3];
	[sflag:s29] =	ssyncadd.s32 @!p0 $0xFFFFD900  }
0x1c: {  	[tilespmem:s3], [sflag:$0x5] =	stream.linear.gather [hbm4b:s0+s3], $0x1400, $0x38;
	[tilespmem:$0x1E080] =	vst v63  }
0x1d: {  	_ =	swait.ge [sflag:s15], $0x1400  }
0x1e: {  	[sflag:s15] =	ssyncset.done $0x0  }
0x1f: {  	s1 =	simm.s32 $0x1400;
	s8 =	rddreg [dreg:$0x4];
	[sflag:s15] =	ssyncadd.s32 $0xFFFFEC00  }
0x20: {  	[tilespmem:s1], [sflag:$0x5] =	stream.linear.gather [hbm4b:s8+s3], $0x1400, $0x38;
	[tilespmem:$0x1E080] =	vst v63  }
0x21: {  	_ =	swait.ge [sflag:s15], $0x1400  }
0x22: {  	[sflag:s15] =	ssyncset.done $0x0  }
0x23: {  	[sflag:s15] =	ssyncadd.s32 $0xFFFFEC00  }
0x24: {  	[bflag:$0x0] =	sbarrier.arrive $0xFFFF  }
0x25: {  	[tilespmem:s18], [sflag:$0x1] =	stream.indirect.gather [hbm4b:s4+s17], $0x80, s3, s17, $0xb8;
	[tilespmem:$0x1E080] =	vst v63  }
0x26: {  	_ =	swait.ge [sflag:s19], $0x4000  }
0x27: {  	[sflag:s19] =	ssyncset.done $0x0  }
0x28: {  	[sflag:s19] =	ssyncadd.s32 $0xFFFFC000  }
0x29: {  	[spmem:s2] =	stream.indirect.scatter.add.f32 [tilespmem:s18], [sflag:$0x3], $0x80, s1, s17, $0xb8;
	[tilespmem:$0x1E080] =	vst v63  }
0x2a: {  	_ = 	snop  }
0x2b: {  	[tilespmem:s20], [sflag:$0x2] =	stream.indirect.gather [hbm4b:s4+s17], $0x80, s17, s17, $0xb8;
	[tilespmem:$0x1E080] =	vst v63  }
0x2c: {  	_ =	swait.ge [sflag:s21], $0x4000  }
0x2d: {  	[sflag:s21] =	ssyncset.done $0x0  }
0x2e: {  	s9 =	simm.s32 $0x1480;
	[sflag:s21] =	ssyncadd.s32 $0xFFFFC000  }
0x2f: {  	[spmem:s2] =	stream.indirect.scatter.add.f32 [tilespmem:s20], [sflag:$0x4], $0x80, s9, s17, $0xb8;
	[tilespmem:$0x1E080] =	vst v63  }
0x30: {  	_ =	swait.ge [sflag:s23], $0x4000  }
0x31: {  	[sflag:s23] =	ssyncset.done $0x0  }
0x32: {  	s10 =	simm.s32 $0x100;
	[sflag:s23] =	ssyncadd.s32 $0xFFFFC000  }
0x33: {  	[tilespmem:s18], [sflag:$0x1] =	stream.indirect.gather [hbm4b:s4+s17], $0x80, s10, s17, $0xb8;
	[tilespmem:$0x1E080] =	vst v63  }
0x34: {  	_ =	swait.ge [sflag:s19], $0x4000  }
0x35: {  	p1 =	sle.u32 s6, $0x3;
	[sflag:s19] =	ssyncset.done $0x0  }
0x36: {  	s22 =	simm.s32 $0x1500;
	s1 =	simm.s32 @!p1 $0x4;
	[sflag:s19] =	ssyncadd.s32 $0xFFFFC000  }
0x37: {  	[spmem:s2] =	stream.indirect.scatter.add.f32 [tilespmem:s18], [sflag:$0x3], $0x80, s22, s17, $0xb8;
	[tilespmem:$0x1E080] =	vst v63  }
0x38: {  	_ =	swait.ge @!p1 [sflag:s1], $0x4000  }
0x39: {  	s7 =	simm.s32 @!p1 $0x80;
	[sflag:s1] =	ssyncset.done @!p1 $0x0  }
0x3a: {  	s0 =	simm.s32 @!p1 $0x180;
	s8 =	simm.s32 @!p1 $0x6800;
	[sflag:s1] =	ssyncadd.s32 @!p1 $0xFFFFC000  }
0x3b: {  	[tilespmem:s8], [sflag:$0x2] =	stream.indirect.gather @!p1 [hbm4b:s4+s7], $0x80, s0, s7, $0xb8;
	[tilespmem:$0x1E080] =	vst v63  }
0x3c: {  	s24 =	simm.s32 $0x1580;
	p2 =	sne.s32 s11, $0x400;
	_ =	swait.ge [sflag:s21], $0x4000  }
.Ltmp0:
0x3d: {  	p1 =	sle.u32 s6, $0x4;
	[sflag:s21] =	ssyncset.done $0x0;
	(pc) =	sbr.rel @!p2 .LBB2_3-.Ltmp0, $4  }
0x3e: {  	s1 =	simm.s32 $0x4;
	s22 =	simm.s32 @!p1 $0x3;
	[sflag:s21] =	ssyncadd.s32 $0xFFFFC000  }
0x3f: {  	[spmem:s2] =	stream.indirect.scatter.add.f32 [tilespmem:s20], [sflag:$0x4], $0x80, s24, s17, $0xb8;
	[tilespmem:$0x1E080] =	vst v63  }
0x40: {  	s0 =	simm.s32 $0x400;
	s7 =	simm.s32 @!p1 $0x80;
	_ =	swait.ge @!p1 [sflag:s22], $0x4000  }
0x41: {  	s8 =	simm.s32 @!p1 $0x2800;
	s24 =	simm.s32 @!p1 $0x200;
	[sflag:s22] =	ssyncset.done @!p1 $0x0  }
.LBB2_2:
0x42: {  	[sflag:s22] =	ssyncadd.s32 @!p1 $0xFFFFC000  }
0x43: {  	s1 =	sadd.s32 $0x2, s1;
	s10 =	smov.u32 s0;
	s0 =	sadd.s32 $0x400, s0  }
0x44: {  	[tilespmem:s8], [sflag:$0x1] =	stream.indirect.gather @!p1 [hbm4b:s4+s7], $0x80, s24, s7, $0xb8;
	[tilespmem:$0x1E080] =	vst v63  }
0x45: {  	s7 =	sshra.s32 s10, $0x2;
	s8 =	sadd.s32 $0xFFFFFFFF, s1;
	_ =	swait.ge [sflag:s19], $0x4000  }
0x46: {  	s22 =	sadd.s32 $0x1500, s7;
	p1 =	sge.u32 s8, s6;
	[sflag:s19] =	ssyncset.done $0x0  }
0x47: {  	s8 =	simm.s32 @!p1 $0x4;
	s24 =	sshra.s32 @!p1 s10, $0x2;
	[sflag:s19] =	ssyncadd.s32 $0xFFFFC000  }
0x48: {  	[spmem:s2] =	stream.indirect.scatter.add.f32 [tilespmem:s18], [sflag:$0x3], $0x80, s22, s17, $0xb8;
	[tilespmem:$0x1E080] =	vst v63  }
0x49: {  	p2 =	sne.s32 s11, s0;
	s22 =	sadd.s32 @!p1 $0x180, s24;
	_ =	swait.ge @!p1 [sflag:s8], $0x4000  }
0x4a: {  	s9 =	simm.s32 @!p1 $0x6800;
	s24 =	simm.s32 @!p1 $0x80;
	[sflag:s8] =	ssyncset.done @!p1 $0x0  }
0x4b: {  	[sflag:s8] =	ssyncadd.s32 @!p1 $0xFFFFC000  }
0x4c: {  	[tilespmem:s9], [sflag:$0x2] =	stream.indirect.gather @!p1 [hbm4b:s4+s24], $0x80, s22, s24, $0xb8;
	[tilespmem:$0x1E080] =	vst v63  }
0x4d: {  	p1 =	sge.u32 s1, s6;
	_ =	swait.ge [sflag:s21], $0x4000  }
.Ltmp1:
0x4e: {  	s7 =	sadd.s32 $0x1580, s7;
	[sflag:s21] =	ssyncset.done $0x0;
	(pc) =	sbr.rel @p2 .LBB2_2-.Ltmp1, $4  }
0x4f: {  	s22 =	simm.s32 @!p1 $0x3;
	s8 =	sshra.s32 @!p1 s10, $0x2;
	[sflag:s21] =	ssyncadd.s32 $0xFFFFC000  }
0x50: {  	[spmem:s2] =	stream.indirect.scatter.add.f32 [tilespmem:s20], [sflag:$0x4], $0x80, s7, s17, $0xb8;
	[tilespmem:$0x1E080] =	vst v63  }
0x51: {  	s24 =	sadd.s32 @!p1 $0x200, s8;
	_ =	swait.ge @!p1 [sflag:s22], $0x4000  }
0x52: {  	s8 =	simm.s32 @!p1 $0x2800;
	s7 =	simm.s32 @!p1 $0x80;
	[sflag:s22] =	ssyncset.done @!p1 $0x0  }
.LBB2_3:
0x53: {  	[sflag:s22] =	ssyncadd.s32 @!p1 $0xFFFFC000  }
0x54: {  	[tilespmem:s8], [sflag:$0x1] =	stream.indirect.gather @!p1 [hbm4b:s4+s7], $0x80, s24, s7, $0xb8;
	[tilespmem:$0x1E080] =	vst v63  }
0x55: {  	s1 =	sadd.s32 $0x2, s1;
	_ =	swait.ge [sflag:s19], $0x4000  }
0x56: {  	s22 =	sshra.s32 s0, $0x2;
	s24 =	sadd.s32 $0xFFFFFFFF, s1;
	[sflag:s19] =	ssyncset.done $0x0  }
0x57: {  	s7 =	sadd.s32 $0x1500, s22;
	p1 =	slt.u32 s24, s6;
	[sflag:s19] =	ssyncadd.s32 $0xFFFFC000  }
0x58: {  	[spmem:s2] =	stream.indirect.scatter.add.f32 [tilespmem:s18], [sflag:$0x3], $0x80, s7, s17, $0xb8;
	[tilespmem:$0x1E080] =	vst v63  }
0x59: {  	s7 =	simm.s32 @p1 $0x4  }
0x5a: {  	_ =	swait.ge @p1 [sflag:s7], $0x4000  }
0x5b: {  	[sflag:s7] =	ssyncset.done @p1 $0x0  }
0x5c: {  	[sflag:s7] =	ssyncadd.s32 @p1 $0xFFFFC000;
	s7 =	sshra.s32 @p1 s0, $0x2  }
0x5d: {  	s8 =	simm.s32 @p1 $0x80;
	s9 =	simm.s32 @p1 $0x6800;
	s7 =	sadd.s32 @p1 $0x180, s7  }
0x5e: {  	[tilespmem:s9], [sflag:$0x2] =	stream.indirect.gather @p1 [hbm4b:s4+s8], $0x80, s7, s8, $0xb8;
	[tilespmem:$0x1E080] =	vst v63  }
0x5f: {  	s7 =	sadd.s32 @p1 $0x600, s0;
	s8 =	sadd.s32 @!p1 $0x600, s0  }
0x60: {  	s8 =	smov.u32 @p1 s7;
	_ =	swait.ge [sflag:s21], $0x4000  }
0x61: {  	p1 =	sge.u32 s1, s6;
	[sflag:s21] =	ssyncset.done $0x0;
	s7 =	sshra.s32 s8, $0x2  }
0x62: {  	s1 =	simm.s32 @!p1 $0x3;
	[sflag:s21] =	ssyncadd.s32 $0xFFFFC000;
	s7 =	sadd.s32 $0x1400, s7  }
0x63: {  	[spmem:s2] =	stream.indirect.scatter.add.f32 [tilespmem:s20], [sflag:$0x4], $0x80, s7, s17, $0xb8;
	[tilespmem:$0x1E080] =	vst v63  }
0x64: {  	s0 =	sshra.s32 @!p1 s0, $0x2;
	_ =	swait.ge @!p1 [sflag:s1], $0x4000  }
0x65: {  	s0 =	sadd.s32 @!p1 $0x200, s0;
	[sflag:s1] =	ssyncset.done @!p1 $0x0  }
0x66: {  	s7 =	simm.s32 @!p1 $0x2800;
	[sflag:s1] =	ssyncadd.s32 @!p1 $0xFFFFC000;
	s1 =	simm.s32 @!p1 $0x80  }
0x67: {  	[tilespmem:s7], [sflag:$0x1] =	stream.indirect.gather @!p1 [hbm4b:s4+s1], $0x80, s0, s1, $0xb8;
	[tilespmem:$0x1E080] =	vst v63  }
0x68: {  	_ =	swait.ge [sflag:s23], $0x4000  }
0x69: {  	[sflag:s23] =	ssyncset.done $0x0  }
0x6a: {  	[sflag:s23] =	ssyncadd.s32 $0xFFFFC000  }
0x6b: {  	_ =	swait.ge [sflag:s26], $0x4000  }
0x6c: {  	[sflag:s26] =	ssyncset.done $0x0  }
0x6d: {  	[sflag:s26] =	ssyncadd.s32 $0xFFFFC000  }
0x6e: {  	s0 =	sadd.s32 @p0 $0x24900, s16;
	[bflag:$0x0] =	sbarrier.arrive $0xFFFF  }
0x6f: {  	[hbm:s0], [sflag:s31] =	dma.local @p0 [spmem:s12], $0x2800  }
0x70: {  	_ =	swait.ge @p0 [sflag:s30], $0x2800  }
0x71: {  	[sflag:s30] =	ssyncset.done @p0 $0x0  }
0x72: {  	[sflag:s30] =	ssyncadd.s32 @p0 $0xFFFFD800  }
0x73: {  	[hbm:s25], [sflag:s13] =	dma.local @!p0 [spmem:s14], $0x2700  }
0x74: {  	_ =	swait.ge @!p0 [sflag:s29], $0x2700  }
0x75: {  	s28 =	sadd.s32 $0x1, s28;
	s31 =	rddreg [dreg:$0x5]  }
0x76: {  	p1 =	sne.s32 s28, s31  }
.Ltmp2:
0x77: {  	_ = 	snop;
	(pc) =	sbr.rel @p1 .LBB2_1-.Ltmp2, $3  }
0x78: {  	_ =	sdelay $0x1  }
0x79: {  	[sflag:s29] =	ssyncset.done @!p0 $0x0  }
0x7a: {  	[sflag:s29] =	ssyncadd.s32 @!p0 $0xFFFFD900  }
0x7b: {  	_ =	sfence.sel $0x180000  }
0x7c: {  	[bflag:$0x0] =	sbarrier.arrive $0xFFFF  }
0x7d: {  	_ =	strace $0x9000004A  }
0x7e: {  	s0 =	stileid.u32;
	[bflag:$0x2] =	sbarrier.arrive $0xFFFF  }
0x7f: {  	p0 =	sne.s32 s0, $0x0;
	s0 =	rddreg [dreg:$0x2]  }
0x80: {  	s0 =	sadd.s32 @!p0 $0x100000, s0  }
0x81: {  	[sflag:s0] =	ssyncadd.tile.s32 @!p0 $0x1;
	_ =	shalt  }
.Lfunc_end2:
_tile_overlayer_lowered:
.L_overlay_start_2:
0x82: {  	(tag) =	ssettag $0x2  }
0x83: {  	s0 =	rddreg [dreg:$0x0];
	s2 =	stileid.u32  }
0x84: {  	s1 =	rddreg [dreg:$0x1];
	p0 =	sne.s32 s2, $0x0  }
0x85: {  	s3 =	rddreg [dreg:$0x2];
	[bflag:$0x3] =	sbarrier.arrive $0xFFFF;
	s2 =	simm.s32 @!p0 $0x1C05  }
0x86: {  	[timem:s3], [sflag:s2] =	dma.local @!p0 [hbm:s0], s1  }
0x87: {  	s0 =	simm.s32 @!p0 $0x5  }
0x88: {  	_ =	swait.ge @!p0 [sflag:s0], s1  }
0x89: {  	s1 =	ssub.s32 @!p0 $0x0, s1;
	[sflag:s0] =	ssyncset.done @!p0 $0x0  }
0x8a: {  	[sflag:s0] =	ssyncadd.s32 @!p0 s1  }
0x8b: {  	[bflag:$0x3] =	sbarrier.arrive $0xFFFF  }
0x8c: {  	_ =	shalt  }

// kernel: kernel.20.cloned.1.call-start
scs
__scs_entry_jumppad:
0x0: {  	(pc) =	sbr.rel $0x88, $3  }
0x1: {  	(tag) =	ssettag $0x0;
	lr =	simm.s32 $0x1  }
0x2: {  	[smem:$0x3F80] =	sst lr;
	_ =	strace $0xD0000000  }
0x3: {  	_ = 	snop  }
0x4: {  	_ = 	snop  }
0x5: {  	_ = 	snop  }
0x6: {  	_ = 	snop  }
0x7: {  	_ = 	snop  }
__scs_overlays_trampoline_lowered:
0x8: {  	[smem:$0x3F8F] =	sst s0  }
0x9: {  	[smem:$0x3F90] =	sst s1  }
0xa: {  	[smem:$0x3F91] =	sst s2  }
0xb: {  	[smem:$0x3F92] =	sst s3  }
0xc: {  	[smem:$0x3F93] =	sst s4  }
0xd: {  	[smem:$0x3F94] =	sst s5  }
0xe: {  	[smem:$0x3F95] =	sst s6  }
0xf: {  	[smem:$0x3F96] =	sst s7  }
0x10: {  	[smem:$0x3F97] =	sst s8  }
0x11: {  	[smem:$0x3F98] =	sst s9;
	s0 =	simm.s32 @!p0 $0x0  }
0x12: {  	s1 =	sld [smem:$0x3F7E];
	s0 =	simm.s32 @p0 $0x1  }
0x13: {  	[smem:$0x3F99] =	sst s0;
	s0 =	simm.s32 @!p1 $0x0  }
0x14: {  	s2 =	sld [smem:$0x3F7D];
	s0 =	simm.s32 @p1 $0x1  }
0x15: {  	[smem:$0x3F9A] =	sst s0;
	s0 =	simm.s32 @!p2 $0x0  }
0x16: {  	s3 =	sld [smem:$0x3FDB];
	s0 =	simm.s32 @p2 $0x1  }
0x17: {  	s4 =	simm.s32 $0x1BF5;
	[smem:$0x3F9C] =	sst s0  }
0x18: {  	s0 =	sld [smem:$0x3F7F];
	_ =	swait.ge [sflag:s4], $0x0  }
0x19: {  	s7 =	sld [smem:$0x3F80]  }
0x1a: {  	s8 =	sadd.s32 $0xFFFFE003, lr  }
0x1b: {  	s9 =	sadd.s32 $0xFFFFFEF7, lr;
	s5 =	simm.s32 $0xFFFFFFFF;
	p2 =	slt.u32 s8, $0xFFFFF086  }
0x1c: {  	p1 =	slt.u32 s9, $0xF7A;
	s5 =	simm.s32 @!p2 $0x0  }
0x1d: {  	s5 =	simm.s32 @p1 $0x1;
	p0 =	seq.s32 s7, s2  }
0x1e: {  	s7 =	smul.u32 @!p0 $0xF7A, s2;
	p2 =	seq.s32 @!p0 s5, $0x0  }
0x1f: {  	s9 =	smul.u32 $0xF7A, s1;
	s8 =	simm.s32 @!p0 $0x1BF5;
	p2 =	por !p2, p0  }
0x20: {  	[sflag:s8] =	ssyncset.s32 @!p0 $0xFFFFF086;
	s6 =	sadd.s32 @!p0 s3, s7;
	s7 =	simm.s32 @!p0 $0x108  }
0x21: {  	s3 =	sadd.s32 s3, s9;
	s6 =	sadd.s32 @!p0 $0x88, s6;
	s7 =	simm.s32 @p2 $0x1082  }
0x22: {  	[simem:s7], [sflag:s8] =	dma.local @!p0 [hbm:s6], $0xF7A  }
0x23: {  	s9 =	sor.u32 $0xD0000000, s2;
	s6 =	simm.s32 $0x108;
	_ =	swait.ge @!p0 [sflag:s8], $0x0  }
0x24: {  	s3 =	sadd.s32 $0x88, s3;
	s6 =	simm.s32 @!p1 $0x1082;
	[sflag:s4] =	ssyncset.s32 $0xFFFFF086  }
0x25: {  	[simem:s6], [sflag:s4] =	dma.local [hbm:s3], $0xF7A  }
0x26: {  	[smem:$0x3F80] =	sst s1;
	(tag) =	ssettag s2;
	_ =	strace s9  }
0x27: {  	s1 =	sld [smem:$0x3F90]  }
0x28: {  	s2 =	sld [smem:$0x3F91]  }
0x29: {  	s4 =	sld [smem:$0x3F93]  }
0x2a: {  	p0 =	seq.s32 s5, $0x0;
	s5 =	sld [smem:$0x3F94]  }
0x2b: {  	s6 =	sld [smem:$0x3F95]  }
0x2c: {  	s7 =	sld [smem:$0x3F96]  }
0x2d: {  	s3 =	simm.s32 $0x108;
	s8 =	sld [smem:$0x3F97]  }
0x2e: {  	s3 =	simm.s32 @!p0 $0x1082;
	s9 =	sld [smem:$0x3F98]  }
0x2f: {  	lr =	sadd.s32 s0, s3;
	s0 =	sld [smem:$0x3F8F]  }
0x30: {  	s3 =	sld [smem:$0x3F92]  }
0x31: {  	[smem:$0x3F9B] =	sst s10  }
0x32: {  	s10 =	sld [smem:$0x3F99];
	_ =	sdelay $0x3  }
0x33: {  	p0 =	seq.s32 s10, $0x1;
	s10 =	sld [smem:$0x3F9B];
	_ =	sdelay $0x3  }
0x34: {  	[smem:$0x3F9B] =	sst s10  }
0x35: {  	s10 =	sld [smem:$0x3F9A];
	_ =	sdelay $0x3  }
0x36: {  	p1 =	seq.s32 s10, $0x1;
	s10 =	sld [smem:$0x3F9B];
	_ =	sdelay $0x3  }
0x37: {  	[smem:$0x3F9B] =	sst s10  }
0x38: {  	s10 =	sld [smem:$0x3F9C]  }
0x39: {  	_ = 	snop;
	(pc) =	sbr.ind lr, $3  }
0x3a: {  	_ = 	snop  }
0x3b: {  	_ = 	snop  }
0x3c: {  	p2 =	seq.s32 s10, $0x1;
	s10 =	sld [smem:$0x3F9B]  }
0x3d: {  	_ =	shalt  }
0x3e: {  	_ =	shalt  }
0x3f: {  	_ =	shalt  }
0x40: {  	_ =	shalt  }
0x41: {  	_ =	shalt  }
0x42: {  	_ =	shalt  }
0x43: {  	_ =	shalt  }
0x44: {  	_ =	shalt  }
0x45: {  	_ =	shalt  }
0x46: {  	_ =	shalt  }
0x47: {  	_ =	shalt  }
0x48: {  	_ =	shalt  }
0x49: {  	_ =	shalt  }
0x4a: {  	_ =	shalt  }
0x4b: {  	_ =	shalt  }
0x4c: {  	_ =	shalt  }
0x4d: {  	_ =	shalt  }
0x4e: {  	_ =	shalt  }
0x4f: {  	_ =	shalt  }
0x50: {  	_ =	shalt  }
0x51: {  	_ =	shalt  }
0x52: {  	_ =	shalt  }
0x53: {  	_ =	shalt  }
0x54: {  	_ =	shalt  }
0x55: {  	_ =	shalt  }
0x56: {  	_ =	shalt  }
0x57: {  	_ =	shalt  }
0x58: {  	_ =	shalt  }
0x59: {  	_ =	shalt  }
0x5a: {  	_ =	shalt  }
0x5b: {  	_ =	shalt  }
0x5c: {  	_ =	shalt  }
0x5d: {  	_ =	shalt  }
0x5e: {  	_ =	shalt  }
0x5f: {  	_ =	shalt  }
0x60: {  	_ =	shalt  }
0x61: {  	_ =	shalt  }
0x62: {  	_ =	shalt  }
0x63: {  	_ =	shalt  }
0x64: {  	_ =	shalt  }
0x65: {  	_ =	shalt  }
0x66: {  	_ =	shalt  }
0x67: {  	_ =	shalt  }
0x68: {  	_ =	shalt  }
0x69: {  	_ =	shalt  }
0x6a: {  	_ =	shalt  }
0x6b: {  	_ =	shalt  }
0x6c: {  	_ =	shalt  }
0x6d: {  	_ =	shalt  }
0x6e: {  	_ =	shalt  }
0x6f: {  	_ =	shalt  }
0x70: {  	_ =	shalt  }
0x71: {  	_ =	shalt  }
0x72: {  	_ =	shalt  }
0x73: {  	_ =	shalt  }
0x74: {  	_ =	shalt  }
0x75: {  	_ =	shalt  }
0x76: {  	_ =	shalt  }
0x77: {  	_ =	shalt  }
0x78: {  	_ =	shalt  }
0x79: {  	_ =	shalt  }
0x7a: {  	_ =	shalt  }
0x7b: {  	_ =	shalt  }
0x7c: {  	_ =	shalt  }
0x7d: {  	_ =	shalt  }
0x7e: {  	_ =	shalt  }
0x7f: {  	_ =	shalt  }
0x80: {  	_ =	shalt  }
0x81: {  	_ =	shalt  }
0x82: {  	_ =	shalt  }
0x83: {  	_ =	shalt  }
0x84: {  	_ =	shalt  }
0x85: {  	_ =	shalt  }
0x86: {  	_ =	shalt  }
0x87: {  	_ =	shalt  }
.Lfunc_end0:
.L_simem_size_0:
called_computation.2_lowered:
.L_overlay_start_0:
0x88: {  	s2 =	sld [smem:$0x3FD9]  }
0x89: {  	s3 =	sld [smem:$0x3FFE];
	_ =	sdelay $0x1  }
0x8a: {  	s1 =	srdreg.scid  }
0x8b: {  	s0 =	sand.u32 $0x1, s1  }
0x8c: {  	s17 =	sshll.u32 s0, $0xA;
	s2 =	sadd.s32 s3, s2  }
0x8d: {  	s2 =	sadd.s32 s2, s17  }
0x8e: {  	[smem:$0x3FA7] =	sst s2  }
0x8f: {  	_ = 	snop  }
0x90: {  	(tm) =	ssettm $0x1  }
0x91: {  	s18 =	sld [smem:$0x3FFB];
	_ =	sdelay $0x3  }
0x92: {  	_ =	strace s18  }
0x93: {  	s2 =	sld [smem:$0x3FFC];
	_ =	sdelay $0x3  }
0x94: {  	_ =	strace s2  }
0x95: {  	s2 =	sld [smem:$0x3FFD];
	_ =	sdelay $0x3  }
0x96: {  	_ =	strace s2  }
0x97: {  	_ =	strace $0x8FFFFFFF  }
0x98: {  	s19 =	sld [smem:$0x3FDB];
	_ =	sdelay $0x1  }
0x99: {  	s20 =	simm.s32 $_scs_section_size  }
0x9a: {  	s4 =	simm.s32 $_size__tile_overlayer_lowered;
	s5 =	simm.s32 $_tile_overlayer_lowered  }
0x9b: {  	s6 =	simm.s32 $0x1BFF;
	s21 =	sshll.u32 s5, $0x1;
	s3 =	sadd.s32 s20, s19  }
0x9c: {  	s22 =	simm.s32 $0x0;
	s4 =	sshll.u32 s4, $0x1;
	s5 =	sadd.s32 s21, s3  }
0x9d: {  	[timem:s22], [sflag:s6] =	dma.local [hbm:s5], s4  }
0x9e: {  	_ =	swait.ge [sflag:s6], s4  }
0x9f: {  	s4 =	ssub.s32 $0x0, s4;
	[sflag:s6] =	ssyncset.done $0x0  }
0xa0: {  	[sflag:s6] =	ssyncadd.s32 s4;
	_ =	sdelay $0x1  }
0xa1: {  	s23 =	simm.s32 $0x1B8B  }
0xa2: {  	_ =	swait.ge [sflag:s23], $0x1  }
0xa3: {  	[sflag:s23] =	ssyncset.done $0x0  }
0xa4: {  	[sflag:s23] =	ssyncadd.s32 $0xFFFFFFFF  }
0xa5: {  	s4 =	sld [smem:$0x0]  }
0xa6: {  	s5 =	sand.u32 $0xFFFFFFFE, s1  }
0xa7: {  	p0 =	sne.s32 s1, s5  }
0xa8: {  	s5 =	sshll.u32 @p0 s5, $0xE  }
0xa9: {  	s5 =	sadd.s32 @p0 $0x11B8D, s5;
	s6 =	sshll.u32 @p0 s4, $0x11  }
0xaa: {  	s5 =	sor.u32 @p0 s6, s5  }
0xab: {  	[sflag:s5] =	ssyncadd.remote.s32 @p0 $0x1;
	_ =	sdelay $0x1  }
0xac: {  	s5 =	simm.s32 @p0 $0x1B8D  }
0xad: {  	_ =	swait.eq @p0 [sflag:s5], $0x1  }
0xae: {  	[sflag:s5] =	ssyncadd.s32 @p0 $0xFFFFFFFF  }
0xaf: {  	s6 =	sshll.u32 @!p0 s1, $0xE  }
0xb0: {  	s6 =	sor.u32 @!p0 $0x4000, s6;
	s5 =	simm.s32 @!p0 $0x1B8D  }
0xb1: {  	s4 =	sshll.u32 @!p0 s4, $0x11;
	s6 =	sadd.s32 @!p0 $0x11B8D, s6;
	_ =	swait.eq @!p0 [sflag:s5], $0x1  }
0xb2: {  	s4 =	sor.u32 @!p0 s4, s6;
	[sflag:s5] =	ssyncadd.s32 @!p0 $0xFFFFFFFF  }
0xb3: {  	s25 =	simm.s32 $0x1B8E;
	s24 =	sld [smem:$0x3FFE];
	[sflag:s4] =	ssyncadd.remote.s32 @!p0 $0x1  }
0xb4: {  	s26 =	simm.s32 $execute0_lowered;
	[smem:$0x3FD2] =	sst s25  }
0xb5: {  	s5 =	sshll.u32 s26, $0x1;
	_ =	strace $0x8000004F;
	[dreg:$0x1] =	wrdreg $0xFFFFFFFF  }
0xb6: {  	s28 =	simm.s32 $_size_execute0_lowered;
	s3 =	sadd.s32 s3, s5;
	[dreg:$0x0] =	wrdreg $0x0  }
0xb7: {  	s5 =	sshll.u32 s28, $0x1;
	[dreg:$0x2] =	wrdreg s3  }
0xb8: {  	[dreg:$0x3] =	wrdreg s5  }
0xb9: {  	[dreg:$0x4] =	wrdreg $0xC0  }
0xba: {  	_ =	task [dreg:s22], $0x5FFFF  }
0xbb: {  	[dreg:$0x1] =	wrdreg $0xFFFFFFFF  }
0xbc: {  	[dreg:$0x0] =	wrdreg $0x60  }
0xbd: {  	[dreg:$0x2] =	wrdreg s24  }
0xbe: {  	[dreg:$0x3] =	wrdreg $0xA8000  }
0xbf: {  	[dreg:$0x4] =	wrdreg $0xA  }
0xc0: {  	_ =	task.clear_ibuf [dreg:s22], $0x5FFFF;
	_ =	strace $0x9000004F  }
0xc1: {  	s29 =	simm.s32 $0xA;
	_ =	strace $0x80000051  }
0xc2: {  	_ =	swait.ge [sflag:s29], $0x1  }
0xc3: {  	[sflag:s29] =	ssyncadd.s32 $0xFFFFFFFF  }
0xc4: {  	_ =	strace $0x90000051  }
0xc5: {  	_ =	sfence  }
0xc6: {  	s30 =	sld [smem:$0x0];
	_ =	sdelay $0x2  }
0xc7: {  	s31 =	sshll.u32 s1, $0xD;
	s1 =	sshrl.u32 s1, $0x2  }
0xc8: {  	s4 =	sand.u32 $0x4000, s31;
	s1 =	sadd.s32 s1, s30  }
0xc9: {  	s0 =	sor.u32 s4, s0;
	s1 =	sshll.u32 s1, $0x11  }
0xca: {  	s0 =	sor.u32 s1, s0  }
0xcb: {  	s0 =	sadd.s32 $0x8F2B, s0  }
0xcc: {  	[sflag:s0] =	ssyncadd.remote.s32 $0x1  }
0xcd: {  	_ =	sfence.sel $0xFFFF  }
0xce: {  	[dreg:$0x0] =	wrdreg $0xFFFFFFFF;
	(pc) =	sbr.abs _section_cstart, $3  }
0xcf: {  	[dreg:$0x1] =	wrdreg $0xFFFFFFFF  }
0xd0: {  	_ =	task.clear_ibuf [dreg:s22], $0x2FFFF;
	_ =	strace $0x9FFFFFFF  }
0xd1: {  	(tm) =	ssettm $0x7FFFFFFF  }
tec
execute0_lowered:
.L_overlay_start_1:
0x0: {  	(tag) =	ssettag $0x1  }
0x1: {  	s0 =	srdreg.scid;
	s1 =	rddreg [dreg:$0x0]  }
0x2: {  	s2 =	rddreg [dreg:$0x1];
	s13 =	stileid.u32  }
0x3: {  	s3 =	simm.s32 $0x0;
	s15 =	simm.s32 $0x5;
	s17 =	simm.s32 $0x80  }
0x4: {  	s18 =	simm.s32 $0x2800;
	s19 =	simm.s32 $0x1;
	s20 =	simm.s32 $0x6800  }
0x5: {  	s21 =	simm.s32 $0x2;
	s23 =	simm.s32 $0x3;
	s26 =	simm.s32 $0x4  }
0x6: {  	s28 =	simm.s32 $0x0;
	s0 =	sand.u32 $0x1, s0;
	[smem:$0x7FF] =	sst s3  }
0x7: {  	s8 =	smul.u32 $0x4E000, s13;
	s4 =	sshll.u32 s0, $0x4;
	_ =	strace $0x80000050  }
0x8: {  	s7 =	smul.u32 $0x27100, s0;
	s0 =	ssub.s32 $0x2, s0;
	s6 =	sor.u32 s13, s4  }
0x9: {  	s4 =	sadd.s32 $0x1BA00, s1;
	s10 =	sshrl.u32 s0, $0x1;
	s29 =	sshrl.u32 s8, $0x2  }
0xa: {  	s5 =	smul.u32 $0x280, s6;
	p0 =	seq.s32 s6, $0x1F;
	s6 =	simm.s32 $0xA  }
0xb: {  	s8 =	sadd.s32 $0x124800, s2;
	s0 =	ssub.s32 s0, s10;
	s6 =	simm.s32 @!p0 $0x28  }
0xc: {  	s0 =	smax.u32 s0, $0x1;
	p0 =	seq.s32 s13, $0xF;
	s9 =	sadd.s32 s5, s1  }
0xd: {  	s5 =	sadd.s32 $0x42C00, s1;
	s1 =	sadd.s32 s7, s1;
	s7 =	sadd.s32 s29, s2  }
0xe: {  	[dreg:$0x5] =	wrdreg s0;
	s31 =	sshll.u32 s6, $0x9;
	s12 =	sshrl.u32 @p0 s8, $0x3  }
0xf: {  	s0 =	sshll.u32 @!p0 s13, $0x6;
	s30 =	sadd.s32 $0x16A00, s9;
	s9 =	sadd.s32 $0x11A00, s9  }
0x10: {  	[dreg:$0x4] =	wrdreg s9;
	s9 =	sadd.s32 $0x45400, s1;
	s1 =	smul.u32 $0x2700, s13  }
0x11: {  	s11 =	sadd.s32 $0xFFFFF800, s31;
	s14 =	sshrl.u32 @!p0 s7, $0x3;
	[dreg:$0x3] =	wrdreg s30  }
0x12: {  	s13 =	sor.u32 @!p0 $0x1C05, s0;
	s16 =	smov.u32 s9;
	s25 =	sadd.s32 @!p0 s1, s9  }
.LBB2_1:
0x13: {  	s31 =	simm.s32 @p0 $0x1FC5;
	s30 =	simm.s32 @p0 $0x5  }
0x14: {  	[spmem:s12], [sflag:s31] =	dma.local @p0 [hbm:s5], $0x2800  }
0x15: {  	_ =	swait.ge @p0 [sflag:s30], $0x2800  }
0x16: {  	[sflag:s30] =	ssyncset.done @p0 $0x0  }
0x17: {  	s29 =	simm.s32 @!p0 $0x5;
	[sflag:s30] =	ssyncadd.s32 @p0 $0xFFFFD800  }
0x18: {  	[spmem:s14], [sflag:s13] =	dma.local @!p0 [hbm:s5], $0x2700  }
0x19: {  	_ =	swait.ge @!p0 [sflag:s29], $0x2700  }
0x1a: {  	[sflag:s29] =	ssyncset.done @!p0 $0x0  }
0x1b: {  	s0 =	rddreg [dreg:$0x3];
	[sflag:s29] =	ssyncadd.s32 @!p0 $0xFFFFD900  }
0x1c: {  	[tilespmem:s3], [sflag:$0x5] =	stream.linear.gather [hbm4b:s0+s3], $0x1400, $0x38;
	[tilespmem:$0x1E080] =	vst v63  }
0x1d: {  	_ =	swait.ge [sflag:s15], $0x1400  }
0x1e: {  	[sflag:s15] =	ssyncset.done $0x0  }
0x1f: {  	s1 =	simm.s32 $0x1400;
	s8 =	rddreg [dreg:$0x4];
	[sflag:s15] =	ssyncadd.s32 $0xFFFFEC00  }
0x20: {  	[tilespmem:s1], [sflag:$0x5] =	stream.linear.gather [hbm4b:s8+s3], $0x1400, $0x38;
	[tilespmem:$0x1E080] =	vst v63  }
0x21: {  	_ =	swait.ge [sflag:s15], $0x1400  }
0x22: {  	[sflag:s15] =	ssyncset.done $0x0  }
0x23: {  	[sflag:s15] =	ssyncadd.s32 $0xFFFFEC00  }
0x24: {  	[bflag:$0x0] =	sbarrier.arrive $0xFFFF  }
0x25: {  	[tilespmem:s18], [sflag:$0x1] =	stream.indirect.gather [hbm4b:s4+s17], $0x80, s3, s17, $0xb8;
	[tilespmem:$0x1E080] =	vst v63  }
0x26: {  	_ =	swait.ge [sflag:s19], $0x4000  }
0x27: {  	[sflag:s19] =	ssyncset.done $0x0  }
0x28: {  	[sflag:s19] =	ssyncadd.s32 $0xFFFFC000  }
0x29: {  	[spmem:s2] =	stream.indirect.scatter.add.f32 [tilespmem:s18], [sflag:$0x3], $0x80, s1, s17, $0xb8;
	[tilespmem:$0x1E080] =	vst v63  }
0x2a: {  	_ = 	snop  }
0x2b: {  	[tilespmem:s20], [sflag:$0x2] =	stream.indirect.gather [hbm4b:s4+s17], $0x80, s17, s17, $0xb8;
	[tilespmem:$0x1E080] =	vst v63  }
0x2c: {  	_ =	swait.ge [sflag:s21], $0x4000  }
0x2d: {  	[sflag:s21] =	ssyncset.done $0x0  }
0x2e: {  	s9 =	simm.s32 $0x1480;
	[sflag:s21] =	ssyncadd.s32 $0xFFFFC000  }
0x2f: {  	[spmem:s2] =	stream.indirect.scatter.add.f32 [tilespmem:s20], [sflag:$0x4], $0x80, s9, s17, $0xb8;
	[tilespmem:$0x1E080] =	vst v63  }
0x30: {  	_ =	swait.ge [sflag:s23], $0x4000  }
0x31: {  	[sflag:s23] =	ssyncset.done $0x0  }
0x32: {  	s10 =	simm.s32 $0x100;
	[sflag:s23] =	ssyncadd.s32 $0xFFFFC000  }
0x33: {  	[tilespmem:s18], [sflag:$0x1] =	stream.indirect.gather [hbm4b:s4+s17], $0x80, s10, s17, $0xb8;
	[tilespmem:$0x1E080] =	vst v63  }
0x34: {  	_ =	swait.ge [sflag:s19], $0x4000  }
0x35: {  	p1 =	sle.u32 s6, $0x3;
	[sflag:s19] =	ssyncset.done $0x0  }
0x36: {  	s22 =	simm.s32 $0x1500;
	s1 =	simm.s32 @!p1 $0x4;
	[sflag:s19] =	ssyncadd.s32 $0xFFFFC000  }
0x37: {  	[spmem:s2] =	stream.indirect.scatter.add.f32 [tilespmem:s18], [sflag:$0x3], $0x80, s22, s17, $0xb8;
	[tilespmem:$0x1E080] =	vst v63  }
0x38: {  	_ =	swait.ge @!p1 [sflag:s1], $0x4000  }
0x39: {  	s7 =	simm.s32 @!p1 $0x80;
	[sflag:s1] =	ssyncset.done @!p1 $0x0  }
0x3a: {  	s0 =	simm.s32 @!p1 $0x180;
	s8 =	simm.s32 @!p1 $0x6800;
	[sflag:s1] =	ssyncadd.s32 @!p1 $0xFFFFC000  }
0x3b: {  	[tilespmem:s8], [sflag:$0x2] =	stream.indirect.gather @!p1 [hbm4b:s4+s7], $0x80, s0, s7, $0xb8;
	[tilespmem:$0x1E080] =	vst v63  }
0x3c: {  	s24 =	simm.s32 $0x1580;
	p2 =	sne.s32 s11, $0x400;
	_ =	swait.ge [sflag:s21], $0x4000  }
.Ltmp0:
0x3d: {  	p1 =	sle.u32 s6, $0x4;
	[sflag:s21] =	ssyncset.done $0x0;
	(pc) =	sbr.rel @!p2 .LBB2_3-.Ltmp0, $4  }
0x3e: {  	s1 =	simm.s32 $0x4;
	s22 =	simm.s32 @!p1 $0x3;
	[sflag:s21] =	ssyncadd.s32 $0xFFFFC000  }
0x3f: {  	[spmem:s2] =	stream.indirect.scatter.add.f32 [tilespmem:s20], [sflag:$0x4], $0x80, s24, s17, $0xb8;
	[tilespmem:$0x1E080] =	vst v63  }
0x40: {  	s0 =	simm.s32 $0x400;
	s7 =	simm.s32 @!p1 $0x80;
	_ =	swait.ge @!p1 [sflag:s22], $0x4000  }
0x41: {  	s8 =	simm.s32 @!p1 $0x2800;
	s24 =	simm.s32 @!p1 $0x200;
	[sflag:s22] =	ssyncset.done @!p1 $0x0  }
.LBB2_2:
0x42: {  	[sflag:s22] =	ssyncadd.s32 @!p1 $0xFFFFC000  }
0x43: {  	s1 =	sadd.s32 $0x2, s1;
	s10 =	smov.u32 s0;
	s0 =	sadd.s32 $0x400, s0  }
0x44: {  	[tilespmem:s8], [sflag:$0x1] =	stream.indirect.gather @!p1 [hbm4b:s4+s7], $0x80, s24, s7, $0xb8;
	[tilespmem:$0x1E080] =	vst v63  }
0x45: {  	s7 =	sshra.s32 s10, $0x2;
	s8 =	sadd.s32 $0xFFFFFFFF, s1;
	_ =	swait.ge [sflag:s19], $0x4000  }
0x46: {  	s22 =	sadd.s32 $0x1500, s7;
	p1 =	sge.u32 s8, s6;
	[sflag:s19] =	ssyncset.done $0x0  }
0x47: {  	s8 =	simm.s32 @!p1 $0x4;
	s24 =	sshra.s32 @!p1 s10, $0x2;
	[sflag:s19] =	ssyncadd.s32 $0xFFFFC000  }
0x48: {  	[spmem:s2] =	stream.indirect.scatter.add.f32 [tilespmem:s18], [sflag:$0x3], $0x80, s22, s17, $0xb8;
	[tilespmem:$0x1E080] =	vst v63  }
0x49: {  	p2 =	sne.s32 s11, s0;
	s22 =	sadd.s32 @!p1 $0x180, s24;
	_ =	swait.ge @!p1 [sflag:s8], $0x4000  }
0x4a: {  	s9 =	simm.s32 @!p1 $0x6800;
	s24 =	simm.s32 @!p1 $0x80;
	[sflag:s8] =	ssyncset.done @!p1 $0x0  }
0x4b: {  	[sflag:s8] =	ssyncadd.s32 @!p1 $0xFFFFC000  }
0x4c: {  	[tilespmem:s9], [sflag:$0x2] =	stream.indirect.gather @!p1 [hbm4b:s4+s24], $0x80, s22, s24, $0xb8;
	[tilespmem:$0x1E080] =	vst v63  }
0x4d: {  	p1 =	sge.u32 s1, s6;
	_ =	swait.ge [sflag:s21], $0x4000  }
.Ltmp1:
0x4e: {  	s7 =	sadd.s32 $0x1580, s7;
	[sflag:s21] =	ssyncset.done $0x0;
	(pc) =	sbr.rel @p2 .LBB2_2-.Ltmp1, $4  }
0x4f: {  	s22 =	simm.s32 @!p1 $0x3;
	s8 =	sshra.s32 @!p1 s10, $0x2;
	[sflag:s21] =	ssyncadd.s32 $0xFFFFC000  }
0x50: {  	[spmem:s2] =	stream.indirect.scatter.add.f32 [tilespmem:s20], [sflag:$0x4], $0x80, s7, s17, $0xb8;
	[tilespmem:$0x1E080] =	vst v63  }
0x51: {  	s24 =	sadd.s32 @!p1 $0x200, s8;
	_ =	swait.ge @!p1 [sflag:s22], $0x4000  }
0x52: {  	s8 =	simm.s32 @!p1 $0x2800;
	s7 =	simm.s32 @!p1 $0x80;
	[sflag:s22] =	ssyncset.done @!p1 $0x0  }
.LBB2_3:
0x53: {  	[sflag:s22] =	ssyncadd.s32 @!p1 $0xFFFFC000  }
0x54: {  	[tilespmem:s8], [sflag:$0x1] =	stream.indirect.gather @!p1 [hbm4b:s4+s7], $0x80, s24, s7, $0xb8;
	[tilespmem:$0x1E080] =	vst v63  }
0x55: {  	s1 =	sadd.s32 $0x2, s1;
	_ =	swait.ge [sflag:s19], $0x4000  }
0x56: {  	s22 =	sshra.s32 s0, $0x2;
	s24 =	sadd.s32 $0xFFFFFFFF, s1;
	[sflag:s19] =	ssyncset.done $0x0  }
0x57: {  	s7 =	sadd.s32 $0x1500, s22;
	p1 =	slt.u32 s24, s6;
	[sflag:s19] =	ssyncadd.s32 $0xFFFFC000  }
0x58: {  	[spmem:s2] =	stream.indirect.scatter.add.f32 [tilespmem:s18], [sflag:$0x3], $0x80, s7, s17, $0xb8;
	[tilespmem:$0x1E080] =	vst v63  }
0x59: {  	s7 =	simm.s32 @p1 $0x4  }
0x5a: {  	_ =	swait.ge @p1 [sflag:s7], $0x4000  }
0x5b: {  	[sflag:s7] =	ssyncset.done @p1 $0x0  }
0x5c: {  	[sflag:s7] =	ssyncadd.s32 @p1 $0xFFFFC000;
	s7 =	sshra.s32 @p1 s0, $0x2  }
0x5d: {  	s8 =	simm.s32 @p1 $0x80;
	s9 =	simm.s32 @p1 $0x6800;
	s7 =	sadd.s32 @p1 $0x180, s7  }
0x5e: {  	[tilespmem:s9], [sflag:$0x2] =	stream.indirect.gather @p1 [hbm4b:s4+s8], $0x80, s7, s8, $0xb8;
	[tilespmem:$0x1E080] =	vst v63  }
0x5f: {  	s7 =	sadd.s32 @p1 $0x600, s0;
	s8 =	sadd.s32 @!p1 $0x600, s0  }
0x60: {  	s8 =	smov.u32 @p1 s7;
	_ =	swait.ge [sflag:s21], $0x4000  }
0x61: {  	p1 =	sge.u32 s1, s6;
	[sflag:s21] =	ssyncset.done $0x0;
	s7 =	sshra.s32 s8, $0x2  }
0x62: {  	s1 =	simm.s32 @!p1 $0x3;
	[sflag:s21] =	ssyncadd.s32 $0xFFFFC000;
	s7 =	sadd.s32 $0x1400, s7  }
0x63: {  	[spmem:s2] =	stream.indirect.scatter.add.f32 [tilespmem:s20], [sflag:$0x4], $0x80, s7, s17, $0xb8;
	[tilespmem:$0x1E080] =	vst v63  }
0x64: {  	s0 =	sshra.s32 @!p1 s0, $0x2;
	_ =	swait.ge @!p1 [sflag:s1], $0x4000  }
0x65: {  	s0 =	sadd.s32 @!p1 $0x200, s0;
	[sflag:s1] =	ssyncset.done @!p1 $0x0  }
0x66: {  	s7 =	simm.s32 @!p1 $0x2800;
	[sflag:s1] =	ssyncadd.s32 @!p1 $0xFFFFC000;
	s1 =	simm.s32 @!p1 $0x80  }
0x67: {  	[tilespmem:s7], [sflag:$0x1] =	stream.indirect.gather @!p1 [hbm4b:s4+s1], $0x80, s0, s1, $0xb8;
	[tilespmem:$0x1E080] =	vst v63  }
0x68: {  	_ =	swait.ge [sflag:s23], $0x4000  }
0x69: {  	[sflag:s23] =	ssyncset.done $0x0  }
0x6a: {  	[sflag:s23] =	ssyncadd.s32 $0xFFFFC000  }
0x6b: {  	_ =	swait.ge [sflag:s26], $0x4000  }
0x6c: {  	[sflag:s26] =	ssyncset.done $0x0  }
0x6d: {  	[sflag:s26] =	ssyncadd.s32 $0xFFFFC000  }
0x6e: {  	s0 =	sadd.s32 @p0 $0x24900, s16;
	[bflag:$0x0] =	sbarrier.arrive $0xFFFF  }
0x6f: {  	[hbm:s0], [sflag:s31] =	dma.local @p0 [spmem:s12], $0x2800  }
0x70: {  	_ =	swait.ge @p0 [sflag:s30], $0x2800  }
0x71: {  	[sflag:s30] =	ssyncset.done @p0 $0x0  }
0x72: {  	[sflag:s30] =	ssyncadd.s32 @p0 $0xFFFFD800  }
0x73: {  	[hbm:s25], [sflag:s13] =	dma.local @!p0 [spmem:s14], $0x2700  }
0x74: {  	_ =	swait.ge @!p0 [sflag:s29], $0x2700  }
0x75: {  	s28 =	sadd.s32 $0x1, s28;
	s31 =	rddreg [dreg:$0x5]  }
0x76: {  	p1 =	sne.s32 s28, s31  }
.Ltmp2:
0x77: {  	_ = 	snop;
	(pc) =	sbr.rel @p1 .LBB2_1-.Ltmp2, $3  }
0x78: {  	_ =	sdelay $0x1  }
0x79: {  	[sflag:s29] =	ssyncset.done @!p0 $0x0  }
0x7a: {  	[sflag:s29] =	ssyncadd.s32 @!p0 $0xFFFFD900  }
0x7b: {  	_ =	sfence.sel $0x180000  }
0x7c: {  	[bflag:$0x0] =	sbarrier.arrive $0xFFFF  }
0x7d: {  	_ =	strace $0x90000050  }
0x7e: {  	s0 =	stileid.u32;
	[bflag:$0x2] =	sbarrier.arrive $0xFFFF  }
0x7f: {  	p0 =	sne.s32 s0, $0x0;
	s0 =	rddreg [dreg:$0x2]  }
0x80: {  	s0 =	sadd.s32 @!p0 $0x100000, s0  }
0x81: {  	[sflag:s0] =	ssyncadd.tile.s32 @!p0 $0x1;
	_ =	shalt  }
.Lfunc_end2:
_tile_overlayer_lowered:
.L_overlay_start_2:
0x82: {  	(tag) =	ssettag $0x2  }
0x83: {  	s0 =	rddreg [dreg:$0x0];
	s2 =	stileid.u32  }
0x84: {  	s1 =	rddreg [dreg:$0x1];
	p0 =	sne.s32 s2, $0x0  }
0x85: {  	s3 =	rddreg [dreg:$0x2];
	[bflag:$0x3] =	sbarrier.arrive $0xFFFF;
	s2 =	simm.s32 @!p0 $0x1C05  }
0x86: {  	[timem:s3], [sflag:s2] =	dma.local @!p0 [hbm:s0], s1  }
0x87: {  	s0 =	simm.s32 @!p0 $0x5  }
0x88: {  	_ =	swait.ge @!p0 [sflag:s0], s1  }
0x89: {  	s1 =	ssub.s32 @!p0 $0x0, s1;
	[sflag:s0] =	ssyncset.done @!p0 $0x0  }
0x8a: {  	[sflag:s0] =	ssyncadd.s32 @!p0 s1  }
0x8b: {  	[bflag:$0x3] =	sbarrier.arrive $0xFFFF  }
0x8c: {  	_ =	shalt  }

// kernel: kernel.23.cloned.1.call-start
scs
__scs_entry_jumppad:
0x0: {  	(pc) =	sbr.rel $0x88, $3  }
0x1: {  	(tag) =	ssettag $0x0;
	lr =	simm.s32 $0x1  }
0x2: {  	[smem:$0x3F80] =	sst lr;
	_ =	strace $0xD0000000  }
0x3: {  	_ = 	snop  }
0x4: {  	_ = 	snop  }
0x5: {  	_ = 	snop  }
0x6: {  	_ = 	snop  }
0x7: {  	_ = 	snop  }
__scs_overlays_trampoline_lowered:
0x8: {  	[smem:$0x3F8F] =	sst s0  }
0x9: {  	[smem:$0x3F90] =	sst s1  }
0xa: {  	[smem:$0x3F91] =	sst s2  }
0xb: {  	[smem:$0x3F92] =	sst s3  }
0xc: {  	[smem:$0x3F93] =	sst s4  }
0xd: {  	[smem:$0x3F94] =	sst s5  }
0xe: {  	[smem:$0x3F95] =	sst s6  }
0xf: {  	[smem:$0x3F96] =	sst s7  }
0x10: {  	[smem:$0x3F97] =	sst s8  }
0x11: {  	[smem:$0x3F98] =	sst s9;
	s0 =	simm.s32 @!p0 $0x0  }
0x12: {  	s1 =	sld [smem:$0x3F7E];
	s0 =	simm.s32 @p0 $0x1  }
0x13: {  	[smem:$0x3F99] =	sst s0;
	s0 =	simm.s32 @!p1 $0x0  }
0x14: {  	s2 =	sld [smem:$0x3F7D];
	s0 =	simm.s32 @p1 $0x1  }
0x15: {  	[smem:$0x3F9A] =	sst s0;
	s0 =	simm.s32 @!p2 $0x0  }
0x16: {  	s3 =	sld [smem:$0x3FDB];
	s0 =	simm.s32 @p2 $0x1  }
0x17: {  	s4 =	simm.s32 $0x1BF5;
	[smem:$0x3F9C] =	sst s0  }
0x18: {  	s0 =	sld [smem:$0x3F7F];
	_ =	swait.ge [sflag:s4], $0x0  }
0x19: {  	s7 =	sld [smem:$0x3F80]  }
0x1a: {  	s8 =	sadd.s32 $0xFFFFE003, lr  }
0x1b: {  	s9 =	sadd.s32 $0xFFFFFEF7, lr;
	s5 =	simm.s32 $0xFFFFFFFF;
	p2 =	slt.u32 s8, $0xFFFFF086  }
0x1c: {  	p1 =	slt.u32 s9, $0xF7A;
	s5 =	simm.s32 @!p2 $0x0  }
0x1d: {  	s5 =	simm.s32 @p1 $0x1;
	p0 =	seq.s32 s7, s2  }
0x1e: {  	s7 =	smul.u32 @!p0 $0xF7A, s2;
	p2 =	seq.s32 @!p0 s5, $0x0  }
0x1f: {  	s9 =	smul.u32 $0xF7A, s1;
	s8 =	simm.s32 @!p0 $0x1BF5;
	p2 =	por !p2, p0  }
0x20: {  	[sflag:s8] =	ssyncset.s32 @!p0 $0xFFFFF086;
	s6 =	sadd.s32 @!p0 s3, s7;
	s7 =	simm.s32 @!p0 $0x108  }
0x21: {  	s3 =	sadd.s32 s3, s9;
	s6 =	sadd.s32 @!p0 $0x88, s6;
	s7 =	simm.s32 @p2 $0x1082  }
0x22: {  	[simem:s7], [sflag:s8] =	dma.local @!p0 [hbm:s6], $0xF7A  }
0x23: {  	s9 =	sor.u32 $0xD0000000, s2;
	s6 =	simm.s32 $0x108;
	_ =	swait.ge @!p0 [sflag:s8], $0x0  }
0x24: {  	s3 =	sadd.s32 $0x88, s3;
	s6 =	simm.s32 @!p1 $0x1082;
	[sflag:s4] =	ssyncset.s32 $0xFFFFF086  }
0x25: {  	[simem:s6], [sflag:s4] =	dma.local [hbm:s3], $0xF7A  }
0x26: {  	[smem:$0x3F80] =	sst s1;
	(tag) =	ssettag s2;
	_ =	strace s9  }
0x27: {  	s1 =	sld [smem:$0x3F90]  }
0x28: {  	s2 =	sld [smem:$0x3F91]  }
0x29: {  	s4 =	sld [smem:$0x3F93]  }
0x2a: {  	p0 =	seq.s32 s5, $0x0;
	s5 =	sld [smem:$0x3F94]  }
0x2b: {  	s6 =	sld [smem:$0x3F95]  }
0x2c: {  	s7 =	sld [smem:$0x3F96]  }
0x2d: {  	s3 =	simm.s32 $0x108;
	s8 =	sld [smem:$0x3F97]  }
0x2e: {  	s3 =	simm.s32 @!p0 $0x1082;
	s9 =	sld [smem:$0x3F98]  }
0x2f: {  	lr =	sadd.s32 s0, s3;
	s0 =	sld [smem:$0x3F8F]  }
0x30: {  	s3 =	sld [smem:$0x3F92]  }
0x31: {  	[smem:$0x3F9B] =	sst s10  }
0x32: {  	s10 =	sld [smem:$0x3F99];
	_ =	sdelay $0x3  }
0x33: {  	p0 =	seq.s32 s10, $0x1;
	s10 =	sld [smem:$0x3F9B];
	_ =	sdelay $0x3  }
0x34: {  	[smem:$0x3F9B] =	sst s10  }
0x35: {  	s10 =	sld [smem:$0x3F9A];
	_ =	sdelay $0x3  }
0x36: {  	p1 =	seq.s32 s10, $0x1;
	s10 =	sld [smem:$0x3F9B];
	_ =	sdelay $0x3  }
0x37: {  	[smem:$0x3F9B] =	sst s10  }
0x38: {  	s10 =	sld [smem:$0x3F9C]  }
0x39: {  	_ = 	snop;
	(pc) =	sbr.ind lr, $3  }
0x3a: {  	_ = 	snop  }
0x3b: {  	_ = 	snop  }
0x3c: {  	p2 =	seq.s32 s10, $0x1;
	s10 =	sld [smem:$0x3F9B]  }
0x3d: {  	_ =	shalt  }
0x3e: {  	_ =	shalt  }
0x3f: {  	_ =	shalt  }
0x40: {  	_ =	shalt  }
0x41: {  	_ =	shalt  }
0x42: {  	_ =	shalt  }
0x43: {  	_ =	shalt  }
0x44: {  	_ =	shalt  }
0x45: {  	_ =	shalt  }
0x46: {  	_ =	shalt  }
0x47: {  	_ =	shalt  }
0x48: {  	_ =	shalt  }
0x49: {  	_ =	shalt  }
0x4a: {  	_ =	shalt  }
0x4b: {  	_ =	shalt  }
0x4c: {  	_ =	shalt  }
0x4d: {  	_ =	shalt  }
0x4e: {  	_ =	shalt  }
0x4f: {  	_ =	shalt  }
0x50: {  	_ =	shalt  }
0x51: {  	_ =	shalt  }
0x52: {  	_ =	shalt  }
0x53: {  	_ =	shalt  }
0x54: {  	_ =	shalt  }
0x55: {  	_ =	shalt  }
0x56: {  	_ =	shalt  }
0x57: {  	_ =	shalt  }
0x58: {  	_ =	shalt  }
0x59: {  	_ =	shalt  }
0x5a: {  	_ =	shalt  }
0x5b: {  	_ =	shalt  }
0x5c: {  	_ =	shalt  }
0x5d: {  	_ =	shalt  }
0x5e: {  	_ =	shalt  }
0x5f: {  	_ =	shalt  }
0x60: {  	_ =	shalt  }
0x61: {  	_ =	shalt  }
0x62: {  	_ =	shalt  }
0x63: {  	_ =	shalt  }
0x64: {  	_ =	shalt  }
0x65: {  	_ =	shalt  }
0x66: {  	_ =	shalt  }
0x67: {  	_ =	shalt  }
0x68: {  	_ =	shalt  }
0x69: {  	_ =	shalt  }
0x6a: {  	_ =	shalt  }
0x6b: {  	_ =	shalt  }
0x6c: {  	_ =	shalt  }
0x6d: {  	_ =	shalt  }
0x6e: {  	_ =	shalt  }
0x6f: {  	_ =	shalt  }
0x70: {  	_ =	shalt  }
0x71: {  	_ =	shalt  }
0x72: {  	_ =	shalt  }
0x73: {  	_ =	shalt  }
0x74: {  	_ =	shalt  }
0x75: {  	_ =	shalt  }
0x76: {  	_ =	shalt  }
0x77: {  	_ =	shalt  }
0x78: {  	_ =	shalt  }
0x79: {  	_ =	shalt  }
0x7a: {  	_ =	shalt  }
0x7b: {  	_ =	shalt  }
0x7c: {  	_ =	shalt  }
0x7d: {  	_ =	shalt  }
0x7e: {  	_ =	shalt  }
0x7f: {  	_ =	shalt  }
0x80: {  	_ =	shalt  }
0x81: {  	_ =	shalt  }
0x82: {  	_ =	shalt  }
0x83: {  	_ =	shalt  }
0x84: {  	_ =	shalt  }
0x85: {  	_ =	shalt  }
0x86: {  	_ =	shalt  }
0x87: {  	_ =	shalt  }
.Lfunc_end0:
.L_simem_size_0:
called_computation.3_lowered:
.L_overlay_start_0:
0x88: {  	s2 =	sld [smem:$0x3FD9]  }
0x89: {  	s3 =	sld [smem:$0x3FFE];
	_ =	sdelay $0x1  }
0x8a: {  	s1 =	srdreg.scid  }
0x8b: {  	s0 =	sand.u32 $0x1, s1  }
0x8c: {  	s17 =	sshll.u32 s0, $0xA;
	s2 =	sadd.s32 s3, s2  }
0x8d: {  	s2 =	sadd.s32 s2, s17  }
0x8e: {  	[smem:$0x3FA7] =	sst s2  }
0x8f: {  	_ = 	snop  }
0x90: {  	(tm) =	ssettm $0x1  }
0x91: {  	s18 =	sld [smem:$0x3FFB];
	_ =	sdelay $0x3  }
0x92: {  	_ =	strace s18  }
0x93: {  	s2 =	sld [smem:$0x3FFC];
	_ =	sdelay $0x3  }
0x94: {  	_ =	strace s2  }
0x95: {  	s2 =	sld [smem:$0x3FFD];
	_ =	sdelay $0x3  }
0x96: {  	_ =	strace s2  }
0x97: {  	_ =	strace $0x8FFFFFFF  }
0x98: {  	s19 =	sld [smem:$0x3FDB];
	_ =	sdelay $0x1  }
0x99: {  	s20 =	simm.s32 $_scs_section_size  }
0x9a: {  	s4 =	simm.s32 $_size__tile_overlayer_lowered;
	s5 =	simm.s32 $_tile_overlayer_lowered  }
0x9b: {  	s6 =	simm.s32 $0x1BFF;
	s21 =	sshll.u32 s5, $0x1;
	s3 =	sadd.s32 s20, s19  }
0x9c: {  	s22 =	simm.s32 $0x0;
	s4 =	sshll.u32 s4, $0x1;
	s5 =	sadd.s32 s21, s3  }
0x9d: {  	[timem:s22], [sflag:s6] =	dma.local [hbm:s5], s4  }
0x9e: {  	_ =	swait.ge [sflag:s6], s4  }
0x9f: {  	s4 =	ssub.s32 $0x0, s4;
	[sflag:s6] =	ssyncset.done $0x0  }
0xa0: {  	[sflag:s6] =	ssyncadd.s32 s4;
	_ =	sdelay $0x1  }
0xa1: {  	s23 =	simm.s32 $0x1B8B  }
0xa2: {  	_ =	swait.ge [sflag:s23], $0x1  }
0xa3: {  	[sflag:s23] =	ssyncset.done $0x0  }
0xa4: {  	[sflag:s23] =	ssyncadd.s32 $0xFFFFFFFF  }
0xa5: {  	s4 =	sld [smem:$0x0]  }
0xa6: {  	s5 =	sand.u32 $0xFFFFFFFE, s1  }
0xa7: {  	p0 =	sne.s32 s1, s5  }
0xa8: {  	s5 =	sshll.u32 @p0 s5, $0xE  }
0xa9: {  	s5 =	sadd.s32 @p0 $0x11B8D, s5;
	s6 =	sshll.u32 @p0 s4, $0x11  }
0xaa: {  	s5 =	sor.u32 @p0 s6, s5  }
0xab: {  	[sflag:s5] =	ssyncadd.remote.s32 @p0 $0x1;
	_ =	sdelay $0x1  }
0xac: {  	s5 =	simm.s32 @p0 $0x1B8D  }
0xad: {  	_ =	swait.eq @p0 [sflag:s5], $0x1  }
0xae: {  	[sflag:s5] =	ssyncadd.s32 @p0 $0xFFFFFFFF  }
0xaf: {  	s6 =	sshll.u32 @!p0 s1, $0xE  }
0xb0: {  	s6 =	sor.u32 @!p0 $0x4000, s6;
	s5 =	simm.s32 @!p0 $0x1B8D  }
0xb1: {  	s4 =	sshll.u32 @!p0 s4, $0x11;
	s6 =	sadd.s32 @!p0 $0x11B8D, s6;
	_ =	swait.eq @!p0 [sflag:s5], $0x1  }
0xb2: {  	s4 =	sor.u32 @!p0 s4, s6;
	[sflag:s5] =	ssyncadd.s32 @!p0 $0xFFFFFFFF  }
0xb3: {  	s25 =	simm.s32 $0x1B8E;
	s24 =	sld [smem:$0x3FFE];
	[sflag:s4] =	ssyncadd.remote.s32 @!p0 $0x1  }
0xb4: {  	s26 =	simm.s32 $execute0_lowered;
	[smem:$0x3FD2] =	sst s25  }
0xb5: {  	s5 =	sshll.u32 s26, $0x1;
	_ =	strace $0x8000004C;
	[dreg:$0x1] =	wrdreg $0xFFFFFFFF  }
0xb6: {  	s28 =	simm.s32 $_size_execute0_lowered;
	s3 =	sadd.s32 s3, s5;
	[dreg:$0x0] =	wrdreg $0x0  }
0xb7: {  	s5 =	sshll.u32 s28, $0x1;
	[dreg:$0x2] =	wrdreg s3  }
0xb8: {  	[dreg:$0x3] =	wrdreg s5  }
0xb9: {  	[dreg:$0x4] =	wrdreg $0xC0  }
0xba: {  	_ =	task [dreg:s22], $0x5FFFF  }
0xbb: {  	[dreg:$0x1] =	wrdreg $0xFFFFFFFF  }
0xbc: {  	[dreg:$0x0] =	wrdreg $0x60  }
0xbd: {  	[dreg:$0x2] =	wrdreg s24  }
0xbe: {  	[dreg:$0x3] =	wrdreg $0x9  }
0xbf: {  	_ =	task.clear_ibuf [dreg:s22], $0x4FFFF;
	_ =	strace $0x9000004C  }
0xc0: {  	s29 =	simm.s32 $0x9;
	_ =	strace $0x8000004E  }
0xc1: {  	_ =	swait.ge [sflag:s29], $0x1  }
0xc2: {  	[sflag:s29] =	ssyncadd.s32 $0xFFFFFFFF  }
0xc3: {  	_ =	strace $0x9000004E  }
0xc4: {  	_ =	sfence  }
0xc5: {  	s30 =	sld [smem:$0x0];
	_ =	sdelay $0x2  }
0xc6: {  	s31 =	sshll.u32 s1, $0xD;
	s1 =	sshrl.u32 s1, $0x2  }
0xc7: {  	s4 =	sand.u32 $0x4000, s31;
	s1 =	sadd.s32 s1, s30  }
0xc8: {  	s0 =	sor.u32 s4, s0;
	s1 =	sshll.u32 s1, $0x11  }
0xc9: {  	s0 =	sor.u32 s1, s0  }
0xca: {  	s0 =	sadd.s32 $0x8F2B, s0  }
0xcb: {  	[sflag:s0] =	ssyncadd.remote.s32 $0x1  }
0xcc: {  	_ =	sfence.sel $0xFFFF  }
0xcd: {  	[dreg:$0x0] =	wrdreg $0xFFFFFFFF;
	(pc) =	sbr.abs _section_cstart, $3  }
0xce: {  	[dreg:$0x1] =	wrdreg $0xFFFFFFFF  }
0xcf: {  	_ =	task.clear_ibuf [dreg:s22], $0x2FFFF;
	_ =	strace $0x9FFFFFFF  }
0xd0: {  	(tm) =	ssettm $0x7FFFFFFF  }
0xd1: {  	_ =	shalt  }
tec
execute0_lowered:
.L_overlay_start_1:
0x0: {  	(tag) =	ssettag $0x1  }
0x1: {  	s0 =	srdreg.scid  }
0x2: {  	s2 =	stileid.u32;
	s15 =	rddreg [dreg:$0x0];
	s17 =	simm.s32 $0x1  }
0x3: {  	s21 =	simm.s32 $0x7E00;
	s22 =	simm.s32 $0x8000;
	s23 =	simm.s32 $0x8200  }
0x4: {  	s24 =	simm.s32 $0x8400;
	s25 =	simm.s32 $0x8600;
	s26 =	simm.s32 $0x8800  }
0x5: {  	s28 =	simm.s32 $0x8A00;
	s29 =	simm.s32 $0x0;
	s0 =	sand.u32 $0x1, s0  }
0x6: {  	s6 =	sadd.s32 $0x11780, s15;
	s7 =	sadd.s32 $0xC780, s15;
	s12 =	sadd.s32 $0x98D80, s15  }
0x7: {  	s13 =	sadd.s32 $0x9DBA0, s15;
	s14 =	sadd.s32 $0xA29C0, s15;
	s1 =	sshll.u32 s0, $0x4  }
0x8: {  	s0 =	ssub.s32 $0x2, s0;
	s1 =	sor.u32 s2, s1;
	s2 =	simm.s32 $0x0  }
0x9: {  	s31 =	sshrl.u32 s0, $0x1;
	s3 =	smul.u32 $0x1400, s1;
	[smem:$0x7FF] =	sst s2  }
.Ltmp0:
0xa: {  	s0 =	ssub.s32 s0, s31;
	p0 =	seq.s32 s1, $0x1F;
	(pc) =	sbr.rel .LBB2_1-.Ltmp0, $4  }
0xb: {  	_ =	strace $0x8000004D;
	s16 =	smax.u32 s0, $0x1;
	s4 =	sshrl.u32 s3, $0x3  }
0xc: {  	s3 =	sadd.s32 $0x93600, s15;
	s11 =	sadd.s32 s4, s15;
	s15 =	sadd.s32 $0xA77E0, s15  }
0xd: {  	s4 =	sadd.s32 $0xCA00, s11;
	s5 =	sadd.s32 $0x7A00, s11;
	s8 =	sadd.s32 $0x94000, s11  }
0xe: {  	s9 =	sadd.s32 $0x98E20, s11;
	s10 =	sadd.s32 $0x9DC40, s11;
	s11 =	sadd.s32 $0xA2A60, s11  }
.LBB2_16:
0xf: {  	[hbm4b:s12+s2] =	stream.linear.scatter [tilespmem:s0], [sflag:$0x1], $0x80, $0x38;
	[tilespmem:$0xC680] =	vst v63  }
0x10: {  	s20 =	sadd.s32 $0x10, s12;
	s1 =	simm.s32 $0x7880  }
0x11: {  	[hbm4b:s20+s2] =	stream.linear.scatter [tilespmem:s1], [sflag:$0x1], $0x80, $0x38;
	[tilespmem:$0xC680] =	vst v63  }
0x12: {  	s30 =	sadd.s32 $0x20, s12;
	s31 =	simm.s32 $0x7A80  }
0x13: {  	[hbm4b:s30+s2] =	stream.linear.scatter [tilespmem:s31], [sflag:$0x1], $0x80, $0x38;
	[tilespmem:$0xC680] =	vst v63  }
0x14: {  	s18 =	simm.s32 $0x7C80;
	s1 =	sadd.s32 $0x30, s12  }
0x15: {  	[hbm4b:s1+s2] =	stream.linear.scatter [tilespmem:s18], [sflag:$0x1], $0x80, $0x38;
	[tilespmem:$0xC680] =	vst v63  }
0x16: {  	s19 =	sadd.s32 $0x40, s12;
	s20 =	simm.s32 $0x7E80  }
0x17: {  	[hbm4b:s19+s2] =	stream.linear.scatter [tilespmem:s20], [sflag:$0x1], $0x80, $0x38;
	[tilespmem:$0xC680] =	vst v63  }
0x18: {  	s30 =	sadd.s32 $0x50, s12;
	s31 =	simm.s32 $0x8080  }
0x19: {  	[hbm4b:s30+s2] =	stream.linear.scatter [tilespmem:s31], [sflag:$0x1], $0x80, $0x38;
	[tilespmem:$0xC680] =	vst v63  }
0x1a: {  	s1 =	sadd.s32 $0x60, s12;
	s18 =	simm.s32 $0x8280  }
0x1b: {  	[hbm4b:s1+s2] =	stream.linear.scatter [tilespmem:s18], [sflag:$0x1], $0x80, $0x38;
	[tilespmem:$0xC680] =	vst v63  }
0x1c: {  	s19 =	sadd.s32 $0x70, s12;
	s20 =	simm.s32 $0x8480  }
0x1d: {  	[hbm4b:s19+s2] =	stream.linear.scatter [tilespmem:s20], [sflag:$0x1], $0x80, $0x38;
	[tilespmem:$0xC680] =	vst v63  }
0x1e: {  	s30 =	sadd.s32 $0x80, s12;
	s31 =	simm.s32 $0x8680  }
0x1f: {  	[hbm4b:s30+s2] =	stream.linear.scatter [tilespmem:s31], [sflag:$0x1], $0x80, $0x38;
	[tilespmem:$0xC680] =	vst v63  }
0x20: {  	s18 =	sadd.s32 $0x90, s12;
	s19 =	simm.s32 $0x8880  }
0x21: {  	[hbm4b:s18+s2] =	stream.linear.scatter [tilespmem:s19], [sflag:$0x1], $0x80, $0x38;
	[tilespmem:$0xC680] =	vst v63  }
0x22: {  	_ =	swait.ge [sflag:s17], $0x500  }
0x23: {  	[sflag:s17] =	ssyncset.done $0x0  }
0x24: {  	s20 =	simm.s32 $0x7700;
	[sflag:s17] =	ssyncadd.s32 $0xFFFFFB00  }
0x25: {  	[hbm4b:s13+s2] =	stream.linear.scatter [tilespmem:s20], [sflag:$0x1], $0x80, $0x38;
	[tilespmem:$0xC680] =	vst v63  }
0x26: {  	s30 =	sadd.s32 $0x10, s13;
	s31 =	simm.s32 $0x7900  }
0x27: {  	[hbm4b:s30+s2] =	stream.linear.scatter [tilespmem:s31], [sflag:$0x1], $0x80, $0x38;
	[tilespmem:$0xC680] =	vst v63  }
0x28: {  	s1 =	sadd.s32 $0x20, s13;
	s18 =	simm.s32 $0x7B00  }
0x29: {  	[hbm4b:s1+s2] =	stream.linear.scatter [tilespmem:s18], [sflag:$0x1], $0x80, $0x38;
	[tilespmem:$0xC680] =	vst v63  }
0x2a: {  	s19 =	sadd.s32 $0x30, s13;
	s20 =	simm.s32 $0x7D00  }
0x2b: {  	[hbm4b:s19+s2] =	stream.linear.scatter [tilespmem:s20], [sflag:$0x1], $0x80, $0x38;
	[tilespmem:$0xC680] =	vst v63  }
0x2c: {  	s30 =	sadd.s32 $0x40, s13;
	s31 =	simm.s32 $0x7F00  }
0x2d: {  	[hbm4b:s30+s2] =	stream.linear.scatter [tilespmem:s31], [sflag:$0x1], $0x80, $0x38;
	[tilespmem:$0xC680] =	vst v63  }
0x2e: {  	s1 =	sadd.s32 $0x50, s13;
	s18 =	simm.s32 $0x8100  }
0x2f: {  	[hbm4b:s1+s2] =	stream.linear.scatter [tilespmem:s18], [sflag:$0x1], $0x80, $0x38;
	[tilespmem:$0xC680] =	vst v63  }
0x30: {  	s19 =	sadd.s32 $0x60, s13;
	s20 =	simm.s32 $0x8300  }
0x31: {  	[hbm4b:s19+s2] =	stream.linear.scatter [tilespmem:s20], [sflag:$0x1], $0x80, $0x38;
	[tilespmem:$0xC680] =	vst v63  }
0x32: {  	s30 =	sadd.s32 $0x70, s13;
	s31 =	simm.s32 $0x8500  }
0x33: {  	[hbm4b:s30+s2] =	stream.linear.scatter [tilespmem:s31], [sflag:$0x1], $0x80, $0x38;
	[tilespmem:$0xC680] =	vst v63  }
0x34: {  	s18 =	sadd.s32 $0x80, s13;
	s19 =	simm.s32 $0x8700  }
0x35: {  	[hbm4b:s18+s2] =	stream.linear.scatter [tilespmem:s19], [sflag:$0x1], $0x80, $0x38;
	[tilespmem:$0xC680] =	vst v63  }
0x36: {  	s20 =	sadd.s32 $0x90, s13;
	s30 =	simm.s32 $0x8900  }
0x37: {  	[hbm4b:s20+s2] =	stream.linear.scatter [tilespmem:s30], [sflag:$0x1], $0x80, $0x38;
	[tilespmem:$0xC680] =	vst v63  }
0x38: {  	_ =	swait.ge [sflag:s17], $0x500  }
0x39: {  	[sflag:s17] =	ssyncset.done $0x0  }
0x3a: {  	s31 =	simm.s32 $0x7780;
	[sflag:s17] =	ssyncadd.s32 $0xFFFFFB00  }
0x3b: {  	[hbm4b:s14+s2] =	stream.linear.scatter [tilespmem:s31], [sflag:$0x1], $0x80, $0x38;
	[tilespmem:$0xC680] =	vst v63  }
0x3c: {  	s1 =	sadd.s32 $0x10, s14;
	s18 =	simm.s32 $0x7980  }
0x3d: {  	[hbm4b:s1+s2] =	stream.linear.scatter [tilespmem:s18], [sflag:$0x1], $0x80, $0x38;
	[tilespmem:$0xC680] =	vst v63  }
0x3e: {  	s19 =	sadd.s32 $0x20, s14;
	s20 =	simm.s32 $0x7B80  }
0x3f: {  	[hbm4b:s19+s2] =	stream.linear.scatter [tilespmem:s20], [sflag:$0x1], $0x80, $0x38;
	[tilespmem:$0xC680] =	vst v63  }
0x40: {  	s30 =	sadd.s32 $0x30, s14;
	s31 =	simm.s32 $0x7D80  }
0x41: {  	[hbm4b:s30+s2] =	stream.linear.scatter [tilespmem:s31], [sflag:$0x1], $0x80, $0x38;
	[tilespmem:$0xC680] =	vst v63  }
0x42: {  	s1 =	sadd.s32 $0x40, s14;
	s18 =	simm.s32 $0x7F80  }
0x43: {  	[hbm4b:s1+s2] =	stream.linear.scatter [tilespmem:s18], [sflag:$0x1], $0x80, $0x38;
	[tilespmem:$0xC680] =	vst v63  }
0x44: {  	s19 =	sadd.s32 $0x50, s14;
	s20 =	simm.s32 $0x8180  }
0x45: {  	[hbm4b:s19+s2] =	stream.linear.scatter [tilespmem:s20], [sflag:$0x1], $0x80, $0x38;
	[tilespmem:$0xC680] =	vst v63  }
0x46: {  	s30 =	sadd.s32 $0x60, s14;
	s31 =	simm.s32 $0x8380  }
0x47: {  	[hbm4b:s30+s2] =	stream.linear.scatter [tilespmem:s31], [sflag:$0x1], $0x80, $0x38;
	[tilespmem:$0xC680] =	vst v63  }
0x48: {  	s1 =	sadd.s32 $0x70, s14;
	s18 =	simm.s32 $0x8580  }
0x49: {  	[hbm4b:s1+s2] =	stream.linear.scatter [tilespmem:s18], [sflag:$0x1], $0x80, $0x38;
	[tilespmem:$0xC680] =	vst v63  }
0x4a: {  	s19 =	sadd.s32 $0x80, s14;
	s20 =	simm.s32 $0x8780  }
0x4b: {  	[hbm4b:s19+s2] =	stream.linear.scatter [tilespmem:s20], [sflag:$0x1], $0x80, $0x38;
	[tilespmem:$0xC680] =	vst v63  }
0x4c: {  	s30 =	sadd.s32 $0x90, s14;
	s31 =	simm.s32 $0x8980  }
0x4d: {  	[hbm4b:s30+s2] =	stream.linear.scatter [tilespmem:s31], [sflag:$0x1], $0x80, $0x38;
	[tilespmem:$0xC680] =	vst v63  }
0x4e: {  	_ =	swait.ge [sflag:s17], $0x500  }
0x4f: {  	[sflag:s17] =	ssyncset.done $0x0  }
0x50: {  	s1 =	simm.s32 $0x7800;
	[sflag:s17] =	ssyncadd.s32 $0xFFFFFB00  }
0x51: {  	[hbm4b:s15+s2] =	stream.linear.scatter [tilespmem:s1], [sflag:$0x1], $0x80, $0x38;
	[tilespmem:$0xC680] =	vst v63  }
0x52: {  	s18 =	sadd.s32 $0x10, s15;
	s19 =	simm.s32 $0x7A00  }
0x53: {  	[hbm4b:s18+s2] =	stream.linear.scatter [tilespmem:s19], [sflag:$0x1], $0x80, $0x38;
	[tilespmem:$0xC680] =	vst v63  }
0x54: {  	s20 =	sadd.s32 $0x20, s15;
	s30 =	simm.s32 $0x7C00  }
0x55: {  	[hbm4b:s20+s2] =	stream.linear.scatter [tilespmem:s30], [sflag:$0x1], $0x80, $0x38;
	[tilespmem:$0xC680] =	vst v63  }
0x56: {  	s31 =	sadd.s32 $0x30, s15  }
0x57: {  	[hbm4b:s31+s2] =	stream.linear.scatter [tilespmem:s21], [sflag:$0x1], $0x80, $0x38;
	[tilespmem:$0xC680] =	vst v63  }
0x58: {  	s1 =	sadd.s32 $0x40, s15  }
0x59: {  	[hbm4b:s1+s2] =	stream.linear.scatter [tilespmem:s22], [sflag:$0x1], $0x80, $0x38;
	[tilespmem:$0xC680] =	vst v63  }
0x5a: {  	s18 =	sadd.s32 $0x50, s15  }
0x5b: {  	[hbm4b:s18+s2] =	stream.linear.scatter [tilespmem:s23], [sflag:$0x1], $0x80, $0x38;
	[tilespmem:$0xC680] =	vst v63  }
0x5c: {  	s19 =	sadd.s32 $0x60, s15  }
0x5d: {  	[hbm4b:s19+s2] =	stream.linear.scatter [tilespmem:s24], [sflag:$0x1], $0x80, $0x38;
	[tilespmem:$0xC680] =	vst v63  }
0x5e: {  	s20 =	sadd.s32 $0x70, s15  }
0x5f: {  	[hbm4b:s20+s2] =	stream.linear.scatter [tilespmem:s25], [sflag:$0x1], $0x80, $0x38;
	[tilespmem:$0xC680] =	vst v63  }
0x60: {  	s30 =	sadd.s32 $0x80, s15  }
0x61: {  	[hbm4b:s30+s2] =	stream.linear.scatter [tilespmem:s26], [sflag:$0x1], $0x80, $0x38;
	[tilespmem:$0xC680] =	vst v63  }
0x62: {  	s31 =	sadd.s32 $0x90, s15  }
0x63: {  	[hbm4b:s31+s2] =	stream.linear.scatter [tilespmem:s28], [sflag:$0x1], $0x80, $0x38;
	[tilespmem:$0xC680] =	vst v63  }
0x64: {  	_ =	swait.ge [sflag:s17], $0x500  }
0x65: {  	[sflag:s17] =	ssyncset.done $0x0  }
0x66: {  	[sflag:s17] =	ssyncadd.s32 $0xFFFFFB00  }
.LBB2_17:
0x67: {  	s29 =	sadd.s32 $0x1, s29  }
0x68: {  	p1 =	sne.s32 s29, s16  }
.Ltmp1:
0x69: {  	_ = 	snop;
	(pc) =	sbr.rel @!p1 .LBB2_18-.Ltmp1, $1  }
0x6a: {  	_ =	sdelay $0x3  }
.LBB2_1:
0x6b: {  	[tilespmem:s2], [sflag:$0x1] =	stream.linear.gather [hbm4b:s3+s2], $0x4E80, $0x38;
	[tilespmem:$0xC680] =	vst v63  }
0x6c: {  	_ =	swait.ge [sflag:s17], $0x4E80  }
0x6d: {  	[sflag:s17] =	ssyncset.done $0x0  }
0x6e: {  	s0 =	simm.s32 @p0 $0x0;
	s1 =	simm.s32 @p0 $0x4E80;
	[sflag:s17] =	ssyncadd.s32 $0xFFFFB180  }
0x6f: {  	[tilespmem:s1], [sflag:$0x1] =	stream.linear.gather @p0 [hbm4b:s6+s0], $0x500, $0x38;
	[tilespmem:$0xC680] =	vst v63  }
0x70: {  	s1 =	simm.s32 @p0 $0x1  }
0x71: {  	_ =	swait.ge @p0 [sflag:s1], $0x500  }
0x72: {  	[sflag:s1] =	ssyncset.done @p0 $0x0  }
0x73: {  	s18 =	simm.s32 @p0 $0x6280;
	[sflag:s1] =	ssyncadd.s32 @p0 $0xFFFFFB00  }
0x74: {  	[tilespmem:s18], [sflag:$0x1] =	stream.linear.gather @p0 [hbm4b:s7+s0], $0x500, $0x38;
	[tilespmem:$0xC680] =	vst v63  }
0x75: {  	_ =	swait.ge @p0 [sflag:s1], $0x500  }
0x76: {  	[sflag:s1] =	ssyncset.done @p0 $0x0  }
0x77: {  	s0 =	simm.s32 @!p0 $0x0;
	[sflag:s1] =	ssyncadd.s32 @p0 $0xFFFFFB00;
	s1 =	simm.s32 @!p0 $0x4E80  }
0x78: {  	[tilespmem:s1], [sflag:$0x1] =	stream.linear.gather @!p0 [hbm4b:s4+s0], $0x1400, $0x38;
	[tilespmem:$0xC680] =	vst v63  }
0x79: {  	s1 =	simm.s32 @!p0 $0x1  }
0x7a: {  	_ =	swait.ge @!p0 [sflag:s1], $0x1400  }
0x7b: {  	[sflag:s1] =	ssyncset.done @!p0 $0x0  }
0x7c: {  	s18 =	simm.s32 @!p0 $0x6280;
	[sflag:s1] =	ssyncadd.s32 @!p0 $0xFFFFEC00  }
0x7d: {  	[tilespmem:s18], [sflag:$0x1] =	stream.linear.gather @!p0 [hbm4b:s5+s0], $0x1400, $0x38;
	[tilespmem:$0xC680] =	vst v63  }
0x7e: {  	s0 =	simm.s32 @!p0 $0x140  }
0x7f: {  	s0 =	simm.s32 @p0 $0x50  }
0x80: {  	s30 =	sshll.u32 s0, $0x4  }
0x81: {  	p2 =	sne.s32 s30, $0x10  }
.Ltmp2:
0x82: {  	_ = 	snop;
	(pc) =	sbr.rel @!p2 .LBB2_6-.Ltmp2, $4  }
0x83: {  	_ = 	snop  }
0x84: {  	_ =	swait.ge @!p0 [sflag:s1], $0x1400  }
0x85: {  	s31 =	simm.s32 $0x10;
	p1 =	por $0x0, $0x0;
	[sflag:s1] =	ssyncset.done @!p0 $0x0  }
0x86: {  	s0 =	simm.s32 $0x0;
	[sflag:s1] =	ssyncadd.s32 @!p0 $0xFFFFEC00;
	s1 =	simm.s32 $0x0  }
0x87: {  	s0 =	simm.s32 $0x0  }
0x88: {  	v0 =	vld [tilespmem:s0+$0x4E80];
	_ =	sdelay $0x4  }
0x89: {  	v0 =	vshll.u32 v0, $0x1;
	_ =	sdelay $0x4  }
0x8a: {  	v1 =	vld.idx.msk [tilespmem:v0+s2+$0x0], $0xffff  }
0x8b: {  	v0 =	vor.u32 $0x1, v0  }
0x8c: {  	v2 =	vld [tilespmem:s0+$0x6280]  }
0x8d: {  	s20 =	sand.u32 $0x70, s2;
	s1 =	sand.u32 $0xFFFFFE00, s2  }
0x8e: {  	s18 =	sor.u32 s20, s1  }
0x8f: {  	[tilespmem:s18+$0x7680] =	vst v1  }
0x90: {  	v0 =	vld.idx.msk [tilespmem:v0+s2+$0x0], $0xffff  }
0x91: {  	v1 =	vshll.u32 v2, $0x1;
	_ =	sdelay $0x3  }
0x92: {  	[tilespmem:s18+$0x7700] =	vst v0  }
0x93: {  	v0 =	vld.idx.msk [tilespmem:v1+s2+$0x0], $0xffff  }
0x94: {  	v1 =	vor.u32 $0x1, v1;
	_ =	sdelay $0x3  }
0x95: {  	p2 =	sne.s32 s30, $0x20;
	[tilespmem:s18+$0x7780] =	vst v0  }
.Ltmp3:
0x96: {  	v0 =	vld.idx.msk [tilespmem:v1+s2+$0x0], $0xffff;
	(pc) =	sbr.rel @!p2 .LBB2_3-.Ltmp3, $2  }
0x97: {  	_ =	sdelay $0x2  }
0x98: {  	p1 =	por $0x1, $0x1;
	s0 =	simm.s32 $0x20;
	s1 =	simm.s32 $0x40  }
.LBB2_4:
0x99: {  	s19 =	sshra.s32 s1, $0x2;
	[tilespmem:s18+$0x7800] =	vst v0;
	s18 =	smov.u32 s0;
	s0 =	sadd.s32 $0x10, s0  }
0x9a: {  	p2 =	sne.s32 s30, s0;
	v0 =	vld [tilespmem:s19+$0x4E80];
	_ =	sdelay $0x4  }
0x9b: {  	v0 =	vshll.u32 v0, $0x1;
	_ =	sdelay $0x4  }
0x9c: {  	v1 =	vld.idx.msk [tilespmem:v0+s2+$0x0], $0xffff;
	_ =	sdelay $0x1  }
0x9d: {  	v0 =	vor.u32 $0x1, v0;
	_ =	sdelay $0x1  }
0x9e: {  	s20 =	sand.u32 $0x70, s31;
	s31 =	smov.u32 s18;
	v2 =	vld [tilespmem:s19+$0x6280];
	s19 =	sand.u32 $0xFFFFFE00, s1  }
0x9f: {  	s18 =	sor.u32 s20, s19  }
0xa0: {  	[tilespmem:s18+$0x7680] =	vst v1  }
0xa1: {  	v0 =	vld.idx.msk [tilespmem:v0+s2+$0x0], $0xffff;
	_ =	sdelay $0x1  }
0xa2: {  	v1 =	vshll.u32 v2, $0x1;
	_ =	sdelay $0x3  }
0xa3: {  	[tilespmem:s18+$0x7700] =	vst v0  }
0xa4: {  	v0 =	vld.idx.msk [tilespmem:v1+s2+$0x0], $0xffff;
	_ =	sdelay $0x1  }
0xa5: {  	v1 =	vor.u32 $0x1, v1;
	_ =	sdelay $0x3  }
0xa6: {  	[tilespmem:s18+$0x7780] =	vst v0  }
0xa7: {  	v0 =	vld.idx.msk [tilespmem:v1+s2+$0x0], $0xffff  }
.Ltmp4:
0xa8: {  	(pc) =	sbr.rel @p2 .LBB2_4-.Ltmp4, $2  }
0xa9: {  	_ =	sdelay $0x2  }
0xaa: {  	s1 =	sadd.s32 $0x40, s1  }
0xab: {  	s0 =	smov.u32 s31  }
.LBB2_6:
0xac: {  	s19 =	sshra.s32 s1, $0x2;
	[tilespmem:s18+$0x7800] =	vst @p1 v0  }
0xad: {  	v0 =	vld [tilespmem:s19+$0x4E80];
	_ =	sdelay $0x4  }
0xae: {  	v0 =	vshll.u32 v0, $0x1;
	_ =	sdelay $0x4  }
0xaf: {  	v1 =	vld.idx.msk [tilespmem:v0+s2+$0x0], $0xffff  }
0xb0: {  	v0 =	vor.u32 $0x1, v0  }
0xb1: {  	v2 =	vld [tilespmem:s19+$0x6280]  }
0xb2: {  	s0 =	sand.u32 $0x70, s0;
	s31 =	sand.u32 $0xFFFFFE00, s1  }
0xb3: {  	s0 =	sor.u32 s0, s31  }
0xb4: {  	[tilespmem:s0+$0x7680] =	vst v1  }
0xb5: {  	v0 =	vld.idx.msk [tilespmem:v0+s2+$0x0], $0xffff  }
0xb6: {  	v63 =	vshll.u32 v2, $0x1;
	_ =	sdelay $0x3  }
0xb7: {  	[tilespmem:s0+$0x7700] =	vst v0  }
0xb8: {  	v0 =	vld.idx.msk [tilespmem:v63+s2+$0x0], $0xffff  }
0xb9: {  	v1 =	vor.u32 $0x1, v63;
	_ =	sdelay $0x3  }
0xba: {  	[tilespmem:s0+$0x7780] =	vst v0  }
0xbb: {  	v0 =	vld.idx.msk [tilespmem:v1+s2+$0x0], $0xffff  }
.Ltmp5:
0xbc: {  	_ = 	snop;
	(pc) =	sbr.rel @p0 .LBB2_16-.Ltmp5, $2  }
0xbd: {  	_ =	sdelay $0x2  }
0xbe: {  	[tilespmem:s0+$0x7800] =	vst v0;
	s0 =	simm.s32 $0x7680  }
0xbf: {  	s1 =	simm.s32 $0x10;
	s30 =	sadd.s32 $0x0, s8;
	s18 =	simm.s32 $0x7880  }
.LBB2_8:
0xc0: {  	[hbm4b:s30+s2] =	stream.linear.scatter [tilespmem:s0], [sflag:$0x1], $0x80, $0x38;
	[tilespmem:$0xC680] =	vst v63  }
0xc1: {  	s19 =	smov.u32 s1;
	s0 =	smov.u32 s18;
	p1 =	sne.s32 s1, $0x270  }
.Ltmp6:
0xc2: {  	s1 =	sadd.s32 $0x10, s1;
	(pc) =	sbr.rel @p1 .LBB2_8-.Ltmp6, $2  }
0xc3: {  	_ =	sdelay $0x2  }
0xc4: {  	s18 =	sadd.s32 $0x200, s18;
	s30 =	sadd.s32 s19, s8  }
0xc5: {  	[hbm4b:s30+s2] =	stream.linear.scatter [tilespmem:s0], [sflag:$0x1], $0x80, $0x38;
	[tilespmem:$0xC680] =	vst v63  }
0xc6: {  	_ =	swait.ge [sflag:s17], $0x1400  }
0xc7: {  	s0 =	simm.s32 $0x7700;
	s1 =	simm.s32 $0x10;
	[sflag:s17] =	ssyncset.done $0x0  }
0xc8: {  	s30 =	sadd.s32 $0x0, s9;
	s18 =	simm.s32 $0x7900;
	[sflag:s17] =	ssyncadd.s32 $0xFFFFEC00  }
.LBB2_10:
0xc9: {  	[hbm4b:s30+s2] =	stream.linear.scatter [tilespmem:s0], [sflag:$0x1], $0x80, $0x38;
	[tilespmem:$0xC680] =	vst v63  }
0xca: {  	s19 =	smov.u32 s1;
	s0 =	smov.u32 s18;
	p1 =	sne.s32 s1, $0x270  }
.Ltmp7:
0xcb: {  	s1 =	sadd.s32 $0x10, s1;
	(pc) =	sbr.rel @p1 .LBB2_10-.Ltmp7, $2  }
0xcc: {  	_ =	sdelay $0x2  }
0xcd: {  	s18 =	sadd.s32 $0x200, s18;
	s30 =	sadd.s32 s19, s9  }
0xce: {  	[hbm4b:s30+s2] =	stream.linear.scatter [tilespmem:s0], [sflag:$0x1], $0x80, $0x38;
	[tilespmem:$0xC680] =	vst v63  }
0xcf: {  	_ =	swait.ge [sflag:s17], $0x1400  }
0xd0: {  	s0 =	simm.s32 $0x7780;
	s1 =	simm.s32 $0x10;
	[sflag:s17] =	ssyncset.done $0x0  }
0xd1: {  	s30 =	sadd.s32 $0x0, s10;
	s18 =	simm.s32 $0x7980;
	[sflag:s17] =	ssyncadd.s32 $0xFFFFEC00  }
.LBB2_12:
0xd2: {  	[hbm4b:s30+s2] =	stream.linear.scatter [tilespmem:s0], [sflag:$0x1], $0x80, $0x38;
	[tilespmem:$0xC680] =	vst v63  }
0xd3: {  	s19 =	smov.u32 s1;
	s0 =	smov.u32 s18;
	p1 =	sne.s32 s1, $0x270  }
.Ltmp8:
0xd4: {  	s1 =	sadd.s32 $0x10, s1;
	(pc) =	sbr.rel @p1 .LBB2_12-.Ltmp8, $2  }
0xd5: {  	_ =	sdelay $0x2  }
0xd6: {  	s18 =	sadd.s32 $0x200, s18;
	s30 =	sadd.s32 s19, s10  }
0xd7: {  	[hbm4b:s30+s2] =	stream.linear.scatter [tilespmem:s0], [sflag:$0x1], $0x80, $0x38;
	[tilespmem:$0xC680] =	vst v63  }
0xd8: {  	_ =	swait.ge [sflag:s17], $0x1400  }
0xd9: {  	s0 =	simm.s32 $0x7800;
	s1 =	simm.s32 $0x10;
	[sflag:s17] =	ssyncset.done $0x0  }
0xda: {  	s30 =	sadd.s32 $0x0, s11;
	s18 =	simm.s32 $0x7A00;
	[sflag:s17] =	ssyncadd.s32 $0xFFFFEC00  }
.LBB2_14:
0xdb: {  	[hbm4b:s30+s2] =	stream.linear.scatter [tilespmem:s0], [sflag:$0x1], $0x80, $0x38;
	[tilespmem:$0xC680] =	vst v63  }
0xdc: {  	s19 =	smov.u32 s1;
	s0 =	smov.u32 s18;
	p1 =	sne.s32 s1, $0x270  }
.Ltmp9:
0xdd: {  	s1 =	sadd.s32 $0x10, s1;
	(pc) =	sbr.rel @p1 .LBB2_14-.Ltmp9, $2  }
0xde: {  	_ =	sdelay $0x2  }
0xdf: {  	s18 =	sadd.s32 $0x200, s18;
	s30 =	sadd.s32 s19, s11  }
.Ltmp10:
0xe0: {  	(pc) =	sbr.rel .LBB2_17-.Ltmp10, $4  }
0xe1: {  	[hbm4b:s30+s2] =	stream.linear.scatter [tilespmem:s0], [sflag:$0x1], $0x80, $0x38;
	[tilespmem:$0xC680] =	vst v63  }
0xe2: {  	_ =	swait.ge [sflag:s17], $0x1400  }
0xe3: {  	[sflag:s17] =	ssyncset.done $0x0  }
0xe4: {  	[sflag:s17] =	ssyncadd.s32 $0xFFFFEC00  }
.LBB2_3:
.Ltmp11:
0xe5: {  	(pc) =	sbr.rel .LBB2_6-.Ltmp11, $2  }
0xe6: {  	_ =	sdelay $0x2  }
0xe7: {  	s0 =	simm.s32 $0x10  }
.LBB2_18:
0xe8: {  	_ =	sfence.sel $0x180000  }
0xe9: {  	[bflag:$0x0] =	sbarrier.arrive $0xFFFF  }
0xea: {  	_ =	strace $0x9000004D  }
0xeb: {  	s0 =	stileid.u32;
	[bflag:$0x2] =	sbarrier.arrive $0xFFFF  }
0xec: {  	p0 =	sne.s32 s0, $0x0;
	s0 =	rddreg [dreg:$0x1]  }
0xed: {  	s0 =	sadd.s32 @!p0 $0x100000, s0  }
0xee: {  	[sflag:s0] =	ssyncadd.tile.s32 @!p0 $0x1;
	_ =	shalt  }
.Lfunc_end2:
_tile_overlayer_lowered:
.L_overlay_start_2:
0xef: {  	(tag) =	ssettag $0x2  }
0xf0: {  	s0 =	rddreg [dreg:$0x0];
	s2 =	stileid.u32  }
0xf1: {  	s1 =	rddreg [dreg:$0x1];
	p0 =	sne.s32 s2, $0x0  }
0xf2: {  	s3 =	rddreg [dreg:$0x2];
	[bflag:$0x3] =	sbarrier.arrive $0xFFFF;
	s2 =	simm.s32 @!p0 $0x1C01  }
0xf3: {  	[timem:s3], [sflag:s2] =	dma.local @!p0 [hbm:s0], s1  }
0xf4: {  	s0 =	simm.s32 @!p0 $0x1  }
0xf5: {  	_ =	swait.ge @!p0 [sflag:s0], s1  }
0xf6: {  	s1 =	ssub.s32 @!p0 $0x0, s1;
	[sflag:s0] =	ssyncset.done @!p0 $0x0  }
0xf7: {  	[sflag:s0] =	ssyncadd.s32 @!p0 s1  }
0xf8: {  	[bflag:$0x3] =	sbarrier.arrive $0xFFFF  }
0xf9: {  	_ =	shalt  }

</sc_bundles>
